<compile_context>
chip_gen: v7x
topology: tpu7x:2x2x1
jax: 0.10.2.dev20260603
libtpu: 0.0.44.dev20260713+nightly
codegen_flags: <defaults>
</compile_context>

<pallas_src>
import jax
import jax.numpy as jnp
from jax import lax
from jax.experimental import pallas as pl
from jax.experimental.pallas import tpu as pltpu
from jax.experimental.pallas import tpu_sc as plsc

USER_SIZE = 5000
ITEM_SIZE = 5000
N_NODES = USER_SIZE + ITEM_SIZE
H = 256
HH = 128
E = 160000
NC = 2
NS = 16
NP = 10240
PR = NP // NS
FBLK = 64
HBLK = 80
EROWS = 1280
SROWS = EROWS // NS
GRP = 40
IB = 16
NGRP_N = SROWS // IB

_MESH = plsc.VectorSubcoreMesh(
    core_axis_name="c", subcore_axis_name="s", num_cores=NC, num_subcores=NS)

_F32 = jnp.float32


def _rsqrt16(v):
    i = lax.bitcast_convert_type(v, jnp.int32)
    i = 0x5F3759DF - (i >> 1)
    y = lax.bitcast_convert_type(i, _F32)
    for _ in range(3):
        y = y * (1.5 - 0.5 * v * y * y)
    return y


def _fill2d(buf, rows, val):
    vec = jnp.full((16,), val, _F32)

    def body(r, carry):
        for j in range(8):
            buf[r, pl.ds(j * 16, 16)] = vec
        return carry

    lax.fori_loop(0, rows, body, 0)


def _sget(buf, i):
    return buf[pl.ds(i, 16)][0]


def _lr_copy(c, left_thunk, right_thunk):
    @pl.when(c == 0)
    def _():
        left_thunk()

    @pl.when(c == 1)
    def _():
        right_thunk()


def _norms_kernel(src2d, dst2d, xl, xr, norm_out, norm_in, h0l, h0r,
                  dego_s, degi_s, ones_v, sbufs, dbufs, degbuf, nobuf, nibuf,
                  xbuf, zbuf, csem):
    c = lax.axis_index("c")
    s = lax.axis_index("s")
    off = s * PR

    def zb(r, carry):
        zbuf[pl.ds(r * 16, 16)] = jnp.zeros((16,), _F32)
        return carry
    lax.fori_loop(0, PR // 16, zb, 0)
    pltpu.sync_copy(zbuf.at[pl.ds(0, PR)], dego_s.at[pl.ds(off, PR)])
    pltpu.sync_copy(zbuf.at[pl.ds(0, PR)], degi_s.at[pl.ds(off, PR)])
    for j in range(8):
        ones_v[pl.ds(j * 16, 16)] = jnp.ones((16,), _F32)
    plsc.subcore_barrier()

    def _cwait():
        pltpu.make_async_copy(
            ones_v, dego_s.at[pl.ds(0, 128)], csem).wait()

    def cgrp(g, carry):
        base = s * SROWS + g * IB
        pltpu.sync_copy(src2d.at[pl.ds(base, IB)], sbufs)
        pltpu.sync_copy(dst2d.at[pl.ds(base, IB)], dbufs)

        def cbody(i, carry2):
            pltpu.async_copy(ones_v, dego_s.at[sbufs.at[i]], csem, add=True)
            pltpu.async_copy(ones_v, degi_s.at[dbufs.at[i]], csem, add=True)

            @pl.when(i >= 2)
            def _():
                _cwait()
                _cwait()
            return carry2

        lax.fori_loop(0, IB, cbody, 0)
        for _ in range(4):
            _cwait()
        return carry

    lax.fori_loop(0, NGRP_N, cgrp, 0)
    plsc.subcore_barrier()

    pltpu.sync_copy(dego_s.at[pl.ds(off, PR)], degbuf)

    def nb_out(j, carry):
        v = jnp.maximum(degbuf[pl.ds(j * 16, 16)], 1.0)
        nobuf[pl.ds(j * 16, 16)] = _rsqrt16(v)
        return carry
    lax.fori_loop(0, PR // 16, nb_out, 0)

    pltpu.sync_copy(degi_s.at[pl.ds(off, PR)], degbuf)

    def nb_in(j, carry):
        v = jnp.maximum(degbuf[pl.ds(j * 16, 16)], 1.0)
        nibuf[pl.ds(j * 16, 16)] = _rsqrt16(v)
        return carry
    lax.fori_loop(0, PR // 16, nb_in, 0)

    @pl.when(c == 0)
    def _():
        pltpu.sync_copy(nobuf.at[pl.ds(0, PR)], norm_out.at[pl.ds(off, PR)])
        pltpu.sync_copy(nibuf.at[pl.ds(0, PR)], norm_in.at[pl.ds(off, PR)])

    def hblk(k, carry):
        r0 = off + k * HBLK
        _lr_copy(c,
                 lambda: pltpu.sync_copy(xl.at[pl.ds(r0, HBLK)], xbuf),
                 lambda: pltpu.sync_copy(xr.at[pl.ds(r0, HBLK)], xbuf))

        def srow(r, carry2):
            sc = _sget(nobuf, k * HBLK + r)
            for j in range(8):
                sl = pl.ds(j * 16, 16)
                xbuf[r, sl] = xbuf[r, sl] * sc
            return carry2
        lax.fori_loop(0, HBLK, srow, 0)
        _lr_copy(c,
                 lambda: pltpu.sync_copy(xbuf, h0l.at[pl.ds(r0, HBLK)]),
                 lambda: pltpu.sync_copy(xbuf, h0r.at[pl.ds(r0, HBLK)]))
        return carry

    lax.fori_loop(0, PR // HBLK, hblk, 0)


def _aggregate(c, s, hl, hr, src2d, dst2d, acc_s, sbufs, dbufs, rb0, rb1,
               g0, g1, s0, s1):
    _fill2d(rb0, 128, 0.0)

    def zb(k, carry):
        pltpu.sync_copy(rb0, acc_s.at[pl.ds(s * PR + k * 128, 128)])
        return carry
    lax.fori_loop(0, PR // 128, zb, 0)
    plsc.subcore_barrier()

    rbufs = (rb0, rb1)
    gsems = (g0, g1)
    ssems = (s0, s1)

    def _gather(lr, b):
        _lr_copy(c,
                 lambda: pltpu.async_copy(hl.at[sbufs.at[lr]], rbufs[b],
                                          gsems[b]),
                 lambda: pltpu.async_copy(hr.at[sbufs.at[lr]], rbufs[b],
                                          gsems[b]))

    def _gwait(b):
        pltpu.make_async_copy(hl.at[pl.ds(0, 128)], rbufs[b],
                              gsems[b]).wait()

    def _scat(lr, b):
        pltpu.async_copy(rbufs[b], acc_s.at[dbufs.at[lr]], ssems[b],
                         add=True)

    def _swait(b):
        pltpu.make_async_copy(rbufs[b], acc_s.at[pl.ds(0, 128)],
                              ssems[b]).wait()

    def egrp(g, carry):
        base = s * SROWS + g * GRP
        pltpu.sync_copy(src2d.at[pl.ds(base, GRP)], sbufs)
        pltpu.sync_copy(dst2d.at[pl.ds(base, GRP)], dbufs)

        _gather(0, 0)
        _gwait(0)
        _gather(1, 1)
        _scat(0, 0)

        def ebody(i, carry2):
            _gwait(1)
            _swait(0)
            _gather(2 * i + 2, 0)
            _scat(2 * i + 1, 1)
            _gwait(0)
            _swait(1)
            _gather(2 * i + 3, 1)
            _scat(2 * i + 2, 0)
            return carry2

        lax.fori_loop(0, GRP // 2 - 1, ebody, 0)
        _gwait(1)
        _swait(0)
        _scat(GRP - 1, 1)
        _swait(1)
        return carry

    lax.fori_loop(0, SROWS // GRP, egrp, 0)
    plsc.subcore_barrier()


def _layer1_kernel(hl, hr, src2d, dst2d, norm_in, norm_out,
                   e1l, e1r, h1l, h1r,
                   acc_s, sbufs, dbufs, rb0, rb1, nibuf, nobuf,
                   g0, g1, s0, s1):
    c = lax.axis_index("c")
    s = lax.axis_index("s")
    _aggregate(c, s, hl, hr, src2d, dst2d, acc_s, sbufs, dbufs, rb0, rb1,
               g0, g1, s0, s1)

    off = s * PR
    pltpu.sync_copy(norm_in.at[pl.ds(off, PR)], nibuf.at[pl.ds(0, PR)])
    pltpu.sync_copy(norm_out.at[pl.ds(off, PR)], nobuf.at[pl.ds(0, PR)])

    def fblk(k, carry):
        r0 = off + k * FBLK
        pltpu.sync_copy(acc_s.at[pl.ds(r0, FBLK)], rb0.at[pl.ds(0, FBLK)])

        def srow(r, carry2):
            ni = _sget(nibuf, k * FBLK + r)
            no = _sget(nobuf, k * FBLK + r)
            for j in range(8):
                sl = pl.ds(j * 16, 16)
                e = rb0[r, sl] * ni
                rb1[r, sl] = e
                rb0[r, sl] = e * no
            return carry2
        lax.fori_loop(0, FBLK, srow, 0)

        _lr_copy(c,
                 lambda: pltpu.sync_copy(rb1.at[pl.ds(0, FBLK)],
                                         e1l.at[pl.ds(r0, FBLK)]),
                 lambda: pltpu.sync_copy(rb1.at[pl.ds(0, FBLK)],
                                         e1r.at[pl.ds(r0, FBLK)]))
        _lr_copy(c,
                 lambda: pltpu.sync_copy(rb0.at[pl.ds(0, FBLK)],
                                         h1l.at[pl.ds(r0, FBLK)]),
                 lambda: pltpu.sync_copy(rb0.at[pl.ds(0, FBLK)],
                                         h1r.at[pl.ds(r0, FBLK)]))
        return carry

    lax.fori_loop(0, PR // FBLK, fblk, 0)


def _layer2_kernel(hl, hr, src2d, dst2d, norm_in, x0l, x0r, e1l, e1r,
                   outl, outr,
                   acc_s, sbufs, dbufs, rb0, rb1, nibuf,
                   g0, g1, s0, s1):
    c = lax.axis_index("c")
    s = lax.axis_index("s")
    _aggregate(c, s, hl, hr, src2d, dst2d, acc_s, sbufs, dbufs, rb0, rb1,
               g0, g1, s0, s1)

    off = s * PR
    pltpu.sync_copy(norm_in.at[pl.ds(off, PR)], nibuf.at[pl.ds(0, PR)])

    def fblk(k, carry):
        r0 = off + k * FBLK
        pltpu.sync_copy(acc_s.at[pl.ds(r0, FBLK)], rb0.at[pl.ds(0, FBLK)])
        _lr_copy(c,
                 lambda: pltpu.sync_copy(x0l.at[pl.ds(r0, FBLK)],
                                         rb0.at[pl.ds(FBLK, FBLK)]),
                 lambda: pltpu.sync_copy(x0r.at[pl.ds(r0, FBLK)],
                                         rb0.at[pl.ds(FBLK, FBLK)]))
        _lr_copy(c,
                 lambda: pltpu.sync_copy(e1l.at[pl.ds(r0, FBLK)],
                                         rb1.at[pl.ds(0, FBLK)]),
                 lambda: pltpu.sync_copy(e1r.at[pl.ds(r0, FBLK)],
                                         rb1.at[pl.ds(0, FBLK)]))

        def rbody(r, carry2):
            ni = _sget(nibuf, k * FBLK + r)
            for j in range(8):
                sl = pl.ds(j * 16, 16)
                rb1[FBLK + r, sl] = (rb0[FBLK + r, sl]
                                     + 0.5 * rb1[r, sl]
                                     + (ni * (1.0 / 3.0)) * rb0[r, sl])
            return carry2
        lax.fori_loop(0, FBLK, rbody, 0)

        _lr_copy(c,
                 lambda: pltpu.sync_copy(rb1.at[pl.ds(FBLK, FBLK)],
                                         outl.at[pl.ds(r0, FBLK)]),
                 lambda: pltpu.sync_copy(rb1.at[pl.ds(FBLK, FBLK)],
                                         outr.at[pl.ds(r0, FBLK)]))
        return carry

    lax.fori_loop(0, PR // FBLK, fblk, 0)


def _sds(shape, dtype=_F32):
    return jax.ShapeDtypeStruct(shape, dtype)


_IDXBUF = pltpu.VMEM((GRP, 128), jnp.int32)
_ROWBUF = pltpu.VMEM((128, HH), _F32)
_DMA = pltpu.SemaphoreType.DMA

_norms_call = pl.kernel(
    _norms_kernel,
    out_type=(_sds((NP,)), _sds((NP,)), _sds((NP, HH)), _sds((NP, HH))),
    mesh=_MESH,
    scratch_types=[
        pltpu.VMEM_SHARED((NP,), _F32),
        pltpu.VMEM_SHARED((NP,), _F32),
        pltpu.VMEM((128,), _F32),
        pltpu.VMEM((IB, 128), jnp.int32),
        pltpu.VMEM((IB, 128), jnp.int32),
        pltpu.VMEM((PR,), _F32),
        pltpu.VMEM((PR + 16,), _F32),
        pltpu.VMEM((PR + 16,), _F32),
        pltpu.VMEM((HBLK, HH), _F32),
        pltpu.VMEM((PR,), _F32),
        _DMA,
    ],
    name="gcn_norms_h0",
)

_layer1_call = pl.kernel(
    _layer1_kernel,
    out_type=(_sds((NP, HH)), _sds((NP, HH)), _sds((NP, HH)), _sds((NP, HH))),
    mesh=_MESH,
    scratch_types=[
        pltpu.VMEM_SHARED((NP, HH), _F32),
        _IDXBUF, _IDXBUF,
        _ROWBUF, _ROWBUF,
        pltpu.VMEM((PR + 16,), _F32),
        pltpu.VMEM((PR + 16,), _F32),
        _DMA, _DMA,
        _DMA, _DMA,
    ],
    name="gcn_layer1",
)

_layer2_call = pl.kernel(
    _layer2_kernel,
    out_type=(_sds((NP, HH)), _sds((NP, HH))),
    mesh=_MESH,
    scratch_types=[
        pltpu.VMEM_SHARED((NP, HH), _F32),
        _IDXBUF, _IDXBUF,
        _ROWBUF, _ROWBUF,
        pltpu.VMEM((PR + 16,), _F32),
        _DMA, _DMA,
        _DMA, _DMA,
    ],
    name="gcn_layer2_final",
)


def kernel(user_embedding, item_embedding, edge_index):
    x0 = jnp.concatenate([user_embedding, item_embedding], axis=0)
    x0p = jnp.zeros((NP, H), _F32).at[:N_NODES].set(x0)
    x0l = x0p[:, :HH]
    x0r = x0p[:, HH:]
    ei = edge_index.astype(jnp.int32)
    padv = N_NODES + (jnp.arange(EROWS * 128 - E, dtype=jnp.int32)
                      % (NP - N_NODES))
    eip = jnp.concatenate([ei, jnp.stack([padv, padv])], axis=1)
    src2d = eip[0].reshape(EROWS, 128)
    dst2d = eip[1].reshape(EROWS, 128)

    norm_out, norm_in, h0l, h0r = _norms_call(src2d, dst2d, x0l, x0r)
    e1l, e1r, h1l, h1r = _layer1_call(h0l, h0r, src2d, dst2d, norm_in, norm_out)
    outl, outr = _layer2_call(h1l, h1r, src2d, dst2d, norm_in, x0l, x0r,
                              e1l, e1r)

    full = jnp.concatenate([outl[:N_NODES], outr[:N_NODES]], axis=1)
    return full[:USER_SIZE], full[USER_SIZE:]

# --- scband reference (transcript-rebuilt; emitter-appended) ---
"""Pipeline reference for scband-neural-network-23716809408971 (READ-ONLY COPY).

The authoritative reference and input builder live on the scoring server;
editing this copy changes nothing except your own understanding.
"""

import jax, jax.numpy as jnp
import numpy as np

USER_SIZE = 5000
ITEM_SIZE = 5000
HIDDEN = 256
NUM_LAYERS = 2
N_NODES = USER_SIZE + ITEM_SIZE
N_EDGES = 160000


def setup_inputs(seed: int = 0) -> dict:
    key = jax.random.key(seed)
    k1, k2, k3 = jax.random.split(key, 3)
    # xavier_uniform init for embedding tables (treated as learned params)
    bu = float(np.sqrt(6.0 / (USER_SIZE + HIDDEN)))
    bi = float(np.sqrt(6.0 / (ITEM_SIZE + HIDDEN)))
    user_embedding = jax.random.uniform(k1, (USER_SIZE, HIDDEN), minval=-bu, maxval=bu, dtype=jnp.float32)
    item_embedding = jax.random.uniform(k2, (ITEM_SIZE, HIDDEN), minval=-bi, maxval=bi, dtype=jnp.float32)
    edge_index = jax.random.randint(k3, (2, N_EDGES), 0, N_NODES)
    return {"user_embedding": user_embedding, "item_embedding": item_embedding, "edge_index": edge_index}


def reference(user_embedding, item_embedding, edge_index):
    src = edge_index[0]
    dst = edge_index[1]
    # out_degrees / in_degrees with clamp(min=1), symmetric sqrt normalization
    out_deg = jnp.maximum(jnp.bincount(src, length=N_NODES).astype(jnp.float32), 1.0)
    in_deg = jnp.maximum(jnp.bincount(dst, length=N_NODES).astype(jnp.float32), 1.0)
    norm_out = jnp.power(out_deg, -0.5)[:, None]
    norm_in = jnp.power(in_deg, -0.5)[:, None]

    ue = user_embedding
    ie = item_embedding
    embeddings = None
    for i in range(1, NUM_LAYERS + 1):
        if i == 1:
            x = jnp.concatenate([ue, ie], axis=0)
        else:
            x = jnp.concatenate([embeddings[:USER_SIZE], embeddings[USER_SIZE:]], axis=0)
        h = x * norm_out
        # copy_u + sum reduce == scatter-add of src features into dst nodes
        agg = jax.ops.segment_sum(h[src], dst, num_segments=N_NODES)
        embeddings = agg * norm_in
        ue = ue + embeddings[:USER_SIZE] * (1.0 / (i + 1))
        ie = ie + embeddings[USER_SIZE:] * (1.0 / (i + 1))
    return (ue, ie)

if __name__ == "__main__":
    import jax
    _d = setup_inputs()
    print(jax.jit(kernel)(*tuple(_d.values())))

</pallas_src>

<mosaic_0001>
#map = affine_map<(d0, d1) -> (0, 0)>
#map1 = affine_map<(d0, d1) -> (0)>
module attributes {stable_mosaic.version = 14 : i64} {
  func.func @gcn_layer2_final(%arg0: i32, %arg1: i32, %arg2: memref<10240x128xf32, #tpu.memory_space<hbm>>, %arg3: memref<10240x128xf32, #tpu.memory_space<hbm>>, %arg4: memref<1280x128xi32, #tpu.memory_space<hbm>>, %arg5: memref<1280x128xi32, #tpu.memory_space<hbm>>, %arg6: memref<10240xf32, #tpu.memory_space<hbm>>, %arg7: memref<10240x128xf32, #tpu.memory_space<hbm>>, %arg8: memref<10240x128xf32, #tpu.memory_space<hbm>>, %arg9: memref<10240x128xf32, #tpu.memory_space<hbm>>, %arg10: memref<10240x128xf32, #tpu.memory_space<hbm>>, %arg11: memref<10240x128xf32, #tpu.memory_space<hbm>>, %arg12: memref<10240x128xf32, #tpu.memory_space<hbm>>, %arg13: memref<10240x128xf32, #tpu.memory_space<vmem_shared>>, %arg14: memref<40x128xi32, #tpu.memory_space<vmem>>, %arg15: memref<40x128xi32, #tpu.memory_space<vmem>>, %arg16: memref<128x128xf32, #tpu.memory_space<vmem>>, %arg17: memref<128x128xf32, #tpu.memory_space<vmem>>, %arg18: memref<656xf32, #tpu.memory_space<vmem>>, %arg19: memref<!tpu.dma_semaphore, #tpu.memory_space<semaphore_mem>>, %arg20: memref<!tpu.dma_semaphore, #tpu.memory_space<semaphore_mem>>, %arg21: memref<!tpu.dma_semaphore, #tpu.memory_space<semaphore_mem>>, %arg22: memref<!tpu.dma_semaphore, #tpu.memory_space<semaphore_mem>>) attributes {dimension_semantics = [#tpu.dimension_semantics<core_parallel>, #tpu.dimension_semantics<subcore_parallel>], iteration_bounds = array<i64: 2, 16>, scalar_prefetch = 0 : i64, scratch_operands = 10 : i64, tpu.core_type = #tpu.core_type<sc_vector_subcore>, window_params = [{transform_indices = #map}, {transform_indices = #map}, {transform_indices = #map}, {transform_indices = #map}, {transform_indices = #map1}, {transform_indices = #map}, {transform_indices = #map}, {transform_indices = #map}, {transform_indices = #map}, {transform_indices = #map}, {transform_indices = #map}]} {
    %broadcast_in_dim3A = arith.constant 0.000000e+00 : f32
    %broadcast_in_dim3A_0 = vector.broadcast %broadcast_in_dim3A : f32 to vector<16xf32>
    %scan3A = arith.constant 0 : i32
    %scan3A_1 = arith.constant 0 : i32
    %scan3A_2 = arith.constant 128 : i32
    %scan3A_3 = arith.addi %scan3A_1, %scan3A_2 : i32
    %scan3A_4 = arith.constant 1 : i32
    scf.for %scan3A_26 = %scan3A_1 to %scan3A_3 step %scan3A_4  : i32 {
      %swap3A = arith.index_cast %scan3A_26 : i32 to index
      %swap3A_27 = arith.constant 0 : index
      %swap3A_28 = tpu.vector_load %arg16[%swap3A, %swap3A_27] {strides = array<i32>} : memref<128x128xf32, #tpu.memory_space<vmem>>, vector<1x16xf32>,
      %swap3A_29 = vector.shape_cast %swap3A_28 : vector<1x16xf32> to vector<16xf32>
      %swap3A_30 = vector.shape_cast %broadcast_in_dim3A_0 : vector<16xf32> to vector<1x16xf32>
      tpu.vector_store %arg16[%swap3A, %swap3A_27], %swap3A_30 {strides = array<i32>} : memref<128x128xf32, #tpu.memory_space<vmem>>, vector<1x16xf32>,
      %swap3A_31 = arith.index_cast %scan3A_26 : i32 to index
      %swap3A_32 = arith.constant 16 : index
      %swap3A_33 = tpu.vector_load %arg16[%swap3A_31, %swap3A_32] {strides = array<i32>} : memref<128x128xf32, #tpu.memory_space<vmem>>, vector<1x16xf32>,
      %swap3A_34 = vector.shape_cast %swap3A_33 : vector<1x16xf32> to vector<16xf32>
      %swap3A_35 = vector.shape_cast %broadcast_in_dim3A_0 : vector<16xf32> to vector<1x16xf32>
      tpu.vector_store %arg16[%swap3A_31, %swap3A_32], %swap3A_35 {strides = array<i32>} : memref<128x128xf32, #tpu.memory_space<vmem>>, vector<1x16xf32>,
      %swap3A_36 = arith.index_cast %scan3A_26 : i32 to index
      %swap3A_37 = arith.constant 32 : index
      %swap3A_38 = tpu.vector_load %arg16[%swap3A_36, %swap3A_37] {strides = array<i32>} : memref<128x128xf32, #tpu.memory_space<vmem>>, vector<1x16xf32>,
      %swap3A_39 = vector.shape_cast %swap3A_38 : vector<1x16xf32> to vector<16xf32>
      %swap3A_40 = vector.shape_cast %broadcast_in_dim3A_0 : vector<16xf32> to vector<1x16xf32>
      tpu.vector_store %arg16[%swap3A_36, %swap3A_37], %swap3A_40 {strides = array<i32>} : memref<128x128xf32, #tpu.memory_space<vmem>>, vector<1x16xf32>,
      %swap3A_41 = arith.index_cast %scan3A_26 : i32 to index
      %swap3A_42 = arith.constant 48 : index
      %swap3A_43 = tpu.vector_load %arg16[%swap3A_41, %swap3A_42] {strides = array<i32>} : memref<128x128xf32, #tpu.memory_space<vmem>>, vector<1x16xf32>,
      %swap3A_44 = vector.shape_cast %swap3A_43 : vector<1x16xf32> to vector<16xf32>
      %swap3A_45 = vector.shape_cast %broadcast_in_dim3A_0 : vector<16xf32> to vector<1x16xf32>
      tpu.vector_store %arg16[%swap3A_41, %swap3A_42], %swap3A_45 {strides = array<i32>} : memref<128x128xf32, #tpu.memory_space<vmem>>, vector<1x16xf32>,
      %swap3A_46 = arith.index_cast %scan3A_26 : i32 to index
      %swap3A_47 = arith.constant 64 : index
      %swap3A_48 = tpu.vector_load %arg16[%swap3A_46, %swap3A_47] {strides = array<i32>} : memref<128x128xf32, #tpu.memory_space<vmem>>, vector<1x16xf32>,
      %swap3A_49 = vector.shape_cast %swap3A_48 : vector<1x16xf32> to vector<16xf32>
      %swap3A_50 = vector.shape_cast %broadcast_in_dim3A_0 : vector<16xf32> to vector<1x16xf32>
      tpu.vector_store %arg16[%swap3A_46, %swap3A_47], %swap3A_50 {strides = array<i32>} : memref<128x128xf32, #tpu.memory_space<vmem>>, vector<1x16xf32>,
      %swap3A_51 = arith.index_cast %scan3A_26 : i32 to index
      %swap3A_52 = arith.constant 80 : index
      %swap3A_53 = tpu.vector_load %arg16[%swap3A_51, %swap3A_52] {strides = array<i32>} : memref<128x128xf32, #tpu.memory_space<vmem>>, vector<1x16xf32>,
      %swap3A_54 = vector.shape_cast %swap3A_53 : vector<1x16xf32> to vector<16xf32>
      %swap3A_55 = vector.shape_cast %broadcast_in_dim3A_0 : vector<16xf32> to vector<1x16xf32>
      tpu.vector_store %arg16[%swap3A_51, %swap3A_52], %swap3A_55 {strides = array<i32>} : memref<128x128xf32, #tpu.memory_space<vmem>>, vector<1x16xf32>,
      %swap3A_56 = arith.index_cast %scan3A_26 : i32 to index
      %swap3A_57 = arith.constant 96 : index
      %swap3A_58 = tpu.vector_load %arg16[%swap3A_56, %swap3A_57] {strides = array<i32>} : memref<128x128xf32, #tpu.memory_space<vmem>>, vector<1x16xf32>,
      %swap3A_59 = vector.shape_cast %swap3A_58 : vector<1x16xf32> to vector<16xf32>
      %swap3A_60 = vector.shape_cast %broadcast_in_dim3A_0 : vector<16xf32> to vector<1x16xf32>
      tpu.vector_store %arg16[%swap3A_56, %swap3A_57], %swap3A_60 {strides = array<i32>} : memref<128x128xf32, #tpu.memory_space<vmem>>, vector<1x16xf32>,
      %swap3A_61 = arith.index_cast %scan3A_26 : i32 to index
      %swap3A_62 = arith.constant 112 : index
      %swap3A_63 = tpu.vector_load %arg16[%swap3A_61, %swap3A_62] {strides = array<i32>} : memref<128x128xf32, #tpu.memory_space<vmem>>, vector<1x16xf32>,
      %swap3A_64 = vector.shape_cast %swap3A_63 : vector<1x16xf32> to vector<16xf32>
      %swap3A_65 = vector.shape_cast %broadcast_in_dim3A_0 : vector<16xf32> to vector<1x16xf32>
      tpu.vector_store %arg16[%swap3A_61, %swap3A_62], %swap3A_65 {strides = array<i32>} : memref<128x128xf32, #tpu.memory_space<vmem>>, vector<1x16xf32>,
    }
    %scan3A_5 = arith.constant 128 : i32
    %scan3A_6 = arith.constant 0 : i32
    %scan3A_7 = arith.constant 0 : i32
    %scan3A_8 = arith.constant 5 : i32
    %scan3A_9 = arith.addi %scan3A_7, %scan3A_8 : i32
    %scan3A_10 = arith.constant 1 : i32
    scf.for %scan3A_26 = %scan3A_7 to %scan3A_9 step %scan3A_10  : i32 {
      %mul3A_27 = arith.constant 640 : i32
      %mul3A_28 = arith.muli %arg1, %mul3A_27 : i32
      %mul3A_29 = arith.constant 128 : i32
      %mul3A_30 = arith.muli %scan3A_26, %mul3A_29 : i32
      %add3A = arith.addi %mul3A_28, %mul3A_30 : i32
      "tpu.region"() ({
        %run_scoped3A = tpu.sem_alloc : memref<!tpu.dma_semaphore, #tpu.memory_space<semaphore_mem>>
        %dma_start3A = arith.constant 0 : i32
        %dma_start3A_31 = tpu.memref_slice %arg13[%add3A, %dma_start3A] : memref<10240x128xf32, #tpu.memory_space<vmem_shared>> -> memref<128x128xf32, #tpu.memory_space<vmem_shared>>
        %dma_start3A_32 = arith.constant 0 : i32
        %dma_start3A_33 = tpu.memref_slice %arg13[%add3A, %dma_start3A_32] : memref<10240x128xf32, #tpu.memory_space<vmem_shared>> -> memref<128x128xf32, #tpu.memory_space<vmem_shared>>
        tpu.enqueue_dma source(%arg16 : memref<128x128xf32, #tpu.memory_space<vmem>>) target(%dma_start3A_33 : memref<128x128xf32, #tpu.memory_space<vmem_shared>>) target_semaphore(%run_scoped3A : memref<!tpu.dma_semaphore, #tpu.memory_space<semaphore_mem>>)
        %dma_wait3A = arith.constant 0 : i32
        %dma_wait3A_34 = tpu.memref_slice %arg13[%add3A, %dma_wait3A] : memref<10240x128xf32, #tpu.memory_space<vmem_shared>> -> memref<128x128xf32, #tpu.memory_space<vmem_shared>>
        %dma_wait3A_35 = arith.constant 0 : i32
        %dma_wait3A_36 = tpu.memref_slice %arg13[%add3A, %dma_wait3A_35] : memref<10240x128xf32, #tpu.memory_space<vmem_shared>> -> memref<128x128xf32, #tpu.memory_space<vmem_shared>>
        tpu.wait_dma2 semaphore(%run_scoped3A : memref<!tpu.dma_semaphore, #tpu.memory_space<semaphore_mem>>) src(%arg16 : memref<128x128xf32, #tpu.memory_space<vmem>>) dst(%dma_wait3A_36 : memref<128x128xf32, #tpu.memory_space<vmem_shared>>)
        tpu.yield
      }) : () -> ()
    }
    %scan3A_11 = arith.constant 5 : i32
    %barrier3A = arith.constant 0 : index
    tpu.barrier barrier_id(%barrier3A)
    %scan3A_12 = arith.constant 0 : i32
    %scan3A_13 = arith.constant 0 : i32
    %scan3A_14 = arith.constant 2 : i32
    %scan3A_15 = arith.addi %scan3A_13, %scan3A_14 : i32
    %scan3A_16 = arith.constant 1 : i32
    scf.for %scan3A_26 = %scan3A_13 to %scan3A_15 step %scan3A_16  : i32 {
      %mul3A_27 = arith.constant 80 : i32
      %mul3A_28 = arith.muli %arg1, %mul3A_27 : i32
      %mul3A_29 = arith.constant 40 : i32
      %mul3A_30 = arith.muli %scan3A_26, %mul3A_29 : i32
      %add3A = arith.addi %mul3A_28, %mul3A_30 : i32
      "tpu.region"() ({
        %run_scoped3A = tpu.sem_alloc : memref<!tpu.dma_semaphore, #tpu.memory_space<semaphore_mem>>
        %dma_start3A_90 = arith.constant 0 : i32
        %dma_start3A_91 = tpu.memref_slice %arg4[%add3A, %dma_start3A_90] : memref<1280x128xi32, #tpu.memory_space<hbm>> -> memref<40x128xi32, #tpu.memory_space<hbm>>
        %dma_start3A_92 = arith.constant 0 : i32
        %dma_start3A_93 = tpu.memref_slice %arg4[%add3A, %dma_start3A_92] : memref<1280x128xi32, #tpu.memory_space<hbm>> -> memref<40x128xi32, #tpu.memory_space<hbm>>
        tpu.enqueue_dma source(%dma_start3A_93 : memref<40x128xi32, #tpu.memory_space<hbm>>) target(%arg14 : memref<40x128xi32, #tpu.memory_space<vmem>>) target_semaphore(%run_scoped3A : memref<!tpu.dma_semaphore, #tpu.memory_space<semaphore_mem>>)
        %dma_wait3A_94 = arith.constant 0 : i32
        %dma_wait3A_95 = tpu.memref_slice %arg4[%add3A, %dma_wait3A_94] : memref<1280x128xi32, #tpu.memory_space<hbm>> -> memref<40x128xi32, #tpu.memory_space<hbm>>
        %dma_wait3A_96 = arith.constant 0 : i32
        %dma_wait3A_97 = tpu.memref_slice %arg4[%add3A, %dma_wait3A_96] : memref<1280x128xi32, #tpu.memory_space<hbm>> -> memref<40x128xi32, #tpu.memory_space<hbm>>
        tpu.wait_dma2 semaphore(%run_scoped3A : memref<!tpu.dma_semaphore, #tpu.memory_space<semaphore_mem>>) src(%dma_wait3A_97 : memref<40x128xi32, #tpu.memory_space<hbm>>) dst(%arg14 : memref<40x128xi32, #tpu.memory_space<vmem>>)
        tpu.yield
      }) : () -> ()
      "tpu.region"() ({
        %run_scoped3A = tpu.sem_alloc : memref<!tpu.dma_semaphore, #tpu.memory_space<semaphore_mem>>
        %dma_start3A_90 = arith.constant 0 : i32
        %dma_start3A_91 = tpu.memref_slice %arg5[%add3A, %dma_start3A_90] : memref<1280x128xi32, #tpu.memory_space<hbm>> -> memref<40x128xi32, #tpu.memory_space<hbm>>
        %dma_start3A_92 = arith.constant 0 : i32
        %dma_start3A_93 = tpu.memref_slice %arg5[%add3A, %dma_start3A_92] : memref<1280x128xi32, #tpu.memory_space<hbm>> -> memref<40x128xi32, #tpu.memory_space<hbm>>
        tpu.enqueue_dma source(%dma_start3A_93 : memref<40x128xi32, #tpu.memory_space<hbm>>) target(%arg15 : memref<40x128xi32, #tpu.memory_space<vmem>>) target_semaphore(%run_scoped3A : memref<!tpu.dma_semaphore, #tpu.memory_space<semaphore_mem>>)
        %dma_wait3A_94 = arith.constant 0 : i32
        %dma_wait3A_95 = tpu.memref_slice %arg5[%add3A, %dma_wait3A_94] : memref<1280x128xi32, #tpu.memory_space<hbm>> -> memref<40x128xi32, #tpu.memory_space<hbm>>
        %dma_wait3A_96 = arith.constant 0 : i32
        %dma_wait3A_97 = tpu.memref_slice %arg5[%add3A, %dma_wait3A_96] : memref<1280x128xi32, #tpu.memory_space<hbm>> -> memref<40x128xi32, #tpu.memory_space<hbm>>
        tpu.wait_dma2 semaphore(%run_scoped3A : memref<!tpu.dma_semaphore, #tpu.memory_space<semaphore_mem>>) src(%dma_wait3A_97 : memref<40x128xi32, #tpu.memory_space<hbm>>) dst(%arg15 : memref<40x128xi32, #tpu.memory_space<vmem>>)
        tpu.yield
      }) : () -> ()
      %eq3A = arith.constant 0 : i32
      %eq3A_31 = arith.cmpi eq, %arg0, %eq3A : i32
      %convert_element_type3A = arith.extui %eq3A_31 : i1 to i32
      %cond3A = arith.constant 0 : i32
      %cond3A_32 = arith.cmpi ne, %convert_element_type3A, %cond3A : i32
      scf.if %cond3A_32 {
        %dma_start3A_90 = arith.constant 0 : i32
        %dma_start3A_91 = arith.constant 0 : i32
        %dma_start3A_92 = tpu.memref_slice %arg14[%dma_start3A_90, %dma_start3A_91] : memref<40x128xi32, #tpu.memory_space<vmem>> -> memref<1x128xi32, #tpu.memory_space<vmem>>
        %dma_start3A_93 = tpu.memref_squeeze %dma_start3A_92 : memref<1x128xi32, #tpu.memory_space<vmem>> -> memref<128xi32, #tpu.memory_space<vmem>>
        %dma_start3A_94 = arith.constant 0 : i32
        %dma_start3A_95 = arith.constant 0 : i32
        %dma_start3A_96 = tpu.memref_slice %arg2[%dma_start3A_94, %dma_start3A_95] : memref<10240x128xf32, #tpu.memory_space<hbm>> -> memref<10240x128xf32, #tpu.memory_space<hbm>>
        tpu.enqueue_indirect_dma source(%dma_start3A_96 : memref<10240x128xf32, #tpu.memory_space<hbm>>) target(%arg16 : memref<128x128xf32, #tpu.memory_space<vmem>>) offsets(%dma_start3A_93 : memref<128xi32, #tpu.memory_space<vmem>>) semaphore(%arg19 : memref<!tpu.dma_semaphore, #tpu.memory_space<semaphore_mem>>)
      } else {
      }
      %eq3A_33 = arith.constant 1 : i32
      %eq3A_34 = arith.cmpi eq, %arg0, %eq3A_33 : i32
      %convert_element_type3A_35 = arith.extui %eq3A_34 : i1 to i32
      %cond3A_36 = arith.constant 0 : i32
      %cond3A_37 = arith.cmpi ne, %convert_element_type3A_35, %cond3A_36 : i32
      scf.if %cond3A_37 {
        %dma_start3A_90 = arith.constant 0 : i32
        %dma_start3A_91 = arith.constant 0 : i32
        %dma_start3A_92 = tpu.memref_slice %arg14[%dma_start3A_90, %dma_start3A_91] : memref<40x128xi32, #tpu.memory_space<vmem>> -> memref<1x128xi32, #tpu.memory_space<vmem>>
        %dma_start3A_93 = tpu.memref_squeeze %dma_start3A_92 : memref<1x128xi32, #tpu.memory_space<vmem>> -> memref<128xi32, #tpu.memory_space<vmem>>
        %dma_start3A_94 = arith.constant 0 : i32
        %dma_start3A_95 = arith.constant 0 : i32
        %dma_start3A_96 = tpu.memref_slice %arg3[%dma_start3A_94, %dma_start3A_95] : memref<10240x128xf32, #tpu.memory_space<hbm>> -> memref<10240x128xf32, #tpu.memory_space<hbm>>
        tpu.enqueue_indirect_dma source(%dma_start3A_96 : memref<10240x128xf32, #tpu.memory_space<hbm>>) target(%arg16 : memref<128x128xf32, #tpu.memory_space<vmem>>) offsets(%dma_start3A_93 : memref<128xi32, #tpu.memory_space<vmem>>) semaphore(%arg19 : memref<!tpu.dma_semaphore, #tpu.memory_space<semaphore_mem>>)
      } else {
      }
      %dma_wait3A = arith.constant 0 : i32
      %dma_wait3A_38 = arith.constant 0 : i32
      %dma_wait3A_39 = tpu.memref_slice %arg2[%dma_wait3A, %dma_wait3A_38] : memref<10240x128xf32, #tpu.memory_space<hbm>> -> memref<128x128xf32, #tpu.memory_space<hbm>>
      %dma_wait3A_40 = arith.constant 0 : i32
      %dma_wait3A_41 = arith.constant 0 : i32
      %dma_wait3A_42 = tpu.memref_slice %arg2[%dma_wait3A_40, %dma_wait3A_41] : memref<10240x128xf32, #tpu.memory_space<hbm>> -> memref<128x128xf32, #tpu.memory_space<hbm>>
      tpu.wait_dma2 semaphore(%arg19 : memref<!tpu.dma_semaphore, #tpu.memory_space<semaphore_mem>>) src(%dma_wait3A_42 : memref<128x128xf32, #tpu.memory_space<hbm>>) dst(%arg16 : memref<128x128xf32, #tpu.memory_space<vmem>>)
      %eq3A_43 = arith.constant 0 : i32
      %eq3A_44 = arith.cmpi eq, %arg0, %eq3A_43 : i32
      %convert_element_type3A_45 = arith.extui %eq3A_44 : i1 to i32
      %cond3A_46 = arith.constant 0 : i32
      %cond3A_47 = arith.cmpi ne, %convert_element_type3A_45, %cond3A_46 : i32
      scf.if %cond3A_47 {
        %dma_start3A_90 = arith.constant 1 : i32
        %dma_start3A_91 = arith.constant 0 : i32
        %dma_start3A_92 = tpu.memref_slice %arg14[%dma_start3A_90, %dma_start3A_91] : memref<40x128xi32, #tpu.memory_space<vmem>> -> memref<1x128xi32, #tpu.memory_space<vmem>>
        %dma_start3A_93 = tpu.memref_squeeze %dma_start3A_92 : memref<1x128xi32, #tpu.memory_space<vmem>> -> memref<128xi32, #tpu.memory_space<vmem>>
        %dma_start3A_94 = arith.constant 0 : i32
        %dma_start3A_95 = arith.constant 0 : i32
        %dma_start3A_96 = tpu.memref_slice %arg2[%dma_start3A_94, %dma_start3A_95] : memref<10240x128xf32, #tpu.memory_space<hbm>> -> memref<10240x128xf32, #tpu.memory_space<hbm>>
        tpu.enqueue_indirect_dma source(%dma_start3A_96 : memref<10240x128xf32, #tpu.memory_space<hbm>>) target(%arg17 : memref<128x128xf32, #tpu.memory_space<vmem>>) offsets(%dma_start3A_93 : memref<128xi32, #tpu.memory_space<vmem>>) semaphore(%arg20 : memref<!tpu.dma_semaphore, #tpu.memory_space<semaphore_mem>>)
      } else {
      }
      %eq3A_48 = arith.constant 1 : i32
      %eq3A_49 = arith.cmpi eq, %arg0, %eq3A_48 : i32
      %convert_element_type3A_50 = arith.extui %eq3A_49 : i1 to i32
      %cond3A_51 = arith.constant 0 : i32
      %cond3A_52 = arith.cmpi ne, %convert_element_type3A_50, %cond3A_51 : i32
      scf.if %cond3A_52 {
        %dma_start3A_90 = arith.constant 1 : i32
        %dma_start3A_91 = arith.constant 0 : i32
        %dma_start3A_92 = tpu.memref_slice %arg14[%dma_start3A_90, %dma_start3A_91] : memref<40x128xi32, #tpu.memory_space<vmem>> -> memref<1x128xi32, #tpu.memory_space<vmem>>
        %dma_start3A_93 = tpu.memref_squeeze %dma_start3A_92 : memref<1x128xi32, #tpu.memory_space<vmem>> -> memref<128xi32, #tpu.memory_space<vmem>>
        %dma_start3A_94 = arith.constant 0 : i32
        %dma_start3A_95 = arith.constant 0 : i32
        %dma_start3A_96 = tpu.memref_slice %arg3[%dma_start3A_94, %dma_start3A_95] : memref<10240x128xf32, #tpu.memory_space<hbm>> -> memref<10240x128xf32, #tpu.memory_space<hbm>>
        tpu.enqueue_indirect_dma source(%dma_start3A_96 : memref<10240x128xf32, #tpu.memory_space<hbm>>) target(%arg17 : memref<128x128xf32, #tpu.memory_space<vmem>>) offsets(%dma_start3A_93 : memref<128xi32, #tpu.memory_space<vmem>>) semaphore(%arg20 : memref<!tpu.dma_semaphore, #tpu.memory_space<semaphore_mem>>)
      } else {
      }
      %dma_start3A = arith.constant 0 : i32
      %dma_start3A_53 = arith.constant 0 : i32
      %dma_start3A_54 = tpu.memref_slice %arg15[%dma_start3A, %dma_start3A_53] : memref<40x128xi32, #tpu.memory_space<vmem>> -> memref<1x128xi32, #tpu.memory_space<vmem>>
      %dma_start3A_55 = tpu.memref_squeeze %dma_start3A_54 : memref<1x128xi32, #tpu.memory_space<vmem>> -> memref<128xi32, #tpu.memory_space<vmem>>
      %dma_start3A_56 = arith.constant 0 : i32
      %dma_start3A_57 = arith.constant 0 : i32
      %dma_start3A_58 = tpu.memref_slice %arg13[%dma_start3A_56, %dma_start3A_57] : memref<10240x128xf32, #tpu.memory_space<vmem_shared>> -> memref<10240x128xf32, #tpu.memory_space<vmem_shared>>
      tpu.enqueue_indirect_dma source(%arg16 : memref<128x128xf32, #tpu.memory_space<vmem>>) target(%dma_start3A_58 : memref<10240x128xf32, #tpu.memory_space<vmem_shared>>) offsets(%dma_start3A_55 : memref<128xi32, #tpu.memory_space<vmem>>) semaphore(%arg21 : memref<!tpu.dma_semaphore, #tpu.memory_space<semaphore_mem>>) {add = true}
      %scan3A_59 = arith.constant 0 : i32
      %scan3A_60 = arith.constant 0 : i32
      %scan3A_61 = arith.constant 19 : i32
      %scan3A_62 = arith.addi %scan3A_60, %scan3A_61 : i32
      %scan3A_63 = arith.constant 1 : i32
      scf.for %scan3A_90 = %scan3A_60 to %scan3A_62 step %scan3A_63  : i32 {
        %dma_wait3A_91 = arith.constant 0 : i32
        %dma_wait3A_92 = arith.constant 0 : i32
        %dma_wait3A_93 = tpu.memref_slice %arg2[%dma_wait3A_91, %dma_wait3A_92] : memref<10240x128xf32, #tpu.memory_space<hbm>> -> memref<128x128xf32, #tpu.memory_space<hbm>>
        %dma_wait3A_94 = arith.constant 0 : i32
        %dma_wait3A_95 = arith.constant 0 : i32
        %dma_wait3A_96 = tpu.memref_slice %arg2[%dma_wait3A_94, %dma_wait3A_95] : memref<10240x128xf32, #tpu.memory_space<hbm>> -> memref<128x128xf32, #tpu.memory_space<hbm>>
        tpu.wait_dma2 semaphore(%arg20 : memref<!tpu.dma_semaphore, #tpu.memory_space<semaphore_mem>>) src(%dma_wait3A_96 : memref<128x128xf32, #tpu.memory_space<hbm>>) dst(%arg17 : memref<128x128xf32, #tpu.memory_space<vmem>>)
        %dma_wait3A_97 = arith.constant 0 : i32
        %dma_wait3A_98 = arith.constant 0 : i32
        %dma_wait3A_99 = tpu.memref_slice %arg13[%dma_wait3A_97, %dma_wait3A_98] : memref<10240x128xf32, #tpu.memory_space<vmem_shared>> -> memref<128x128xf32, #tpu.memory_space<vmem_shared>>
        %dma_wait3A_100 = arith.constant 0 : i32
        %dma_wait3A_101 = arith.constant 0 : i32
        %dma_wait3A_102 = tpu.memref_slice %arg13[%dma_wait3A_100, %dma_wait3A_101] : memref<10240x128xf32, #tpu.memory_space<vmem_shared>> -> memref<128x128xf32, #tpu.memory_space<vmem_shared>>
        tpu.wait_dma2 semaphore(%arg21 : memref<!tpu.dma_semaphore, #tpu.memory_space<semaphore_mem>>) src(%arg16 : memref<128x128xf32, #tpu.memory_space<vmem>>) dst(%dma_wait3A_102 : memref<128x128xf32, #tpu.memory_space<vmem_shared>>)
        %mul3A_103 = arith.constant 2 : i32
        %mul3A_104 = arith.muli %mul3A_103, %scan3A_90 : i32
        %add3A_105 = arith.constant 2 : i32
        %add3A_106 = arith.addi %mul3A_104, %add3A_105 : i32
        %eq3A_107 = arith.constant 0 : i32
        %eq3A_108 = arith.cmpi eq, %arg0, %eq3A_107 : i32
        %convert_element_type3A_109 = arith.extui %eq3A_108 : i1 to i32
        %cond3A_110 = arith.constant 0 : i32
        %cond3A_111 = arith.cmpi ne, %convert_element_type3A_109, %cond3A_110 : i32
        scf.if %cond3A_111 {
          %dma_start3A_163 = arith.constant 0 : i32
          %dma_start3A_164 = tpu.memref_slice %arg14[%add3A_106, %dma_start3A_163] : memref<40x128xi32, #tpu.memory_space<vmem>> -> memref<1x128xi32, #tpu.memory_space<vmem>>
          %dma_start3A_165 = tpu.memref_squeeze %dma_start3A_164 : memref<1x128xi32, #tpu.memory_space<vmem>> -> memref<128xi32, #tpu.memory_space<vmem>>
          %dma_start3A_166 = arith.constant 0 : i32
          %dma_start3A_167 = arith.constant 0 : i32
          %dma_start3A_168 = tpu.memref_slice %arg2[%dma_start3A_166, %dma_start3A_167] : memref<10240x128xf32, #tpu.memory_space<hbm>> -> memref<10240x128xf32, #tpu.memory_space<hbm>>
          tpu.enqueue_indirect_dma source(%dma_start3A_168 : memref<10240x128xf32, #tpu.memory_space<hbm>>) target(%arg16 : memref<128x128xf32, #tpu.memory_space<vmem>>) offsets(%dma_start3A_165 : memref<128xi32, #tpu.memory_space<vmem>>) semaphore(%arg19 : memref<!tpu.dma_semaphore, #tpu.memory_space<semaphore_mem>>)
        } else {
        }
        %eq3A_112 = arith.constant 1 : i32
        %eq3A_113 = arith.cmpi eq, %arg0, %eq3A_112 : i32
        %convert_element_type3A_114 = arith.extui %eq3A_113 : i1 to i32
        %cond3A_115 = arith.constant 0 : i32
        %cond3A_116 = arith.cmpi ne, %convert_element_type3A_114, %cond3A_115 : i32
        scf.if %cond3A_116 {
          %dma_start3A_163 = arith.constant 0 : i32
          %dma_start3A_164 = tpu.memref_slice %arg14[%add3A_106, %dma_start3A_163] : memref<40x128xi32, #tpu.memory_space<vmem>> -> memref<1x128xi32, #tpu.memory_space<vmem>>
          %dma_start3A_165 = tpu.memref_squeeze %dma_start3A_164 : memref<1x128xi32, #tpu.memory_space<vmem>> -> memref<128xi32, #tpu.memory_space<vmem>>
          %dma_start3A_166 = arith.constant 0 : i32
          %dma_start3A_167 = arith.constant 0 : i32
          %dma_start3A_168 = tpu.memref_slice %arg3[%dma_start3A_166, %dma_start3A_167] : memref<10240x128xf32, #tpu.memory_space<hbm>> -> memref<10240x128xf32, #tpu.memory_space<hbm>>
          tpu.enqueue_indirect_dma source(%dma_start3A_168 : memref<10240x128xf32, #tpu.memory_space<hbm>>) target(%arg16 : memref<128x128xf32, #tpu.memory_space<vmem>>) offsets(%dma_start3A_165 : memref<128xi32, #tpu.memory_space<vmem>>) semaphore(%arg19 : memref<!tpu.dma_semaphore, #tpu.memory_space<semaphore_mem>>)
        } else {
        }
        %mul3A_117 = arith.constant 2 : i32
        %mul3A_118 = arith.muli %mul3A_117, %scan3A_90 : i32
        %add3A_119 = arith.constant 1 : i32
        %add3A_120 = arith.addi %mul3A_118, %add3A_119 : i32
        %dma_start3A_121 = arith.constant 0 : i32
        %dma_start3A_122 = tpu.memref_slice %arg15[%add3A_120, %dma_start3A_121] : memref<40x128xi32, #tpu.memory_space<vmem>> -> memref<1x128xi32, #tpu.memory_space<vmem>>
        %dma_start3A_123 = tpu.memref_squeeze %dma_start3A_122 : memref<1x128xi32, #tpu.memory_space<vmem>> -> memref<128xi32, #tpu.memory_space<vmem>>
        %dma_start3A_124 = arith.constant 0 : i32
        %dma_start3A_125 = arith.constant 0 : i32
        %dma_start3A_126 = tpu.memref_slice %arg13[%dma_start3A_124, %dma_start3A_125] : memref<10240x128xf32, #tpu.memory_space<vmem_shared>> -> memref<10240x128xf32, #tpu.memory_space<vmem_shared>>
        tpu.enqueue_indirect_dma source(%arg17 : memref<128x128xf32, #tpu.memory_space<vmem>>) target(%dma_start3A_126 : memref<10240x128xf32, #tpu.memory_space<vmem_shared>>) offsets(%dma_start3A_123 : memref<128xi32, #tpu.memory_space<vmem>>) semaphore(%arg22 : memref<!tpu.dma_semaphore, #tpu.memory_space<semaphore_mem>>) {add = true}
        %dma_wait3A_127 = arith.constant 0 : i32
        %dma_wait3A_128 = arith.constant 0 : i32
        %dma_wait3A_129 = tpu.memref_slice %arg2[%dma_wait3A_127, %dma_wait3A_128] : memref<10240x128xf32, #tpu.memory_space<hbm>> -> memref<128x128xf32, #tpu.memory_space<hbm>>
        %dma_wait3A_130 = arith.constant 0 : i32
        %dma_wait3A_131 = arith.constant 0 : i32
        %dma_wait3A_132 = tpu.memref_slice %arg2[%dma_wait3A_130, %dma_wait3A_131] : memref<10240x128xf32, #tpu.memory_space<hbm>> -> memref<128x128xf32, #tpu.memory_space<hbm>>
        tpu.wait_dma2 semaphore(%arg19 : memref<!tpu.dma_semaphore, #tpu.memory_space<semaphore_mem>>) src(%dma_wait3A_132 : memref<128x128xf32, #tpu.memory_space<hbm>>) dst(%arg16 : memref<128x128xf32, #tpu.memory_space<vmem>>)
        %dma_wait3A_133 = arith.constant 0 : i32
        %dma_wait3A_134 = arith.constant 0 : i32
        %dma_wait3A_135 = tpu.memref_slice %arg13[%dma_wait3A_133, %dma_wait3A_134] : memref<10240x128xf32, #tpu.memory_space<vmem_shared>> -> memref<128x128xf32, #tpu.memory_space<vmem_shared>>
        %dma_wait3A_136 = arith.constant 0 : i32
        %dma_wait3A_137 = arith.constant 0 : i32
        %dma_wait3A_138 = tpu.memref_slice %arg13[%dma_wait3A_136, %dma_wait3A_137] : memref<10240x128xf32, #tpu.memory_space<vmem_shared>> -> memref<128x128xf32, #tpu.memory_space<vmem_shared>>
        tpu.wait_dma2 semaphore(%arg22 : memref<!tpu.dma_semaphore, #tpu.memory_space<semaphore_mem>>) src(%arg17 : memref<128x128xf32, #tpu.memory_space<vmem>>) dst(%dma_wait3A_138 : memref<128x128xf32, #tpu.memory_space<vmem_shared>>)
        %mul3A_139 = arith.constant 2 : i32
        %mul3A_140 = arith.muli %mul3A_139, %scan3A_90 : i32
        %add3A_141 = arith.constant 3 : i32
        %add3A_142 = arith.addi %mul3A_140, %add3A_141 : i32
        %eq3A_143 = arith.constant 0 : i32
        %eq3A_144 = arith.cmpi eq, %arg0, %eq3A_143 : i32
        %convert_element_type3A_145 = arith.extui %eq3A_144 : i1 to i32
        %cond3A_146 = arith.constant 0 : i32
        %cond3A_147 = arith.cmpi ne, %convert_element_type3A_145, %cond3A_146 : i32
        scf.if %cond3A_147 {
          %dma_start3A_163 = arith.constant 0 : i32
          %dma_start3A_164 = tpu.memref_slice %arg14[%add3A_142, %dma_start3A_163] : memref<40x128xi32, #tpu.memory_space<vmem>> -> memref<1x128xi32, #tpu.memory_space<vmem>>
          %dma_start3A_165 = tpu.memref_squeeze %dma_start3A_164 : memref<1x128xi32, #tpu.memory_space<vmem>> -> memref<128xi32, #tpu.memory_space<vmem>>
          %dma_start3A_166 = arith.constant 0 : i32
          %dma_start3A_167 = arith.constant 0 : i32
          %dma_start3A_168 = tpu.memref_slice %arg2[%dma_start3A_166, %dma_start3A_167] : memref<10240x128xf32, #tpu.memory_space<hbm>> -> memref<10240x128xf32, #tpu.memory_space<hbm>>
          tpu.enqueue_indirect_dma source(%dma_start3A_168 : memref<10240x128xf32, #tpu.memory_space<hbm>>) target(%arg17 : memref<128x128xf32, #tpu.memory_space<vmem>>) offsets(%dma_start3A_165 : memref<128xi32, #tpu.memory_space<vmem>>) semaphore(%arg20 : memref<!tpu.dma_semaphore, #tpu.memory_space<semaphore_mem>>)
        } else {
        }
        %eq3A_148 = arith.constant 1 : i32
        %eq3A_149 = arith.cmpi eq, %arg0, %eq3A_148 : i32
        %convert_element_type3A_150 = arith.extui %eq3A_149 : i1 to i32
        %cond3A_151 = arith.constant 0 : i32
        %cond3A_152 = arith.cmpi ne, %convert_element_type3A_150, %cond3A_151 : i32
        scf.if %cond3A_152 {
          %dma_start3A_163 = arith.constant 0 : i32
          %dma_start3A_164 = tpu.memref_slice %arg14[%add3A_142, %dma_start3A_163] : memref<40x128xi32, #tpu.memory_space<vmem>> -> memref<1x128xi32, #tpu.memory_space<vmem>>
          %dma_start3A_165 = tpu.memref_squeeze %dma_start3A_164 : memref<1x128xi32, #tpu.memory_space<vmem>> -> memref<128xi32, #tpu.memory_space<vmem>>
          %dma_start3A_166 = arith.constant 0 : i32
          %dma_start3A_167 = arith.constant 0 : i32
          %dma_start3A_168 = tpu.memref_slice %arg3[%dma_start3A_166, %dma_start3A_167] : memref<10240x128xf32, #tpu.memory_space<hbm>> -> memref<10240x128xf32, #tpu.memory_space<hbm>>
          tpu.enqueue_indirect_dma source(%dma_start3A_168 : memref<10240x128xf32, #tpu.memory_space<hbm>>) target(%arg17 : memref<128x128xf32, #tpu.memory_space<vmem>>) offsets(%dma_start3A_165 : memref<128xi32, #tpu.memory_space<vmem>>) semaphore(%arg20 : memref<!tpu.dma_semaphore, #tpu.memory_space<semaphore_mem>>)
        } else {
        }
        %mul3A_153 = arith.constant 2 : i32
        %mul3A_154 = arith.muli %mul3A_153, %scan3A_90 : i32
        %add3A_155 = arith.constant 2 : i32
        %add3A_156 = arith.addi %mul3A_154, %add3A_155 : i32
        %dma_start3A_157 = arith.constant 0 : i32
        %dma_start3A_158 = tpu.memref_slice %arg15[%add3A_156, %dma_start3A_157] : memref<40x128xi32, #tpu.memory_space<vmem>> -> memref<1x128xi32, #tpu.memory_space<vmem>>
        %dma_start3A_159 = tpu.memref_squeeze %dma_start3A_158 : memref<1x128xi32, #tpu.memory_space<vmem>> -> memref<128xi32, #tpu.memory_space<vmem>>
        %dma_start3A_160 = arith.constant 0 : i32
        %dma_start3A_161 = arith.constant 0 : i32
        %dma_start3A_162 = tpu.memref_slice %arg13[%dma_start3A_160, %dma_start3A_161] : memref<10240x128xf32, #tpu.memory_space<vmem_shared>> -> memref<10240x128xf32, #tpu.memory_space<vmem_shared>>
        tpu.enqueue_indirect_dma source(%arg16 : memref<128x128xf32, #tpu.memory_space<vmem>>) target(%dma_start3A_162 : memref<10240x128xf32, #tpu.memory_space<vmem_shared>>) offsets(%dma_start3A_159 : memref<128xi32, #tpu.memory_space<vmem>>) semaphore(%arg21 : memref<!tpu.dma_semaphore, #tpu.memory_space<semaphore_mem>>) {add = true}
      }
      %scan3A_64 = arith.constant 19 : i32
      %dma_wait3A_65 = arith.constant 0 : i32
      %dma_wait3A_66 = arith.constant 0 : i32
      %dma_wait3A_67 = tpu.memref_slice %arg2[%dma_wait3A_65, %dma_wait3A_66] : memref<10240x128xf32, #tpu.memory_space<hbm>> -> memref<128x128xf32, #tpu.memory_space<hbm>>
      %dma_wait3A_68 = arith.constant 0 : i32
      %dma_wait3A_69 = arith.constant 0 : i32
      %dma_wait3A_70 = tpu.memref_slice %arg2[%dma_wait3A_68, %dma_wait3A_69] : memref<10240x128xf32, #tpu.memory_space<hbm>> -> memref<128x128xf32, #tpu.memory_space<hbm>>
      tpu.wait_dma2 semaphore(%arg20 : memref<!tpu.dma_semaphore, #tpu.memory_space<semaphore_mem>>) src(%dma_wait3A_70 : memref<128x128xf32, #tpu.memory_space<hbm>>) dst(%arg17 : memref<128x128xf32, #tpu.memory_space<vmem>>)
      %dma_wait3A_71 = arith.constant 0 : i32
      %dma_wait3A_72 = arith.constant 0 : i32
      %dma_wait3A_73 = tpu.memref_slice %arg13[%dma_wait3A_71, %dma_wait3A_72] : memref<10240x128xf32, #tpu.memory_space<vmem_shared>> -> memref<128x128xf32, #tpu.memory_space<vmem_shared>>
      %dma_wait3A_74 = arith.constant 0 : i32
      %dma_wait3A_75 = arith.constant 0 : i32
      %dma_wait3A_76 = tpu.memref_slice %arg13[%dma_wait3A_74, %dma_wait3A_75] : memref<10240x128xf32, #tpu.memory_space<vmem_shared>> -> memref<128x128xf32, #tpu.memory_space<vmem_shared>>
      tpu.wait_dma2 semaphore(%arg21 : memref<!tpu.dma_semaphore, #tpu.memory_space<semaphore_mem>>) src(%arg16 : memref<128x128xf32, #tpu.memory_space<vmem>>) dst(%dma_wait3A_76 : memref<128x128xf32, #tpu.memory_space<vmem_shared>>)
      %dma_start3A_77 = arith.constant 39 : i32
      %dma_start3A_78 = arith.constant 0 : i32
      %dma_start3A_79 = tpu.memref_slice %arg15[%dma_start3A_77, %dma_start3A_78] : memref<40x128xi32, #tpu.memory_space<vmem>> -> memref<1x128xi32, #tpu.memory_space<vmem>>
      %dma_start3A_80 = tpu.memref_squeeze %dma_start3A_79 : memref<1x128xi32, #tpu.memory_space<vmem>> -> memref<128xi32, #tpu.memory_space<vmem>>
      %dma_start3A_81 = arith.constant 0 : i32
      %dma_start3A_82 = arith.constant 0 : i32
      %dma_start3A_83 = tpu.memref_slice %arg13[%dma_start3A_81, %dma_start3A_82] : memref<10240x128xf32, #tpu.memory_space<vmem_shared>> -> memref<10240x128xf32, #tpu.memory_space<vmem_shared>>
      tpu.enqueue_indirect_dma source(%arg17 : memref<128x128xf32, #tpu.memory_space<vmem>>) target(%dma_start3A_83 : memref<10240x128xf32, #tpu.memory_space<vmem_shared>>) offsets(%dma_start3A_80 : memref<128xi32, #tpu.memory_space<vmem>>) semaphore(%arg22 : memref<!tpu.dma_semaphore, #tpu.memory_space<semaphore_mem>>) {add = true}
      %dma_wait3A_84 = arith.constant 0 : i32
      %dma_wait3A_85 = arith.constant 0 : i32
      %dma_wait3A_86 = tpu.memref_slice %arg13[%dma_wait3A_84, %dma_wait3A_85] : memref<10240x128xf32, #tpu.memory_space<vmem_shared>> -> memref<128x128xf32, #tpu.memory_space<vmem_shared>>
      %dma_wait3A_87 = arith.constant 0 : i32
      %dma_wait3A_88 = arith.constant 0 : i32
      %dma_wait3A_89 = tpu.memref_slice %arg13[%dma_wait3A_87, %dma_wait3A_88] : memref<10240x128xf32, #tpu.memory_space<vmem_shared>> -> memref<128x128xf32, #tpu.memory_space<vmem_shared>>
      tpu.wait_dma2 semaphore(%arg22 : memref<!tpu.dma_semaphore, #tpu.memory_space<semaphore_mem>>) src(%arg17 : memref<128x128xf32, #tpu.memory_space<vmem>>) dst(%dma_wait3A_89 : memref<128x128xf32, #tpu.memory_space<vmem_shared>>)
    }
    %scan3A_17 = arith.constant 2 : i32
    %barrier3A_18 = arith.constant 0 : index
    tpu.barrier barrier_id(%barrier3A_18)
    %mul3A = arith.constant 640 : i32
    %mul3A_19 = arith.muli %arg1, %mul3A : i32
    "tpu.region"() ({
      %run_scoped3A = tpu.sem_alloc : memref<!tpu.dma_semaphore, #tpu.memory_space<semaphore_mem>>
      %dma_start3A = arith.constant 0 : i32
      %dma_start3A_26 = tpu.memref_slice %arg18[%dma_start3A] : memref<656xf32, #tpu.memory_space<vmem>> -> memref<640xf32, #tpu.memory_space<vmem>>
      %dma_start3A_27 = tpu.memref_slice %arg6[%mul3A_19] : memref<10240xf32, #tpu.memory_space<hbm>> -> memref<640xf32, #tpu.memory_space<hbm>>
      %dma_start3A_28 = arith.constant 0 : i32
      %dma_start3A_29 = tpu.memref_slice %arg18[%dma_start3A_28] : memref<656xf32, #tpu.memory_space<vmem>> -> memref<640xf32, #tpu.memory_space<vmem>>
      %dma_start3A_30 = tpu.memref_slice %arg6[%mul3A_19] : memref<10240xf32, #tpu.memory_space<hbm>> -> memref<640xf32, #tpu.memory_space<hbm>>
      tpu.enqueue_dma source(%dma_start3A_30 : memref<640xf32, #tpu.memory_space<hbm>>) target(%dma_start3A_29 : memref<640xf32, #tpu.memory_space<vmem>>) target_semaphore(%run_scoped3A : memref<!tpu.dma_semaphore, #tpu.memory_space<semaphore_mem>>)
      %dma_wait3A = arith.constant 0 : i32
      %dma_wait3A_31 = tpu.memref_slice %arg18[%dma_wait3A] : memref<656xf32, #tpu.memory_space<vmem>> -> memref<640xf32, #tpu.memory_space<vmem>>
      %dma_wait3A_32 = tpu.memref_slice %arg6[%mul3A_19] : memref<10240xf32, #tpu.memory_space<hbm>> -> memref<640xf32, #tpu.memory_space<hbm>>
      %dma_wait3A_33 = arith.constant 0 : i32
      %dma_wait3A_34 = tpu.memref_slice %arg18[%dma_wait3A_33] : memref<656xf32, #tpu.memory_space<vmem>> -> memref<640xf32, #tpu.memory_space<vmem>>
      %dma_wait3A_35 = tpu.memref_slice %arg6[%mul3A_19] : memref<10240xf32, #tpu.memory_space<hbm>> -> memref<640xf32, #tpu.memory_space<hbm>>
      tpu.wait_dma2 semaphore(%run_scoped3A : memref<!tpu.dma_semaphore, #tpu.memory_space<semaphore_mem>>) src(%dma_wait3A_35 : memref<640xf32, #tpu.memory_space<hbm>>) dst(%dma_wait3A_34 : memref<640xf32, #tpu.memory_space<vmem>>)
      tpu.yield
    }) : () -> ()
    %scan3A_20 = arith.constant 0 : i32
    %scan3A_21 = arith.constant 0 : i32
    %scan3A_22 = arith.constant 10 : i32
    %scan3A_23 = arith.addi %scan3A_21, %scan3A_22 : i32
    %scan3A_24 = arith.constant 1 : i32
    scf.for %scan3A_26 = %scan3A_21 to %scan3A_23 step %scan3A_24  : i32 {
      %mul3A_27 = arith.constant 64 : i32
      %mul3A_28 = arith.muli %scan3A_26, %mul3A_27 : i32
      %add3A = arith.addi %mul3A_19, %mul3A_28 : i32
      "tpu.region"() ({
        %run_scoped3A = tpu.sem_alloc : memref<!tpu.dma_semaphore, #tpu.memory_space<semaphore_mem>>
        %dma_start3A = arith.constant 0 : i32
        %dma_start3A_62 = arith.constant 0 : i32
        %dma_start3A_63 = tpu.memref_slice %arg16[%dma_start3A, %dma_start3A_62] : memref<128x128xf32, #tpu.memory_space<vmem>> -> memref<64x128xf32, #tpu.memory_space<vmem>>
        %dma_start3A_64 = arith.constant 0 : i32
        %dma_start3A_65 = tpu.memref_slice %arg13[%add3A, %dma_start3A_64] : memref<10240x128xf32, #tpu.memory_space<vmem_shared>> -> memref<64x128xf32, #tpu.memory_space<vmem_shared>>
        %dma_start3A_66 = arith.constant 0 : i32
        %dma_start3A_67 = arith.constant 0 : i32
        %dma_start3A_68 = tpu.memref_slice %arg16[%dma_start3A_66, %dma_start3A_67] : memref<128x128xf32, #tpu.memory_space<vmem>> -> memref<64x128xf32, #tpu.memory_space<vmem>>
        %dma_start3A_69 = arith.constant 0 : i32
        %dma_start3A_70 = tpu.memref_slice %arg13[%add3A, %dma_start3A_69] : memref<10240x128xf32, #tpu.memory_space<vmem_shared>> -> memref<64x128xf32, #tpu.memory_space<vmem_shared>>
        tpu.enqueue_dma source(%dma_start3A_70 : memref<64x128xf32, #tpu.memory_space<vmem_shared>>) target(%dma_start3A_68 : memref<64x128xf32, #tpu.memory_space<vmem>>) target_semaphore(%run_scoped3A : memref<!tpu.dma_semaphore, #tpu.memory_space<semaphore_mem>>)
        %dma_wait3A = arith.constant 0 : i32
        %dma_wait3A_71 = arith.constant 0 : i32
        %dma_wait3A_72 = tpu.memref_slice %arg16[%dma_wait3A, %dma_wait3A_71] : memref<128x128xf32, #tpu.memory_space<vmem>> -> memref<64x128xf32, #tpu.memory_space<vmem>>
        %dma_wait3A_73 = arith.constant 0 : i32
        %dma_wait3A_74 = tpu.memref_slice %arg13[%add3A, %dma_wait3A_73] : memref<10240x128xf32, #tpu.memory_space<vmem_shared>> -> memref<64x128xf32, #tpu.memory_space<vmem_shared>>
        %dma_wait3A_75 = arith.constant 0 : i32
        %dma_wait3A_76 = arith.constant 0 : i32
        %dma_wait3A_77 = tpu.memref_slice %arg16[%dma_wait3A_75, %dma_wait3A_76] : memref<128x128xf32, #tpu.memory_space<vmem>> -> memref<64x128xf32, #tpu.memory_space<vmem>>
        %dma_wait3A_78 = arith.constant 0 : i32
        %dma_wait3A_79 = tpu.memref_slice %arg13[%add3A, %dma_wait3A_78] : memref<10240x128xf32, #tpu.memory_space<vmem_shared>> -> memref<64x128xf32, #tpu.memory_space<vmem_shared>>
        tpu.wait_dma2 semaphore(%run_scoped3A : memref<!tpu.dma_semaphore, #tpu.memory_space<semaphore_mem>>) src(%dma_wait3A_79 : memref<64x128xf32, #tpu.memory_space<vmem_shared>>) dst(%dma_wait3A_77 : memref<64x128xf32, #tpu.memory_space<vmem>>)
        tpu.yield
      }) : () -> ()
      %eq3A = arith.constant 0 : i32
      %eq3A_29 = arith.cmpi eq, %arg0, %eq3A : i32
      %convert_element_type3A = arith.extui %eq3A_29 : i1 to i32
      %cond3A = arith.constant 0 : i32
      %cond3A_30 = arith.cmpi ne, %convert_element_type3A, %cond3A : i32
      scf.if %cond3A_30 {
        "tpu.region"() ({
          %run_scoped3A = tpu.sem_alloc : memref<!tpu.dma_semaphore, #tpu.memory_space<semaphore_mem>>
          %dma_start3A = arith.constant 64 : i32
          %dma_start3A_62 = arith.constant 0 : i32
          %dma_start3A_63 = tpu.memref_slice %arg16[%dma_start3A, %dma_start3A_62] : memref<128x128xf32, #tpu.memory_space<vmem>> -> memref<64x128xf32, #tpu.memory_space<vmem>>
          %dma_start3A_64 = arith.constant 0 : i32
          %dma_start3A_65 = tpu.memref_slice %arg7[%add3A, %dma_start3A_64] : memref<10240x128xf32, #tpu.memory_space<hbm>> -> memref<64x128xf32, #tpu.memory_space<hbm>>
          %dma_start3A_66 = arith.constant 64 : i32
          %dma_start3A_67 = arith.constant 0 : i32
          %dma_start3A_68 = tpu.memref_slice %arg16[%dma_start3A_66, %dma_start3A_67] : memref<128x128xf32, #tpu.memory_space<vmem>> -> memref<64x128xf32, #tpu.memory_space<vmem>>
          %dma_start3A_69 = arith.constant 0 : i32
          %dma_start3A_70 = tpu.memref_slice %arg7[%add3A, %dma_start3A_69] : memref<10240x128xf32, #tpu.memory_space<hbm>> -> memref<64x128xf32, #tpu.memory_space<hbm>>
          tpu.enqueue_dma source(%dma_start3A_70 : memref<64x128xf32, #tpu.memory_space<hbm>>) target(%dma_start3A_68 : memref<64x128xf32, #tpu.memory_space<vmem>>) target_semaphore(%run_scoped3A : memref<!tpu.dma_semaphore, #tpu.memory_space<semaphore_mem>>)
          %dma_wait3A = arith.constant 64 : i32
          %dma_wait3A_71 = arith.constant 0 : i32
          %dma_wait3A_72 = tpu.memref_slice %arg16[%dma_wait3A, %dma_wait3A_71] : memref<128x128xf32, #tpu.memory_space<vmem>> -> memref<64x128xf32, #tpu.memory_space<vmem>>
          %dma_wait3A_73 = arith.constant 0 : i32
          %dma_wait3A_74 = tpu.memref_slice %arg7[%add3A, %dma_wait3A_73] : memref<10240x128xf32, #tpu.memory_space<hbm>> -> memref<64x128xf32, #tpu.memory_space<hbm>>
          %dma_wait3A_75 = arith.constant 64 : i32
          %dma_wait3A_76 = arith.constant 0 : i32
          %dma_wait3A_77 = tpu.memref_slice %arg16[%dma_wait3A_75, %dma_wait3A_76] : memref<128x128xf32, #tpu.memory_space<vmem>> -> memref<64x128xf32, #tpu.memory_space<vmem>>
          %dma_wait3A_78 = arith.constant 0 : i32
          %dma_wait3A_79 = tpu.memref_slice %arg7[%add3A, %dma_wait3A_78] : memref<10240x128xf32, #tpu.memory_space<hbm>> -> memref<64x128xf32, #tpu.memory_space<hbm>>
          tpu.wait_dma2 semaphore(%run_scoped3A : memref<!tpu.dma_semaphore, #tpu.memory_space<semaphore_mem>>) src(%dma_wait3A_79 : memref<64x128xf32, #tpu.memory_space<hbm>>) dst(%dma_wait3A_77 : memref<64x128xf32, #tpu.memory_space<vmem>>)
          tpu.yield
        }) : () -> ()
      } else {
      }
      %eq3A_31 = arith.constant 1 : i32
      %eq3A_32 = arith.cmpi eq, %arg0, %eq3A_31 : i32
      %convert_element_type3A_33 = arith.extui %eq3A_32 : i1 to i32
      %cond3A_34 = arith.constant 0 : i32
      %cond3A_35 = arith.cmpi ne, %convert_element_type3A_33, %cond3A_34 : i32
      scf.if %cond3A_35 {
        "tpu.region"() ({
          %run_scoped3A = tpu.sem_alloc : memref<!tpu.dma_semaphore, #tpu.memory_space<semaphore_mem>>
          %dma_start3A = arith.constant 64 : i32
          %dma_start3A_62 = arith.constant 0 : i32
          %dma_start3A_63 = tpu.memref_slice %arg16[%dma_start3A, %dma_start3A_62] : memref<128x128xf32, #tpu.memory_space<vmem>> -> memref<64x128xf32, #tpu.memory_space<vmem>>
          %dma_start3A_64 = arith.constant 0 : i32
          %dma_start3A_65 = tpu.memref_slice %arg8[%add3A, %dma_start3A_64] : memref<10240x128xf32, #tpu.memory_space<hbm>> -> memref<64x128xf32, #tpu.memory_space<hbm>>
          %dma_start3A_66 = arith.constant 64 : i32
          %dma_start3A_67 = arith.constant 0 : i32
          %dma_start3A_68 = tpu.memref_slice %arg16[%dma_start3A_66, %dma_start3A_67] : memref<128x128xf32, #tpu.memory_space<vmem>> -> memref<64x128xf32, #tpu.memory_space<vmem>>
          %dma_start3A_69 = arith.constant 0 : i32
          %dma_start3A_70 = tpu.memref_slice %arg8[%add3A, %dma_start3A_69] : memref<10240x128xf32, #tpu.memory_space<hbm>> -> memref<64x128xf32, #tpu.memory_space<hbm>>
          tpu.enqueue_dma source(%dma_start3A_70 : memref<64x128xf32, #tpu.memory_space<hbm>>) target(%dma_start3A_68 : memref<64x128xf32, #tpu.memory_space<vmem>>) target_semaphore(%run_scoped3A : memref<!tpu.dma_semaphore, #tpu.memory_space<semaphore_mem>>)
          %dma_wait3A = arith.constant 64 : i32
          %dma_wait3A_71 = arith.constant 0 : i32
          %dma_wait3A_72 = tpu.memref_slice %arg16[%dma_wait3A, %dma_wait3A_71] : memref<128x128xf32, #tpu.memory_space<vmem>> -> memref<64x128xf32, #tpu.memory_space<vmem>>
          %dma_wait3A_73 = arith.constant 0 : i32
          %dma_wait3A_74 = tpu.memref_slice %arg8[%add3A, %dma_wait3A_73] : memref<10240x128xf32, #tpu.memory_space<hbm>> -> memref<64x128xf32, #tpu.memory_space<hbm>>
          %dma_wait3A_75 = arith.constant 64 : i32
          %dma_wait3A_76 = arith.constant 0 : i32
          %dma_wait3A_77 = tpu.memref_slice %arg16[%dma_wait3A_75, %dma_wait3A_76] : memref<128x128xf32, #tpu.memory_space<vmem>> -> memref<64x128xf32, #tpu.memory_space<vmem>>
          %dma_wait3A_78 = arith.constant 0 : i32
          %dma_wait3A_79 = tpu.memref_slice %arg8[%add3A, %dma_wait3A_78] : memref<10240x128xf32, #tpu.memory_space<hbm>> -> memref<64x128xf32, #tpu.memory_space<hbm>>
          tpu.wait_dma2 semaphore(%run_scoped3A : memref<!tpu.dma_semaphore, #tpu.memory_space<semaphore_mem>>) src(%dma_wait3A_79 : memref<64x128xf32, #tpu.memory_space<hbm>>) dst(%dma_wait3A_77 : memref<64x128xf32, #tpu.memory_space<vmem>>)
          tpu.yield
        }) : () -> ()
      } else {
      }
      %eq3A_36 = arith.constant 0 : i32
      %eq3A_37 = arith.cmpi eq, %arg0, %eq3A_36 : i32
      %convert_element_type3A_38 = arith.extui %eq3A_37 : i1 to i32
      %cond3A_39 = arith.constant 0 : i32
      %cond3A_40 = arith.cmpi ne, %convert_element_type3A_38, %cond3A_39 : i32
      scf.if %cond3A_40 {
        "tpu.region"() ({
          %run_scoped3A = tpu.sem_alloc : memref<!tpu.dma_semaphore, #tpu.memory_space<semaphore_mem>>
          %dma_start3A = arith.constant 0 : i32
          %dma_start3A_62 = arith.constant 0 : i32
          %dma_start3A_63 = tpu.memref_slice %arg17[%dma_start3A, %dma_start3A_62] : memref<128x128xf32, #tpu.memory_space<vmem>> -> memref<64x128xf32, #tpu.memory_space<vmem>>
          %dma_start3A_64 = arith.constant 0 : i32
          %dma_start3A_65 = tpu.memref_slice %arg9[%add3A, %dma_start3A_64] : memref<10240x128xf32, #tpu.memory_space<hbm>> -> memref<64x128xf32, #tpu.memory_space<hbm>>
          %dma_start3A_66 = arith.constant 0 : i32
          %dma_start3A_67 = arith.constant 0 : i32
          %dma_start3A_68 = tpu.memref_slice %arg17[%dma_start3A_66, %dma_start3A_67] : memref<128x128xf32, #tpu.memory_space<vmem>> -> memref<64x128xf32, #tpu.memory_space<vmem>>
          %dma_start3A_69 = arith.constant 0 : i32
          %dma_start3A_70 = tpu.memref_slice %arg9[%add3A, %dma_start3A_69] : memref<10240x128xf32, #tpu.memory_space<hbm>> -> memref<64x128xf32, #tpu.memory_space<hbm>>
          tpu.enqueue_dma source(%dma_start3A_70 : memref<64x128xf32, #tpu.memory_space<hbm>>) target(%dma_start3A_68 : memref<64x128xf32, #tpu.memory_space<vmem>>) target_semaphore(%run_scoped3A : memref<!tpu.dma_semaphore, #tpu.memory_space<semaphore_mem>>)
          %dma_wait3A = arith.constant 0 : i32
          %dma_wait3A_71 = arith.constant 0 : i32
          %dma_wait3A_72 = tpu.memref_slice %arg17[%dma_wait3A, %dma_wait3A_71] : memref<128x128xf32, #tpu.memory_space<vmem>> -> memref<64x128xf32, #tpu.memory_space<vmem>>
          %dma_wait3A_73 = arith.constant 0 : i32
          %dma_wait3A_74 = tpu.memref_slice %arg9[%add3A, %dma_wait3A_73] : memref<10240x128xf32, #tpu.memory_space<hbm>> -> memref<64x128xf32, #tpu.memory_space<hbm>>
          %dma_wait3A_75 = arith.constant 0 : i32
          %dma_wait3A_76 = arith.constant 0 : i32
          %dma_wait3A_77 = tpu.memref_slice %arg17[%dma_wait3A_75, %dma_wait3A_76] : memref<128x128xf32, #tpu.memory_space<vmem>> -> memref<64x128xf32, #tpu.memory_space<vmem>>
          %dma_wait3A_78 = arith.constant 0 : i32
          %dma_wait3A_79 = tpu.memref_slice %arg9[%add3A, %dma_wait3A_78] : memref<10240x128xf32, #tpu.memory_space<hbm>> -> memref<64x128xf32, #tpu.memory_space<hbm>>
          tpu.wait_dma2 semaphore(%run_scoped3A : memref<!tpu.dma_semaphore, #tpu.memory_space<semaphore_mem>>) src(%dma_wait3A_79 : memref<64x128xf32, #tpu.memory_space<hbm>>) dst(%dma_wait3A_77 : memref<64x128xf32, #tpu.memory_space<vmem>>)
          tpu.yield
        }) : () -> ()
      } else {
      }
      %eq3A_41 = arith.constant 1 : i32
      %eq3A_42 = arith.cmpi eq, %arg0, %eq3A_41 : i32
      %convert_element_type3A_43 = arith.extui %eq3A_42 : i1 to i32
      %cond3A_44 = arith.constant 0 : i32
      %cond3A_45 = arith.cmpi ne, %convert_element_type3A_43, %cond3A_44 : i32
      scf.if %cond3A_45 {
        "tpu.region"() ({
          %run_scoped3A = tpu.sem_alloc : memref<!tpu.dma_semaphore, #tpu.memory_space<semaphore_mem>>
          %dma_start3A = arith.constant 0 : i32
          %dma_start3A_62 = arith.constant 0 : i32
          %dma_start3A_63 = tpu.memref_slice %arg17[%dma_start3A, %dma_start3A_62] : memref<128x128xf32, #tpu.memory_space<vmem>> -> memref<64x128xf32, #tpu.memory_space<vmem>>
          %dma_start3A_64 = arith.constant 0 : i32
          %dma_start3A_65 = tpu.memref_slice %arg10[%add3A, %dma_start3A_64] : memref<10240x128xf32, #tpu.memory_space<hbm>> -> memref<64x128xf32, #tpu.memory_space<hbm>>
          %dma_start3A_66 = arith.constant 0 : i32
          %dma_start3A_67 = arith.constant 0 : i32
          %dma_start3A_68 = tpu.memref_slice %arg17[%dma_start3A_66, %dma_start3A_67] : memref<128x128xf32, #tpu.memory_space<vmem>> -> memref<64x128xf32, #tpu.memory_space<vmem>>
          %dma_start3A_69 = arith.constant 0 : i32
          %dma_start3A_70 = tpu.memref_slice %arg10[%add3A, %dma_start3A_69] : memref<10240x128xf32, #tpu.memory_space<hbm>> -> memref<64x128xf32, #tpu.memory_space<hbm>>
          tpu.enqueue_dma source(%dma_start3A_70 : memref<64x128xf32, #tpu.memory_space<hbm>>) target(%dma_start3A_68 : memref<64x128xf32, #tpu.memory_space<vmem>>) target_semaphore(%run_scoped3A : memref<!tpu.dma_semaphore, #tpu.memory_space<semaphore_mem>>)
          %dma_wait3A = arith.constant 0 : i32
          %dma_wait3A_71 = arith.constant 0 : i32
          %dma_wait3A_72 = tpu.memref_slice %arg17[%dma_wait3A, %dma_wait3A_71] : memref<128x128xf32, #tpu.memory_space<vmem>> -> memref<64x128xf32, #tpu.memory_space<vmem>>
          %dma_wait3A_73 = arith.constant 0 : i32
          %dma_wait3A_74 = tpu.memref_slice %arg10[%add3A, %dma_wait3A_73] : memref<10240x128xf32, #tpu.memory_space<hbm>> -> memref<64x128xf32, #tpu.memory_space<hbm>>
          %dma_wait3A_75 = arith.constant 0 : i32
          %dma_wait3A_76 = arith.constant 0 : i32
          %dma_wait3A_77 = tpu.memref_slice %arg17[%dma_wait3A_75, %dma_wait3A_76] : memref<128x128xf32, #tpu.memory_space<vmem>> -> memref<64x128xf32, #tpu.memory_space<vmem>>
          %dma_wait3A_78 = arith.constant 0 : i32
          %dma_wait3A_79 = tpu.memref_slice %arg10[%add3A, %dma_wait3A_78] : memref<10240x128xf32, #tpu.memory_space<hbm>> -> memref<64x128xf32, #tpu.memory_space<hbm>>
          tpu.wait_dma2 semaphore(%run_scoped3A : memref<!tpu.dma_semaphore, #tpu.memory_space<semaphore_mem>>) src(%dma_wait3A_79 : memref<64x128xf32, #tpu.memory_space<hbm>>) dst(%dma_wait3A_77 : memref<64x128xf32, #tpu.memory_space<vmem>>)
          tpu.yield
        }) : () -> ()
      } else {
      }
      %scan3A_46 = arith.constant 0 : i32
      %scan3A_47 = arith.constant 0 : i32
      %scan3A_48 = arith.constant 64 : i32
      %scan3A_49 = arith.addi %scan3A_47, %scan3A_48 : i32
      %scan3A_50 = arith.constant 1 : i32
      scf.for %scan3A_62 = %scan3A_47 to %scan3A_49 step %scan3A_50  : i32 {
        %mul3A_63 = arith.constant 64 : i32
        %mul3A_64 = arith.muli %scan3A_26, %mul3A_63 : i32
        %add3A_65 = arith.addi %mul3A_64, %scan3A_62 : i32
        %get3A = arith.index_cast %add3A_65 : i32 to index
        %get3A_66 = tpu.vector_load %arg18[%get3A] {strides = array<i32>} : memref<656xf32, #tpu.memory_space<vmem>>, vector<16xf32>,
        %get3A_67 = vector.shape_cast %get3A_66 : vector<16xf32> to vector<16xf32>
        %slice3A = vector.extract_strided_slice %get3A_67 {offsets = [0], sizes = [1], strides = [1]} : vector<16xf32> to vector<1xf32>
        %squeeze3A = vector.extract %slice3A[0] : f32 from vector<1xf32>
        %add3A_68 = arith.constant 64 : i32
        %add3A_69 = arith.addi %add3A_68, %scan3A_62 : i32
        %get3A_70 = arith.index_cast %add3A_69 : i32 to index
        %get3A_71 = arith.constant 0 : index
        %get3A_72 = tpu.vector_load %arg16[%get3A_70, %get3A_71] {strides = array<i32>} : memref<128x128xf32, #tpu.memory_space<vmem>>, vector<1x16xf32>,
        %get3A_73 = vector.shape_cast %get3A_72 : vector<1x16xf32> to vector<16xf32>
        %get3A_74 = arith.index_cast %scan3A_62 : i32 to index
        %get3A_75 = arith.constant 0 : index
        %get3A_76 = tpu.vector_load %arg17[%get3A_74, %get3A_75] {strides = array<i32>} : memref<128x128xf32, #tpu.memory_space<vmem>>, vector<1x16xf32>,
        %get3A_77 = vector.shape_cast %get3A_76 : vector<1x16xf32> to vector<16xf32>
        %mul3A_78 = arith.constant 5.000000e-01 : f32
        %mul3A_79 = vector.broadcast %mul3A_78 : f32 to vector<16xf32>
        %mul3A_80 = arith.mulf %mul3A_79, %get3A_77 : vector<16xf32>
        %add3A_81 = arith.addf %get3A_73, %mul3A_80 : vector<16xf32>
        %mul3A_82 = arith.constant 0.333333343 : f32
        %mul3A_83 = arith.mulf %squeeze3A, %mul3A_82 : f32
        %get3A_84 = arith.index_cast %scan3A_62 : i32 to index
        %get3A_85 = arith.constant 0 : index
        %get3A_86 = tpu.vector_load %arg16[%get3A_84, %get3A_85] {strides = array<i32>} : memref<128x128xf32, #tpu.memory_space<vmem>>, vector<1x16xf32>,
        %get3A_87 = vector.shape_cast %get3A_86 : vector<1x16xf32> to vector<16xf32>
        %mul3A_88 = vector.broadcast %mul3A_83 : f32 to vector<16xf32>
        %mul3A_89 = arith.mulf %mul3A_88, %get3A_87 : vector<16xf32>
        %add3A_90 = arith.addf %add3A_81, %mul3A_89 : vector<16xf32>
        %add3A_91 = arith.constant 64 : i32
        %add3A_92 = arith.addi %add3A_91, %scan3A_62 : i32
        %swap3A = arith.index_cast %add3A_92 : i32 to index
        %swap3A_93 = arith.constant 0 : index
        %swap3A_94 = tpu.vector_load %arg17[%swap3A, %swap3A_93] {strides = array<i32>} : memref<128x128xf32, #tpu.memory_space<vmem>>, vector<1x16xf32>,
        %swap3A_95 = vector.shape_cast %swap3A_94 : vector<1x16xf32> to vector<16xf32>
        %swap3A_96 = vector.shape_cast %add3A_90 : vector<16xf32> to vector<1x16xf32>
        tpu.vector_store %arg17[%swap3A, %swap3A_93], %swap3A_96 {strides = array<i32>} : memref<128x128xf32, #tpu.memory_space<vmem>>, vector<1x16xf32>,
        %add3A_97 = arith.constant 64 : i32
        %add3A_98 = arith.addi %add3A_97, %scan3A_62 : i32
        %get3A_99 = arith.index_cast %add3A_98 : i32 to index
        %get3A_100 = arith.constant 16 : index
        %get3A_101 = tpu.vector_load %arg16[%get3A_99, %get3A_100] {strides = array<i32>} : memref<128x128xf32, #tpu.memory_space<vmem>>, vector<1x16xf32>,
        %get3A_102 = vector.shape_cast %get3A_101 : vector<1x16xf32> to vector<16xf32>
        %get3A_103 = arith.index_cast %scan3A_62 : i32 to index
        %get3A_104 = arith.constant 16 : index
        %get3A_105 = tpu.vector_load %arg17[%get3A_103, %get3A_104] {strides = array<i32>} : memref<128x128xf32, #tpu.memory_space<vmem>>, vector<1x16xf32>,
        %get3A_106 = vector.shape_cast %get3A_105 : vector<1x16xf32> to vector<16xf32>
        %mul3A_107 = arith.constant 5.000000e-01 : f32
        %mul3A_108 = vector.broadcast %mul3A_107 : f32 to vector<16xf32>
        %mul3A_109 = arith.mulf %mul3A_108, %get3A_106 : vector<16xf32>
        %add3A_110 = arith.addf %get3A_102, %mul3A_109 : vector<16xf32>
        %mul3A_111 = arith.constant 0.333333343 : f32
        %mul3A_112 = arith.mulf %squeeze3A, %mul3A_111 : f32
        %get3A_113 = arith.index_cast %scan3A_62 : i32 to index
        %get3A_114 = arith.constant 16 : index
        %get3A_115 = tpu.vector_load %arg16[%get3A_113, %get3A_114] {strides = array<i32>} : memref<128x128xf32, #tpu.memory_space<vmem>>, vector<1x16xf32>,
        %get3A_116 = vector.shape_cast %get3A_115 : vector<1x16xf32> to vector<16xf32>
        %mul3A_117 = vector.broadcast %mul3A_112 : f32 to vector<16xf32>
        %mul3A_118 = arith.mulf %mul3A_117, %get3A_116 : vector<16xf32>
        %add3A_119 = arith.addf %add3A_110, %mul3A_118 : vector<16xf32>
        %add3A_120 = arith.constant 64 : i32
        %add3A_121 = arith.addi %add3A_120, %scan3A_62 : i32
        %swap3A_122 = arith.index_cast %add3A_121 : i32 to index
        %swap3A_123 = arith.constant 16 : index
        %swap3A_124 = tpu.vector_load %arg17[%swap3A_122, %swap3A_123] {strides = array<i32>} : memref<128x128xf32, #tpu.memory_space<vmem>>, vector<1x16xf32>,
        %swap3A_125 = vector.shape_cast %swap3A_124 : vector<1x16xf32> to vector<16xf32>
        %swap3A_126 = vector.shape_cast %add3A_119 : vector<16xf32> to vector<1x16xf32>
        tpu.vector_store %arg17[%swap3A_122, %swap3A_123], %swap3A_126 {strides = array<i32>} : memref<128x128xf32, #tpu.memory_space<vmem>>, vector<1x16xf32>,
        %add3A_127 = arith.constant 64 : i32
        %add3A_128 = arith.addi %add3A_127, %scan3A_62 : i32
        %get3A_129 = arith.index_cast %add3A_128 : i32 to index
        %get3A_130 = arith.constant 32 : index
        %get3A_131 = tpu.vector_load %arg16[%get3A_129, %get3A_130] {strides = array<i32>} : memref<128x128xf32, #tpu.memory_space<vmem>>, vector<1x16xf32>,
        %get3A_132 = vector.shape_cast %get3A_131 : vector<1x16xf32> to vector<16xf32>
        %get3A_133 = arith.index_cast %scan3A_62 : i32 to index
        %get3A_134 = arith.constant 32 : index
        %get3A_135 = tpu.vector_load %arg17[%get3A_133, %get3A_134] {strides = array<i32>} : memref<128x128xf32, #tpu.memory_space<vmem>>, vector<1x16xf32>,
        %get3A_136 = vector.shape_cast %get3A_135 : vector<1x16xf32> to vector<16xf32>
        %mul3A_137 = arith.constant 5.000000e-01 : f32
        %mul3A_138 = vector.broadcast %mul3A_137 : f32 to vector<16xf32>
        %mul3A_139 = arith.mulf %mul3A_138, %get3A_136 : vector<16xf32>
        %add3A_140 = arith.addf %get3A_132, %mul3A_139 : vector<16xf32>
        %mul3A_141 = arith.constant 0.333333343 : f32
        %mul3A_142 = arith.mulf %squeeze3A, %mul3A_141 : f32
        %get3A_143 = arith.index_cast %scan3A_62 : i32 to index
        %get3A_144 = arith.constant 32 : index
        %get3A_145 = tpu.vector_load %arg16[%get3A_143, %get3A_144] {strides = array<i32>} : memref<128x128xf32, #tpu.memory_space<vmem>>, vector<1x16xf32>,
        %get3A_146 = vector.shape_cast %get3A_145 : vector<1x16xf32> to vector<16xf32>
        %mul3A_147 = vector.broadcast %mul3A_142 : f32 to vector<16xf32>
        %mul3A_148 = arith.mulf %mul3A_147, %get3A_146 : vector<16xf32>
        %add3A_149 = arith.addf %add3A_140, %mul3A_148 : vector<16xf32>
        %add3A_150 = arith.constant 64 : i32
        %add3A_151 = arith.addi %add3A_150, %scan3A_62 : i32
        %swap3A_152 = arith.index_cast %add3A_151 : i32 to index
        %swap3A_153 = arith.constant 32 : index
        %swap3A_154 = tpu.vector_load %arg17[%swap3A_152, %swap3A_153] {strides = array<i32>} : memref<128x128xf32, #tpu.memory_space<vmem>>, vector<1x16xf32>,
        %swap3A_155 = vector.shape_cast %swap3A_154 : vector<1x16xf32> to vector<16xf32>
        %swap3A_156 = vector.shape_cast %add3A_149 : vector<16xf32> to vector<1x16xf32>
        tpu.vector_store %arg17[%swap3A_152, %swap3A_153], %swap3A_156 {strides = array<i32>} : memref<128x128xf32, #tpu.memory_space<vmem>>, vector<1x16xf32>,
        %add3A_157 = arith.constant 64 : i32
        %add3A_158 = arith.addi %add3A_157, %scan3A_62 : i32
        %get3A_159 = arith.index_cast %add3A_158 : i32 to index
        %get3A_160 = arith.constant 48 : index
        %get3A_161 = tpu.vector_load %arg16[%get3A_159, %get3A_160] {strides = array<i32>} : memref<128x128xf32, #tpu.memory_space<vmem>>, vector<1x16xf32>,
        %get3A_162 = vector.shape_cast %get3A_161 : vector<1x16xf32> to vector<16xf32>
        %get3A_163 = arith.index_cast %scan3A_62 : i32 to index
        %get3A_164 = arith.constant 48 : index
        %get3A_165 = tpu.vector_load %arg17[%get3A_163, %get3A_164] {strides = array<i32>} : memref<128x128xf32, #tpu.memory_space<vmem>>, vector<1x16xf32>,
        %get3A_166 = vector.shape_cast %get3A_165 : vector<1x16xf32> to vector<16xf32>
        %mul3A_167 = arith.constant 5.000000e-01 : f32
        %mul3A_168 = vector.broadcast %mul3A_167 : f32 to vector<16xf32>
        %mul3A_169 = arith.mulf %mul3A_168, %get3A_166 : vector<16xf32>
        %add3A_170 = arith.addf %get3A_162, %mul3A_169 : vector<16xf32>
        %mul3A_171 = arith.constant 0.333333343 : f32
        %mul3A_172 = arith.mulf %squeeze3A, %mul3A_171 : f32
        %get3A_173 = arith.index_cast %scan3A_62 : i32 to index
        %get3A_174 = arith.constant 48 : index
        %get3A_175 = tpu.vector_load %arg16[%get3A_173, %get3A_174] {strides = array<i32>} : memref<128x128xf32, #tpu.memory_space<vmem>>, vector<1x16xf32>,
        %get3A_176 = vector.shape_cast %get3A_175 : vector<1x16xf32> to vector<16xf32>
        %mul3A_177 = vector.broadcast %mul3A_172 : f32 to vector<16xf32>
        %mul3A_178 = arith.mulf %mul3A_177, %get3A_176 : vector<16xf32>
        %add3A_179 = arith.addf %add3A_170, %mul3A_178 : vector<16xf32>
        %add3A_180 = arith.constant 64 : i32
        %add3A_181 = arith.addi %add3A_180, %scan3A_62 : i32
        %swap3A_182 = arith.index_cast %add3A_181 : i32 to index
        %swap3A_183 = arith.constant 48 : index
        %swap3A_184 = tpu.vector_load %arg17[%swap3A_182, %swap3A_183] {strides = array<i32>} : memref<128x128xf32, #tpu.memory_space<vmem>>, vector<1x16xf32>,
        %swap3A_185 = vector.shape_cast %swap3A_184 : vector<1x16xf32> to vector<16xf32>
        %swap3A_186 = vector.shape_cast %add3A_179 : vector<16xf32> to vector<1x16xf32>
        tpu.vector_store %arg17[%swap3A_182, %swap3A_183], %swap3A_186 {strides = array<i32>} : memref<128x128xf32, #tpu.memory_space<vmem>>, vector<1x16xf32>,
        %add3A_187 = arith.constant 64 : i32
        %add3A_188 = arith.addi %add3A_187, %scan3A_62 : i32
        %get3A_189 = arith.index_cast %add3A_188 : i32 to index
        %get3A_190 = arith.constant 64 : index
        %get3A_191 = tpu.vector_load %arg16[%get3A_189, %get3A_190] {strides = array<i32>} : memref<128x128xf32, #tpu.memory_space<vmem>>, vector<1x16xf32>,
        %get3A_192 = vector.shape_cast %get3A_191 : vector<1x16xf32> to vector<16xf32>
        %get3A_193 = arith.index_cast %scan3A_62 : i32 to index
        %get3A_194 = arith.constant 64 : index
        %get3A_195 = tpu.vector_load %arg17[%get3A_193, %get3A_194] {strides = array<i32>} : memref<128x128xf32, #tpu.memory_space<vmem>>, vector<1x16xf32>,
        %get3A_196 = vector.shape_cast %get3A_195 : vector<1x16xf32> to vector<16xf32>
        %mul3A_197 = arith.constant 5.000000e-01 : f32
        %mul3A_198 = vector.broadcast %mul3A_197 : f32 to vector<16xf32>
        %mul3A_199 = arith.mulf %mul3A_198, %get3A_196 : vector<16xf32>
        %add3A_200 = arith.addf %get3A_192, %mul3A_199 : vector<16xf32>
        %mul3A_201 = arith.constant 0.333333343 : f32
        %mul3A_202 = arith.mulf %squeeze3A, %mul3A_201 : f32
        %get3A_203 = arith.index_cast %scan3A_62 : i32 to index
        %get3A_204 = arith.constant 64 : index
        %get3A_205 = tpu.vector_load %arg16[%get3A_203, %get3A_204] {strides = array<i32>} : memref<128x128xf32, #tpu.memory_space<vmem>>, vector<1x16xf32>,
        %get3A_206 = vector.shape_cast %get3A_205 : vector<1x16xf32> to vector<16xf32>
        %mul3A_207 = vector.broadcast %mul3A_202 : f32 to vector<16xf32>
        %mul3A_208 = arith.mulf %mul3A_207, %get3A_206 : vector<16xf32>
        %add3A_209 = arith.addf %add3A_200, %mul3A_208 : vector<16xf32>
        %add3A_210 = arith.constant 64 : i32
        %add3A_211 = arith.addi %add3A_210, %scan3A_62 : i32
        %swap3A_212 = arith.index_cast %add3A_211 : i32 to index
        %swap3A_213 = arith.constant 64 : index
        %swap3A_214 = tpu.vector_load %arg17[%swap3A_212, %swap3A_213] {strides = array<i32>} : memref<128x128xf32, #tpu.memory_space<vmem>>, vector<1x16xf32>,
        %swap3A_215 = vector.shape_cast %swap3A_214 : vector<1x16xf32> to vector<16xf32>
        %swap3A_216 = vector.shape_cast %add3A_209 : vector<16xf32> to vector<1x16xf32>
        tpu.vector_store %arg17[%swap3A_212, %swap3A_213], %swap3A_216 {strides = array<i32>} : memref<128x128xf32, #tpu.memory_space<vmem>>, vector<1x16xf32>,
        %add3A_217 = arith.constant 64 : i32
        %add3A_218 = arith.addi %add3A_217, %scan3A_62 : i32
        %get3A_219 = arith.index_cast %add3A_218 : i32 to index
        %get3A_220 = arith.constant 80 : index
        %get3A_221 = tpu.vector_load %arg16[%get3A_219, %get3A_220] {strides = array<i32>} : memref<128x128xf32, #tpu.memory_space<vmem>>, vector<1x16xf32>,
        %get3A_222 = vector.shape_cast %get3A_221 : vector<1x16xf32> to vector<16xf32>
        %get3A_223 = arith.index_cast %scan3A_62 : i32 to index
        %get3A_224 = arith.constant 80 : index
        %get3A_225 = tpu.vector_load %arg17[%get3A_223, %get3A_224] {strides = array<i32>} : memref<128x128xf32, #tpu.memory_space<vmem>>, vector<1x16xf32>,
        %get3A_226 = vector.shape_cast %get3A_225 : vector<1x16xf32> to vector<16xf32>
        %mul3A_227 = arith.constant 5.000000e-01 : f32
        %mul3A_228 = vector.broadcast %mul3A_227 : f32 to vector<16xf32>
        %mul3A_229 = arith.mulf %mul3A_228, %get3A_226 : vector<16xf32>
        %add3A_230 = arith.addf %get3A_222, %mul3A_229 : vector<16xf32>
        %mul3A_231 = arith.constant 0.333333343 : f32
        %mul3A_232 = arith.mulf %squeeze3A, %mul3A_231 : f32
        %get3A_233 = arith.index_cast %scan3A_62 : i32 to index
        %get3A_234 = arith.constant 80 : index
        %get3A_235 = tpu.vector_load %arg16[%get3A_233, %get3A_234] {strides = array<i32>} : memref<128x128xf32, #tpu.memory_space<vmem>>, vector<1x16xf32>,
        %get3A_236 = vector.shape_cast %get3A_235 : vector<1x16xf32> to vector<16xf32>
        %mul3A_237 = vector.broadcast %mul3A_232 : f32 to vector<16xf32>
        %mul3A_238 = arith.mulf %mul3A_237, %get3A_236 : vector<16xf32>
        %add3A_239 = arith.addf %add3A_230, %mul3A_238 : vector<16xf32>
        %add3A_240 = arith.constant 64 : i32
        %add3A_241 = arith.addi %add3A_240, %scan3A_62 : i32
        %swap3A_242 = arith.index_cast %add3A_241 : i32 to index
        %swap3A_243 = arith.constant 80 : index
        %swap3A_244 = tpu.vector_load %arg17[%swap3A_242, %swap3A_243] {strides = array<i32>} : memref<128x128xf32, #tpu.memory_space<vmem>>, vector<1x16xf32>,
        %swap3A_245 = vector.shape_cast %swap3A_244 : vector<1x16xf32> to vector<16xf32>
        %swap3A_246 = vector.shape_cast %add3A_239 : vector<16xf32> to vector<1x16xf32>
        tpu.vector_store %arg17[%swap3A_242, %swap3A_243], %swap3A_246 {strides = array<i32>} : memref<128x128xf32, #tpu.memory_space<vmem>>, vector<1x16xf32>,
        %add3A_247 = arith.constant 64 : i32
        %add3A_248 = arith.addi %add3A_247, %scan3A_62 : i32
        %get3A_249 = arith.index_cast %add3A_248 : i32 to index
        %get3A_250 = arith.constant 96 : index
        %get3A_251 = tpu.vector_load %arg16[%get3A_249, %get3A_250] {strides = array<i32>} : memref<128x128xf32, #tpu.memory_space<vmem>>, vector<1x16xf32>,
        %get3A_252 = vector.shape_cast %get3A_251 : vector<1x16xf32> to vector<16xf32>
        %get3A_253 = arith.index_cast %scan3A_62 : i32 to index
        %get3A_254 = arith.constant 96 : index
        %get3A_255 = tpu.vector_load %arg17[%get3A_253, %get3A_254] {strides = array<i32>} : memref<128x128xf32, #tpu.memory_space<vmem>>, vector<1x16xf32>,
        %get3A_256 = vector.shape_cast %get3A_255 : vector<1x16xf32> to vector<16xf32>
        %mul3A_257 = arith.constant 5.000000e-01 : f32
        %mul3A_258 = vector.broadcast %mul3A_257 : f32 to vector<16xf32>
        %mul3A_259 = arith.mulf %mul3A_258, %get3A_256 : vector<16xf32>
        %add3A_260 = arith.addf %get3A_252, %mul3A_259 : vector<16xf32>
        %mul3A_261 = arith.constant 0.333333343 : f32
        %mul3A_262 = arith.mulf %squeeze3A, %mul3A_261 : f32
        %get3A_263 = arith.index_cast %scan3A_62 : i32 to index
        %get3A_264 = arith.constant 96 : index
        %get3A_265 = tpu.vector_load %arg16[%get3A_263, %get3A_264] {strides = array<i32>} : memref<128x128xf32, #tpu.memory_space<vmem>>, vector<1x16xf32>,
        %get3A_266 = vector.shape_cast %get3A_265 : vector<1x16xf32> to vector<16xf32>
        %mul3A_267 = vector.broadcast %mul3A_262 : f32 to vector<16xf32>
        %mul3A_268 = arith.mulf %mul3A_267, %get3A_266 : vector<16xf32>
        %add3A_269 = arith.addf %add3A_260, %mul3A_268 : vector<16xf32>
        %add3A_270 = arith.constant 64 : i32
        %add3A_271 = arith.addi %add3A_270, %scan3A_62 : i32
        %swap3A_272 = arith.index_cast %add3A_271 : i32 to index
        %swap3A_273 = arith.constant 96 : index
        %swap3A_274 = tpu.vector_load %arg17[%swap3A_272, %swap3A_273] {strides = array<i32>} : memref<128x128xf32, #tpu.memory_space<vmem>>, vector<1x16xf32>,
        %swap3A_275 = vector.shape_cast %swap3A_274 : vector<1x16xf32> to vector<16xf32>
        %swap3A_276 = vector.shape_cast %add3A_269 : vector<16xf32> to vector<1x16xf32>
        tpu.vector_store %arg17[%swap3A_272, %swap3A_273], %swap3A_276 {strides = array<i32>} : memref<128x128xf32, #tpu.memory_space<vmem>>, vector<1x16xf32>,
        %add3A_277 = arith.constant 64 : i32
        %add3A_278 = arith.addi %add3A_277, %scan3A_62 : i32
        %get3A_279 = arith.index_cast %add3A_278 : i32 to index
        %get3A_280 = arith.constant 112 : index
        %get3A_281 = tpu.vector_load %arg16[%get3A_279, %get3A_280] {strides = array<i32>} : memref<128x128xf32, #tpu.memory_space<vmem>>, vector<1x16xf32>,
        %get3A_282 = vector.shape_cast %get3A_281 : vector<1x16xf32> to vector<16xf32>
        %get3A_283 = arith.index_cast %scan3A_62 : i32 to index
        %get3A_284 = arith.constant 112 : index
        %get3A_285 = tpu.vector_load %arg17[%get3A_283, %get3A_284] {strides = array<i32>} : memref<128x128xf32, #tpu.memory_space<vmem>>, vector<1x16xf32>,
        %get3A_286 = vector.shape_cast %get3A_285 : vector<1x16xf32> to vector<16xf32>
        %mul3A_287 = arith.constant 5.000000e-01 : f32
        %mul3A_288 = vector.broadcast %mul3A_287 : f32 to vector<16xf32>
        %mul3A_289 = arith.mulf %mul3A_288, %get3A_286 : vector<16xf32>
        %add3A_290 = arith.addf %get3A_282, %mul3A_289 : vector<16xf32>
        %mul3A_291 = arith.constant 0.333333343 : f32
        %mul3A_292 = arith.mulf %squeeze3A, %mul3A_291 : f32
        %get3A_293 = arith.index_cast %scan3A_62 : i32 to index
        %get3A_294 = arith.constant 112 : index
        %get3A_295 = tpu.vector_load %arg16[%get3A_293, %get3A_294] {strides = array<i32>} : memref<128x128xf32, #tpu.memory_space<vmem>>, vector<1x16xf32>,
        %get3A_296 = vector.shape_cast %get3A_295 : vector<1x16xf32> to vector<16xf32>
        %mul3A_297 = vector.broadcast %mul3A_292 : f32 to vector<16xf32>
        %mul3A_298 = arith.mulf %mul3A_297, %get3A_296 : vector<16xf32>
        %add3A_299 = arith.addf %add3A_290, %mul3A_298 : vector<16xf32>
        %add3A_300 = arith.constant 64 : i32
        %add3A_301 = arith.addi %add3A_300, %scan3A_62 : i32
        %swap3A_302 = arith.index_cast %add3A_301 : i32 to index
        %swap3A_303 = arith.constant 112 : index
        %swap3A_304 = tpu.vector_load %arg17[%swap3A_302, %swap3A_303] {strides = array<i32>} : memref<128x128xf32, #tpu.memory_space<vmem>>, vector<1x16xf32>,
        %swap3A_305 = vector.shape_cast %swap3A_304 : vector<1x16xf32> to vector<16xf32>
        %swap3A_306 = vector.shape_cast %add3A_299 : vector<16xf32> to vector<1x16xf32>
        tpu.vector_store %arg17[%swap3A_302, %swap3A_303], %swap3A_306 {strides = array<i32>} : memref<128x128xf32, #tpu.memory_space<vmem>>, vector<1x16xf32>,
      }
      %scan3A_51 = arith.constant 64 : i32
      %eq3A_52 = arith.constant 0 : i32
      %eq3A_53 = arith.cmpi eq, %arg0, %eq3A_52 : i32
      %convert_element_type3A_54 = arith.extui %eq3A_53 : i1 to i32
      %cond3A_55 = arith.constant 0 : i32
      %cond3A_56 = arith.cmpi ne, %convert_element_type3A_54, %cond3A_55 : i32
      scf.if %cond3A_56 {
        "tpu.region"() ({
          %run_scoped3A = tpu.sem_alloc : memref<!tpu.dma_semaphore, #tpu.memory_space<semaphore_mem>>
          %dma_start3A = arith.constant 64 : i32
          %dma_start3A_62 = arith.constant 0 : i32
          %dma_start3A_63 = tpu.memref_slice %arg17[%dma_start3A, %dma_start3A_62] : memref<128x128xf32, #tpu.memory_space<vmem>> -> memref<64x128xf32, #tpu.memory_space<vmem>>
          %dma_start3A_64 = arith.constant 0 : i32
          %dma_start3A_65 = tpu.memref_slice %arg11[%add3A, %dma_start3A_64] : memref<10240x128xf32, #tpu.memory_space<hbm>> -> memref<64x128xf32, #tpu.memory_space<hbm>>
          %dma_start3A_66 = arith.constant 0 : i32
          %dma_start3A_67 = tpu.memref_slice %arg11[%add3A, %dma_start3A_66] : memref<10240x128xf32, #tpu.memory_space<hbm>> -> memref<64x128xf32, #tpu.memory_space<hbm>>
          %dma_start3A_68 = arith.constant 64 : i32
          %dma_start3A_69 = arith.constant 0 : i32
          %dma_start3A_70 = tpu.memref_slice %arg17[%dma_start3A_68, %dma_start3A_69] : memref<128x128xf32, #tpu.memory_space<vmem>> -> memref<64x128xf32, #tpu.memory_space<vmem>>
          tpu.enqueue_dma source(%dma_start3A_70 : memref<64x128xf32, #tpu.memory_space<vmem>>) target(%dma_start3A_67 : memref<64x128xf32, #tpu.memory_space<hbm>>) target_semaphore(%run_scoped3A : memref<!tpu.dma_semaphore, #tpu.memory_space<semaphore_mem>>)
          %dma_wait3A = arith.constant 64 : i32
          %dma_wait3A_71 = arith.constant 0 : i32
          %dma_wait3A_72 = tpu.memref_slice %arg17[%dma_wait3A, %dma_wait3A_71] : memref<128x128xf32, #tpu.memory_space<vmem>> -> memref<64x128xf32, #tpu.memory_space<vmem>>
          %dma_wait3A_73 = arith.constant 0 : i32
          %dma_wait3A_74 = tpu.memref_slice %arg11[%add3A, %dma_wait3A_73] : memref<10240x128xf32, #tpu.memory_space<hbm>> -> memref<64x128xf32, #tpu.memory_space<hbm>>
          %dma_wait3A_75 = arith.constant 0 : i32
          %dma_wait3A_76 = tpu.memref_slice %arg11[%add3A, %dma_wait3A_75] : memref<10240x128xf32, #tpu.memory_space<hbm>> -> memref<64x128xf32, #tpu.memory_space<hbm>>
          %dma_wait3A_77 = arith.constant 64 : i32
          %dma_wait3A_78 = arith.constant 0 : i32
          %dma_wait3A_79 = tpu.memref_slice %arg17[%dma_wait3A_77, %dma_wait3A_78] : memref<128x128xf32, #tpu.memory_space<vmem>> -> memref<64x128xf32, #tpu.memory_space<vmem>>
          tpu.wait_dma2 semaphore(%run_scoped3A : memref<!tpu.dma_semaphore, #tpu.memory_space<semaphore_mem>>) src(%dma_wait3A_79 : memref<64x128xf32, #tpu.memory_space<vmem>>) dst(%dma_wait3A_76 : memref<64x128xf32, #tpu.memory_space<hbm>>)
          tpu.yield
        }) : () -> ()
      } else {
      }
      %eq3A_57 = arith.constant 1 : i32
      %eq3A_58 = arith.cmpi eq, %arg0, %eq3A_57 : i32
      %convert_element_type3A_59 = arith.extui %eq3A_58 : i1 to i32
      %cond3A_60 = arith.constant 0 : i32
      %cond3A_61 = arith.cmpi ne, %convert_element_type3A_59, %cond3A_60 : i32
      scf.if %cond3A_61 {
        "tpu.region"() ({
          %run_scoped3A = tpu.sem_alloc : memref<!tpu.dma_semaphore, #tpu.memory_space<semaphore_mem>>
          %dma_start3A = arith.constant 64 : i32
          %dma_start3A_62 = arith.constant 0 : i32
          %dma_start3A_63 = tpu.memref_slice %arg17[%dma_start3A, %dma_start3A_62] : memref<128x128xf32, #tpu.memory_space<vmem>> -> memref<64x128xf32, #tpu.memory_space<vmem>>
          %dma_start3A_64 = arith.constant 0 : i32
          %dma_start3A_65 = tpu.memref_slice %arg12[%add3A, %dma_start3A_64] : memref<10240x128xf32, #tpu.memory_space<hbm>> -> memref<64x128xf32, #tpu.memory_space<hbm>>
          %dma_start3A_66 = arith.constant 0 : i32
          %dma_start3A_67 = tpu.memref_slice %arg12[%add3A, %dma_start3A_66] : memref<10240x128xf32, #tpu.memory_space<hbm>> -> memref<64x128xf32, #tpu.memory_space<hbm>>
          %dma_start3A_68 = arith.constant 64 : i32
          %dma_start3A_69 = arith.constant 0 : i32
          %dma_start3A_70 = tpu.memref_slice %arg17[%dma_start3A_68, %dma_start3A_69] : memref<128x128xf32, #tpu.memory_space<vmem>> -> memref<64x128xf32, #tpu.memory_space<vmem>>
          tpu.enqueue_dma source(%dma_start3A_70 : memref<64x128xf32, #tpu.memory_space<vmem>>) target(%dma_start3A_67 : memref<64x128xf32, #tpu.memory_space<hbm>>) target_semaphore(%run_scoped3A : memref<!tpu.dma_semaphore, #tpu.memory_space<semaphore_mem>>)
          %dma_wait3A = arith.constant 64 : i32
          %dma_wait3A_71 = arith.constant 0 : i32
          %dma_wait3A_72 = tpu.memref_slice %arg17[%dma_wait3A, %dma_wait3A_71] : memref<128x128xf32, #tpu.memory_space<vmem>> -> memref<64x128xf32, #tpu.memory_space<vmem>>
          %dma_wait3A_73 = arith.constant 0 : i32
          %dma_wait3A_74 = tpu.memref_slice %arg12[%add3A, %dma_wait3A_73] : memref<10240x128xf32, #tpu.memory_space<hbm>> -> memref<64x128xf32, #tpu.memory_space<hbm>>
          %dma_wait3A_75 = arith.constant 0 : i32
          %dma_wait3A_76 = tpu.memref_slice %arg12[%add3A, %dma_wait3A_75] : memref<10240x128xf32, #tpu.memory_space<hbm>> -> memref<64x128xf32, #tpu.memory_space<hbm>>
          %dma_wait3A_77 = arith.constant 64 : i32
          %dma_wait3A_78 = arith.constant 0 : i32
          %dma_wait3A_79 = tpu.memref_slice %arg17[%dma_wait3A_77, %dma_wait3A_78] : memref<128x128xf32, #tpu.memory_space<vmem>> -> memref<64x128xf32, #tpu.memory_space<vmem>>
          tpu.wait_dma2 semaphore(%run_scoped3A : memref<!tpu.dma_semaphore, #tpu.memory_space<semaphore_mem>>) src(%dma_wait3A_79 : memref<64x128xf32, #tpu.memory_space<vmem>>) dst(%dma_wait3A_76 : memref<64x128xf32, #tpu.memory_space<hbm>>)
          tpu.yield
        }) : () -> ()
      } else {
      }
    }
    %scan3A_25 = arith.constant 10 : i32
    return
  }
}

#map = affine_map<(d0, d1) -> (0, 0)>
#map1 = affine_map<(d0, d1) -> (0)>
module attributes {stable_mosaic.version = 14 : i64} {
  func.func @gcn_norms_h0(%arg0: i32, %arg1: i32, %arg2: memref<1280x128xi32, #tpu.memory_space<hbm>>, %arg3: memref<1280x128xi32, #tpu.memory_space<hbm>>, %arg4: memref<10240x128xf32, #tpu.memory_space<hbm>>, %arg5: memref<10240x128xf32, #tpu.memory_space<hbm>>, %arg6: memref<10240xf32, #tpu.memory_space<hbm>>, %arg7: memref<10240xf32, #tpu.memory_space<hbm>>, %arg8: memref<10240x128xf32, #tpu.memory_space<hbm>>, %arg9: memref<10240x128xf32, #tpu.memory_space<hbm>>, %arg10: memref<10240xf32, #tpu.memory_space<vmem_shared>>, %arg11: memref<10240xf32, #tpu.memory_space<vmem_shared>>, %arg12: memref<128xf32, #tpu.memory_space<vmem>>, %arg13: memref<16x128xi32, #tpu.memory_space<vmem>>, %arg14: memref<16x128xi32, #tpu.memory_space<vmem>>, %arg15: memref<640xf32, #tpu.memory_space<vmem>>, %arg16: memref<656xf32, #tpu.memory_space<vmem>>, %arg17: memref<656xf32, #tpu.memory_space<vmem>>, %arg18: memref<80x128xf32, #tpu.memory_space<vmem>>, %arg19: memref<640xf32, #tpu.memory_space<vmem>>, %arg20: memref<!tpu.dma_semaphore, #tpu.memory_space<semaphore_mem>>) attributes {dimension_semantics = [#tpu.dimension_semantics<core_parallel>, #tpu.dimension_semantics<subcore_parallel>], iteration_bounds = array<i64: 2, 16>, scalar_prefetch = 0 : i64, scratch_operands = 11 : i64, tpu.core_type = #tpu.core_type<sc_vector_subcore>, window_params = [{transform_indices = #map}, {transform_indices = #map}, {transform_indices = #map}, {transform_indices = #map}, {transform_indices = #map1}, {transform_indices = #map1}, {transform_indices = #map}, {transform_indices = #map}]} {
    %mul3A = arith.constant 640 : i32
    %mul3A_0 = arith.muli %arg1, %mul3A : i32
    %scan3A = arith.constant 0 : i32
    %scan3A_1 = arith.constant 0 : i32
    %scan3A_2 = arith.constant 40 : i32
    %scan3A_3 = arith.addi %scan3A_1, %scan3A_2 : i32
    %scan3A_4 = arith.constant 1 : i32
    scf.for %scan3A_79 = %scan3A_1 to %scan3A_3 step %scan3A_4  : i32 {
      %broadcast_in_dim3A_80 = arith.constant 0.000000e+00 : f32
      %broadcast_in_dim3A_81 = vector.broadcast %broadcast_in_dim3A_80 : f32 to vector<16xf32>
      %mul3A_82 = arith.constant 16 : i32
      %mul3A_83 = arith.muli %scan3A_79, %mul3A_82 : i32
      %swap3A_84 = arith.index_cast %mul3A_83 : i32 to index
      %swap3A_85 = tpu.vector_load %arg19[%swap3A_84] {strides = array<i32>} : memref<640xf32, #tpu.memory_space<vmem>>, vector<16xf32>,
      %swap3A_86 = vector.shape_cast %swap3A_85 : vector<16xf32> to vector<16xf32>
      %swap3A_87 = vector.shape_cast %broadcast_in_dim3A_81 : vector<16xf32> to vector<16xf32>
      tpu.vector_store %arg19[%swap3A_84], %swap3A_87 {strides = array<i32>} : memref<640xf32, #tpu.memory_space<vmem>>, vector<16xf32>,
    }
    %scan3A_5 = arith.constant 40 : i32
    "tpu.region"() ({
      %run_scoped3A = tpu.sem_alloc : memref<!tpu.dma_semaphore, #tpu.memory_space<semaphore_mem>>
      %dma_start3A = arith.constant 0 : i32
      %dma_start3A_79 = tpu.memref_slice %arg19[%dma_start3A] : memref<640xf32, #tpu.memory_space<vmem>> -> memref<640xf32, #tpu.memory_space<vmem>>
      %dma_start3A_80 = tpu.memref_slice %arg10[%mul3A_0] : memref<10240xf32, #tpu.memory_space<vmem_shared>> -> memref<640xf32, #tpu.memory_space<vmem_shared>>
      %dma_start3A_81 = tpu.memref_slice %arg10[%mul3A_0] : memref<10240xf32, #tpu.memory_space<vmem_shared>> -> memref<640xf32, #tpu.memory_space<vmem_shared>>
      %dma_start3A_82 = arith.constant 0 : i32
      %dma_start3A_83 = tpu.memref_slice %arg19[%dma_start3A_82] : memref<640xf32, #tpu.memory_space<vmem>> -> memref<640xf32, #tpu.memory_space<vmem>>
      tpu.enqueue_dma source(%dma_start3A_83 : memref<640xf32, #tpu.memory_space<vmem>>) target(%dma_start3A_81 : memref<640xf32, #tpu.memory_space<vmem_shared>>) target_semaphore(%run_scoped3A : memref<!tpu.dma_semaphore, #tpu.memory_space<semaphore_mem>>)
      %dma_wait3A = arith.constant 0 : i32
      %dma_wait3A_84 = tpu.memref_slice %arg19[%dma_wait3A] : memref<640xf32, #tpu.memory_space<vmem>> -> memref<640xf32, #tpu.memory_space<vmem>>
      %dma_wait3A_85 = tpu.memref_slice %arg10[%mul3A_0] : memref<10240xf32, #tpu.memory_space<vmem_shared>> -> memref<640xf32, #tpu.memory_space<vmem_shared>>
      %dma_wait3A_86 = tpu.memref_slice %arg10[%mul3A_0] : memref<10240xf32, #tpu.memory_space<vmem_shared>> -> memref<640xf32, #tpu.memory_space<vmem_shared>>
      %dma_wait3A_87 = arith.constant 0 : i32
      %dma_wait3A_88 = tpu.memref_slice %arg19[%dma_wait3A_87] : memref<640xf32, #tpu.memory_space<vmem>> -> memref<640xf32, #tpu.memory_space<vmem>>
      tpu.wait_dma2 semaphore(%run_scoped3A : memref<!tpu.dma_semaphore, #tpu.memory_space<semaphore_mem>>) src(%dma_wait3A_88 : memref<640xf32, #tpu.memory_space<vmem>>) dst(%dma_wait3A_86 : memref<640xf32, #tpu.memory_space<vmem_shared>>)
      tpu.yield
    }) : () -> ()
    "tpu.region"() ({
      %run_scoped3A = tpu.sem_alloc : memref<!tpu.dma_semaphore, #tpu.memory_space<semaphore_mem>>
      %dma_start3A = arith.constant 0 : i32
      %dma_start3A_79 = tpu.memref_slice %arg19[%dma_start3A] : memref<640xf32, #tpu.memory_space<vmem>> -> memref<640xf32, #tpu.memory_space<vmem>>
      %dma_start3A_80 = tpu.memref_slice %arg11[%mul3A_0] : memref<10240xf32, #tpu.memory_space<vmem_shared>> -> memref<640xf32, #tpu.memory_space<vmem_shared>>
      %dma_start3A_81 = tpu.memref_slice %arg11[%mul3A_0] : memref<10240xf32, #tpu.memory_space<vmem_shared>> -> memref<640xf32, #tpu.memory_space<vmem_shared>>
      %dma_start3A_82 = arith.constant 0 : i32
      %dma_start3A_83 = tpu.memref_slice %arg19[%dma_start3A_82] : memref<640xf32, #tpu.memory_space<vmem>> -> memref<640xf32, #tpu.memory_space<vmem>>
      tpu.enqueue_dma source(%dma_start3A_83 : memref<640xf32, #tpu.memory_space<vmem>>) target(%dma_start3A_81 : memref<640xf32, #tpu.memory_space<vmem_shared>>) target_semaphore(%run_scoped3A : memref<!tpu.dma_semaphore, #tpu.memory_space<semaphore_mem>>)
      %dma_wait3A = arith.constant 0 : i32
      %dma_wait3A_84 = tpu.memref_slice %arg19[%dma_wait3A] : memref<640xf32, #tpu.memory_space<vmem>> -> memref<640xf32, #tpu.memory_space<vmem>>
      %dma_wait3A_85 = tpu.memref_slice %arg11[%mul3A_0] : memref<10240xf32, #tpu.memory_space<vmem_shared>> -> memref<640xf32, #tpu.memory_space<vmem_shared>>
      %dma_wait3A_86 = tpu.memref_slice %arg11[%mul3A_0] : memref<10240xf32, #tpu.memory_space<vmem_shared>> -> memref<640xf32, #tpu.memory_space<vmem_shared>>
      %dma_wait3A_87 = arith.constant 0 : i32
      %dma_wait3A_88 = tpu.memref_slice %arg19[%dma_wait3A_87] : memref<640xf32, #tpu.memory_space<vmem>> -> memref<640xf32, #tpu.memory_space<vmem>>
      tpu.wait_dma2 semaphore(%run_scoped3A : memref<!tpu.dma_semaphore, #tpu.memory_space<semaphore_mem>>) src(%dma_wait3A_88 : memref<640xf32, #tpu.memory_space<vmem>>) dst(%dma_wait3A_86 : memref<640xf32, #tpu.memory_space<vmem_shared>>)
      tpu.yield
    }) : () -> ()
    %broadcast_in_dim3A = arith.constant 1.000000e+00 : f32
    %broadcast_in_dim3A_6 = vector.broadcast %broadcast_in_dim3A : f32 to vector<16xf32>
    %swap3A = arith.constant 0 : index
    %swap3A_7 = tpu.vector_load %arg12[%swap3A] {strides = array<i32>} : memref<128xf32, #tpu.memory_space<vmem>>, vector<16xf32>,
    %swap3A_8 = vector.shape_cast %swap3A_7 : vector<16xf32> to vector<16xf32>
    %swap3A_9 = vector.shape_cast %broadcast_in_dim3A_6 : vector<16xf32> to vector<16xf32>
    tpu.vector_store %arg12[%swap3A], %swap3A_9 {strides = array<i32>} : memref<128xf32, #tpu.memory_space<vmem>>, vector<16xf32>,
    %broadcast_in_dim3A_10 = arith.constant 1.000000e+00 : f32
    %broadcast_in_dim3A_11 = vector.broadcast %broadcast_in_dim3A_10 : f32 to vector<16xf32>
    %swap3A_12 = arith.constant 16 : index
    %swap3A_13 = tpu.vector_load %arg12[%swap3A_12] {strides = array<i32>} : memref<128xf32, #tpu.memory_space<vmem>>, vector<16xf32>,
    %swap3A_14 = vector.shape_cast %swap3A_13 : vector<16xf32> to vector<16xf32>
    %swap3A_15 = vector.shape_cast %broadcast_in_dim3A_11 : vector<16xf32> to vector<16xf32>
    tpu.vector_store %arg12[%swap3A_12], %swap3A_15 {strides = array<i32>} : memref<128xf32, #tpu.memory_space<vmem>>, vector<16xf32>,
    %broadcast_in_dim3A_16 = arith.constant 1.000000e+00 : f32
    %broadcast_in_dim3A_17 = vector.broadcast %broadcast_in_dim3A_16 : f32 to vector<16xf32>
    %swap3A_18 = arith.constant 32 : index
    %swap3A_19 = tpu.vector_load %arg12[%swap3A_18] {strides = array<i32>} : memref<128xf32, #tpu.memory_space<vmem>>, vector<16xf32>,
    %swap3A_20 = vector.shape_cast %swap3A_19 : vector<16xf32> to vector<16xf32>
    %swap3A_21 = vector.shape_cast %broadcast_in_dim3A_17 : vector<16xf32> to vector<16xf32>
    tpu.vector_store %arg12[%swap3A_18], %swap3A_21 {strides = array<i32>} : memref<128xf32, #tpu.memory_space<vmem>>, vector<16xf32>,
    %broadcast_in_dim3A_22 = arith.constant 1.000000e+00 : f32
    %broadcast_in_dim3A_23 = vector.broadcast %broadcast_in_dim3A_22 : f32 to vector<16xf32>
    %swap3A_24 = arith.constant 48 : index
    %swap3A_25 = tpu.vector_load %arg12[%swap3A_24] {strides = array<i32>} : memref<128xf32, #tpu.memory_space<vmem>>, vector<16xf32>,
    %swap3A_26 = vector.shape_cast %swap3A_25 : vector<16xf32> to vector<16xf32>
    %swap3A_27 = vector.shape_cast %broadcast_in_dim3A_23 : vector<16xf32> to vector<16xf32>
    tpu.vector_store %arg12[%swap3A_24], %swap3A_27 {strides = array<i32>} : memref<128xf32, #tpu.memory_space<vmem>>, vector<16xf32>,
    %broadcast_in_dim3A_28 = arith.constant 1.000000e+00 : f32
    %broadcast_in_dim3A_29 = vector.broadcast %broadcast_in_dim3A_28 : f32 to vector<16xf32>
    %swap3A_30 = arith.constant 64 : index
    %swap3A_31 = tpu.vector_load %arg12[%swap3A_30] {strides = array<i32>} : memref<128xf32, #tpu.memory_space<vmem>>, vector<16xf32>,
    %swap3A_32 = vector.shape_cast %swap3A_31 : vector<16xf32> to vector<16xf32>
    %swap3A_33 = vector.shape_cast %broadcast_in_dim3A_29 : vector<16xf32> to vector<16xf32>
    tpu.vector_store %arg12[%swap3A_30], %swap3A_33 {strides = array<i32>} : memref<128xf32, #tpu.memory_space<vmem>>, vector<16xf32>,
    %broadcast_in_dim3A_34 = arith.constant 1.000000e+00 : f32
    %broadcast_in_dim3A_35 = vector.broadcast %broadcast_in_dim3A_34 : f32 to vector<16xf32>
    %swap3A_36 = arith.constant 80 : index
    %swap3A_37 = tpu.vector_load %arg12[%swap3A_36] {strides = array<i32>} : memref<128xf32, #tpu.memory_space<vmem>>, vector<16xf32>,
    %swap3A_38 = vector.shape_cast %swap3A_37 : vector<16xf32> to vector<16xf32>
    %swap3A_39 = vector.shape_cast %broadcast_in_dim3A_35 : vector<16xf32> to vector<16xf32>
    tpu.vector_store %arg12[%swap3A_36], %swap3A_39 {strides = array<i32>} : memref<128xf32, #tpu.memory_space<vmem>>, vector<16xf32>,
    %broadcast_in_dim3A_40 = arith.constant 1.000000e+00 : f32
    %broadcast_in_dim3A_41 = vector.broadcast %broadcast_in_dim3A_40 : f32 to vector<16xf32>
    %swap3A_42 = arith.constant 96 : index
    %swap3A_43 = tpu.vector_load %arg12[%swap3A_42] {strides = array<i32>} : memref<128xf32, #tpu.memory_space<vmem>>, vector<16xf32>,
    %swap3A_44 = vector.shape_cast %swap3A_43 : vector<16xf32> to vector<16xf32>
    %swap3A_45 = vector.shape_cast %broadcast_in_dim3A_41 : vector<16xf32> to vector<16xf32>
    tpu.vector_store %arg12[%swap3A_42], %swap3A_45 {strides = array<i32>} : memref<128xf32, #tpu.memory_space<vmem>>, vector<16xf32>,
    %broadcast_in_dim3A_46 = arith.constant 1.000000e+00 : f32
    %broadcast_in_dim3A_47 = vector.broadcast %broadcast_in_dim3A_46 : f32 to vector<16xf32>
    %swap3A_48 = arith.constant 112 : index
    %swap3A_49 = tpu.vector_load %arg12[%swap3A_48] {strides = array<i32>} : memref<128xf32, #tpu.memory_space<vmem>>, vector<16xf32>,
    %swap3A_50 = vector.shape_cast %swap3A_49 : vector<16xf32> to vector<16xf32>
    %swap3A_51 = vector.shape_cast %broadcast_in_dim3A_47 : vector<16xf32> to vector<16xf32>
    tpu.vector_store %arg12[%swap3A_48], %swap3A_51 {strides = array<i32>} : memref<128xf32, #tpu.memory_space<vmem>>, vector<16xf32>,
    %barrier3A = arith.constant 0 : index
    tpu.barrier barrier_id(%barrier3A)
    %scan3A_52 = arith.constant 0 : i32
    %scan3A_53 = arith.constant 0 : i32
    %scan3A_54 = arith.constant 5 : i32
    %scan3A_55 = arith.addi %scan3A_53, %scan3A_54 : i32
    %scan3A_56 = arith.constant 1 : i32
    scf.for %scan3A_79 = %scan3A_53 to %scan3A_55 step %scan3A_56  : i32 {
      %mul3A_80 = arith.constant 80 : i32
      %mul3A_81 = arith.muli %arg1, %mul3A_80 : i32
      %mul3A_82 = arith.constant 16 : i32
      %mul3A_83 = arith.muli %scan3A_79, %mul3A_82 : i32
      %add3A = arith.addi %mul3A_81, %mul3A_83 : i32
      "tpu.region"() ({
        %run_scoped3A = tpu.sem_alloc : memref<!tpu.dma_semaphore, #tpu.memory_space<semaphore_mem>>
        %dma_start3A = arith.constant 0 : i32
        %dma_start3A_105 = tpu.memref_slice %arg2[%add3A, %dma_start3A] : memref<1280x128xi32, #tpu.memory_space<hbm>> -> memref<16x128xi32, #tpu.memory_space<hbm>>
        %dma_start3A_106 = arith.constant 0 : i32
        %dma_start3A_107 = tpu.memref_slice %arg2[%add3A, %dma_start3A_106] : memref<1280x128xi32, #tpu.memory_space<hbm>> -> memref<16x128xi32, #tpu.memory_space<hbm>>
        tpu.enqueue_dma source(%dma_start3A_107 : memref<16x128xi32, #tpu.memory_space<hbm>>) target(%arg13 : memref<16x128xi32, #tpu.memory_space<vmem>>) target_semaphore(%run_scoped3A : memref<!tpu.dma_semaphore, #tpu.memory_space<semaphore_mem>>)
        %dma_wait3A_108 = arith.constant 0 : i32
        %dma_wait3A_109 = tpu.memref_slice %arg2[%add3A, %dma_wait3A_108] : memref<1280x128xi32, #tpu.memory_space<hbm>> -> memref<16x128xi32, #tpu.memory_space<hbm>>
        %dma_wait3A_110 = arith.constant 0 : i32
        %dma_wait3A_111 = tpu.memref_slice %arg2[%add3A, %dma_wait3A_110] : memref<1280x128xi32, #tpu.memory_space<hbm>> -> memref<16x128xi32, #tpu.memory_space<hbm>>
        tpu.wait_dma2 semaphore(%run_scoped3A : memref<!tpu.dma_semaphore, #tpu.memory_space<semaphore_mem>>) src(%dma_wait3A_111 : memref<16x128xi32, #tpu.memory_space<hbm>>) dst(%arg13 : memref<16x128xi32, #tpu.memory_space<vmem>>)
        tpu.yield
      }) : () -> ()
      "tpu.region"() ({
        %run_scoped3A = tpu.sem_alloc : memref<!tpu.dma_semaphore, #tpu.memory_space<semaphore_mem>>
        %dma_start3A = arith.constant 0 : i32
        %dma_start3A_105 = tpu.memref_slice %arg3[%add3A, %dma_start3A] : memref<1280x128xi32, #tpu.memory_space<hbm>> -> memref<16x128xi32, #tpu.memory_space<hbm>>
        %dma_start3A_106 = arith.constant 0 : i32
        %dma_start3A_107 = tpu.memref_slice %arg3[%add3A, %dma_start3A_106] : memref<1280x128xi32, #tpu.memory_space<hbm>> -> memref<16x128xi32, #tpu.memory_space<hbm>>
        tpu.enqueue_dma source(%dma_start3A_107 : memref<16x128xi32, #tpu.memory_space<hbm>>) target(%arg14 : memref<16x128xi32, #tpu.memory_space<vmem>>) target_semaphore(%run_scoped3A : memref<!tpu.dma_semaphore, #tpu.memory_space<semaphore_mem>>)
        %dma_wait3A_108 = arith.constant 0 : i32
        %dma_wait3A_109 = tpu.memref_slice %arg3[%add3A, %dma_wait3A_108] : memref<1280x128xi32, #tpu.memory_space<hbm>> -> memref<16x128xi32, #tpu.memory_space<hbm>>
        %dma_wait3A_110 = arith.constant 0 : i32
        %dma_wait3A_111 = tpu.memref_slice %arg3[%add3A, %dma_wait3A_110] : memref<1280x128xi32, #tpu.memory_space<hbm>> -> memref<16x128xi32, #tpu.memory_space<hbm>>
        tpu.wait_dma2 semaphore(%run_scoped3A : memref<!tpu.dma_semaphore, #tpu.memory_space<semaphore_mem>>) src(%dma_wait3A_111 : memref<16x128xi32, #tpu.memory_space<hbm>>) dst(%arg14 : memref<16x128xi32, #tpu.memory_space<vmem>>)
        tpu.yield
      }) : () -> ()
      %scan3A_84 = arith.constant 0 : i32
      %scan3A_85 = arith.constant 0 : i32
      %scan3A_86 = arith.constant 16 : i32
      %scan3A_87 = arith.addi %scan3A_85, %scan3A_86 : i32
      %scan3A_88 = arith.constant 1 : i32
      scf.for %scan3A_105 = %scan3A_85 to %scan3A_87 step %scan3A_88  : i32 {
        %dma_start3A = arith.constant 0 : i32
        %dma_start3A_106 = tpu.memref_slice %arg13[%scan3A_105, %dma_start3A] : memref<16x128xi32, #tpu.memory_space<vmem>> -> memref<1x128xi32, #tpu.memory_space<vmem>>
        %dma_start3A_107 = tpu.memref_squeeze %dma_start3A_106 : memref<1x128xi32, #tpu.memory_space<vmem>> -> memref<128xi32, #tpu.memory_space<vmem>>
        %dma_start3A_108 = arith.constant 0 : i32
        %dma_start3A_109 = tpu.memref_slice %arg10[%dma_start3A_108] : memref<10240xf32, #tpu.memory_space<vmem_shared>> -> memref<10240xf32, #tpu.memory_space<vmem_shared>>
        tpu.enqueue_indirect_dma source(%arg12 : memref<128xf32, #tpu.memory_space<vmem>>) target(%dma_start3A_109 : memref<10240xf32, #tpu.memory_space<vmem_shared>>) offsets(%dma_start3A_107 : memref<128xi32, #tpu.memory_space<vmem>>) semaphore(%arg20 : memref<!tpu.dma_semaphore, #tpu.memory_space<semaphore_mem>>) {add = true}
        %dma_start3A_110 = arith.constant 0 : i32
        %dma_start3A_111 = tpu.memref_slice %arg14[%scan3A_105, %dma_start3A_110] : memref<16x128xi32, #tpu.memory_space<vmem>> -> memref<1x128xi32, #tpu.memory_space<vmem>>
        %dma_start3A_112 = tpu.memref_squeeze %dma_start3A_111 : memref<1x128xi32, #tpu.memory_space<vmem>> -> memref<128xi32, #tpu.memory_space<vmem>>
        %dma_start3A_113 = arith.constant 0 : i32
        %dma_start3A_114 = tpu.memref_slice %arg11[%dma_start3A_113] : memref<10240xf32, #tpu.memory_space<vmem_shared>> -> memref<10240xf32, #tpu.memory_space<vmem_shared>>
        tpu.enqueue_indirect_dma source(%arg12 : memref<128xf32, #tpu.memory_space<vmem>>) target(%dma_start3A_114 : memref<10240xf32, #tpu.memory_space<vmem_shared>>) offsets(%dma_start3A_112 : memref<128xi32, #tpu.memory_space<vmem>>) semaphore(%arg20 : memref<!tpu.dma_semaphore, #tpu.memory_space<semaphore_mem>>) {add = true}
        %ge3A = arith.constant 2 : i32
        %ge3A_115 = arith.cmpi sge, %scan3A_105, %ge3A : i32
        %convert_element_type3A_116 = arith.extui %ge3A_115 : i1 to i32
        %cond3A_117 = arith.constant 0 : i32
        %cond3A_118 = arith.cmpi ne, %convert_element_type3A_116, %cond3A_117 : i32
        scf.if %cond3A_118 {
          %dma_wait3A_119 = arith.constant 0 : i32
          %dma_wait3A_120 = tpu.memref_slice %arg10[%dma_wait3A_119] : memref<10240xf32, #tpu.memory_space<vmem_shared>> -> memref<128xf32, #tpu.memory_space<vmem_shared>>
          %dma_wait3A_121 = arith.constant 0 : i32
          %dma_wait3A_122 = tpu.memref_slice %arg10[%dma_wait3A_121] : memref<10240xf32, #tpu.memory_space<vmem_shared>> -> memref<128xf32, #tpu.memory_space<vmem_shared>>
          tpu.wait_dma2 semaphore(%arg20 : memref<!tpu.dma_semaphore, #tpu.memory_space<semaphore_mem>>) src(%arg12 : memref<128xf32, #tpu.memory_space<vmem>>) dst(%dma_wait3A_122 : memref<128xf32, #tpu.memory_space<vmem_shared>>)
          %dma_wait3A_123 = arith.constant 0 : i32
          %dma_wait3A_124 = tpu.memref_slice %arg10[%dma_wait3A_123] : memref<10240xf32, #tpu.memory_space<vmem_shared>> -> memref<128xf32, #tpu.memory_space<vmem_shared>>
          %dma_wait3A_125 = arith.constant 0 : i32
          %dma_wait3A_126 = tpu.memref_slice %arg10[%dma_wait3A_125] : memref<10240xf32, #tpu.memory_space<vmem_shared>> -> memref<128xf32, #tpu.memory_space<vmem_shared>>
          tpu.wait_dma2 semaphore(%arg20 : memref<!tpu.dma_semaphore, #tpu.memory_space<semaphore_mem>>) src(%arg12 : memref<128xf32, #tpu.memory_space<vmem>>) dst(%dma_wait3A_126 : memref<128xf32, #tpu.memory_space<vmem_shared>>)
        } else {
        }
      }
      %scan3A_89 = arith.constant 16 : i32
      %dma_wait3A = arith.constant 0 : i32
      %dma_wait3A_90 = tpu.memref_slice %arg10[%dma_wait3A] : memref<10240xf32, #tpu.memory_space<vmem_shared>> -> memref<128xf32, #tpu.memory_space<vmem_shared>>
      %dma_wait3A_91 = arith.constant 0 : i32
      %dma_wait3A_92 = tpu.memref_slice %arg10[%dma_wait3A_91] : memref<10240xf32, #tpu.memory_space<vmem_shared>> -> memref<128xf32, #tpu.memory_space<vmem_shared>>
      tpu.wait_dma2 semaphore(%arg20 : memref<!tpu.dma_semaphore, #tpu.memory_space<semaphore_mem>>) src(%arg12 : memref<128xf32, #tpu.memory_space<vmem>>) dst(%dma_wait3A_92 : memref<128xf32, #tpu.memory_space<vmem_shared>>)
      %dma_wait3A_93 = arith.constant 0 : i32
      %dma_wait3A_94 = tpu.memref_slice %arg10[%dma_wait3A_93] : memref<10240xf32, #tpu.memory_space<vmem_shared>> -> memref<128xf32, #tpu.memory_space<vmem_shared>>
      %dma_wait3A_95 = arith.constant 0 : i32
      %dma_wait3A_96 = tpu.memref_slice %arg10[%dma_wait3A_95] : memref<10240xf32, #tpu.memory_space<vmem_shared>> -> memref<128xf32, #tpu.memory_space<vmem_shared>>
      tpu.wait_dma2 semaphore(%arg20 : memref<!tpu.dma_semaphore, #tpu.memory_space<semaphore_mem>>) src(%arg12 : memref<128xf32, #tpu.memory_space<vmem>>) dst(%dma_wait3A_96 : memref<128xf32, #tpu.memory_space<vmem_shared>>)
      %dma_wait3A_97 = arith.constant 0 : i32
      %dma_wait3A_98 = tpu.memref_slice %arg10[%dma_wait3A_97] : memref<10240xf32, #tpu.memory_space<vmem_shared>> -> memref<128xf32, #tpu.memory_space<vmem_shared>>
      %dma_wait3A_99 = arith.constant 0 : i32
      %dma_wait3A_100 = tpu.memref_slice %arg10[%dma_wait3A_99] : memref<10240xf32, #tpu.memory_space<vmem_shared>> -> memref<128xf32, #tpu.memory_space<vmem_shared>>
      tpu.wait_dma2 semaphore(%arg20 : memref<!tpu.dma_semaphore, #tpu.memory_space<semaphore_mem>>) src(%arg12 : memref<128xf32, #tpu.memory_space<vmem>>) dst(%dma_wait3A_100 : memref<128xf32, #tpu.memory_space<vmem_shared>>)
      %dma_wait3A_101 = arith.constant 0 : i32
      %dma_wait3A_102 = tpu.memref_slice %arg10[%dma_wait3A_101] : memref<10240xf32, #tpu.memory_space<vmem_shared>> -> memref<128xf32, #tpu.memory_space<vmem_shared>>
      %dma_wait3A_103 = arith.constant 0 : i32
      %dma_wait3A_104 = tpu.memref_slice %arg10[%dma_wait3A_103] : memref<10240xf32, #tpu.memory_space<vmem_shared>> -> memref<128xf32, #tpu.memory_space<vmem_shared>>
      tpu.wait_dma2 semaphore(%arg20 : memref<!tpu.dma_semaphore, #tpu.memory_space<semaphore_mem>>) src(%arg12 : memref<128xf32, #tpu.memory_space<vmem>>) dst(%dma_wait3A_104 : memref<128xf32, #tpu.memory_space<vmem_shared>>)
    }
    %scan3A_57 = arith.constant 5 : i32
    %barrier3A_58 = arith.constant 0 : index
    tpu.barrier barrier_id(%barrier3A_58)
    "tpu.region"() ({
      %run_scoped3A = tpu.sem_alloc : memref<!tpu.dma_semaphore, #tpu.memory_space<semaphore_mem>>
      %dma_start3A = tpu.memref_slice %arg10[%mul3A_0] : memref<10240xf32, #tpu.memory_space<vmem_shared>> -> memref<640xf32, #tpu.memory_space<vmem_shared>>
      %dma_start3A_79 = tpu.memref_slice %arg10[%mul3A_0] : memref<10240xf32, #tpu.memory_space<vmem_shared>> -> memref<640xf32, #tpu.memory_space<vmem_shared>>
      tpu.enqueue_dma source(%dma_start3A_79 : memref<640xf32, #tpu.memory_space<vmem_shared>>) target(%arg15 : memref<640xf32, #tpu.memory_space<vmem>>) target_semaphore(%run_scoped3A : memref<!tpu.dma_semaphore, #tpu.memory_space<semaphore_mem>>)
      %dma_wait3A = tpu.memref_slice %arg10[%mul3A_0] : memref<10240xf32, #tpu.memory_space<vmem_shared>> -> memref<640xf32, #tpu.memory_space<vmem_shared>>
      %dma_wait3A_80 = tpu.memref_slice %arg10[%mul3A_0] : memref<10240xf32, #tpu.memory_space<vmem_shared>> -> memref<640xf32, #tpu.memory_space<vmem_shared>>
      tpu.wait_dma2 semaphore(%run_scoped3A : memref<!tpu.dma_semaphore, #tpu.memory_space<semaphore_mem>>) src(%dma_wait3A_80 : memref<640xf32, #tpu.memory_space<vmem_shared>>) dst(%arg15 : memref<640xf32, #tpu.memory_space<vmem>>)
      tpu.yield
    }) : () -> ()
    %scan3A_59 = arith.constant 0 : i32
    %scan3A_60 = arith.constant 0 : i32
    %scan3A_61 = arith.constant 40 : i32
    %scan3A_62 = arith.addi %scan3A_60, %scan3A_61 : i32
    %scan3A_63 = arith.constant 1 : i32
    scf.for %scan3A_79 = %scan3A_60 to %scan3A_62 step %scan3A_63  : i32 {
      %mul3A_80 = arith.constant 16 : i32
      %mul3A_81 = arith.muli %scan3A_79, %mul3A_80 : i32
      %get3A = arith.index_cast %mul3A_81 : i32 to index
      %get3A_82 = tpu.vector_load %arg15[%get3A] {strides = array<i32>} : memref<640xf32, #tpu.memory_space<vmem>>, vector<16xf32>,
      %get3A_83 = vector.shape_cast %get3A_82 : vector<16xf32> to vector<16xf32>
      %max3A = arith.constant 1.000000e+00 : f32
      %max3A_84 = vector.broadcast %max3A : f32 to vector<16xf32>
      %max3A_85 = arith.maximumf %get3A_83, %max3A_84 : vector<16xf32>
      %bitcast_convert_type3A = tpu.bitcast %max3A_85 : vector<16xf32> -> vector<16xi32>
      %shift_right_arithmetic3A = arith.constant 1 : i32
      %shift_right_arithmetic3A_86 = vector.broadcast %shift_right_arithmetic3A : i32 to vector<16xi32>
      %shift_right_arithmetic3A_87 = arith.shrsi %bitcast_convert_type3A, %shift_right_arithmetic3A_86 : vector<16xi32>
      %sub3A = arith.constant 1597463007 : i32
      %sub3A_88 = vector.broadcast %sub3A : i32 to vector<16xi32>
      %sub3A_89 = arith.subi %sub3A_88, %shift_right_arithmetic3A_87 : vector<16xi32>
      %bitcast_convert_type3A_90 = tpu.bitcast %sub3A_89 : vector<16xi32> -> vector<16xf32>
      %mul3A_91 = arith.constant 5.000000e-01 : f32
      %mul3A_92 = vector.broadcast %mul3A_91 : f32 to vector<16xf32>
      %mul3A_93 = arith.mulf %mul3A_92, %max3A_85 : vector<16xf32>
      %mul3A_94 = arith.mulf %mul3A_93, %bitcast_convert_type3A_90 : vector<16xf32>
      %mul3A_95 = arith.mulf %mul3A_94, %bitcast_convert_type3A_90 : vector<16xf32>
      %sub3A_96 = arith.constant 1.500000e+00 : f32
      %sub3A_97 = vector.broadcast %sub3A_96 : f32 to vector<16xf32>
      %sub3A_98 = arith.subf %sub3A_97, %mul3A_95 : vector<16xf32>
      %mul3A_99 = arith.mulf %bitcast_convert_type3A_90, %sub3A_98 : vector<16xf32>
      %mul3A_100 = arith.constant 5.000000e-01 : f32
      %mul3A_101 = vector.broadcast %mul3A_100 : f32 to vector<16xf32>
      %mul3A_102 = arith.mulf %mul3A_101, %max3A_85 : vector<16xf32>
      %mul3A_103 = arith.mulf %mul3A_102, %mul3A_99 : vector<16xf32>
      %mul3A_104 = arith.mulf %mul3A_103, %mul3A_99 : vector<16xf32>
      %sub3A_105 = arith.constant 1.500000e+00 : f32
      %sub3A_106 = vector.broadcast %sub3A_105 : f32 to vector<16xf32>
      %sub3A_107 = arith.subf %sub3A_106, %mul3A_104 : vector<16xf32>
      %mul3A_108 = arith.mulf %mul3A_99, %sub3A_107 : vector<16xf32>
      %mul3A_109 = arith.constant 5.000000e-01 : f32
      %mul3A_110 = vector.broadcast %mul3A_109 : f32 to vector<16xf32>
      %mul3A_111 = arith.mulf %mul3A_110, %max3A_85 : vector<16xf32>
      %mul3A_112 = arith.mulf %mul3A_111, %mul3A_108 : vector<16xf32>
      %mul3A_113 = arith.mulf %mul3A_112, %mul3A_108 : vector<16xf32>
      %sub3A_114 = arith.constant 1.500000e+00 : f32
      %sub3A_115 = vector.broadcast %sub3A_114 : f32 to vector<16xf32>
      %sub3A_116 = arith.subf %sub3A_115, %mul3A_113 : vector<16xf32>
      %mul3A_117 = arith.mulf %mul3A_108, %sub3A_116 : vector<16xf32>
      %mul3A_118 = arith.constant 16 : i32
      %mul3A_119 = arith.muli %scan3A_79, %mul3A_118 : i32
      %swap3A_120 = arith.index_cast %mul3A_119 : i32 to index
      %swap3A_121 = tpu.vector_load %arg16[%swap3A_120] {strides = array<i32>} : memref<656xf32, #tpu.memory_space<vmem>>, vector<16xf32>,
      %swap3A_122 = vector.shape_cast %swap3A_121 : vector<16xf32> to vector<16xf32>
      %swap3A_123 = vector.shape_cast %mul3A_117 : vector<16xf32> to vector<16xf32>
      tpu.vector_store %arg16[%swap3A_120], %swap3A_123 {strides = array<i32>} : memref<656xf32, #tpu.memory_space<vmem>>, vector<16xf32>,
    }
    %scan3A_64 = arith.constant 40 : i32
    "tpu.region"() ({
      %run_scoped3A = tpu.sem_alloc : memref<!tpu.dma_semaphore, #tpu.memory_space<semaphore_mem>>
      %dma_start3A = tpu.memref_slice %arg11[%mul3A_0] : memref<10240xf32, #tpu.memory_space<vmem_shared>> -> memref<640xf32, #tpu.memory_space<vmem_shared>>
      %dma_start3A_79 = tpu.memref_slice %arg11[%mul3A_0] : memref<10240xf32, #tpu.memory_space<vmem_shared>> -> memref<640xf32, #tpu.memory_space<vmem_shared>>
      tpu.enqueue_dma source(%dma_start3A_79 : memref<640xf32, #tpu.memory_space<vmem_shared>>) target(%arg15 : memref<640xf32, #tpu.memory_space<vmem>>) target_semaphore(%run_scoped3A : memref<!tpu.dma_semaphore, #tpu.memory_space<semaphore_mem>>)
      %dma_wait3A = tpu.memref_slice %arg11[%mul3A_0] : memref<10240xf32, #tpu.memory_space<vmem_shared>> -> memref<640xf32, #tpu.memory_space<vmem_shared>>
      %dma_wait3A_80 = tpu.memref_slice %arg11[%mul3A_0] : memref<10240xf32, #tpu.memory_space<vmem_shared>> -> memref<640xf32, #tpu.memory_space<vmem_shared>>
      tpu.wait_dma2 semaphore(%run_scoped3A : memref<!tpu.dma_semaphore, #tpu.memory_space<semaphore_mem>>) src(%dma_wait3A_80 : memref<640xf32, #tpu.memory_space<vmem_shared>>) dst(%arg15 : memref<640xf32, #tpu.memory_space<vmem>>)
      tpu.yield
    }) : () -> ()
    %scan3A_65 = arith.constant 0 : i32
    %scan3A_66 = arith.constant 0 : i32
    %scan3A_67 = arith.constant 40 : i32
    %scan3A_68 = arith.addi %scan3A_66, %scan3A_67 : i32
    %scan3A_69 = arith.constant 1 : i32
    scf.for %scan3A_79 = %scan3A_66 to %scan3A_68 step %scan3A_69  : i32 {
      %mul3A_80 = arith.constant 16 : i32
      %mul3A_81 = arith.muli %scan3A_79, %mul3A_80 : i32
      %get3A = arith.index_cast %mul3A_81 : i32 to index
      %get3A_82 = tpu.vector_load %arg15[%get3A] {strides = array<i32>} : memref<640xf32, #tpu.memory_space<vmem>>, vector<16xf32>,
      %get3A_83 = vector.shape_cast %get3A_82 : vector<16xf32> to vector<16xf32>
      %max3A = arith.constant 1.000000e+00 : f32
      %max3A_84 = vector.broadcast %max3A : f32 to vector<16xf32>
      %max3A_85 = arith.maximumf %get3A_83, %max3A_84 : vector<16xf32>
      %bitcast_convert_type3A = tpu.bitcast %max3A_85 : vector<16xf32> -> vector<16xi32>
      %shift_right_arithmetic3A = arith.constant 1 : i32
      %shift_right_arithmetic3A_86 = vector.broadcast %shift_right_arithmetic3A : i32 to vector<16xi32>
      %shift_right_arithmetic3A_87 = arith.shrsi %bitcast_convert_type3A, %shift_right_arithmetic3A_86 : vector<16xi32>
      %sub3A = arith.constant 1597463007 : i32
      %sub3A_88 = vector.broadcast %sub3A : i32 to vector<16xi32>
      %sub3A_89 = arith.subi %sub3A_88, %shift_right_arithmetic3A_87 : vector<16xi32>
      %bitcast_convert_type3A_90 = tpu.bitcast %sub3A_89 : vector<16xi32> -> vector<16xf32>
      %mul3A_91 = arith.constant 5.000000e-01 : f32
      %mul3A_92 = vector.broadcast %mul3A_91 : f32 to vector<16xf32>
      %mul3A_93 = arith.mulf %mul3A_92, %max3A_85 : vector<16xf32>
      %mul3A_94 = arith.mulf %mul3A_93, %bitcast_convert_type3A_90 : vector<16xf32>
      %mul3A_95 = arith.mulf %mul3A_94, %bitcast_convert_type3A_90 : vector<16xf32>
      %sub3A_96 = arith.constant 1.500000e+00 : f32
      %sub3A_97 = vector.broadcast %sub3A_96 : f32 to vector<16xf32>
      %sub3A_98 = arith.subf %sub3A_97, %mul3A_95 : vector<16xf32>
      %mul3A_99 = arith.mulf %bitcast_convert_type3A_90, %sub3A_98 : vector<16xf32>
      %mul3A_100 = arith.constant 5.000000e-01 : f32
      %mul3A_101 = vector.broadcast %mul3A_100 : f32 to vector<16xf32>
      %mul3A_102 = arith.mulf %mul3A_101, %max3A_85 : vector<16xf32>
      %mul3A_103 = arith.mulf %mul3A_102, %mul3A_99 : vector<16xf32>
      %mul3A_104 = arith.mulf %mul3A_103, %mul3A_99 : vector<16xf32>
      %sub3A_105 = arith.constant 1.500000e+00 : f32
      %sub3A_106 = vector.broadcast %sub3A_105 : f32 to vector<16xf32>
      %sub3A_107 = arith.subf %sub3A_106, %mul3A_104 : vector<16xf32>
      %mul3A_108 = arith.mulf %mul3A_99, %sub3A_107 : vector<16xf32>
      %mul3A_109 = arith.constant 5.000000e-01 : f32
      %mul3A_110 = vector.broadcast %mul3A_109 : f32 to vector<16xf32>
      %mul3A_111 = arith.mulf %mul3A_110, %max3A_85 : vector<16xf32>
      %mul3A_112 = arith.mulf %mul3A_111, %mul3A_108 : vector<16xf32>
      %mul3A_113 = arith.mulf %mul3A_112, %mul3A_108 : vector<16xf32>
      %sub3A_114 = arith.constant 1.500000e+00 : f32
      %sub3A_115 = vector.broadcast %sub3A_114 : f32 to vector<16xf32>
      %sub3A_116 = arith.subf %sub3A_115, %mul3A_113 : vector<16xf32>
      %mul3A_117 = arith.mulf %mul3A_108, %sub3A_116 : vector<16xf32>
      %mul3A_118 = arith.constant 16 : i32
      %mul3A_119 = arith.muli %scan3A_79, %mul3A_118 : i32
      %swap3A_120 = arith.index_cast %mul3A_119 : i32 to index
      %swap3A_121 = tpu.vector_load %arg17[%swap3A_120] {strides = array<i32>} : memref<656xf32, #tpu.memory_space<vmem>>, vector<16xf32>,
      %swap3A_122 = vector.shape_cast %swap3A_121 : vector<16xf32> to vector<16xf32>
      %swap3A_123 = vector.shape_cast %mul3A_117 : vector<16xf32> to vector<16xf32>
      tpu.vector_store %arg17[%swap3A_120], %swap3A_123 {strides = array<i32>} : memref<656xf32, #tpu.memory_space<vmem>>, vector<16xf32>,
    }
    %scan3A_70 = arith.constant 40 : i32
    %eq3A = arith.constant 0 : i32
    %eq3A_71 = arith.cmpi eq, %arg0, %eq3A : i32
    %convert_element_type3A = arith.extui %eq3A_71 : i1 to i32
    %cond3A = arith.constant 0 : i32
    %cond3A_72 = arith.cmpi ne, %convert_element_type3A, %cond3A : i32
    scf.if %cond3A_72 {
      "tpu.region"() ({
        %run_scoped3A = tpu.sem_alloc : memref<!tpu.dma_semaphore, #tpu.memory_space<semaphore_mem>>
        %dma_start3A = arith.constant 0 : i32
        %dma_start3A_79 = tpu.memref_slice %arg16[%dma_start3A] : memref<656xf32, #tpu.memory_space<vmem>> -> memref<640xf32, #tpu.memory_space<vmem>>
        %dma_start3A_80 = tpu.memref_slice %arg6[%mul3A_0] : memref<10240xf32, #tpu.memory_space<hbm>> -> memref<640xf32, #tpu.memory_space<hbm>>
        %dma_start3A_81 = tpu.memref_slice %arg6[%mul3A_0] : memref<10240xf32, #tpu.memory_space<hbm>> -> memref<640xf32, #tpu.memory_space<hbm>>
        %dma_start3A_82 = arith.constant 0 : i32
        %dma_start3A_83 = tpu.memref_slice %arg16[%dma_start3A_82] : memref<656xf32, #tpu.memory_space<vmem>> -> memref<640xf32, #tpu.memory_space<vmem>>
        tpu.enqueue_dma source(%dma_start3A_83 : memref<640xf32, #tpu.memory_space<vmem>>) target(%dma_start3A_81 : memref<640xf32, #tpu.memory_space<hbm>>) target_semaphore(%run_scoped3A : memref<!tpu.dma_semaphore, #tpu.memory_space<semaphore_mem>>)
        %dma_wait3A = arith.constant 0 : i32
        %dma_wait3A_84 = tpu.memref_slice %arg16[%dma_wait3A] : memref<656xf32, #tpu.memory_space<vmem>> -> memref<640xf32, #tpu.memory_space<vmem>>
        %dma_wait3A_85 = tpu.memref_slice %arg6[%mul3A_0] : memref<10240xf32, #tpu.memory_space<hbm>> -> memref<640xf32, #tpu.memory_space<hbm>>
        %dma_wait3A_86 = tpu.memref_slice %arg6[%mul3A_0] : memref<10240xf32, #tpu.memory_space<hbm>> -> memref<640xf32, #tpu.memory_space<hbm>>
        %dma_wait3A_87 = arith.constant 0 : i32
        %dma_wait3A_88 = tpu.memref_slice %arg16[%dma_wait3A_87] : memref<656xf32, #tpu.memory_space<vmem>> -> memref<640xf32, #tpu.memory_space<vmem>>
        tpu.wait_dma2 semaphore(%run_scoped3A : memref<!tpu.dma_semaphore, #tpu.memory_space<semaphore_mem>>) src(%dma_wait3A_88 : memref<640xf32, #tpu.memory_space<vmem>>) dst(%dma_wait3A_86 : memref<640xf32, #tpu.memory_space<hbm>>)
        tpu.yield
      }) : () -> ()
      "tpu.region"() ({
        %run_scoped3A = tpu.sem_alloc : memref<!tpu.dma_semaphore, #tpu.memory_space<semaphore_mem>>
        %dma_start3A = arith.constant 0 : i32
        %dma_start3A_79 = tpu.memref_slice %arg17[%dma_start3A] : memref<656xf32, #tpu.memory_space<vmem>> -> memref<640xf32, #tpu.memory_space<vmem>>
        %dma_start3A_80 = tpu.memref_slice %arg7[%mul3A_0] : memref<10240xf32, #tpu.memory_space<hbm>> -> memref<640xf32, #tpu.memory_space<hbm>>
        %dma_start3A_81 = tpu.memref_slice %arg7[%mul3A_0] : memref<10240xf32, #tpu.memory_space<hbm>> -> memref<640xf32, #tpu.memory_space<hbm>>
        %dma_start3A_82 = arith.constant 0 : i32
        %dma_start3A_83 = tpu.memref_slice %arg17[%dma_start3A_82] : memref<656xf32, #tpu.memory_space<vmem>> -> memref<640xf32, #tpu.memory_space<vmem>>
        tpu.enqueue_dma source(%dma_start3A_83 : memref<640xf32, #tpu.memory_space<vmem>>) target(%dma_start3A_81 : memref<640xf32, #tpu.memory_space<hbm>>) target_semaphore(%run_scoped3A : memref<!tpu.dma_semaphore, #tpu.memory_space<semaphore_mem>>)
        %dma_wait3A = arith.constant 0 : i32
        %dma_wait3A_84 = tpu.memref_slice %arg17[%dma_wait3A] : memref<656xf32, #tpu.memory_space<vmem>> -> memref<640xf32, #tpu.memory_space<vmem>>
        %dma_wait3A_85 = tpu.memref_slice %arg7[%mul3A_0] : memref<10240xf32, #tpu.memory_space<hbm>> -> memref<640xf32, #tpu.memory_space<hbm>>
        %dma_wait3A_86 = tpu.memref_slice %arg7[%mul3A_0] : memref<10240xf32, #tpu.memory_space<hbm>> -> memref<640xf32, #tpu.memory_space<hbm>>
        %dma_wait3A_87 = arith.constant 0 : i32
        %dma_wait3A_88 = tpu.memref_slice %arg17[%dma_wait3A_87] : memref<656xf32, #tpu.memory_space<vmem>> -> memref<640xf32, #tpu.memory_space<vmem>>
        tpu.wait_dma2 semaphore(%run_scoped3A : memref<!tpu.dma_semaphore, #tpu.memory_space<semaphore_mem>>) src(%dma_wait3A_88 : memref<640xf32, #tpu.memory_space<vmem>>) dst(%dma_wait3A_86 : memref<640xf32, #tpu.memory_space<hbm>>)
        tpu.yield
      }) : () -> ()
    } else {
    }
    %scan3A_73 = arith.constant 0 : i32
    %scan3A_74 = arith.constant 0 : i32
    %scan3A_75 = arith.constant 8 : i32
    %scan3A_76 = arith.addi %scan3A_74, %scan3A_75 : i32
    %scan3A_77 = arith.constant 1 : i32
    scf.for %scan3A_79 = %scan3A_74 to %scan3A_76 step %scan3A_77  : i32 {
      %mul3A_80 = arith.constant 80 : i32
      %mul3A_81 = arith.muli %scan3A_79, %mul3A_80 : i32
      %add3A = arith.addi %mul3A_0, %mul3A_81 : i32
      %eq3A_82 = arith.constant 0 : i32
      %eq3A_83 = arith.cmpi eq, %arg0, %eq3A_82 : i32
      %convert_element_type3A_84 = arith.extui %eq3A_83 : i1 to i32
      %cond3A_85 = arith.constant 0 : i32
      %cond3A_86 = arith.cmpi ne, %convert_element_type3A_84, %cond3A_85 : i32
      scf.if %cond3A_86 {
        "tpu.region"() ({
          %run_scoped3A = tpu.sem_alloc : memref<!tpu.dma_semaphore, #tpu.memory_space<semaphore_mem>>
          %dma_start3A = arith.constant 0 : i32
          %dma_start3A_108 = tpu.memref_slice %arg4[%add3A, %dma_start3A] : memref<10240x128xf32, #tpu.memory_space<hbm>> -> memref<80x128xf32, #tpu.memory_space<hbm>>
          %dma_start3A_109 = arith.constant 0 : i32
          %dma_start3A_110 = tpu.memref_slice %arg4[%add3A, %dma_start3A_109] : memref<10240x128xf32, #tpu.memory_space<hbm>> -> memref<80x128xf32, #tpu.memory_space<hbm>>
          tpu.enqueue_dma source(%dma_start3A_110 : memref<80x128xf32, #tpu.memory_space<hbm>>) target(%arg18 : memref<80x128xf32, #tpu.memory_space<vmem>>) target_semaphore(%run_scoped3A : memref<!tpu.dma_semaphore, #tpu.memory_space<semaphore_mem>>)
          %dma_wait3A = arith.constant 0 : i32
          %dma_wait3A_111 = tpu.memref_slice %arg4[%add3A, %dma_wait3A] : memref<10240x128xf32, #tpu.memory_space<hbm>> -> memref<80x128xf32, #tpu.memory_space<hbm>>
          %dma_wait3A_112 = arith.constant 0 : i32
          %dma_wait3A_113 = tpu.memref_slice %arg4[%add3A, %dma_wait3A_112] : memref<10240x128xf32, #tpu.memory_space<hbm>> -> memref<80x128xf32, #tpu.memory_space<hbm>>
          tpu.wait_dma2 semaphore(%run_scoped3A : memref<!tpu.dma_semaphore, #tpu.memory_space<semaphore_mem>>) src(%dma_wait3A_113 : memref<80x128xf32, #tpu.memory_space<hbm>>) dst(%arg18 : memref<80x128xf32, #tpu.memory_space<vmem>>)
          tpu.yield
        }) : () -> ()
      } else {
      }
      %eq3A_87 = arith.constant 1 : i32
      %eq3A_88 = arith.cmpi eq, %arg0, %eq3A_87 : i32
      %convert_element_type3A_89 = arith.extui %eq3A_88 : i1 to i32
      %cond3A_90 = arith.constant 0 : i32
      %cond3A_91 = arith.cmpi ne, %convert_element_type3A_89, %cond3A_90 : i32
      scf.if %cond3A_91 {
        "tpu.region"() ({
          %run_scoped3A = tpu.sem_alloc : memref<!tpu.dma_semaphore, #tpu.memory_space<semaphore_mem>>
          %dma_start3A = arith.constant 0 : i32
          %dma_start3A_108 = tpu.memref_slice %arg5[%add3A, %dma_start3A] : memref<10240x128xf32, #tpu.memory_space<hbm>> -> memref<80x128xf32, #tpu.memory_space<hbm>>
          %dma_start3A_109 = arith.constant 0 : i32
          %dma_start3A_110 = tpu.memref_slice %arg5[%add3A, %dma_start3A_109] : memref<10240x128xf32, #tpu.memory_space<hbm>> -> memref<80x128xf32, #tpu.memory_space<hbm>>
          tpu.enqueue_dma source(%dma_start3A_110 : memref<80x128xf32, #tpu.memory_space<hbm>>) target(%arg18 : memref<80x128xf32, #tpu.memory_space<vmem>>) target_semaphore(%run_scoped3A : memref<!tpu.dma_semaphore, #tpu.memory_space<semaphore_mem>>)
          %dma_wait3A = arith.constant 0 : i32
          %dma_wait3A_111 = tpu.memref_slice %arg5[%add3A, %dma_wait3A] : memref<10240x128xf32, #tpu.memory_space<hbm>> -> memref<80x128xf32, #tpu.memory_space<hbm>>
          %dma_wait3A_112 = arith.constant 0 : i32
          %dma_wait3A_113 = tpu.memref_slice %arg5[%add3A, %dma_wait3A_112] : memref<10240x128xf32, #tpu.memory_space<hbm>> -> memref<80x128xf32, #tpu.memory_space<hbm>>
          tpu.wait_dma2 semaphore(%run_scoped3A : memref<!tpu.dma_semaphore, #tpu.memory_space<semaphore_mem>>) src(%dma_wait3A_113 : memref<80x128xf32, #tpu.memory_space<hbm>>) dst(%arg18 : memref<80x128xf32, #tpu.memory_space<vmem>>)
          tpu.yield
        }) : () -> ()
      } else {
      }
      %scan3A_92 = arith.constant 0 : i32
      %scan3A_93 = arith.constant 0 : i32
      %scan3A_94 = arith.constant 80 : i32
      %scan3A_95 = arith.addi %scan3A_93, %scan3A_94 : i32
      %scan3A_96 = arith.constant 1 : i32
      scf.for %scan3A_108 = %scan3A_93 to %scan3A_95 step %scan3A_96  : i32 {
        %mul3A_109 = arith.constant 80 : i32
        %mul3A_110 = arith.muli %scan3A_79, %mul3A_109 : i32
        %add3A_111 = arith.addi %mul3A_110, %scan3A_108 : i32
        %get3A = arith.index_cast %add3A_111 : i32 to index
        %get3A_112 = tpu.vector_load %arg16[%get3A] {strides = array<i32>} : memref<656xf32, #tpu.memory_space<vmem>>, vector<16xf32>,
        %get3A_113 = vector.shape_cast %get3A_112 : vector<16xf32> to vector<16xf32>
        %slice3A = vector.extract_strided_slice %get3A_113 {offsets = [0], sizes = [1], strides = [1]} : vector<16xf32> to vector<1xf32>
        %squeeze3A = vector.extract %slice3A[0] : f32 from vector<1xf32>
        %get3A_114 = arith.index_cast %scan3A_108 : i32 to index
        %get3A_115 = arith.constant 0 : index
        %get3A_116 = tpu.vector_load %arg18[%get3A_114, %get3A_115] {strides = array<i32>} : memref<80x128xf32, #tpu.memory_space<vmem>>, vector<1x16xf32>,
        %get3A_117 = vector.shape_cast %get3A_116 : vector<1x16xf32> to vector<16xf32>
        %mul3A_118 = vector.broadcast %squeeze3A : f32 to vector<16xf32>
        %mul3A_119 = arith.mulf %get3A_117, %mul3A_118 : vector<16xf32>
        %swap3A_120 = arith.index_cast %scan3A_108 : i32 to index
        %swap3A_121 = arith.constant 0 : index
        %swap3A_122 = tpu.vector_load %arg18[%swap3A_120, %swap3A_121] {strides = array<i32>} : memref<80x128xf32, #tpu.memory_space<vmem>>, vector<1x16xf32>,
        %swap3A_123 = vector.shape_cast %swap3A_122 : vector<1x16xf32> to vector<16xf32>
        %swap3A_124 = vector.shape_cast %mul3A_119 : vector<16xf32> to vector<1x16xf32>
        tpu.vector_store %arg18[%swap3A_120, %swap3A_121], %swap3A_124 {strides = array<i32>} : memref<80x128xf32, #tpu.memory_space<vmem>>, vector<1x16xf32>,
        %get3A_125 = arith.index_cast %scan3A_108 : i32 to index
        %get3A_126 = arith.constant 16 : index
        %get3A_127 = tpu.vector_load %arg18[%get3A_125, %get3A_126] {strides = array<i32>} : memref<80x128xf32, #tpu.memory_space<vmem>>, vector<1x16xf32>,
        %get3A_128 = vector.shape_cast %get3A_127 : vector<1x16xf32> to vector<16xf32>
        %mul3A_129 = vector.broadcast %squeeze3A : f32 to vector<16xf32>
        %mul3A_130 = arith.mulf %get3A_128, %mul3A_129 : vector<16xf32>
        %swap3A_131 = arith.index_cast %scan3A_108 : i32 to index
        %swap3A_132 = arith.constant 16 : index
        %swap3A_133 = tpu.vector_load %arg18[%swap3A_131, %swap3A_132] {strides = array<i32>} : memref<80x128xf32, #tpu.memory_space<vmem>>, vector<1x16xf32>,
        %swap3A_134 = vector.shape_cast %swap3A_133 : vector<1x16xf32> to vector<16xf32>
        %swap3A_135 = vector.shape_cast %mul3A_130 : vector<16xf32> to vector<1x16xf32>
        tpu.vector_store %arg18[%swap3A_131, %swap3A_132], %swap3A_135 {strides = array<i32>} : memref<80x128xf32, #tpu.memory_space<vmem>>, vector<1x16xf32>,
        %get3A_136 = arith.index_cast %scan3A_108 : i32 to index
        %get3A_137 = arith.constant 32 : index
        %get3A_138 = tpu.vector_load %arg18[%get3A_136, %get3A_137] {strides = array<i32>} : memref<80x128xf32, #tpu.memory_space<vmem>>, vector<1x16xf32>,
        %get3A_139 = vector.shape_cast %get3A_138 : vector<1x16xf32> to vector<16xf32>
        %mul3A_140 = vector.broadcast %squeeze3A : f32 to vector<16xf32>
        %mul3A_141 = arith.mulf %get3A_139, %mul3A_140 : vector<16xf32>
        %swap3A_142 = arith.index_cast %scan3A_108 : i32 to index
        %swap3A_143 = arith.constant 32 : index
        %swap3A_144 = tpu.vector_load %arg18[%swap3A_142, %swap3A_143] {strides = array<i32>} : memref<80x128xf32, #tpu.memory_space<vmem>>, vector<1x16xf32>,
        %swap3A_145 = vector.shape_cast %swap3A_144 : vector<1x16xf32> to vector<16xf32>
        %swap3A_146 = vector.shape_cast %mul3A_141 : vector<16xf32> to vector<1x16xf32>
        tpu.vector_store %arg18[%swap3A_142, %swap3A_143], %swap3A_146 {strides = array<i32>} : memref<80x128xf32, #tpu.memory_space<vmem>>, vector<1x16xf32>,
        %get3A_147 = arith.index_cast %scan3A_108 : i32 to index
        %get3A_148 = arith.constant 48 : index
        %get3A_149 = tpu.vector_load %arg18[%get3A_147, %get3A_148] {strides = array<i32>} : memref<80x128xf32, #tpu.memory_space<vmem>>, vector<1x16xf32>,
        %get3A_150 = vector.shape_cast %get3A_149 : vector<1x16xf32> to vector<16xf32>
        %mul3A_151 = vector.broadcast %squeeze3A : f32 to vector<16xf32>
        %mul3A_152 = arith.mulf %get3A_150, %mul3A_151 : vector<16xf32>
        %swap3A_153 = arith.index_cast %scan3A_108 : i32 to index
        %swap3A_154 = arith.constant 48 : index
        %swap3A_155 = tpu.vector_load %arg18[%swap3A_153, %swap3A_154] {strides = array<i32>} : memref<80x128xf32, #tpu.memory_space<vmem>>, vector<1x16xf32>,
        %swap3A_156 = vector.shape_cast %swap3A_155 : vector<1x16xf32> to vector<16xf32>
        %swap3A_157 = vector.shape_cast %mul3A_152 : vector<16xf32> to vector<1x16xf32>
        tpu.vector_store %arg18[%swap3A_153, %swap3A_154], %swap3A_157 {strides = array<i32>} : memref<80x128xf32, #tpu.memory_space<vmem>>, vector<1x16xf32>,
        %get3A_158 = arith.index_cast %scan3A_108 : i32 to index
        %get3A_159 = arith.constant 64 : index
        %get3A_160 = tpu.vector_load %arg18[%get3A_158, %get3A_159] {strides = array<i32>} : memref<80x128xf32, #tpu.memory_space<vmem>>, vector<1x16xf32>,
        %get3A_161 = vector.shape_cast %get3A_160 : vector<1x16xf32> to vector<16xf32>
        %mul3A_162 = vector.broadcast %squeeze3A : f32 to vector<16xf32>
        %mul3A_163 = arith.mulf %get3A_161, %mul3A_162 : vector<16xf32>
        %swap3A_164 = arith.index_cast %scan3A_108 : i32 to index
        %swap3A_165 = arith.constant 64 : index
        %swap3A_166 = tpu.vector_load %arg18[%swap3A_164, %swap3A_165] {strides = array<i32>} : memref<80x128xf32, #tpu.memory_space<vmem>>, vector<1x16xf32>,
        %swap3A_167 = vector.shape_cast %swap3A_166 : vector<1x16xf32> to vector<16xf32>
        %swap3A_168 = vector.shape_cast %mul3A_163 : vector<16xf32> to vector<1x16xf32>
        tpu.vector_store %arg18[%swap3A_164, %swap3A_165], %swap3A_168 {strides = array<i32>} : memref<80x128xf32, #tpu.memory_space<vmem>>, vector<1x16xf32>,
        %get3A_169 = arith.index_cast %scan3A_108 : i32 to index
        %get3A_170 = arith.constant 80 : index
        %get3A_171 = tpu.vector_load %arg18[%get3A_169, %get3A_170] {strides = array<i32>} : memref<80x128xf32, #tpu.memory_space<vmem>>, vector<1x16xf32>,
        %get3A_172 = vector.shape_cast %get3A_171 : vector<1x16xf32> to vector<16xf32>
        %mul3A_173 = vector.broadcast %squeeze3A : f32 to vector<16xf32>
        %mul3A_174 = arith.mulf %get3A_172, %mul3A_173 : vector<16xf32>
        %swap3A_175 = arith.index_cast %scan3A_108 : i32 to index
        %swap3A_176 = arith.constant 80 : index
        %swap3A_177 = tpu.vector_load %arg18[%swap3A_175, %swap3A_176] {strides = array<i32>} : memref<80x128xf32, #tpu.memory_space<vmem>>, vector<1x16xf32>,
        %swap3A_178 = vector.shape_cast %swap3A_177 : vector<1x16xf32> to vector<16xf32>
        %swap3A_179 = vector.shape_cast %mul3A_174 : vector<16xf32> to vector<1x16xf32>
        tpu.vector_store %arg18[%swap3A_175, %swap3A_176], %swap3A_179 {strides = array<i32>} : memref<80x128xf32, #tpu.memory_space<vmem>>, vector<1x16xf32>,
        %get3A_180 = arith.index_cast %scan3A_108 : i32 to index
        %get3A_181 = arith.constant 96 : index
        %get3A_182 = tpu.vector_load %arg18[%get3A_180, %get3A_181] {strides = array<i32>} : memref<80x128xf32, #tpu.memory_space<vmem>>, vector<1x16xf32>,
        %get3A_183 = vector.shape_cast %get3A_182 : vector<1x16xf32> to vector<16xf32>
        %mul3A_184 = vector.broadcast %squeeze3A : f32 to vector<16xf32>
        %mul3A_185 = arith.mulf %get3A_183, %mul3A_184 : vector<16xf32>
        %swap3A_186 = arith.index_cast %scan3A_108 : i32 to index
        %swap3A_187 = arith.constant 96 : index
        %swap3A_188 = tpu.vector_load %arg18[%swap3A_186, %swap3A_187] {strides = array<i32>} : memref<80x128xf32, #tpu.memory_space<vmem>>, vector<1x16xf32>,
        %swap3A_189 = vector.shape_cast %swap3A_188 : vector<1x16xf32> to vector<16xf32>
        %swap3A_190 = vector.shape_cast %mul3A_185 : vector<16xf32> to vector<1x16xf32>
        tpu.vector_store %arg18[%swap3A_186, %swap3A_187], %swap3A_190 {strides = array<i32>} : memref<80x128xf32, #tpu.memory_space<vmem>>, vector<1x16xf32>,
        %get3A_191 = arith.index_cast %scan3A_108 : i32 to index
        %get3A_192 = arith.constant 112 : index
        %get3A_193 = tpu.vector_load %arg18[%get3A_191, %get3A_192] {strides = array<i32>} : memref<80x128xf32, #tpu.memory_space<vmem>>, vector<1x16xf32>,
        %get3A_194 = vector.shape_cast %get3A_193 : vector<1x16xf32> to vector<16xf32>
        %mul3A_195 = vector.broadcast %squeeze3A : f32 to vector<16xf32>
        %mul3A_196 = arith.mulf %get3A_194, %mul3A_195 : vector<16xf32>
        %swap3A_197 = arith.index_cast %scan3A_108 : i32 to index
        %swap3A_198 = arith.constant 112 : index
        %swap3A_199 = tpu.vector_load %arg18[%swap3A_197, %swap3A_198] {strides = array<i32>} : memref<80x128xf32, #tpu.memory_space<vmem>>, vector<1x16xf32>,
        %swap3A_200 = vector.shape_cast %swap3A_199 : vector<1x16xf32> to vector<16xf32>
        %swap3A_201 = vector.shape_cast %mul3A_196 : vector<16xf32> to vector<1x16xf32>
        tpu.vector_store %arg18[%swap3A_197, %swap3A_198], %swap3A_201 {strides = array<i32>} : memref<80x128xf32, #tpu.memory_space<vmem>>, vector<1x16xf32>,
      }
      %scan3A_97 = arith.constant 80 : i32
      %eq3A_98 = arith.constant 0 : i32
      %eq3A_99 = arith.cmpi eq, %arg0, %eq3A_98 : i32
      %convert_element_type3A_100 = arith.extui %eq3A_99 : i1 to i32
      %cond3A_101 = arith.constant 0 : i32
      %cond3A_102 = arith.cmpi ne, %convert_element_type3A_100, %cond3A_101 : i32
      scf.if %cond3A_102 {
        "tpu.region"() ({
          %run_scoped3A = tpu.sem_alloc : memref<!tpu.dma_semaphore, #tpu.memory_space<semaphore_mem>>
          %dma_start3A = arith.constant 0 : i32
          %dma_start3A_108 = tpu.memref_slice %arg8[%add3A, %dma_start3A] : memref<10240x128xf32, #tpu.memory_space<hbm>> -> memref<80x128xf32, #tpu.memory_space<hbm>>
          %dma_start3A_109 = arith.constant 0 : i32
          %dma_start3A_110 = tpu.memref_slice %arg8[%add3A, %dma_start3A_109] : memref<10240x128xf32, #tpu.memory_space<hbm>> -> memref<80x128xf32, #tpu.memory_space<hbm>>
          tpu.enqueue_dma source(%arg18 : memref<80x128xf32, #tpu.memory_space<vmem>>) target(%dma_start3A_110 : memref<80x128xf32, #tpu.memory_space<hbm>>) target_semaphore(%run_scoped3A : memref<!tpu.dma_semaphore, #tpu.memory_space<semaphore_mem>>)
          %dma_wait3A = arith.constant 0 : i32
          %dma_wait3A_111 = tpu.memref_slice %arg8[%add3A, %dma_wait3A] : memref<10240x128xf32, #tpu.memory_space<hbm>> -> memref<80x128xf32, #tpu.memory_space<hbm>>
          %dma_wait3A_112 = arith.constant 0 : i32
          %dma_wait3A_113 = tpu.memref_slice %arg8[%add3A, %dma_wait3A_112] : memref<10240x128xf32, #tpu.memory_space<hbm>> -> memref<80x128xf32, #tpu.memory_space<hbm>>
          tpu.wait_dma2 semaphore(%run_scoped3A : memref<!tpu.dma_semaphore, #tpu.memory_space<semaphore_mem>>) src(%arg18 : memref<80x128xf32, #tpu.memory_space<vmem>>) dst(%dma_wait3A_113 : memref<80x128xf32, #tpu.memory_space<hbm>>)
          tpu.yield
        }) : () -> ()
      } else {
      }
      %eq3A_103 = arith.constant 1 : i32
      %eq3A_104 = arith.cmpi eq, %arg0, %eq3A_103 : i32
      %convert_element_type3A_105 = arith.extui %eq3A_104 : i1 to i32
      %cond3A_106 = arith.constant 0 : i32
      %cond3A_107 = arith.cmpi ne, %convert_element_type3A_105, %cond3A_106 : i32
      scf.if %cond3A_107 {
        "tpu.region"() ({
          %run_scoped3A = tpu.sem_alloc : memref<!tpu.dma_semaphore, #tpu.memory_space<semaphore_mem>>
          %dma_start3A = arith.constant 0 : i32
          %dma_start3A_108 = tpu.memref_slice %arg9[%add3A, %dma_start3A] : memref<10240x128xf32, #tpu.memory_space<hbm>> -> memref<80x128xf32, #tpu.memory_space<hbm>>
          %dma_start3A_109 = arith.constant 0 : i32
          %dma_start3A_110 = tpu.memref_slice %arg9[%add3A, %dma_start3A_109] : memref<10240x128xf32, #tpu.memory_space<hbm>> -> memref<80x128xf32, #tpu.memory_space<hbm>>
          tpu.enqueue_dma source(%arg18 : memref<80x128xf32, #tpu.memory_space<vmem>>) target(%dma_start3A_110 : memref<80x128xf32, #tpu.memory_space<hbm>>) target_semaphore(%run_scoped3A : memref<!tpu.dma_semaphore, #tpu.memory_space<semaphore_mem>>)
          %dma_wait3A = arith.constant 0 : i32
          %dma_wait3A_111 = tpu.memref_slice %arg9[%add3A, %dma_wait3A] : memref<10240x128xf32, #tpu.memory_space<hbm>> -> memref<80x128xf32, #tpu.memory_space<hbm>>
          %dma_wait3A_112 = arith.constant 0 : i32
          %dma_wait3A_113 = tpu.memref_slice %arg9[%add3A, %dma_wait3A_112] : memref<10240x128xf32, #tpu.memory_space<hbm>> -> memref<80x128xf32, #tpu.memory_space<hbm>>
          tpu.wait_dma2 semaphore(%run_scoped3A : memref<!tpu.dma_semaphore, #tpu.memory_space<semaphore_mem>>) src(%arg18 : memref<80x128xf32, #tpu.memory_space<vmem>>) dst(%dma_wait3A_113 : memref<80x128xf32, #tpu.memory_space<hbm>>)
          tpu.yield
        }) : () -> ()
      } else {
      }
    }
    %scan3A_78 = arith.constant 8 : i32
    return
  }
}

#map = affine_map<(d0, d1) -> (0, 0)>
#map1 = affine_map<(d0, d1) -> (0)>
module attributes {stable_mosaic.version = 14 : i64} {
  func.func @gcn_layer1(%arg0: i32, %arg1: i32, %arg2: memref<10240x128xf32, #tpu.memory_space<hbm>>, %arg3: memref<10240x128xf32, #tpu.memory_space<hbm>>, %arg4: memref<1280x128xi32, #tpu.memory_space<hbm>>, %arg5: memref<1280x128xi32, #tpu.memory_space<hbm>>, %arg6: memref<10240xf32, #tpu.memory_space<hbm>>, %arg7: memref<10240xf32, #tpu.memory_space<hbm>>, %arg8: memref<10240x128xf32, #tpu.memory_space<hbm>>, %arg9: memref<10240x128xf32, #tpu.memory_space<hbm>>, %arg10: memref<10240x128xf32, #tpu.memory_space<hbm>>, %arg11: memref<10240x128xf32, #tpu.memory_space<hbm>>, %arg12: memref<10240x128xf32, #tpu.memory_space<vmem_shared>>, %arg13: memref<40x128xi32, #tpu.memory_space<vmem>>, %arg14: memref<40x128xi32, #tpu.memory_space<vmem>>, %arg15: memref<128x128xf32, #tpu.memory_space<vmem>>, %arg16: memref<128x128xf32, #tpu.memory_space<vmem>>, %arg17: memref<656xf32, #tpu.memory_space<vmem>>, %arg18: memref<656xf32, #tpu.memory_space<vmem>>, %arg19: memref<!tpu.dma_semaphore, #tpu.memory_space<semaphore_mem>>, %arg20: memref<!tpu.dma_semaphore, #tpu.memory_space<semaphore_mem>>, %arg21: memref<!tpu.dma_semaphore, #tpu.memory_space<semaphore_mem>>, %arg22: memref<!tpu.dma_semaphore, #tpu.memory_space<semaphore_mem>>) attributes {dimension_semantics = [#tpu.dimension_semantics<core_parallel>, #tpu.dimension_semantics<subcore_parallel>], iteration_bounds = array<i64: 2, 16>, scalar_prefetch = 0 : i64, scratch_operands = 11 : i64, tpu.core_type = #tpu.core_type<sc_vector_subcore>, window_params = [{transform_indices = #map}, {transform_indices = #map}, {transform_indices = #map}, {transform_indices = #map}, {transform_indices = #map1}, {transform_indices = #map1}, {transform_indices = #map}, {transform_indices = #map}, {transform_indices = #map}, {transform_indices = #map}]} {
    %broadcast_in_dim3A = arith.constant 0.000000e+00 : f32
    %broadcast_in_dim3A_0 = vector.broadcast %broadcast_in_dim3A : f32 to vector<16xf32>
    %scan3A = arith.constant 0 : i32
    %scan3A_1 = arith.constant 0 : i32
    %scan3A_2 = arith.constant 128 : i32
    %scan3A_3 = arith.addi %scan3A_1, %scan3A_2 : i32
    %scan3A_4 = arith.constant 1 : i32
    scf.for %scan3A_26 = %scan3A_1 to %scan3A_3 step %scan3A_4  : i32 {
      %swap3A = arith.index_cast %scan3A_26 : i32 to index
      %swap3A_27 = arith.constant 0 : index
      %swap3A_28 = tpu.vector_load %arg15[%swap3A, %swap3A_27] {strides = array<i32>} : memref<128x128xf32, #tpu.memory_space<vmem>>, vector<1x16xf32>,
      %swap3A_29 = vector.shape_cast %swap3A_28 : vector<1x16xf32> to vector<16xf32>
      %swap3A_30 = vector.shape_cast %broadcast_in_dim3A_0 : vector<16xf32> to vector<1x16xf32>
      tpu.vector_store %arg15[%swap3A, %swap3A_27], %swap3A_30 {strides = array<i32>} : memref<128x128xf32, #tpu.memory_space<vmem>>, vector<1x16xf32>,
      %swap3A_31 = arith.index_cast %scan3A_26 : i32 to index
      %swap3A_32 = arith.constant 16 : index
      %swap3A_33 = tpu.vector_load %arg15[%swap3A_31, %swap3A_32] {strides = array<i32>} : memref<128x128xf32, #tpu.memory_space<vmem>>, vector<1x16xf32>,
      %swap3A_34 = vector.shape_cast %swap3A_33 : vector<1x16xf32> to vector<16xf32>
      %swap3A_35 = vector.shape_cast %broadcast_in_dim3A_0 : vector<16xf32> to vector<1x16xf32>
      tpu.vector_store %arg15[%swap3A_31, %swap3A_32], %swap3A_35 {strides = array<i32>} : memref<128x128xf32, #tpu.memory_space<vmem>>, vector<1x16xf32>,
      %swap3A_36 = arith.index_cast %scan3A_26 : i32 to index
      %swap3A_37 = arith.constant 32 : index
      %swap3A_38 = tpu.vector_load %arg15[%swap3A_36, %swap3A_37] {strides = array<i32>} : memref<128x128xf32, #tpu.memory_space<vmem>>, vector<1x16xf32>,
      %swap3A_39 = vector.shape_cast %swap3A_38 : vector<1x16xf32> to vector<16xf32>
      %swap3A_40 = vector.shape_cast %broadcast_in_dim3A_0 : vector<16xf32> to vector<1x16xf32>
      tpu.vector_store %arg15[%swap3A_36, %swap3A_37], %swap3A_40 {strides = array<i32>} : memref<128x128xf32, #tpu.memory_space<vmem>>, vector<1x16xf32>,
      %swap3A_41 = arith.index_cast %scan3A_26 : i32 to index
      %swap3A_42 = arith.constant 48 : index
      %swap3A_43 = tpu.vector_load %arg15[%swap3A_41, %swap3A_42] {strides = array<i32>} : memref<128x128xf32, #tpu.memory_space<vmem>>, vector<1x16xf32>,
      %swap3A_44 = vector.shape_cast %swap3A_43 : vector<1x16xf32> to vector<16xf32>
      %swap3A_45 = vector.shape_cast %broadcast_in_dim3A_0 : vector<16xf32> to vector<1x16xf32>
      tpu.vector_store %arg15[%swap3A_41, %swap3A_42], %swap3A_45 {strides = array<i32>} : memref<128x128xf32, #tpu.memory_space<vmem>>, vector<1x16xf32>,
      %swap3A_46 = arith.index_cast %scan3A_26 : i32 to index
      %swap3A_47 = arith.constant 64 : index
      %swap3A_48 = tpu.vector_load %arg15[%swap3A_46, %swap3A_47] {strides = array<i32>} : memref<128x128xf32, #tpu.memory_space<vmem>>, vector<1x16xf32>,
      %swap3A_49 = vector.shape_cast %swap3A_48 : vector<1x16xf32> to vector<16xf32>
      %swap3A_50 = vector.shape_cast %broadcast_in_dim3A_0 : vector<16xf32> to vector<1x16xf32>
      tpu.vector_store %arg15[%swap3A_46, %swap3A_47], %swap3A_50 {strides = array<i32>} : memref<128x128xf32, #tpu.memory_space<vmem>>, vector<1x16xf32>,
      %swap3A_51 = arith.index_cast %scan3A_26 : i32 to index
      %swap3A_52 = arith.constant 80 : index
      %swap3A_53 = tpu.vector_load %arg15[%swap3A_51, %swap3A_52] {strides = array<i32>} : memref<128x128xf32, #tpu.memory_space<vmem>>, vector<1x16xf32>,
      %swap3A_54 = vector.shape_cast %swap3A_53 : vector<1x16xf32> to vector<16xf32>
      %swap3A_55 = vector.shape_cast %broadcast_in_dim3A_0 : vector<16xf32> to vector<1x16xf32>
      tpu.vector_store %arg15[%swap3A_51, %swap3A_52], %swap3A_55 {strides = array<i32>} : memref<128x128xf32, #tpu.memory_space<vmem>>, vector<1x16xf32>,
      %swap3A_56 = arith.index_cast %scan3A_26 : i32 to index
      %swap3A_57 = arith.constant 96 : index
      %swap3A_58 = tpu.vector_load %arg15[%swap3A_56, %swap3A_57] {strides = array<i32>} : memref<128x128xf32, #tpu.memory_space<vmem>>, vector<1x16xf32>,
      %swap3A_59 = vector.shape_cast %swap3A_58 : vector<1x16xf32> to vector<16xf32>
      %swap3A_60 = vector.shape_cast %broadcast_in_dim3A_0 : vector<16xf32> to vector<1x16xf32>
      tpu.vector_store %arg15[%swap3A_56, %swap3A_57], %swap3A_60 {strides = array<i32>} : memref<128x128xf32, #tpu.memory_space<vmem>>, vector<1x16xf32>,
      %swap3A_61 = arith.index_cast %scan3A_26 : i32 to index
      %swap3A_62 = arith.constant 112 : index
      %swap3A_63 = tpu.vector_load %arg15[%swap3A_61, %swap3A_62] {strides = array<i32>} : memref<128x128xf32, #tpu.memory_space<vmem>>, vector<1x16xf32>,
      %swap3A_64 = vector.shape_cast %swap3A_63 : vector<1x16xf32> to vector<16xf32>
      %swap3A_65 = vector.shape_cast %broadcast_in_dim3A_0 : vector<16xf32> to vector<1x16xf32>
      tpu.vector_store %arg15[%swap3A_61, %swap3A_62], %swap3A_65 {strides = array<i32>} : memref<128x128xf32, #tpu.memory_space<vmem>>, vector<1x16xf32>,
    }
    %scan3A_5 = arith.constant 128 : i32
    %scan3A_6 = arith.constant 0 : i32
    %scan3A_7 = arith.constant 0 : i32
    %scan3A_8 = arith.constant 5 : i32
    %scan3A_9 = arith.addi %scan3A_7, %scan3A_8 : i32
    %scan3A_10 = arith.constant 1 : i32
    scf.for %scan3A_26 = %scan3A_7 to %scan3A_9 step %scan3A_10  : i32 {
      %mul3A_27 = arith.constant 640 : i32
      %mul3A_28 = arith.muli %arg1, %mul3A_27 : i32
      %mul3A_29 = arith.constant 128 : i32
      %mul3A_30 = arith.muli %scan3A_26, %mul3A_29 : i32
      %add3A = arith.addi %mul3A_28, %mul3A_30 : i32
      "tpu.region"() ({
        %run_scoped3A = tpu.sem_alloc : memref<!tpu.dma_semaphore, #tpu.memory_space<semaphore_mem>>
        %dma_start3A = arith.constant 0 : i32
        %dma_start3A_31 = tpu.memref_slice %arg12[%add3A, %dma_start3A] : memref<10240x128xf32, #tpu.memory_space<vmem_shared>> -> memref<128x128xf32, #tpu.memory_space<vmem_shared>>
        %dma_start3A_32 = arith.constant 0 : i32
        %dma_start3A_33 = tpu.memref_slice %arg12[%add3A, %dma_start3A_32] : memref<10240x128xf32, #tpu.memory_space<vmem_shared>> -> memref<128x128xf32, #tpu.memory_space<vmem_shared>>
        tpu.enqueue_dma source(%arg15 : memref<128x128xf32, #tpu.memory_space<vmem>>) target(%dma_start3A_33 : memref<128x128xf32, #tpu.memory_space<vmem_shared>>) target_semaphore(%run_scoped3A : memref<!tpu.dma_semaphore, #tpu.memory_space<semaphore_mem>>)
        %dma_wait3A = arith.constant 0 : i32
        %dma_wait3A_34 = tpu.memref_slice %arg12[%add3A, %dma_wait3A] : memref<10240x128xf32, #tpu.memory_space<vmem_shared>> -> memref<128x128xf32, #tpu.memory_space<vmem_shared>>
        %dma_wait3A_35 = arith.constant 0 : i32
        %dma_wait3A_36 = tpu.memref_slice %arg12[%add3A, %dma_wait3A_35] : memref<10240x128xf32, #tpu.memory_space<vmem_shared>> -> memref<128x128xf32, #tpu.memory_space<vmem_shared>>
        tpu.wait_dma2 semaphore(%run_scoped3A : memref<!tpu.dma_semaphore, #tpu.memory_space<semaphore_mem>>) src(%arg15 : memref<128x128xf32, #tpu.memory_space<vmem>>) dst(%dma_wait3A_36 : memref<128x128xf32, #tpu.memory_space<vmem_shared>>)
        tpu.yield
      }) : () -> ()
    }
    %scan3A_11 = arith.constant 5 : i32
    %barrier3A = arith.constant 0 : index
    tpu.barrier barrier_id(%barrier3A)
    %scan3A_12 = arith.constant 0 : i32
    %scan3A_13 = arith.constant 0 : i32
    %scan3A_14 = arith.constant 2 : i32
    %scan3A_15 = arith.addi %scan3A_13, %scan3A_14 : i32
    %scan3A_16 = arith.constant 1 : i32
    scf.for %scan3A_26 = %scan3A_13 to %scan3A_15 step %scan3A_16  : i32 {
      %mul3A_27 = arith.constant 80 : i32
      %mul3A_28 = arith.muli %arg1, %mul3A_27 : i32
      %mul3A_29 = arith.constant 40 : i32
      %mul3A_30 = arith.muli %scan3A_26, %mul3A_29 : i32
      %add3A = arith.addi %mul3A_28, %mul3A_30 : i32
      "tpu.region"() ({
        %run_scoped3A = tpu.sem_alloc : memref<!tpu.dma_semaphore, #tpu.memory_space<semaphore_mem>>
        %dma_start3A_90 = arith.constant 0 : i32
        %dma_start3A_91 = tpu.memref_slice %arg4[%add3A, %dma_start3A_90] : memref<1280x128xi32, #tpu.memory_space<hbm>> -> memref<40x128xi32, #tpu.memory_space<hbm>>
        %dma_start3A_92 = arith.constant 0 : i32
        %dma_start3A_93 = tpu.memref_slice %arg4[%add3A, %dma_start3A_92] : memref<1280x128xi32, #tpu.memory_space<hbm>> -> memref<40x128xi32, #tpu.memory_space<hbm>>
        tpu.enqueue_dma source(%dma_start3A_93 : memref<40x128xi32, #tpu.memory_space<hbm>>) target(%arg13 : memref<40x128xi32, #tpu.memory_space<vmem>>) target_semaphore(%run_scoped3A : memref<!tpu.dma_semaphore, #tpu.memory_space<semaphore_mem>>)
        %dma_wait3A_94 = arith.constant 0 : i32
        %dma_wait3A_95 = tpu.memref_slice %arg4[%add3A, %dma_wait3A_94] : memref<1280x128xi32, #tpu.memory_space<hbm>> -> memref<40x128xi32, #tpu.memory_space<hbm>>
        %dma_wait3A_96 = arith.constant 0 : i32
        %dma_wait3A_97 = tpu.memref_slice %arg4[%add3A, %dma_wait3A_96] : memref<1280x128xi32, #tpu.memory_space<hbm>> -> memref<40x128xi32, #tpu.memory_space<hbm>>
        tpu.wait_dma2 semaphore(%run_scoped3A : memref<!tpu.dma_semaphore, #tpu.memory_space<semaphore_mem>>) src(%dma_wait3A_97 : memref<40x128xi32, #tpu.memory_space<hbm>>) dst(%arg13 : memref<40x128xi32, #tpu.memory_space<vmem>>)
        tpu.yield
      }) : () -> ()
      "tpu.region"() ({
        %run_scoped3A = tpu.sem_alloc : memref<!tpu.dma_semaphore, #tpu.memory_space<semaphore_mem>>
        %dma_start3A_90 = arith.constant 0 : i32
        %dma_start3A_91 = tpu.memref_slice %arg5[%add3A, %dma_start3A_90] : memref<1280x128xi32, #tpu.memory_space<hbm>> -> memref<40x128xi32, #tpu.memory_space<hbm>>
        %dma_start3A_92 = arith.constant 0 : i32
        %dma_start3A_93 = tpu.memref_slice %arg5[%add3A, %dma_start3A_92] : memref<1280x128xi32, #tpu.memory_space<hbm>> -> memref<40x128xi32, #tpu.memory_space<hbm>>
        tpu.enqueue_dma source(%dma_start3A_93 : memref<40x128xi32, #tpu.memory_space<hbm>>) target(%arg14 : memref<40x128xi32, #tpu.memory_space<vmem>>) target_semaphore(%run_scoped3A : memref<!tpu.dma_semaphore, #tpu.memory_space<semaphore_mem>>)
        %dma_wait3A_94 = arith.constant 0 : i32
        %dma_wait3A_95 = tpu.memref_slice %arg5[%add3A, %dma_wait3A_94] : memref<1280x128xi32, #tpu.memory_space<hbm>> -> memref<40x128xi32, #tpu.memory_space<hbm>>
        %dma_wait3A_96 = arith.constant 0 : i32
        %dma_wait3A_97 = tpu.memref_slice %arg5[%add3A, %dma_wait3A_96] : memref<1280x128xi32, #tpu.memory_space<hbm>> -> memref<40x128xi32, #tpu.memory_space<hbm>>
        tpu.wait_dma2 semaphore(%run_scoped3A : memref<!tpu.dma_semaphore, #tpu.memory_space<semaphore_mem>>) src(%dma_wait3A_97 : memref<40x128xi32, #tpu.memory_space<hbm>>) dst(%arg14 : memref<40x128xi32, #tpu.memory_space<vmem>>)
        tpu.yield
      }) : () -> ()
      %eq3A = arith.constant 0 : i32
      %eq3A_31 = arith.cmpi eq, %arg0, %eq3A : i32
      %convert_element_type3A = arith.extui %eq3A_31 : i1 to i32
      %cond3A = arith.constant 0 : i32
      %cond3A_32 = arith.cmpi ne, %convert_element_type3A, %cond3A : i32
      scf.if %cond3A_32 {
        %dma_start3A_90 = arith.constant 0 : i32
        %dma_start3A_91 = arith.constant 0 : i32
        %dma_start3A_92 = tpu.memref_slice %arg13[%dma_start3A_90, %dma_start3A_91] : memref<40x128xi32, #tpu.memory_space<vmem>> -> memref<1x128xi32, #tpu.memory_space<vmem>>
        %dma_start3A_93 = tpu.memref_squeeze %dma_start3A_92 : memref<1x128xi32, #tpu.memory_space<vmem>> -> memref<128xi32, #tpu.memory_space<vmem>>
        %dma_start3A_94 = arith.constant 0 : i32
        %dma_start3A_95 = arith.constant 0 : i32
        %dma_start3A_96 = tpu.memref_slice %arg2[%dma_start3A_94, %dma_start3A_95] : memref<10240x128xf32, #tpu.memory_space<hbm>> -> memref<10240x128xf32, #tpu.memory_space<hbm>>
        tpu.enqueue_indirect_dma source(%dma_start3A_96 : memref<10240x128xf32, #tpu.memory_space<hbm>>) target(%arg15 : memref<128x128xf32, #tpu.memory_space<vmem>>) offsets(%dma_start3A_93 : memref<128xi32, #tpu.memory_space<vmem>>) semaphore(%arg19 : memref<!tpu.dma_semaphore, #tpu.memory_space<semaphore_mem>>)
      } else {
      }
      %eq3A_33 = arith.constant 1 : i32
      %eq3A_34 = arith.cmpi eq, %arg0, %eq3A_33 : i32
      %convert_element_type3A_35 = arith.extui %eq3A_34 : i1 to i32
      %cond3A_36 = arith.constant 0 : i32
      %cond3A_37 = arith.cmpi ne, %convert_element_type3A_35, %cond3A_36 : i32
      scf.if %cond3A_37 {
        %dma_start3A_90 = arith.constant 0 : i32
        %dma_start3A_91 = arith.constant 0 : i32
        %dma_start3A_92 = tpu.memref_slice %arg13[%dma_start3A_90, %dma_start3A_91] : memref<40x128xi32, #tpu.memory_space<vmem>> -> memref<1x128xi32, #tpu.memory_space<vmem>>
        %dma_start3A_93 = tpu.memref_squeeze %dma_start3A_92 : memref<1x128xi32, #tpu.memory_space<vmem>> -> memref<128xi32, #tpu.memory_space<vmem>>
        %dma_start3A_94 = arith.constant 0 : i32
        %dma_start3A_95 = arith.constant 0 : i32
        %dma_start3A_96 = tpu.memref_slice %arg3[%dma_start3A_94, %dma_start3A_95] : memref<10240x128xf32, #tpu.memory_space<hbm>> -> memref<10240x128xf32, #tpu.memory_space<hbm>>
        tpu.enqueue_indirect_dma source(%dma_start3A_96 : memref<10240x128xf32, #tpu.memory_space<hbm>>) target(%arg15 : memref<128x128xf32, #tpu.memory_space<vmem>>) offsets(%dma_start3A_93 : memref<128xi32, #tpu.memory_space<vmem>>) semaphore(%arg19 : memref<!tpu.dma_semaphore, #tpu.memory_space<semaphore_mem>>)
      } else {
      }
      %dma_wait3A = arith.constant 0 : i32
      %dma_wait3A_38 = arith.constant 0 : i32
      %dma_wait3A_39 = tpu.memref_slice %arg2[%dma_wait3A, %dma_wait3A_38] : memref<10240x128xf32, #tpu.memory_space<hbm>> -> memref<128x128xf32, #tpu.memory_space<hbm>>
      %dma_wait3A_40 = arith.constant 0 : i32
      %dma_wait3A_41 = arith.constant 0 : i32
      %dma_wait3A_42 = tpu.memref_slice %arg2[%dma_wait3A_40, %dma_wait3A_41] : memref<10240x128xf32, #tpu.memory_space<hbm>> -> memref<128x128xf32, #tpu.memory_space<hbm>>
      tpu.wait_dma2 semaphore(%arg19 : memref<!tpu.dma_semaphore, #tpu.memory_space<semaphore_mem>>) src(%dma_wait3A_42 : memref<128x128xf32, #tpu.memory_space<hbm>>) dst(%arg15 : memref<128x128xf32, #tpu.memory_space<vmem>>)
      %eq3A_43 = arith.constant 0 : i32
      %eq3A_44 = arith.cmpi eq, %arg0, %eq3A_43 : i32
      %convert_element_type3A_45 = arith.extui %eq3A_44 : i1 to i32
      %cond3A_46 = arith.constant 0 : i32
      %cond3A_47 = arith.cmpi ne, %convert_element_type3A_45, %cond3A_46 : i32
      scf.if %cond3A_47 {
        %dma_start3A_90 = arith.constant 1 : i32
        %dma_start3A_91 = arith.constant 0 : i32
        %dma_start3A_92 = tpu.memref_slice %arg13[%dma_start3A_90, %dma_start3A_91] : memref<40x128xi32, #tpu.memory_space<vmem>> -> memref<1x128xi32, #tpu.memory_space<vmem>>
        %dma_start3A_93 = tpu.memref_squeeze %dma_start3A_92 : memref<1x128xi32, #tpu.memory_space<vmem>> -> memref<128xi32, #tpu.memory_space<vmem>>
        %dma_start3A_94 = arith.constant 0 : i32
        %dma_start3A_95 = arith.constant 0 : i32
        %dma_start3A_96 = tpu.memref_slice %arg2[%dma_start3A_94, %dma_start3A_95] : memref<10240x128xf32, #tpu.memory_space<hbm>> -> memref<10240x128xf32, #tpu.memory_space<hbm>>
        tpu.enqueue_indirect_dma source(%dma_start3A_96 : memref<10240x128xf32, #tpu.memory_space<hbm>>) target(%arg16 : memref<128x128xf32, #tpu.memory_space<vmem>>) offsets(%dma_start3A_93 : memref<128xi32, #tpu.memory_space<vmem>>) semaphore(%arg20 : memref<!tpu.dma_semaphore, #tpu.memory_space<semaphore_mem>>)
      } else {
      }
      %eq3A_48 = arith.constant 1 : i32
      %eq3A_49 = arith.cmpi eq, %arg0, %eq3A_48 : i32
      %convert_element_type3A_50 = arith.extui %eq3A_49 : i1 to i32
      %cond3A_51 = arith.constant 0 : i32
      %cond3A_52 = arith.cmpi ne, %convert_element_type3A_50, %cond3A_51 : i32
      scf.if %cond3A_52 {
        %dma_start3A_90 = arith.constant 1 : i32
        %dma_start3A_91 = arith.constant 0 : i32
        %dma_start3A_92 = tpu.memref_slice %arg13[%dma_start3A_90, %dma_start3A_91] : memref<40x128xi32, #tpu.memory_space<vmem>> -> memref<1x128xi32, #tpu.memory_space<vmem>>
        %dma_start3A_93 = tpu.memref_squeeze %dma_start3A_92 : memref<1x128xi32, #tpu.memory_space<vmem>> -> memref<128xi32, #tpu.memory_space<vmem>>
        %dma_start3A_94 = arith.constant 0 : i32
        %dma_start3A_95 = arith.constant 0 : i32
        %dma_start3A_96 = tpu.memref_slice %arg3[%dma_start3A_94, %dma_start3A_95] : memref<10240x128xf32, #tpu.memory_space<hbm>> -> memref<10240x128xf32, #tpu.memory_space<hbm>>
        tpu.enqueue_indirect_dma source(%dma_start3A_96 : memref<10240x128xf32, #tpu.memory_space<hbm>>) target(%arg16 : memref<128x128xf32, #tpu.memory_space<vmem>>) offsets(%dma_start3A_93 : memref<128xi32, #tpu.memory_space<vmem>>) semaphore(%arg20 : memref<!tpu.dma_semaphore, #tpu.memory_space<semaphore_mem>>)
      } else {
      }
      %dma_start3A = arith.constant 0 : i32
      %dma_start3A_53 = arith.constant 0 : i32
      %dma_start3A_54 = tpu.memref_slice %arg14[%dma_start3A, %dma_start3A_53] : memref<40x128xi32, #tpu.memory_space<vmem>> -> memref<1x128xi32, #tpu.memory_space<vmem>>
      %dma_start3A_55 = tpu.memref_squeeze %dma_start3A_54 : memref<1x128xi32, #tpu.memory_space<vmem>> -> memref<128xi32, #tpu.memory_space<vmem>>
      %dma_start3A_56 = arith.constant 0 : i32
      %dma_start3A_57 = arith.constant 0 : i32
      %dma_start3A_58 = tpu.memref_slice %arg12[%dma_start3A_56, %dma_start3A_57] : memref<10240x128xf32, #tpu.memory_space<vmem_shared>> -> memref<10240x128xf32, #tpu.memory_space<vmem_shared>>
      tpu.enqueue_indirect_dma source(%arg15 : memref<128x128xf32, #tpu.memory_space<vmem>>) target(%dma_start3A_58 : memref<10240x128xf32, #tpu.memory_space<vmem_shared>>) offsets(%dma_start3A_55 : memref<128xi32, #tpu.memory_space<vmem>>) semaphore(%arg21 : memref<!tpu.dma_semaphore, #tpu.memory_space<semaphore_mem>>) {add = true}
      %scan3A_59 = arith.constant 0 : i32
      %scan3A_60 = arith.constant 0 : i32
      %scan3A_61 = arith.constant 19 : i32
      %scan3A_62 = arith.addi %scan3A_60, %scan3A_61 : i32
      %scan3A_63 = arith.constant 1 : i32
      scf.for %scan3A_90 = %scan3A_60 to %scan3A_62 step %scan3A_63  : i32 {
        %dma_wait3A_91 = arith.constant 0 : i32
        %dma_wait3A_92 = arith.constant 0 : i32
        %dma_wait3A_93 = tpu.memref_slice %arg2[%dma_wait3A_91, %dma_wait3A_92] : memref<10240x128xf32, #tpu.memory_space<hbm>> -> memref<128x128xf32, #tpu.memory_space<hbm>>
        %dma_wait3A_94 = arith.constant 0 : i32
        %dma_wait3A_95 = arith.constant 0 : i32
        %dma_wait3A_96 = tpu.memref_slice %arg2[%dma_wait3A_94, %dma_wait3A_95] : memref<10240x128xf32, #tpu.memory_space<hbm>> -> memref<128x128xf32, #tpu.memory_space<hbm>>
        tpu.wait_dma2 semaphore(%arg20 : memref<!tpu.dma_semaphore, #tpu.memory_space<semaphore_mem>>) src(%dma_wait3A_96 : memref<128x128xf32, #tpu.memory_space<hbm>>) dst(%arg16 : memref<128x128xf32, #tpu.memory_space<vmem>>)
        %dma_wait3A_97 = arith.constant 0 : i32
        %dma_wait3A_98 = arith.constant 0 : i32
        %dma_wait3A_99 = tpu.memref_slice %arg12[%dma_wait3A_97, %dma_wait3A_98] : memref<10240x128xf32, #tpu.memory_space<vmem_shared>> -> memref<128x128xf32, #tpu.memory_space<vmem_shared>>
        %dma_wait3A_100 = arith.constant 0 : i32
        %dma_wait3A_101 = arith.constant 0 : i32
        %dma_wait3A_102 = tpu.memref_slice %arg12[%dma_wait3A_100, %dma_wait3A_101] : memref<10240x128xf32, #tpu.memory_space<vmem_shared>> -> memref<128x128xf32, #tpu.memory_space<vmem_shared>>
        tpu.wait_dma2 semaphore(%arg21 : memref<!tpu.dma_semaphore, #tpu.memory_space<semaphore_mem>>) src(%arg15 : memref<128x128xf32, #tpu.memory_space<vmem>>) dst(%dma_wait3A_102 : memref<128x128xf32, #tpu.memory_space<vmem_shared>>)
        %mul3A_103 = arith.constant 2 : i32
        %mul3A_104 = arith.muli %mul3A_103, %scan3A_90 : i32
        %add3A_105 = arith.constant 2 : i32
        %add3A_106 = arith.addi %mul3A_104, %add3A_105 : i32
        %eq3A_107 = arith.constant 0 : i32
        %eq3A_108 = arith.cmpi eq, %arg0, %eq3A_107 : i32
        %convert_element_type3A_109 = arith.extui %eq3A_108 : i1 to i32
        %cond3A_110 = arith.constant 0 : i32
        %cond3A_111 = arith.cmpi ne, %convert_element_type3A_109, %cond3A_110 : i32
        scf.if %cond3A_111 {
          %dma_start3A_163 = arith.constant 0 : i32
          %dma_start3A_164 = tpu.memref_slice %arg13[%add3A_106, %dma_start3A_163] : memref<40x128xi32, #tpu.memory_space<vmem>> -> memref<1x128xi32, #tpu.memory_space<vmem>>
          %dma_start3A_165 = tpu.memref_squeeze %dma_start3A_164 : memref<1x128xi32, #tpu.memory_space<vmem>> -> memref<128xi32, #tpu.memory_space<vmem>>
          %dma_start3A_166 = arith.constant 0 : i32
          %dma_start3A_167 = arith.constant 0 : i32
          %dma_start3A_168 = tpu.memref_slice %arg2[%dma_start3A_166, %dma_start3A_167] : memref<10240x128xf32, #tpu.memory_space<hbm>> -> memref<10240x128xf32, #tpu.memory_space<hbm>>
          tpu.enqueue_indirect_dma source(%dma_start3A_168 : memref<10240x128xf32, #tpu.memory_space<hbm>>) target(%arg15 : memref<128x128xf32, #tpu.memory_space<vmem>>) offsets(%dma_start3A_165 : memref<128xi32, #tpu.memory_space<vmem>>) semaphore(%arg19 : memref<!tpu.dma_semaphore, #tpu.memory_space<semaphore_mem>>)
        } else {
        }
        %eq3A_112 = arith.constant 1 : i32
        %eq3A_113 = arith.cmpi eq, %arg0, %eq3A_112 : i32
        %convert_element_type3A_114 = arith.extui %eq3A_113 : i1 to i32
        %cond3A_115 = arith.constant 0 : i32
        %cond3A_116 = arith.cmpi ne, %convert_element_type3A_114, %cond3A_115 : i32
        scf.if %cond3A_116 {
          %dma_start3A_163 = arith.constant 0 : i32
          %dma_start3A_164 = tpu.memref_slice %arg13[%add3A_106, %dma_start3A_163] : memref<40x128xi32, #tpu.memory_space<vmem>> -> memref<1x128xi32, #tpu.memory_space<vmem>>
          %dma_start3A_165 = tpu.memref_squeeze %dma_start3A_164 : memref<1x128xi32, #tpu.memory_space<vmem>> -> memref<128xi32, #tpu.memory_space<vmem>>
          %dma_start3A_166 = arith.constant 0 : i32
          %dma_start3A_167 = arith.constant 0 : i32
          %dma_start3A_168 = tpu.memref_slice %arg3[%dma_start3A_166, %dma_start3A_167] : memref<10240x128xf32, #tpu.memory_space<hbm>> -> memref<10240x128xf32, #tpu.memory_space<hbm>>
          tpu.enqueue_indirect_dma source(%dma_start3A_168 : memref<10240x128xf32, #tpu.memory_space<hbm>>) target(%arg15 : memref<128x128xf32, #tpu.memory_space<vmem>>) offsets(%dma_start3A_165 : memref<128xi32, #tpu.memory_space<vmem>>) semaphore(%arg19 : memref<!tpu.dma_semaphore, #tpu.memory_space<semaphore_mem>>)
        } else {
        }
        %mul3A_117 = arith.constant 2 : i32
        %mul3A_118 = arith.muli %mul3A_117, %scan3A_90 : i32
        %add3A_119 = arith.constant 1 : i32
        %add3A_120 = arith.addi %mul3A_118, %add3A_119 : i32
        %dma_start3A_121 = arith.constant 0 : i32
        %dma_start3A_122 = tpu.memref_slice %arg14[%add3A_120, %dma_start3A_121] : memref<40x128xi32, #tpu.memory_space<vmem>> -> memref<1x128xi32, #tpu.memory_space<vmem>>
        %dma_start3A_123 = tpu.memref_squeeze %dma_start3A_122 : memref<1x128xi32, #tpu.memory_space<vmem>> -> memref<128xi32, #tpu.memory_space<vmem>>
        %dma_start3A_124 = arith.constant 0 : i32
        %dma_start3A_125 = arith.constant 0 : i32
        %dma_start3A_126 = tpu.memref_slice %arg12[%dma_start3A_124, %dma_start3A_125] : memref<10240x128xf32, #tpu.memory_space<vmem_shared>> -> memref<10240x128xf32, #tpu.memory_space<vmem_shared>>
        tpu.enqueue_indirect_dma source(%arg16 : memref<128x128xf32, #tpu.memory_space<vmem>>) target(%dma_start3A_126 : memref<10240x128xf32, #tpu.memory_space<vmem_shared>>) offsets(%dma_start3A_123 : memref<128xi32, #tpu.memory_space<vmem>>) semaphore(%arg22 : memref<!tpu.dma_semaphore, #tpu.memory_space<semaphore_mem>>) {add = true}
        %dma_wait3A_127 = arith.constant 0 : i32
        %dma_wait3A_128 = arith.constant 0 : i32
        %dma_wait3A_129 = tpu.memref_slice %arg2[%dma_wait3A_127, %dma_wait3A_128] : memref<10240x128xf32, #tpu.memory_space<hbm>> -> memref<128x128xf32, #tpu.memory_space<hbm>>
        %dma_wait3A_130 = arith.constant 0 : i32
        %dma_wait3A_131 = arith.constant 0 : i32
        %dma_wait3A_132 = tpu.memref_slice %arg2[%dma_wait3A_130, %dma_wait3A_131] : memref<10240x128xf32, #tpu.memory_space<hbm>> -> memref<128x128xf32, #tpu.memory_space<hbm>>
        tpu.wait_dma2 semaphore(%arg19 : memref<!tpu.dma_semaphore, #tpu.memory_space<semaphore_mem>>) src(%dma_wait3A_132 : memref<128x128xf32, #tpu.memory_space<hbm>>) dst(%arg15 : memref<128x128xf32, #tpu.memory_space<vmem>>)
        %dma_wait3A_133 = arith.constant 0 : i32
        %dma_wait3A_134 = arith.constant 0 : i32
        %dma_wait3A_135 = tpu.memref_slice %arg12[%dma_wait3A_133, %dma_wait3A_134] : memref<10240x128xf32, #tpu.memory_space<vmem_shared>> -> memref<128x128xf32, #tpu.memory_space<vmem_shared>>
        %dma_wait3A_136 = arith.constant 0 : i32
        %dma_wait3A_137 = arith.constant 0 : i32
        %dma_wait3A_138 = tpu.memref_slice %arg12[%dma_wait3A_136, %dma_wait3A_137] : memref<10240x128xf32, #tpu.memory_space<vmem_shared>> -> memref<128x128xf32, #tpu.memory_space<vmem_shared>>
        tpu.wait_dma2 semaphore(%arg22 : memref<!tpu.dma_semaphore, #tpu.memory_space<semaphore_mem>>) src(%arg16 : memref<128x128xf32, #tpu.memory_space<vmem>>) dst(%dma_wait3A_138 : memref<128x128xf32, #tpu.memory_space<vmem_shared>>)
        %mul3A_139 = arith.constant 2 : i32
        %mul3A_140 = arith.muli %mul3A_139, %scan3A_90 : i32
        %add3A_141 = arith.constant 3 : i32
        %add3A_142 = arith.addi %mul3A_140, %add3A_141 : i32
        %eq3A_143 = arith.constant 0 : i32
        %eq3A_144 = arith.cmpi eq, %arg0, %eq3A_143 : i32
        %convert_element_type3A_145 = arith.extui %eq3A_144 : i1 to i32
        %cond3A_146 = arith.constant 0 : i32
        %cond3A_147 = arith.cmpi ne, %convert_element_type3A_145, %cond3A_146 : i32
        scf.if %cond3A_147 {
          %dma_start3A_163 = arith.constant 0 : i32
          %dma_start3A_164 = tpu.memref_slice %arg13[%add3A_142, %dma_start3A_163] : memref<40x128xi32, #tpu.memory_space<vmem>> -> memref<1x128xi32, #tpu.memory_space<vmem>>
          %dma_start3A_165 = tpu.memref_squeeze %dma_start3A_164 : memref<1x128xi32, #tpu.memory_space<vmem>> -> memref<128xi32, #tpu.memory_space<vmem>>
          %dma_start3A_166 = arith.constant 0 : i32
          %dma_start3A_167 = arith.constant 0 : i32
          %dma_start3A_168 = tpu.memref_slice %arg2[%dma_start3A_166, %dma_start3A_167] : memref<10240x128xf32, #tpu.memory_space<hbm>> -> memref<10240x128xf32, #tpu.memory_space<hbm>>
          tpu.enqueue_indirect_dma source(%dma_start3A_168 : memref<10240x128xf32, #tpu.memory_space<hbm>>) target(%arg16 : memref<128x128xf32, #tpu.memory_space<vmem>>) offsets(%dma_start3A_165 : memref<128xi32, #tpu.memory_space<vmem>>) semaphore(%arg20 : memref<!tpu.dma_semaphore, #tpu.memory_space<semaphore_mem>>)
        } else {
        }
        %eq3A_148 = arith.constant 1 : i32
        %eq3A_149 = arith.cmpi eq, %arg0, %eq3A_148 : i32
        %convert_element_type3A_150 = arith.extui %eq3A_149 : i1 to i32
        %cond3A_151 = arith.constant 0 : i32
        %cond3A_152 = arith.cmpi ne, %convert_element_type3A_150, %cond3A_151 : i32
        scf.if %cond3A_152 {
          %dma_start3A_163 = arith.constant 0 : i32
          %dma_start3A_164 = tpu.memref_slice %arg13[%add3A_142, %dma_start3A_163] : memref<40x128xi32, #tpu.memory_space<vmem>> -> memref<1x128xi32, #tpu.memory_space<vmem>>
          %dma_start3A_165 = tpu.memref_squeeze %dma_start3A_164 : memref<1x128xi32, #tpu.memory_space<vmem>> -> memref<128xi32, #tpu.memory_space<vmem>>
          %dma_start3A_166 = arith.constant 0 : i32
          %dma_start3A_167 = arith.constant 0 : i32
          %dma_start3A_168 = tpu.memref_slice %arg3[%dma_start3A_166, %dma_start3A_167] : memref<10240x128xf32, #tpu.memory_space<hbm>> -> memref<10240x128xf32, #tpu.memory_space<hbm>>
          tpu.enqueue_indirect_dma source(%dma_start3A_168 : memref<10240x128xf32, #tpu.memory_space<hbm>>) target(%arg16 : memref<128x128xf32, #tpu.memory_space<vmem>>) offsets(%dma_start3A_165 : memref<128xi32, #tpu.memory_space<vmem>>) semaphore(%arg20 : memref<!tpu.dma_semaphore, #tpu.memory_space<semaphore_mem>>)
        } else {
        }
        %mul3A_153 = arith.constant 2 : i32
        %mul3A_154 = arith.muli %mul3A_153, %scan3A_90 : i32
        %add3A_155 = arith.constant 2 : i32
        %add3A_156 = arith.addi %mul3A_154, %add3A_155 : i32
        %dma_start3A_157 = arith.constant 0 : i32
        %dma_start3A_158 = tpu.memref_slice %arg14[%add3A_156, %dma_start3A_157] : memref<40x128xi32, #tpu.memory_space<vmem>> -> memref<1x128xi32, #tpu.memory_space<vmem>>
        %dma_start3A_159 = tpu.memref_squeeze %dma_start3A_158 : memref<1x128xi32, #tpu.memory_space<vmem>> -> memref<128xi32, #tpu.memory_space<vmem>>
        %dma_start3A_160 = arith.constant 0 : i32
        %dma_start3A_161 = arith.constant 0 : i32
        %dma_start3A_162 = tpu.memref_slice %arg12[%dma_start3A_160, %dma_start3A_161] : memref<10240x128xf32, #tpu.memory_space<vmem_shared>> -> memref<10240x128xf32, #tpu.memory_space<vmem_shared>>
        tpu.enqueue_indirect_dma source(%arg15 : memref<128x128xf32, #tpu.memory_space<vmem>>) target(%dma_start3A_162 : memref<10240x128xf32, #tpu.memory_space<vmem_shared>>) offsets(%dma_start3A_159 : memref<128xi32, #tpu.memory_space<vmem>>) semaphore(%arg21 : memref<!tpu.dma_semaphore, #tpu.memory_space<semaphore_mem>>) {add = true}
      }
      %scan3A_64 = arith.constant 19 : i32
      %dma_wait3A_65 = arith.constant 0 : i32
      %dma_wait3A_66 = arith.constant 0 : i32
      %dma_wait3A_67 = tpu.memref_slice %arg2[%dma_wait3A_65, %dma_wait3A_66] : memref<10240x128xf32, #tpu.memory_space<hbm>> -> memref<128x128xf32, #tpu.memory_space<hbm>>
      %dma_wait3A_68 = arith.constant 0 : i32
      %dma_wait3A_69 = arith.constant 0 : i32
      %dma_wait3A_70 = tpu.memref_slice %arg2[%dma_wait3A_68, %dma_wait3A_69] : memref<10240x128xf32, #tpu.memory_space<hbm>> -> memref<128x128xf32, #tpu.memory_space<hbm>>
      tpu.wait_dma2 semaphore(%arg20 : memref<!tpu.dma_semaphore, #tpu.memory_space<semaphore_mem>>) src(%dma_wait3A_70 : memref<128x128xf32, #tpu.memory_space<hbm>>) dst(%arg16 : memref<128x128xf32, #tpu.memory_space<vmem>>)
      %dma_wait3A_71 = arith.constant 0 : i32
      %dma_wait3A_72 = arith.constant 0 : i32
      %dma_wait3A_73 = tpu.memref_slice %arg12[%dma_wait3A_71, %dma_wait3A_72] : memref<10240x128xf32, #tpu.memory_space<vmem_shared>> -> memref<128x128xf32, #tpu.memory_space<vmem_shared>>
      %dma_wait3A_74 = arith.constant 0 : i32
      %dma_wait3A_75 = arith.constant 0 : i32
      %dma_wait3A_76 = tpu.memref_slice %arg12[%dma_wait3A_74, %dma_wait3A_75] : memref<10240x128xf32, #tpu.memory_space<vmem_shared>> -> memref<128x128xf32, #tpu.memory_space<vmem_shared>>
      tpu.wait_dma2 semaphore(%arg21 : memref<!tpu.dma_semaphore, #tpu.memory_space<semaphore_mem>>) src(%arg15 : memref<128x128xf32, #tpu.memory_space<vmem>>) dst(%dma_wait3A_76 : memref<128x128xf32, #tpu.memory_space<vmem_shared>>)
      %dma_start3A_77 = arith.constant 39 : i32
      %dma_start3A_78 = arith.constant 0 : i32
      %dma_start3A_79 = tpu.memref_slice %arg14[%dma_start3A_77, %dma_start3A_78] : memref<40x128xi32, #tpu.memory_space<vmem>> -> memref<1x128xi32, #tpu.memory_space<vmem>>
      %dma_start3A_80 = tpu.memref_squeeze %dma_start3A_79 : memref<1x128xi32, #tpu.memory_space<vmem>> -> memref<128xi32, #tpu.memory_space<vmem>>
      %dma_start3A_81 = arith.constant 0 : i32
      %dma_start3A_82 = arith.constant 0 : i32
      %dma_start3A_83 = tpu.memref_slice %arg12[%dma_start3A_81, %dma_start3A_82] : memref<10240x128xf32, #tpu.memory_space<vmem_shared>> -> memref<10240x128xf32, #tpu.memory_space<vmem_shared>>
      tpu.enqueue_indirect_dma source(%arg16 : memref<128x128xf32, #tpu.memory_space<vmem>>) target(%dma_start3A_83 : memref<10240x128xf32, #tpu.memory_space<vmem_shared>>) offsets(%dma_start3A_80 : memref<128xi32, #tpu.memory_space<vmem>>) semaphore(%arg22 : memref<!tpu.dma_semaphore, #tpu.memory_space<semaphore_mem>>) {add = true}
      %dma_wait3A_84 = arith.constant 0 : i32
      %dma_wait3A_85 = arith.constant 0 : i32
      %dma_wait3A_86 = tpu.memref_slice %arg12[%dma_wait3A_84, %dma_wait3A_85] : memref<10240x128xf32, #tpu.memory_space<vmem_shared>> -> memref<128x128xf32, #tpu.memory_space<vmem_shared>>
      %dma_wait3A_87 = arith.constant 0 : i32
      %dma_wait3A_88 = arith.constant 0 : i32
      %dma_wait3A_89 = tpu.memref_slice %arg12[%dma_wait3A_87, %dma_wait3A_88] : memref<10240x128xf32, #tpu.memory_space<vmem_shared>> -> memref<128x128xf32, #tpu.memory_space<vmem_shared>>
      tpu.wait_dma2 semaphore(%arg22 : memref<!tpu.dma_semaphore, #tpu.memory_space<semaphore_mem>>) src(%arg16 : memref<128x128xf32, #tpu.memory_space<vmem>>) dst(%dma_wait3A_89 : memref<128x128xf32, #tpu.memory_space<vmem_shared>>)
    }
    %scan3A_17 = arith.constant 2 : i32
    %barrier3A_18 = arith.constant 0 : index
    tpu.barrier barrier_id(%barrier3A_18)
    %mul3A = arith.constant 640 : i32
    %mul3A_19 = arith.muli %arg1, %mul3A : i32
    "tpu.region"() ({
      %run_scoped3A = tpu.sem_alloc : memref<!tpu.dma_semaphore, #tpu.memory_space<semaphore_mem>>
      %dma_start3A = arith.constant 0 : i32
      %dma_start3A_26 = tpu.memref_slice %arg17[%dma_start3A] : memref<656xf32, #tpu.memory_space<vmem>> -> memref<640xf32, #tpu.memory_space<vmem>>
      %dma_start3A_27 = tpu.memref_slice %arg6[%mul3A_19] : memref<10240xf32, #tpu.memory_space<hbm>> -> memref<640xf32, #tpu.memory_space<hbm>>
      %dma_start3A_28 = arith.constant 0 : i32
      %dma_start3A_29 = tpu.memref_slice %arg17[%dma_start3A_28] : memref<656xf32, #tpu.memory_space<vmem>> -> memref<640xf32, #tpu.memory_space<vmem>>
      %dma_start3A_30 = tpu.memref_slice %arg6[%mul3A_19] : memref<10240xf32, #tpu.memory_space<hbm>> -> memref<640xf32, #tpu.memory_space<hbm>>
      tpu.enqueue_dma source(%dma_start3A_30 : memref<640xf32, #tpu.memory_space<hbm>>) target(%dma_start3A_29 : memref<640xf32, #tpu.memory_space<vmem>>) target_semaphore(%run_scoped3A : memref<!tpu.dma_semaphore, #tpu.memory_space<semaphore_mem>>)
      %dma_wait3A = arith.constant 0 : i32
      %dma_wait3A_31 = tpu.memref_slice %arg17[%dma_wait3A] : memref<656xf32, #tpu.memory_space<vmem>> -> memref<640xf32, #tpu.memory_space<vmem>>
      %dma_wait3A_32 = tpu.memref_slice %arg6[%mul3A_19] : memref<10240xf32, #tpu.memory_space<hbm>> -> memref<640xf32, #tpu.memory_space<hbm>>
      %dma_wait3A_33 = arith.constant 0 : i32
      %dma_wait3A_34 = tpu.memref_slice %arg17[%dma_wait3A_33] : memref<656xf32, #tpu.memory_space<vmem>> -> memref<640xf32, #tpu.memory_space<vmem>>
      %dma_wait3A_35 = tpu.memref_slice %arg6[%mul3A_19] : memref<10240xf32, #tpu.memory_space<hbm>> -> memref<640xf32, #tpu.memory_space<hbm>>
      tpu.wait_dma2 semaphore(%run_scoped3A : memref<!tpu.dma_semaphore, #tpu.memory_space<semaphore_mem>>) src(%dma_wait3A_35 : memref<640xf32, #tpu.memory_space<hbm>>) dst(%dma_wait3A_34 : memref<640xf32, #tpu.memory_space<vmem>>)
      tpu.yield
    }) : () -> ()
    "tpu.region"() ({
      %run_scoped3A = tpu.sem_alloc : memref<!tpu.dma_semaphore, #tpu.memory_space<semaphore_mem>>
      %dma_start3A = arith.constant 0 : i32
      %dma_start3A_26 = tpu.memref_slice %arg18[%dma_start3A] : memref<656xf32, #tpu.memory_space<vmem>> -> memref<640xf32, #tpu.memory_space<vmem>>
      %dma_start3A_27 = tpu.memref_slice %arg7[%mul3A_19] : memref<10240xf32, #tpu.memory_space<hbm>> -> memref<640xf32, #tpu.memory_space<hbm>>
      %dma_start3A_28 = arith.constant 0 : i32
      %dma_start3A_29 = tpu.memref_slice %arg18[%dma_start3A_28] : memref<656xf32, #tpu.memory_space<vmem>> -> memref<640xf32, #tpu.memory_space<vmem>>
      %dma_start3A_30 = tpu.memref_slice %arg7[%mul3A_19] : memref<10240xf32, #tpu.memory_space<hbm>> -> memref<640xf32, #tpu.memory_space<hbm>>
      tpu.enqueue_dma source(%dma_start3A_30 : memref<640xf32, #tpu.memory_space<hbm>>) target(%dma_start3A_29 : memref<640xf32, #tpu.memory_space<vmem>>) target_semaphore(%run_scoped3A : memref<!tpu.dma_semaphore, #tpu.memory_space<semaphore_mem>>)
      %dma_wait3A = arith.constant 0 : i32
      %dma_wait3A_31 = tpu.memref_slice %arg18[%dma_wait3A] : memref<656xf32, #tpu.memory_space<vmem>> -> memref<640xf32, #tpu.memory_space<vmem>>
      %dma_wait3A_32 = tpu.memref_slice %arg7[%mul3A_19] : memref<10240xf32, #tpu.memory_space<hbm>> -> memref<640xf32, #tpu.memory_space<hbm>>
      %dma_wait3A_33 = arith.constant 0 : i32
      %dma_wait3A_34 = tpu.memref_slice %arg18[%dma_wait3A_33] : memref<656xf32, #tpu.memory_space<vmem>> -> memref<640xf32, #tpu.memory_space<vmem>>
      %dma_wait3A_35 = tpu.memref_slice %arg7[%mul3A_19] : memref<10240xf32, #tpu.memory_space<hbm>> -> memref<640xf32, #tpu.memory_space<hbm>>
      tpu.wait_dma2 semaphore(%run_scoped3A : memref<!tpu.dma_semaphore, #tpu.memory_space<semaphore_mem>>) src(%dma_wait3A_35 : memref<640xf32, #tpu.memory_space<hbm>>) dst(%dma_wait3A_34 : memref<640xf32, #tpu.memory_space<vmem>>)
      tpu.yield
    }) : () -> ()
    %scan3A_20 = arith.constant 0 : i32
    %scan3A_21 = arith.constant 0 : i32
    %scan3A_22 = arith.constant 10 : i32
    %scan3A_23 = arith.addi %scan3A_21, %scan3A_22 : i32
    %scan3A_24 = arith.constant 1 : i32
    scf.for %scan3A_26 = %scan3A_21 to %scan3A_23 step %scan3A_24  : i32 {
      %mul3A_27 = arith.constant 64 : i32
      %mul3A_28 = arith.muli %scan3A_26, %mul3A_27 : i32
      %add3A = arith.addi %mul3A_19, %mul3A_28 : i32
      "tpu.region"() ({
        %run_scoped3A = tpu.sem_alloc : memref<!tpu.dma_semaphore, #tpu.memory_space<semaphore_mem>>
        %dma_start3A = arith.constant 0 : i32
        %dma_start3A_52 = arith.constant 0 : i32
        %dma_start3A_53 = tpu.memref_slice %arg15[%dma_start3A, %dma_start3A_52] : memref<128x128xf32, #tpu.memory_space<vmem>> -> memref<64x128xf32, #tpu.memory_space<vmem>>
        %dma_start3A_54 = arith.constant 0 : i32
        %dma_start3A_55 = tpu.memref_slice %arg12[%add3A, %dma_start3A_54] : memref<10240x128xf32, #tpu.memory_space<vmem_shared>> -> memref<64x128xf32, #tpu.memory_space<vmem_shared>>
        %dma_start3A_56 = arith.constant 0 : i32
        %dma_start3A_57 = arith.constant 0 : i32
        %dma_start3A_58 = tpu.memref_slice %arg15[%dma_start3A_56, %dma_start3A_57] : memref<128x128xf32, #tpu.memory_space<vmem>> -> memref<64x128xf32, #tpu.memory_space<vmem>>
        %dma_start3A_59 = arith.constant 0 : i32
        %dma_start3A_60 = tpu.memref_slice %arg12[%add3A, %dma_start3A_59] : memref<10240x128xf32, #tpu.memory_space<vmem_shared>> -> memref<64x128xf32, #tpu.memory_space<vmem_shared>>
        tpu.enqueue_dma source(%dma_start3A_60 : memref<64x128xf32, #tpu.memory_space<vmem_shared>>) target(%dma_start3A_58 : memref<64x128xf32, #tpu.memory_space<vmem>>) target_semaphore(%run_scoped3A : memref<!tpu.dma_semaphore, #tpu.memory_space<semaphore_mem>>)
        %dma_wait3A = arith.constant 0 : i32
        %dma_wait3A_61 = arith.constant 0 : i32
        %dma_wait3A_62 = tpu.memref_slice %arg15[%dma_wait3A, %dma_wait3A_61] : memref<128x128xf32, #tpu.memory_space<vmem>> -> memref<64x128xf32, #tpu.memory_space<vmem>>
        %dma_wait3A_63 = arith.constant 0 : i32
        %dma_wait3A_64 = tpu.memref_slice %arg12[%add3A, %dma_wait3A_63] : memref<10240x128xf32, #tpu.memory_space<vmem_shared>> -> memref<64x128xf32, #tpu.memory_space<vmem_shared>>
        %dma_wait3A_65 = arith.constant 0 : i32
        %dma_wait3A_66 = arith.constant 0 : i32
        %dma_wait3A_67 = tpu.memref_slice %arg15[%dma_wait3A_65, %dma_wait3A_66] : memref<128x128xf32, #tpu.memory_space<vmem>> -> memref<64x128xf32, #tpu.memory_space<vmem>>
        %dma_wait3A_68 = arith.constant 0 : i32
        %dma_wait3A_69 = tpu.memref_slice %arg12[%add3A, %dma_wait3A_68] : memref<10240x128xf32, #tpu.memory_space<vmem_shared>> -> memref<64x128xf32, #tpu.memory_space<vmem_shared>>
        tpu.wait_dma2 semaphore(%run_scoped3A : memref<!tpu.dma_semaphore, #tpu.memory_space<semaphore_mem>>) src(%dma_wait3A_69 : memref<64x128xf32, #tpu.memory_space<vmem_shared>>) dst(%dma_wait3A_67 : memref<64x128xf32, #tpu.memory_space<vmem>>)
        tpu.yield
      }) : () -> ()
      %scan3A_29 = arith.constant 0 : i32
      %scan3A_30 = arith.constant 0 : i32
      %scan3A_31 = arith.constant 64 : i32
      %scan3A_32 = arith.addi %scan3A_30, %scan3A_31 : i32
      %scan3A_33 = arith.constant 1 : i32
      scf.for %scan3A_52 = %scan3A_30 to %scan3A_32 step %scan3A_33  : i32 {
        %mul3A_53 = arith.constant 64 : i32
        %mul3A_54 = arith.muli %scan3A_26, %mul3A_53 : i32
        %add3A_55 = arith.addi %mul3A_54, %scan3A_52 : i32
        %get3A = arith.index_cast %add3A_55 : i32 to index
        %get3A_56 = tpu.vector_load %arg17[%get3A] {strides = array<i32>} : memref<656xf32, #tpu.memory_space<vmem>>, vector<16xf32>,
        %get3A_57 = vector.shape_cast %get3A_56 : vector<16xf32> to vector<16xf32>
        %slice3A = vector.extract_strided_slice %get3A_57 {offsets = [0], sizes = [1], strides = [1]} : vector<16xf32> to vector<1xf32>
        %squeeze3A = vector.extract %slice3A[0] : f32 from vector<1xf32>
        %mul3A_58 = arith.constant 64 : i32
        %mul3A_59 = arith.muli %scan3A_26, %mul3A_58 : i32
        %add3A_60 = arith.addi %mul3A_59, %scan3A_52 : i32
        %get3A_61 = arith.index_cast %add3A_60 : i32 to index
        %get3A_62 = tpu.vector_load %arg18[%get3A_61] {strides = array<i32>} : memref<656xf32, #tpu.memory_space<vmem>>, vector<16xf32>,
        %get3A_63 = vector.shape_cast %get3A_62 : vector<16xf32> to vector<16xf32>
        %slice3A_64 = vector.extract_strided_slice %get3A_63 {offsets = [0], sizes = [1], strides = [1]} : vector<16xf32> to vector<1xf32>
        %squeeze3A_65 = vector.extract %slice3A_64[0] : f32 from vector<1xf32>
        %get3A_66 = arith.index_cast %scan3A_52 : i32 to index
        %get3A_67 = arith.constant 0 : index
        %get3A_68 = tpu.vector_load %arg15[%get3A_66, %get3A_67] {strides = array<i32>} : memref<128x128xf32, #tpu.memory_space<vmem>>, vector<1x16xf32>,
        %get3A_69 = vector.shape_cast %get3A_68 : vector<1x16xf32> to vector<16xf32>
        %mul3A_70 = vector.broadcast %squeeze3A : f32 to vector<16xf32>
        %mul3A_71 = arith.mulf %get3A_69, %mul3A_70 : vector<16xf32>
        %swap3A = arith.index_cast %scan3A_52 : i32 to index
        %swap3A_72 = arith.constant 0 : index
        %swap3A_73 = tpu.vector_load %arg16[%swap3A, %swap3A_72] {strides = array<i32>} : memref<128x128xf32, #tpu.memory_space<vmem>>, vector<1x16xf32>,
        %swap3A_74 = vector.shape_cast %swap3A_73 : vector<1x16xf32> to vector<16xf32>
        %swap3A_75 = vector.shape_cast %mul3A_71 : vector<16xf32> to vector<1x16xf32>
        tpu.vector_store %arg16[%swap3A, %swap3A_72], %swap3A_75 {strides = array<i32>} : memref<128x128xf32, #tpu.memory_space<vmem>>, vector<1x16xf32>,
        %mul3A_76 = vector.broadcast %squeeze3A_65 : f32 to vector<16xf32>
        %mul3A_77 = arith.mulf %mul3A_71, %mul3A_76 : vector<16xf32>
        %swap3A_78 = arith.index_cast %scan3A_52 : i32 to index
        %swap3A_79 = arith.constant 0 : index
        %swap3A_80 = tpu.vector_load %arg15[%swap3A_78, %swap3A_79] {strides = array<i32>} : memref<128x128xf32, #tpu.memory_space<vmem>>, vector<1x16xf32>,
        %swap3A_81 = vector.shape_cast %swap3A_80 : vector<1x16xf32> to vector<16xf32>
        %swap3A_82 = vector.shape_cast %mul3A_77 : vector<16xf32> to vector<1x16xf32>
        tpu.vector_store %arg15[%swap3A_78, %swap3A_79], %swap3A_82 {strides = array<i32>} : memref<128x128xf32, #tpu.memory_space<vmem>>, vector<1x16xf32>,
        %get3A_83 = arith.index_cast %scan3A_52 : i32 to index
        %get3A_84 = arith.constant 16 : index
        %get3A_85 = tpu.vector_load %arg15[%get3A_83, %get3A_84] {strides = array<i32>} : memref<128x128xf32, #tpu.memory_space<vmem>>, vector<1x16xf32>,
        %get3A_86 = vector.shape_cast %get3A_85 : vector<1x16xf32> to vector<16xf32>
        %mul3A_87 = vector.broadcast %squeeze3A : f32 to vector<16xf32>
        %mul3A_88 = arith.mulf %get3A_86, %mul3A_87 : vector<16xf32>
        %swap3A_89 = arith.index_cast %scan3A_52 : i32 to index
        %swap3A_90 = arith.constant 16 : index
        %swap3A_91 = tpu.vector_load %arg16[%swap3A_89, %swap3A_90] {strides = array<i32>} : memref<128x128xf32, #tpu.memory_space<vmem>>, vector<1x16xf32>,
        %swap3A_92 = vector.shape_cast %swap3A_91 : vector<1x16xf32> to vector<16xf32>
        %swap3A_93 = vector.shape_cast %mul3A_88 : vector<16xf32> to vector<1x16xf32>
        tpu.vector_store %arg16[%swap3A_89, %swap3A_90], %swap3A_93 {strides = array<i32>} : memref<128x128xf32, #tpu.memory_space<vmem>>, vector<1x16xf32>,
        %mul3A_94 = vector.broadcast %squeeze3A_65 : f32 to vector<16xf32>
        %mul3A_95 = arith.mulf %mul3A_88, %mul3A_94 : vector<16xf32>
        %swap3A_96 = arith.index_cast %scan3A_52 : i32 to index
        %swap3A_97 = arith.constant 16 : index
        %swap3A_98 = tpu.vector_load %arg15[%swap3A_96, %swap3A_97] {strides = array<i32>} : memref<128x128xf32, #tpu.memory_space<vmem>>, vector<1x16xf32>,
        %swap3A_99 = vector.shape_cast %swap3A_98 : vector<1x16xf32> to vector<16xf32>
        %swap3A_100 = vector.shape_cast %mul3A_95 : vector<16xf32> to vector<1x16xf32>
        tpu.vector_store %arg15[%swap3A_96, %swap3A_97], %swap3A_100 {strides = array<i32>} : memref<128x128xf32, #tpu.memory_space<vmem>>, vector<1x16xf32>,
        %get3A_101 = arith.index_cast %scan3A_52 : i32 to index
        %get3A_102 = arith.constant 32 : index
        %get3A_103 = tpu.vector_load %arg15[%get3A_101, %get3A_102] {strides = array<i32>} : memref<128x128xf32, #tpu.memory_space<vmem>>, vector<1x16xf32>,
        %get3A_104 = vector.shape_cast %get3A_103 : vector<1x16xf32> to vector<16xf32>
        %mul3A_105 = vector.broadcast %squeeze3A : f32 to vector<16xf32>
        %mul3A_106 = arith.mulf %get3A_104, %mul3A_105 : vector<16xf32>
        %swap3A_107 = arith.index_cast %scan3A_52 : i32 to index
        %swap3A_108 = arith.constant 32 : index
        %swap3A_109 = tpu.vector_load %arg16[%swap3A_107, %swap3A_108] {strides = array<i32>} : memref<128x128xf32, #tpu.memory_space<vmem>>, vector<1x16xf32>,
        %swap3A_110 = vector.shape_cast %swap3A_109 : vector<1x16xf32> to vector<16xf32>
        %swap3A_111 = vector.shape_cast %mul3A_106 : vector<16xf32> to vector<1x16xf32>
        tpu.vector_store %arg16[%swap3A_107, %swap3A_108], %swap3A_111 {strides = array<i32>} : memref<128x128xf32, #tpu.memory_space<vmem>>, vector<1x16xf32>,
        %mul3A_112 = vector.broadcast %squeeze3A_65 : f32 to vector<16xf32>
        %mul3A_113 = arith.mulf %mul3A_106, %mul3A_112 : vector<16xf32>
        %swap3A_114 = arith.index_cast %scan3A_52 : i32 to index
        %swap3A_115 = arith.constant 32 : index
        %swap3A_116 = tpu.vector_load %arg15[%swap3A_114, %swap3A_115] {strides = array<i32>} : memref<128x128xf32, #tpu.memory_space<vmem>>, vector<1x16xf32>,
        %swap3A_117 = vector.shape_cast %swap3A_116 : vector<1x16xf32> to vector<16xf32>
        %swap3A_118 = vector.shape_cast %mul3A_113 : vector<16xf32> to vector<1x16xf32>
        tpu.vector_store %arg15[%swap3A_114, %swap3A_115], %swap3A_118 {strides = array<i32>} : memref<128x128xf32, #tpu.memory_space<vmem>>, vector<1x16xf32>,
        %get3A_119 = arith.index_cast %scan3A_52 : i32 to index
        %get3A_120 = arith.constant 48 : index
        %get3A_121 = tpu.vector_load %arg15[%get3A_119, %get3A_120] {strides = array<i32>} : memref<128x128xf32, #tpu.memory_space<vmem>>, vector<1x16xf32>,
        %get3A_122 = vector.shape_cast %get3A_121 : vector<1x16xf32> to vector<16xf32>
        %mul3A_123 = vector.broadcast %squeeze3A : f32 to vector<16xf32>
        %mul3A_124 = arith.mulf %get3A_122, %mul3A_123 : vector<16xf32>
        %swap3A_125 = arith.index_cast %scan3A_52 : i32 to index
        %swap3A_126 = arith.constant 48 : index
        %swap3A_127 = tpu.vector_load %arg16[%swap3A_125, %swap3A_126] {strides = array<i32>} : memref<128x128xf32, #tpu.memory_space<vmem>>, vector<1x16xf32>,
        %swap3A_128 = vector.shape_cast %swap3A_127 : vector<1x16xf32> to vector<16xf32>
        %swap3A_129 = vector.shape_cast %mul3A_124 : vector<16xf32> to vector<1x16xf32>
        tpu.vector_store %arg16[%swap3A_125, %swap3A_126], %swap3A_129 {strides = array<i32>} : memref<128x128xf32, #tpu.memory_space<vmem>>, vector<1x16xf32>,
        %mul3A_130 = vector.broadcast %squeeze3A_65 : f32 to vector<16xf32>
        %mul3A_131 = arith.mulf %mul3A_124, %mul3A_130 : vector<16xf32>
        %swap3A_132 = arith.index_cast %scan3A_52 : i32 to index
        %swap3A_133 = arith.constant 48 : index
        %swap3A_134 = tpu.vector_load %arg15[%swap3A_132, %swap3A_133] {strides = array<i32>} : memref<128x128xf32, #tpu.memory_space<vmem>>, vector<1x16xf32>,
        %swap3A_135 = vector.shape_cast %swap3A_134 : vector<1x16xf32> to vector<16xf32>
        %swap3A_136 = vector.shape_cast %mul3A_131 : vector<16xf32> to vector<1x16xf32>
        tpu.vector_store %arg15[%swap3A_132, %swap3A_133], %swap3A_136 {strides = array<i32>} : memref<128x128xf32, #tpu.memory_space<vmem>>, vector<1x16xf32>,
        %get3A_137 = arith.index_cast %scan3A_52 : i32 to index
        %get3A_138 = arith.constant 64 : index
        %get3A_139 = tpu.vector_load %arg15[%get3A_137, %get3A_138] {strides = array<i32>} : memref<128x128xf32, #tpu.memory_space<vmem>>, vector<1x16xf32>,
        %get3A_140 = vector.shape_cast %get3A_139 : vector<1x16xf32> to vector<16xf32>
        %mul3A_141 = vector.broadcast %squeeze3A : f32 to vector<16xf32>
        %mul3A_142 = arith.mulf %get3A_140, %mul3A_141 : vector<16xf32>
        %swap3A_143 = arith.index_cast %scan3A_52 : i32 to index
        %swap3A_144 = arith.constant 64 : index
        %swap3A_145 = tpu.vector_load %arg16[%swap3A_143, %swap3A_144] {strides = array<i32>} : memref<128x128xf32, #tpu.memory_space<vmem>>, vector<1x16xf32>,
        %swap3A_146 = vector.shape_cast %swap3A_145 : vector<1x16xf32> to vector<16xf32>
        %swap3A_147 = vector.shape_cast %mul3A_142 : vector<16xf32> to vector<1x16xf32>
        tpu.vector_store %arg16[%swap3A_143, %swap3A_144], %swap3A_147 {strides = array<i32>} : memref<128x128xf32, #tpu.memory_space<vmem>>, vector<1x16xf32>,
        %mul3A_148 = vector.broadcast %squeeze3A_65 : f32 to vector<16xf32>
        %mul3A_149 = arith.mulf %mul3A_142, %mul3A_148 : vector<16xf32>
        %swap3A_150 = arith.index_cast %scan3A_52 : i32 to index
        %swap3A_151 = arith.constant 64 : index
        %swap3A_152 = tpu.vector_load %arg15[%swap3A_150, %swap3A_151] {strides = array<i32>} : memref<128x128xf32, #tpu.memory_space<vmem>>, vector<1x16xf32>,
        %swap3A_153 = vector.shape_cast %swap3A_152 : vector<1x16xf32> to vector<16xf32>
        %swap3A_154 = vector.shape_cast %mul3A_149 : vector<16xf32> to vector<1x16xf32>
        tpu.vector_store %arg15[%swap3A_150, %swap3A_151], %swap3A_154 {strides = array<i32>} : memref<128x128xf32, #tpu.memory_space<vmem>>, vector<1x16xf32>,
        %get3A_155 = arith.index_cast %scan3A_52 : i32 to index
        %get3A_156 = arith.constant 80 : index
        %get3A_157 = tpu.vector_load %arg15[%get3A_155, %get3A_156] {strides = array<i32>} : memref<128x128xf32, #tpu.memory_space<vmem>>, vector<1x16xf32>,
        %get3A_158 = vector.shape_cast %get3A_157 : vector<1x16xf32> to vector<16xf32>
        %mul3A_159 = vector.broadcast %squeeze3A : f32 to vector<16xf32>
        %mul3A_160 = arith.mulf %get3A_158, %mul3A_159 : vector<16xf32>
        %swap3A_161 = arith.index_cast %scan3A_52 : i32 to index
        %swap3A_162 = arith.constant 80 : index
        %swap3A_163 = tpu.vector_load %arg16[%swap3A_161, %swap3A_162] {strides = array<i32>} : memref<128x128xf32, #tpu.memory_space<vmem>>, vector<1x16xf32>,
        %swap3A_164 = vector.shape_cast %swap3A_163 : vector<1x16xf32> to vector<16xf32>
        %swap3A_165 = vector.shape_cast %mul3A_160 : vector<16xf32> to vector<1x16xf32>
        tpu.vector_store %arg16[%swap3A_161, %swap3A_162], %swap3A_165 {strides = array<i32>} : memref<128x128xf32, #tpu.memory_space<vmem>>, vector<1x16xf32>,
        %mul3A_166 = vector.broadcast %squeeze3A_65 : f32 to vector<16xf32>
        %mul3A_167 = arith.mulf %mul3A_160, %mul3A_166 : vector<16xf32>
        %swap3A_168 = arith.index_cast %scan3A_52 : i32 to index
        %swap3A_169 = arith.constant 80 : index
        %swap3A_170 = tpu.vector_load %arg15[%swap3A_168, %swap3A_169] {strides = array<i32>} : memref<128x128xf32, #tpu.memory_space<vmem>>, vector<1x16xf32>,
        %swap3A_171 = vector.shape_cast %swap3A_170 : vector<1x16xf32> to vector<16xf32>
        %swap3A_172 = vector.shape_cast %mul3A_167 : vector<16xf32> to vector<1x16xf32>
        tpu.vector_store %arg15[%swap3A_168, %swap3A_169], %swap3A_172 {strides = array<i32>} : memref<128x128xf32, #tpu.memory_space<vmem>>, vector<1x16xf32>,
        %get3A_173 = arith.index_cast %scan3A_52 : i32 to index
        %get3A_174 = arith.constant 96 : index
        %get3A_175 = tpu.vector_load %arg15[%get3A_173, %get3A_174] {strides = array<i32>} : memref<128x128xf32, #tpu.memory_space<vmem>>, vector<1x16xf32>,
        %get3A_176 = vector.shape_cast %get3A_175 : vector<1x16xf32> to vector<16xf32>
        %mul3A_177 = vector.broadcast %squeeze3A : f32 to vector<16xf32>
        %mul3A_178 = arith.mulf %get3A_176, %mul3A_177 : vector<16xf32>
        %swap3A_179 = arith.index_cast %scan3A_52 : i32 to index
        %swap3A_180 = arith.constant 96 : index
        %swap3A_181 = tpu.vector_load %arg16[%swap3A_179, %swap3A_180] {strides = array<i32>} : memref<128x128xf32, #tpu.memory_space<vmem>>, vector<1x16xf32>,
        %swap3A_182 = vector.shape_cast %swap3A_181 : vector<1x16xf32> to vector<16xf32>
        %swap3A_183 = vector.shape_cast %mul3A_178 : vector<16xf32> to vector<1x16xf32>
        tpu.vector_store %arg16[%swap3A_179, %swap3A_180], %swap3A_183 {strides = array<i32>} : memref<128x128xf32, #tpu.memory_space<vmem>>, vector<1x16xf32>,
        %mul3A_184 = vector.broadcast %squeeze3A_65 : f32 to vector<16xf32>
        %mul3A_185 = arith.mulf %mul3A_178, %mul3A_184 : vector<16xf32>
        %swap3A_186 = arith.index_cast %scan3A_52 : i32 to index
        %swap3A_187 = arith.constant 96 : index
        %swap3A_188 = tpu.vector_load %arg15[%swap3A_186, %swap3A_187] {strides = array<i32>} : memref<128x128xf32, #tpu.memory_space<vmem>>, vector<1x16xf32>,
        %swap3A_189 = vector.shape_cast %swap3A_188 : vector<1x16xf32> to vector<16xf32>
        %swap3A_190 = vector.shape_cast %mul3A_185 : vector<16xf32> to vector<1x16xf32>
        tpu.vector_store %arg15[%swap3A_186, %swap3A_187], %swap3A_190 {strides = array<i32>} : memref<128x128xf32, #tpu.memory_space<vmem>>, vector<1x16xf32>,
        %get3A_191 = arith.index_cast %scan3A_52 : i32 to index
        %get3A_192 = arith.constant 112 : index
        %get3A_193 = tpu.vector_load %arg15[%get3A_191, %get3A_192] {strides = array<i32>} : memref<128x128xf32, #tpu.memory_space<vmem>>, vector<1x16xf32>,
        %get3A_194 = vector.shape_cast %get3A_193 : vector<1x16xf32> to vector<16xf32>
        %mul3A_195 = vector.broadcast %squeeze3A : f32 to vector<16xf32>
        %mul3A_196 = arith.mulf %get3A_194, %mul3A_195 : vector<16xf32>
        %swap3A_197 = arith.index_cast %scan3A_52 : i32 to index
        %swap3A_198 = arith.constant 112 : index
        %swap3A_199 = tpu.vector_load %arg16[%swap3A_197, %swap3A_198] {strides = array<i32>} : memref<128x128xf32, #tpu.memory_space<vmem>>, vector<1x16xf32>,
        %swap3A_200 = vector.shape_cast %swap3A_199 : vector<1x16xf32> to vector<16xf32>
        %swap3A_201 = vector.shape_cast %mul3A_196 : vector<16xf32> to vector<1x16xf32>
        tpu.vector_store %arg16[%swap3A_197, %swap3A_198], %swap3A_201 {strides = array<i32>} : memref<128x128xf32, #tpu.memory_space<vmem>>, vector<1x16xf32>,
        %mul3A_202 = vector.broadcast %squeeze3A_65 : f32 to vector<16xf32>
        %mul3A_203 = arith.mulf %mul3A_196, %mul3A_202 : vector<16xf32>
        %swap3A_204 = arith.index_cast %scan3A_52 : i32 to index
        %swap3A_205 = arith.constant 112 : index
        %swap3A_206 = tpu.vector_load %arg15[%swap3A_204, %swap3A_205] {strides = array<i32>} : memref<128x128xf32, #tpu.memory_space<vmem>>, vector<1x16xf32>,
        %swap3A_207 = vector.shape_cast %swap3A_206 : vector<1x16xf32> to vector<16xf32>
        %swap3A_208 = vector.shape_cast %mul3A_203 : vector<16xf32> to vector<1x16xf32>
        tpu.vector_store %arg15[%swap3A_204, %swap3A_205], %swap3A_208 {strides = array<i32>} : memref<128x128xf32, #tpu.memory_space<vmem>>, vector<1x16xf32>,
      }
      %scan3A_34 = arith.constant 64 : i32
      %eq3A = arith.constant 0 : i32
      %eq3A_35 = arith.cmpi eq, %arg0, %eq3A : i32
      %convert_element_type3A = arith.extui %eq3A_35 : i1 to i32
      %cond3A = arith.constant 0 : i32
      %cond3A_36 = arith.cmpi ne, %convert_element_type3A, %cond3A : i32
      scf.if %cond3A_36 {
        "tpu.region"() ({
          %run_scoped3A = tpu.sem_alloc : memref<!tpu.dma_semaphore, #tpu.memory_space<semaphore_mem>>
          %dma_start3A = arith.constant 0 : i32
          %dma_start3A_52 = arith.constant 0 : i32
          %dma_start3A_53 = tpu.memref_slice %arg16[%dma_start3A, %dma_start3A_52] : memref<128x128xf32, #tpu.memory_space<vmem>> -> memref<64x128xf32, #tpu.memory_space<vmem>>
          %dma_start3A_54 = arith.constant 0 : i32
          %dma_start3A_55 = tpu.memref_slice %arg8[%add3A, %dma_start3A_54] : memref<10240x128xf32, #tpu.memory_space<hbm>> -> memref<64x128xf32, #tpu.memory_space<hbm>>
          %dma_start3A_56 = arith.constant 0 : i32
          %dma_start3A_57 = tpu.memref_slice %arg8[%add3A, %dma_start3A_56] : memref<10240x128xf32, #tpu.memory_space<hbm>> -> memref<64x128xf32, #tpu.memory_space<hbm>>
          %dma_start3A_58 = arith.constant 0 : i32
          %dma_start3A_59 = arith.constant 0 : i32
          %dma_start3A_60 = tpu.memref_slice %arg16[%dma_start3A_58, %dma_start3A_59] : memref<128x128xf32, #tpu.memory_space<vmem>> -> memref<64x128xf32, #tpu.memory_space<vmem>>
          tpu.enqueue_dma source(%dma_start3A_60 : memref<64x128xf32, #tpu.memory_space<vmem>>) target(%dma_start3A_57 : memref<64x128xf32, #tpu.memory_space<hbm>>) target_semaphore(%run_scoped3A : memref<!tpu.dma_semaphore, #tpu.memory_space<semaphore_mem>>)
          %dma_wait3A = arith.constant 0 : i32
          %dma_wait3A_61 = arith.constant 0 : i32
          %dma_wait3A_62 = tpu.memref_slice %arg16[%dma_wait3A, %dma_wait3A_61] : memref<128x128xf32, #tpu.memory_space<vmem>> -> memref<64x128xf32, #tpu.memory_space<vmem>>
          %dma_wait3A_63 = arith.constant 0 : i32
          %dma_wait3A_64 = tpu.memref_slice %arg8[%add3A, %dma_wait3A_63] : memref<10240x128xf32, #tpu.memory_space<hbm>> -> memref<64x128xf32, #tpu.memory_space<hbm>>
          %dma_wait3A_65 = arith.constant 0 : i32
          %dma_wait3A_66 = tpu.memref_slice %arg8[%add3A, %dma_wait3A_65] : memref<10240x128xf32, #tpu.memory_space<hbm>> -> memref<64x128xf32, #tpu.memory_space<hbm>>
          %dma_wait3A_67 = arith.constant 0 : i32
          %dma_wait3A_68 = arith.constant 0 : i32
          %dma_wait3A_69 = tpu.memref_slice %arg16[%dma_wait3A_67, %dma_wait3A_68] : memref<128x128xf32, #tpu.memory_space<vmem>> -> memref<64x128xf32, #tpu.memory_space<vmem>>
          tpu.wait_dma2 semaphore(%run_scoped3A : memref<!tpu.dma_semaphore, #tpu.memory_space<semaphore_mem>>) src(%dma_wait3A_69 : memref<64x128xf32, #tpu.memory_space<vmem>>) dst(%dma_wait3A_66 : memref<64x128xf32, #tpu.memory_space<hbm>>)
          tpu.yield
        }) : () -> ()
      } else {
      }
      %eq3A_37 = arith.constant 1 : i32
      %eq3A_38 = arith.cmpi eq, %arg0, %eq3A_37 : i32
      %convert_element_type3A_39 = arith.extui %eq3A_38 : i1 to i32
      %cond3A_40 = arith.constant 0 : i32
      %cond3A_41 = arith.cmpi ne, %convert_element_type3A_39, %cond3A_40 : i32
      scf.if %cond3A_41 {
        "tpu.region"() ({
          %run_scoped3A = tpu.sem_alloc : memref<!tpu.dma_semaphore, #tpu.memory_space<semaphore_mem>>
          %dma_start3A = arith.constant 0 : i32
          %dma_start3A_52 = arith.constant 0 : i32
          %dma_start3A_53 = tpu.memref_slice %arg16[%dma_start3A, %dma_start3A_52] : memref<128x128xf32, #tpu.memory_space<vmem>> -> memref<64x128xf32, #tpu.memory_space<vmem>>
          %dma_start3A_54 = arith.constant 0 : i32
          %dma_start3A_55 = tpu.memref_slice %arg9[%add3A, %dma_start3A_54] : memref<10240x128xf32, #tpu.memory_space<hbm>> -> memref<64x128xf32, #tpu.memory_space<hbm>>
          %dma_start3A_56 = arith.constant 0 : i32
          %dma_start3A_57 = tpu.memref_slice %arg9[%add3A, %dma_start3A_56] : memref<10240x128xf32, #tpu.memory_space<hbm>> -> memref<64x128xf32, #tpu.memory_space<hbm>>
          %dma_start3A_58 = arith.constant 0 : i32
          %dma_start3A_59 = arith.constant 0 : i32
          %dma_start3A_60 = tpu.memref_slice %arg16[%dma_start3A_58, %dma_start3A_59] : memref<128x128xf32, #tpu.memory_space<vmem>> -> memref<64x128xf32, #tpu.memory_space<vmem>>
          tpu.enqueue_dma source(%dma_start3A_60 : memref<64x128xf32, #tpu.memory_space<vmem>>) target(%dma_start3A_57 : memref<64x128xf32, #tpu.memory_space<hbm>>) target_semaphore(%run_scoped3A : memref<!tpu.dma_semaphore, #tpu.memory_space<semaphore_mem>>)
          %dma_wait3A = arith.constant 0 : i32
          %dma_wait3A_61 = arith.constant 0 : i32
          %dma_wait3A_62 = tpu.memref_slice %arg16[%dma_wait3A, %dma_wait3A_61] : memref<128x128xf32, #tpu.memory_space<vmem>> -> memref<64x128xf32, #tpu.memory_space<vmem>>
          %dma_wait3A_63 = arith.constant 0 : i32
          %dma_wait3A_64 = tpu.memref_slice %arg9[%add3A, %dma_wait3A_63] : memref<10240x128xf32, #tpu.memory_space<hbm>> -> memref<64x128xf32, #tpu.memory_space<hbm>>
          %dma_wait3A_65 = arith.constant 0 : i32
          %dma_wait3A_66 = tpu.memref_slice %arg9[%add3A, %dma_wait3A_65] : memref<10240x128xf32, #tpu.memory_space<hbm>> -> memref<64x128xf32, #tpu.memory_space<hbm>>
          %dma_wait3A_67 = arith.constant 0 : i32
          %dma_wait3A_68 = arith.constant 0 : i32
          %dma_wait3A_69 = tpu.memref_slice %arg16[%dma_wait3A_67, %dma_wait3A_68] : memref<128x128xf32, #tpu.memory_space<vmem>> -> memref<64x128xf32, #tpu.memory_space<vmem>>
          tpu.wait_dma2 semaphore(%run_scoped3A : memref<!tpu.dma_semaphore, #tpu.memory_space<semaphore_mem>>) src(%dma_wait3A_69 : memref<64x128xf32, #tpu.memory_space<vmem>>) dst(%dma_wait3A_66 : memref<64x128xf32, #tpu.memory_space<hbm>>)
          tpu.yield
        }) : () -> ()
      } else {
      }
      %eq3A_42 = arith.constant 0 : i32
      %eq3A_43 = arith.cmpi eq, %arg0, %eq3A_42 : i32
      %convert_element_type3A_44 = arith.extui %eq3A_43 : i1 to i32
      %cond3A_45 = arith.constant 0 : i32
      %cond3A_46 = arith.cmpi ne, %convert_element_type3A_44, %cond3A_45 : i32
      scf.if %cond3A_46 {
        "tpu.region"() ({
          %run_scoped3A = tpu.sem_alloc : memref<!tpu.dma_semaphore, #tpu.memory_space<semaphore_mem>>
          %dma_start3A = arith.constant 0 : i32
          %dma_start3A_52 = arith.constant 0 : i32
          %dma_start3A_53 = tpu.memref_slice %arg15[%dma_start3A, %dma_start3A_52] : memref<128x128xf32, #tpu.memory_space<vmem>> -> memref<64x128xf32, #tpu.memory_space<vmem>>
          %dma_start3A_54 = arith.constant 0 : i32
          %dma_start3A_55 = tpu.memref_slice %arg10[%add3A, %dma_start3A_54] : memref<10240x128xf32, #tpu.memory_space<hbm>> -> memref<64x128xf32, #tpu.memory_space<hbm>>
          %dma_start3A_56 = arith.constant 0 : i32
          %dma_start3A_57 = tpu.memref_slice %arg10[%add3A, %dma_start3A_56] : memref<10240x128xf32, #tpu.memory_space<hbm>> -> memref<64x128xf32, #tpu.memory_space<hbm>>
          %dma_start3A_58 = arith.constant 0 : i32
          %dma_start3A_59 = arith.constant 0 : i32
          %dma_start3A_60 = tpu.memref_slice %arg15[%dma_start3A_58, %dma_start3A_59] : memref<128x128xf32, #tpu.memory_space<vmem>> -> memref<64x128xf32, #tpu.memory_space<vmem>>
          tpu.enqueue_dma source(%dma_start3A_60 : memref<64x128xf32, #tpu.memory_space<vmem>>) target(%dma_start3A_57 : memref<64x128xf32, #tpu.memory_space<hbm>>) target_semaphore(%run_scoped3A : memref<!tpu.dma_semaphore, #tpu.memory_space<semaphore_mem>>)
          %dma_wait3A = arith.constant 0 : i32
          %dma_wait3A_61 = arith.constant 0 : i32
          %dma_wait3A_62 = tpu.memref_slice %arg15[%dma_wait3A, %dma_wait3A_61] : memref<128x128xf32, #tpu.memory_space<vmem>> -> memref<64x128xf32, #tpu.memory_space<vmem>>
          %dma_wait3A_63 = arith.constant 0 : i32
          %dma_wait3A_64 = tpu.memref_slice %arg10[%add3A, %dma_wait3A_63] : memref<10240x128xf32, #tpu.memory_space<hbm>> -> memref<64x128xf32, #tpu.memory_space<hbm>>
          %dma_wait3A_65 = arith.constant 0 : i32
          %dma_wait3A_66 = tpu.memref_slice %arg10[%add3A, %dma_wait3A_65] : memref<10240x128xf32, #tpu.memory_space<hbm>> -> memref<64x128xf32, #tpu.memory_space<hbm>>
          %dma_wait3A_67 = arith.constant 0 : i32
          %dma_wait3A_68 = arith.constant 0 : i32
          %dma_wait3A_69 = tpu.memref_slice %arg15[%dma_wait3A_67, %dma_wait3A_68] : memref<128x128xf32, #tpu.memory_space<vmem>> -> memref<64x128xf32, #tpu.memory_space<vmem>>
          tpu.wait_dma2 semaphore(%run_scoped3A : memref<!tpu.dma_semaphore, #tpu.memory_space<semaphore_mem>>) src(%dma_wait3A_69 : memref<64x128xf32, #tpu.memory_space<vmem>>) dst(%dma_wait3A_66 : memref<64x128xf32, #tpu.memory_space<hbm>>)
          tpu.yield
        }) : () -> ()
      } else {
      }
      %eq3A_47 = arith.constant 1 : i32
      %eq3A_48 = arith.cmpi eq, %arg0, %eq3A_47 : i32
      %convert_element_type3A_49 = arith.extui %eq3A_48 : i1 to i32
      %cond3A_50 = arith.constant 0 : i32
      %cond3A_51 = arith.cmpi ne, %convert_element_type3A_49, %cond3A_50 : i32
      scf.if %cond3A_51 {
        "tpu.region"() ({
          %run_scoped3A = tpu.sem_alloc : memref<!tpu.dma_semaphore, #tpu.memory_space<semaphore_mem>>
          %dma_start3A = arith.constant 0 : i32
          %dma_start3A_52 = arith.constant 0 : i32
          %dma_start3A_53 = tpu.memref_slice %arg15[%dma_start3A, %dma_start3A_52] : memref<128x128xf32, #tpu.memory_space<vmem>> -> memref<64x128xf32, #tpu.memory_space<vmem>>
          %dma_start3A_54 = arith.constant 0 : i32
          %dma_start3A_55 = tpu.memref_slice %arg11[%add3A, %dma_start3A_54] : memref<10240x128xf32, #tpu.memory_space<hbm>> -> memref<64x128xf32, #tpu.memory_space<hbm>>
          %dma_start3A_56 = arith.constant 0 : i32
          %dma_start3A_57 = tpu.memref_slice %arg11[%add3A, %dma_start3A_56] : memref<10240x128xf32, #tpu.memory_space<hbm>> -> memref<64x128xf32, #tpu.memory_space<hbm>>
          %dma_start3A_58 = arith.constant 0 : i32
          %dma_start3A_59 = arith.constant 0 : i32
          %dma_start3A_60 = tpu.memref_slice %arg15[%dma_start3A_58, %dma_start3A_59] : memref<128x128xf32, #tpu.memory_space<vmem>> -> memref<64x128xf32, #tpu.memory_space<vmem>>
          tpu.enqueue_dma source(%dma_start3A_60 : memref<64x128xf32, #tpu.memory_space<vmem>>) target(%dma_start3A_57 : memref<64x128xf32, #tpu.memory_space<hbm>>) target_semaphore(%run_scoped3A : memref<!tpu.dma_semaphore, #tpu.memory_space<semaphore_mem>>)
          %dma_wait3A = arith.constant 0 : i32
          %dma_wait3A_61 = arith.constant 0 : i32
          %dma_wait3A_62 = tpu.memref_slice %arg15[%dma_wait3A, %dma_wait3A_61] : memref<128x128xf32, #tpu.memory_space<vmem>> -> memref<64x128xf32, #tpu.memory_space<vmem>>
          %dma_wait3A_63 = arith.constant 0 : i32
          %dma_wait3A_64 = tpu.memref_slice %arg11[%add3A, %dma_wait3A_63] : memref<10240x128xf32, #tpu.memory_space<hbm>> -> memref<64x128xf32, #tpu.memory_space<hbm>>
          %dma_wait3A_65 = arith.constant 0 : i32
          %dma_wait3A_66 = tpu.memref_slice %arg11[%add3A, %dma_wait3A_65] : memref<10240x128xf32, #tpu.memory_space<hbm>> -> memref<64x128xf32, #tpu.memory_space<hbm>>
          %dma_wait3A_67 = arith.constant 0 : i32
          %dma_wait3A_68 = arith.constant 0 : i32
          %dma_wait3A_69 = tpu.memref_slice %arg15[%dma_wait3A_67, %dma_wait3A_68] : memref<128x128xf32, #tpu.memory_space<vmem>> -> memref<64x128xf32, #tpu.memory_space<vmem>>
          tpu.wait_dma2 semaphore(%run_scoped3A : memref<!tpu.dma_semaphore, #tpu.memory_space<semaphore_mem>>) src(%dma_wait3A_69 : memref<64x128xf32, #tpu.memory_space<vmem>>) dst(%dma_wait3A_66 : memref<64x128xf32, #tpu.memory_space<hbm>>)
          tpu.yield
        }) : () -> ()
      } else {
      }
    }
    %scan3A_25 = arith.constant 10 : i32
    return
  }
}

</mosaic_0001>

<sc_bundles>
// kernel: gcn_layer1.3.cloned.1.call-start
scs
__scs_entry_jumppad:
0x0: {  	(pc) =	sbr.rel $0x88, $3  }
0x1: {  	(tag) =	ssettag $0x0;
	lr =	simm.s32 $0x1  }
0x2: {  	[smem:$0x3F9E] =	sst lr;
	_ =	strace $0xD0000000  }
0x3: {  	_ = 	snop  }
0x4: {  	_ = 	snop  }
0x5: {  	_ = 	snop  }
0x6: {  	_ = 	snop  }
0x7: {  	_ = 	snop  }
__scs_overlays_trampoline_lowered:
0x8: {  	[smem:$0x3FAD] =	sst s0  }
0x9: {  	[smem:$0x3FAE] =	sst s1  }
0xa: {  	[smem:$0x3FAF] =	sst s2  }
0xb: {  	[smem:$0x3FB0] =	sst s3  }
0xc: {  	[smem:$0x3FB1] =	sst s4  }
0xd: {  	[smem:$0x3FB2] =	sst s5  }
0xe: {  	[smem:$0x3FB3] =	sst s6  }
0xf: {  	[smem:$0x3FB4] =	sst s7  }
0x10: {  	[smem:$0x3FB5] =	sst s8  }
0x11: {  	[smem:$0x3FB6] =	sst s9;
	s0 =	simm.s32 @!p0 $0x0  }
0x12: {  	s1 =	sld [smem:$0x3F9C];
	s0 =	simm.s32 @p0 $0x1  }
0x13: {  	[smem:$0x3FB7] =	sst s0;
	s0 =	simm.s32 @!p1 $0x0  }
0x14: {  	s2 =	sld [smem:$0x3F9B];
	s0 =	simm.s32 @p1 $0x1  }
0x15: {  	[smem:$0x3FB8] =	sst s0;
	s0 =	simm.s32 @!p2 $0x0  }
0x16: {  	s3 =	sld [smem:$0x3FDB];
	s0 =	simm.s32 @p2 $0x1  }
0x17: {  	s4 =	simm.s32 $0x1BF5;
	[smem:$0x3FBA] =	sst s0  }
0x18: {  	s0 =	sld [smem:$0x3F9D];
	_ =	swait.ge [sflag:s4], $0x0  }
0x19: {  	s7 =	sld [smem:$0x3F9E]  }
0x1a: {  	s8 =	sadd.s32 $0xFFFFE003, lr  }
0x1b: {  	s9 =	sadd.s32 $0xFFFFFEF7, lr;
	s5 =	simm.s32 $0xFFFFFFFF;
	p2 =	slt.u32 s8, $0xFFFFF086  }
0x1c: {  	p1 =	slt.u32 s9, $0xF7A;
	s5 =	simm.s32 @!p2 $0x0  }
0x1d: {  	s5 =	simm.s32 @p1 $0x1;
	p0 =	seq.s32 s7, s2  }
0x1e: {  	s7 =	smul.u32 @!p0 $0xF7A, s2;
	p2 =	seq.s32 @!p0 s5, $0x0  }
0x1f: {  	s9 =	smul.u32 $0xF7A, s1;
	s8 =	simm.s32 @!p0 $0x1BF5;
	p2 =	por !p2, p0  }
0x20: {  	[sflag:s8] =	ssyncset.s32 @!p0 $0xFFFFF086;
	s6 =	sadd.s32 @!p0 s3, s7;
	s7 =	simm.s32 @!p0 $0x108  }
0x21: {  	s3 =	sadd.s32 s3, s9;
	s6 =	sadd.s32 @!p0 $0x88, s6;
	s7 =	simm.s32 @p2 $0x1082  }
0x22: {  	[simem:s7], [sflag:s8] =	dma.local @!p0 [hbm:s6], $0xF7A  }
0x23: {  	s9 =	sor.u32 $0xD0000000, s2;
	s6 =	simm.s32 $0x108;
	_ =	swait.ge @!p0 [sflag:s8], $0x0  }
0x24: {  	s3 =	sadd.s32 $0x88, s3;
	s6 =	simm.s32 @!p1 $0x1082;
	[sflag:s4] =	ssyncset.s32 $0xFFFFF086  }
0x25: {  	[simem:s6], [sflag:s4] =	dma.local [hbm:s3], $0xF7A  }
0x26: {  	[smem:$0x3F9E] =	sst s1;
	(tag) =	ssettag s2;
	_ =	strace s9  }
0x27: {  	s1 =	sld [smem:$0x3FAE]  }
0x28: {  	s2 =	sld [smem:$0x3FAF]  }
0x29: {  	s4 =	sld [smem:$0x3FB1]  }
0x2a: {  	p0 =	seq.s32 s5, $0x0;
	s5 =	sld [smem:$0x3FB2]  }
0x2b: {  	s6 =	sld [smem:$0x3FB3]  }
0x2c: {  	s7 =	sld [smem:$0x3FB4]  }
0x2d: {  	s3 =	simm.s32 $0x108;
	s8 =	sld [smem:$0x3FB5]  }
0x2e: {  	s3 =	simm.s32 @!p0 $0x1082;
	s9 =	sld [smem:$0x3FB6]  }
0x2f: {  	lr =	sadd.s32 s0, s3;
	s0 =	sld [smem:$0x3FAD]  }
0x30: {  	s3 =	sld [smem:$0x3FB0]  }
0x31: {  	[smem:$0x3FB9] =	sst s10  }
0x32: {  	s10 =	sld [smem:$0x3FB7];
	_ =	sdelay $0x3  }
0x33: {  	p0 =	seq.s32 s10, $0x1;
	s10 =	sld [smem:$0x3FB9];
	_ =	sdelay $0x3  }
0x34: {  	[smem:$0x3FB9] =	sst s10  }
0x35: {  	s10 =	sld [smem:$0x3FB8];
	_ =	sdelay $0x3  }
0x36: {  	p1 =	seq.s32 s10, $0x1;
	s10 =	sld [smem:$0x3FB9];
	_ =	sdelay $0x3  }
0x37: {  	[smem:$0x3FB9] =	sst s10  }
0x38: {  	s10 =	sld [smem:$0x3FBA]  }
0x39: {  	_ = 	snop;
	(pc) =	sbr.ind lr, $3  }
0x3a: {  	_ = 	snop  }
0x3b: {  	_ = 	snop  }
0x3c: {  	p2 =	seq.s32 s10, $0x1;
	s10 =	sld [smem:$0x3FB9]  }
0x3d: {  	_ =	shalt  }
0x3e: {  	_ =	shalt  }
0x3f: {  	_ =	shalt  }
0x40: {  	_ =	shalt  }
0x41: {  	_ =	shalt  }
0x42: {  	_ =	shalt  }
0x43: {  	_ =	shalt  }
0x44: {  	_ =	shalt  }
0x45: {  	_ =	shalt  }
0x46: {  	_ =	shalt  }
0x47: {  	_ =	shalt  }
0x48: {  	_ =	shalt  }
0x49: {  	_ =	shalt  }
0x4a: {  	_ =	shalt  }
0x4b: {  	_ =	shalt  }
0x4c: {  	_ =	shalt  }
0x4d: {  	_ =	shalt  }
0x4e: {  	_ =	shalt  }
0x4f: {  	_ =	shalt  }
0x50: {  	_ =	shalt  }
0x51: {  	_ =	shalt  }
0x52: {  	_ =	shalt  }
0x53: {  	_ =	shalt  }
0x54: {  	_ =	shalt  }
0x55: {  	_ =	shalt  }
0x56: {  	_ =	shalt  }
0x57: {  	_ =	shalt  }
0x58: {  	_ =	shalt  }
0x59: {  	_ =	shalt  }
0x5a: {  	_ =	shalt  }
0x5b: {  	_ =	shalt  }
0x5c: {  	_ =	shalt  }
0x5d: {  	_ =	shalt  }
0x5e: {  	_ =	shalt  }
0x5f: {  	_ =	shalt  }
0x60: {  	_ =	shalt  }
0x61: {  	_ =	shalt  }
0x62: {  	_ =	shalt  }
0x63: {  	_ =	shalt  }
0x64: {  	_ =	shalt  }
0x65: {  	_ =	shalt  }
0x66: {  	_ =	shalt  }
0x67: {  	_ =	shalt  }
0x68: {  	_ =	shalt  }
0x69: {  	_ =	shalt  }
0x6a: {  	_ =	shalt  }
0x6b: {  	_ =	shalt  }
0x6c: {  	_ =	shalt  }
0x6d: {  	_ =	shalt  }
0x6e: {  	_ =	shalt  }
0x6f: {  	_ =	shalt  }
0x70: {  	_ =	shalt  }
0x71: {  	_ =	shalt  }
0x72: {  	_ =	shalt  }
0x73: {  	_ =	shalt  }
0x74: {  	_ =	shalt  }
0x75: {  	_ =	shalt  }
0x76: {  	_ =	shalt  }
0x77: {  	_ =	shalt  }
0x78: {  	_ =	shalt  }
0x79: {  	_ =	shalt  }
0x7a: {  	_ =	shalt  }
0x7b: {  	_ =	shalt  }
0x7c: {  	_ =	shalt  }
0x7d: {  	_ =	shalt  }
0x7e: {  	_ =	shalt  }
0x7f: {  	_ =	shalt  }
0x80: {  	_ =	shalt  }
0x81: {  	_ =	shalt  }
0x82: {  	_ =	shalt  }
0x83: {  	_ =	shalt  }
0x84: {  	_ =	shalt  }
0x85: {  	_ =	shalt  }
0x86: {  	_ =	shalt  }
0x87: {  	_ =	shalt  }
.Lfunc_end0:
.L_simem_size_0:
called_computation.1_lowered:
.L_overlay_start_0:
0x88: {  	s2 =	sld [smem:$0x3FD9]  }
0x89: {  	s3 =	sld [smem:$0x3FFE];
	_ =	sdelay $0x1  }
0x8a: {  	s1 =	srdreg.scid  }
0x8b: {  	s0 =	sand.u32 $0x1, s1  }
0x8c: {  	s14 =	sshll.u32 s0, $0xA;
	s2 =	sadd.s32 s3, s2  }
0x8d: {  	s2 =	sadd.s32 s2, s14  }
0x8e: {  	[smem:$0x3FC5] =	sst s2  }
0x8f: {  	_ = 	snop  }
0x90: {  	s2 =	sld [smem:$0x3FD0];
	_ =	sdelay $0x2  }
0x91: {  	s15 =	simm.s32 $0xA;
	s4 =	simm.s32 $0x10  }
0x92: {  	[smem:s4], [sflag:s15] =	dma.local [hbm:s2], $0x1  }
0x93: {  	_ =	swait.eq [sflag:s15], $0x1  }
0x94: {  	[sflag:s15] =	ssyncset.done $0x0  }
0x95: {  	s16 =	sld [smem:$0x10];
	[sflag:s15] =	ssyncadd.s32 $0xFFFFFFFF  }
0x96: {  	s17 =	sld [smem:$0x11];
	(tm) =	ssettm $0x1  }
0x97: {  	s18 =	sld [smem:$0x3FFB];
	_ =	sdelay $0x3  }
0x98: {  	_ =	strace s18  }
0x99: {  	s4 =	sld [smem:$0x3FFC];
	_ =	sdelay $0x3  }
0x9a: {  	_ =	strace s4  }
0x9b: {  	s4 =	sld [smem:$0x3FFD];
	_ =	sdelay $0x3  }
0x9c: {  	_ =	strace s4  }
0x9d: {  	_ =	strace $0x8FFFFFFF  }
0x9e: {  	s19 =	sld [smem:$0x3FDB];
	_ =	sdelay $0x1  }
0x9f: {  	s5 =	simm.s32 $_scs_section_size  }
0xa0: {  	s6 =	simm.s32 $_size__tile_overlayer_lowered;
	s7 =	simm.s32 $_tile_overlayer_lowered  }
0xa1: {  	s22 =	simm.s32 $0x1BFF;
	s21 =	sshll.u32 s7, $0x1;
	s4 =	sadd.s32 s5, s19  }
0xa2: {  	s8 =	simm.s32 $0x0;
	s20 =	sshll.u32 s6, $0x1;
	s6 =	sadd.s32 s21, s4  }
0xa3: {  	[timem:s8], [sflag:s22] =	dma.local [hbm:s6], s20  }
0xa4: {  	_ =	swait.ge [sflag:s22], s20  }
0xa5: {  	s5 =	ssub.s32 $0x0, s20;
	[sflag:s22] =	ssyncset.done $0x0  }
0xa6: {  	[sflag:s22] =	ssyncadd.s32 s5;
	_ =	sdelay $0x1  }
0xa7: {  	s23 =	simm.s32 $0x1B8B  }
0xa8: {  	_ =	swait.ge [sflag:s23], $0x1  }
0xa9: {  	[sflag:s23] =	ssyncset.done $0x0  }
0xaa: {  	s25 =	simm.s32 $0x1B8E;
	s24 =	sld [smem:$0x3FFE];
	[sflag:s23] =	ssyncadd.s32 $0xFFFFFFFF  }
0xab: {  	s26 =	simm.s32 $execute0_lowered;
	[smem:$0x3FD2] =	sst s25  }
0xac: {  	s6 =	sshll.u32 s26, $0x1;
	_ =	strace $0x80000049;
	[dreg:$0x1] =	wrdreg $0xFFFFFFFF  }
0xad: {  	s28 =	simm.s32 $_size_execute0_lowered;
	s4 =	sadd.s32 s4, s6;
	[dreg:$0x0] =	wrdreg $0x0  }
0xae: {  	s6 =	sshll.u32 s28, $0x1;
	[dreg:$0x2] =	wrdreg s4  }
0xaf: {  	[dreg:$0x3] =	wrdreg s6  }
0xb0: {  	[dreg:$0x4] =	wrdreg $0xC0  }
0xb1: {  	_ =	task [dreg:s8], $0x5FFFF  }
0xb2: {  	[dreg:$0x1] =	wrdreg $0xFFFFFFFF  }
0xb3: {  	[dreg:$0x0] =	wrdreg $0x60  }
0xb4: {  	[dreg:$0x2] =	wrdreg s24  }
0xb5: {  	[dreg:$0x3] =	wrdreg s17  }
0xb6: {  	[dreg:$0x4] =	wrdreg s16  }
0xb7: {  	[dreg:$0x5] =	wrdreg $0x0  }
0xb8: {  	[dreg:$0x6] =	wrdreg $0x9  }
0xb9: {  	_ =	task.clear_ibuf [dreg:s8], $0x7FFFF;
	_ =	strace $0x90000049  }
0xba: {  	s29 =	simm.s32 $0x9;
	_ =	strace $0x8000004B  }
0xbb: {  	_ =	swait.ge [sflag:s29], $0x1  }
0xbc: {  	[sflag:s29] =	ssyncadd.s32 $0xFFFFFFFF  }
0xbd: {  	_ =	strace $0x9000004B  }
0xbe: {  	_ =	sfence  }
0xbf: {  	s30 =	sld [smem:$0x0];
	_ =	sdelay $0x2  }
0xc0: {  	s31 =	sshll.u32 s1, $0xD;
	s1 =	sshrl.u32 s1, $0x2  }
0xc1: {  	s3 =	sand.u32 $0x4000, s31;
	s1 =	sadd.s32 s1, s30  }
0xc2: {  	s0 =	sor.u32 s3, s0;
	s1 =	sshll.u32 s1, $0x11  }
0xc3: {  	s0 =	sor.u32 s1, s0  }
0xc4: {  	s0 =	sadd.s32 $0x8F2B, s0  }
0xc5: {  	[sflag:s0] =	ssyncadd.remote.s32 $0x1  }
0xc6: {  	_ =	sfence.sel $0xFFFF  }
0xc7: {  	[dreg:$0x0] =	wrdreg $0xFFFFFFFF;
	(pc) =	sbr.abs _section_cstart, $3  }
0xc8: {  	[dreg:$0x1] =	wrdreg $0xFFFFFFFF  }
0xc9: {  	_ =	task.clear_ibuf [dreg:s8], $0x2FFFF;
	_ =	strace $0x9FFFFFFF  }
0xca: {  	(tm) =	ssettm $0x7FFFFFFF  }
0xcb: {  	_ =	shalt  }
tec
execute0_lowered:
.L_overlay_start_1:
0x0: {  	(tag) =	ssettag $0x1  }
0x1: {  	s0 =	rddreg [dreg:$0x0]  }
0x2: {  	s1 =	rddreg [dreg:$0x1]  }
0x3: {  	s9 =	rddreg [dreg:$0x2]  }
0x4: {  	s2 =	rddreg [dreg:$0x3]  }
0x5: {  	s3 =	simm.s32 $0x0;
	s17 =	stileid.u32;
	s7 =	srdreg.scid  }
0x6: {  	s29 =	simm.s32 $0x1A800;
	s30 =	simm.s32 $0x2;
	s31 =	simm.s32 $0x3  }
0x7: {  	[smem:$0x7FF] =	sst s3;
	s4 =	smul.u32 $0x280, s17;
	s10 =	sadd.s32 $0x52800, s0  }
0x8: {  	s5 =	sadd.s32 $0x7A800, s0;
	s12 =	sand.u32 $0x1, s7;
	s18 =	smul.u32 $0x50000, s17  }
0x9: {  	s13 =	sadd.s32 $0xA2E00, s0;
	s14 =	sadd.s32 $0xF2E00, s0;
	s7 =	sadd.s32 $0x11AE00, s0  }
0xa: {  	s23 =	smul.u32 $0x500, s17;
	_ =	strace $0x8000004A;
	s8 =	ssub.s32 $0x2, s12  }
0xb: {  	p0 =	seq.s32 s12, $0x0;
	s6 =	sshrl.u32 s4, $0x3;
	s15 =	sshrl.u32 s8, $0x1  }
0xc: {  	s16 =	sshrl.u32 s18, $0x2;
	s26 =	sadd.s32 s1, s23;
	s28 =	sadd.s32 s9, s23  }
0xd: {  	s5 =	smov.u32 @p0 s10;
	s7 =	smov.u32 @p0 s14;
	[dreg:$0xd] =	wrdreg s26  }
0xe: {  	s11 =	sadd.s32 s6, s0;
	s20 =	sadd.s32 s16, s2;
	[dreg:$0xe] =	wrdreg s28  }
0xf: {  	s10 =	simm.s32 $0x0;
	s21 =	sadd.s32 $0xA2800, s11;
	[dreg:$0x5] =	wrdreg s20  }
0x10: {  	s19 =	ssub.s32 s8, s15;
	s11 =	sadd.s32 $0x52200, s11;
	[dreg:$0x6] =	wrdreg s21  }
0x11: {  	s6 =	sadd.s32 $0xCAE00, s0;
	s0 =	smax.u32 s19, $0x1;
	[dreg:$0x7] =	wrdreg s11  }
0x12: {  	s26 =	simm.s32 $0x1;
	s22 =	sadd.s32 $0x4000, s20;
	[dreg:$0x8] =	wrdreg s0  }
0x13: {  	s24 =	sadd.s32 $0x8000, s20;
	s25 =	sadd.s32 $0xC000, s20;
	[dreg:$0x9] =	wrdreg s22  }
0x14: {  	s8 =	sadd.s32 $0x10000, s20;
	s6 =	smov.u32 @p0 s13;
	[dreg:$0xa] =	wrdreg s24  }
0x15: {  	s20 =	simm.s32 $0x16800;
	s13 =	simm.s32 $0x16780;
	[dreg:$0xb] =	wrdreg s25  }
0x16: {  	[dreg:$0xc] =	wrdreg s8;
	s0 =	sadd.s32 $0x280, s23;
	s21 =	simm.s32 $0x5  }
0x17: {  	s22 =	simm.s32 $0x14000;
	s23 =	simm.s32 $0x6;
	s24 =	simm.s32 $0x15400  }
0x18: {  	s25 =	simm.s32 $0x80;
	s8 =	simm.s32 $0x14080;
	s1 =	sadd.s32 s1, s0  }
0x19: {  	s0 =	sadd.s32 s9, s0;
	s23 =	simm.s32 @!p0 $0x5;
	[dreg:$0xf] =	wrdreg s1  }
0x1a: {  	v0 =	vimm.f32 $0.0e+00;
	s9 =	simm.s32 $0x6;
	[dreg:$0x10] =	wrdreg s0;
	s0 =	simm.s32 $0x4  }
.LBB2_1:
0x1b: {  	s11 =	simm.s32 $0x0;
	s12 =	simm.s32 $0x200  }
.LBB2_2:
0x1c: {  	p0 =	sne.s32 s12, $0xFE00;
	[tilespmem:s11+$0x16870] =	vst v0  }
0x1d: {  	[tilespmem:s11+$0x16800] =	vst v0  }
0x1e: {  	[tilespmem:s11+$0x16810] =	vst v0  }
.Ltmp0:
0x1f: {  	[tilespmem:s11+$0x16820] =	vst v0;
	(pc) =	sbr.rel @p0 .LBB2_2-.Ltmp0, $4  }
0x20: {  	[tilespmem:s11+$0x16830] =	vst v0  }
0x21: {  	[tilespmem:s11+$0x16840] =	vst v0  }
0x22: {  	[tilespmem:s11+$0x16850] =	vst v0  }
0x23: {  	[tilespmem:s11+$0x16860] =	vst v0;
	s11 =	sshra.s32 s12, $0x2;
	s12 =	sadd.s32 $0x200, s12  }
0x24: {  	[tilespmem:s11+$0x16870] =	vst v0  }
0x25: {  	[tilespmem:s11+$0x16800] =	vst v0  }
0x26: {  	[tilespmem:s11+$0x16810] =	vst v0  }
0x27: {  	[tilespmem:s11+$0x16820] =	vst v0  }
0x28: {  	[tilespmem:s11+$0x16830] =	vst v0  }
0x29: {  	[tilespmem:s11+$0x16840] =	vst v0  }
0x2a: {  	[tilespmem:s11+$0x16850] =	vst v0  }
0x2b: {  	[tilespmem:s11+$0x16860] =	vst v0;
	s1 =	rddreg [dreg:$0x5]  }
0x2c: {  	[spmem:s1] =	stream.linear.scatter [tilespmem:s20], [sflag:$0x5], $0x4000, $0x38;
	[tilespmem:$0x1EE00] =	vst v63  }
0x2d: {  	_ =	swait.ge [sflag:s21], $0x4000  }
0x2e: {  	[sflag:s21] =	ssyncset.done $0x0  }
0x2f: {  	s11 =	rddreg [dreg:$0x9];
	[sflag:s21] =	ssyncadd.s32 $0xFFFFC000  }
0x30: {  	[spmem:s11] =	stream.linear.scatter [tilespmem:s20], [sflag:$0x5], $0x4000, $0x38;
	[tilespmem:$0x1EE00] =	vst v63  }
0x31: {  	_ =	swait.ge [sflag:s21], $0x4000  }
0x32: {  	[sflag:s21] =	ssyncset.done $0x0  }
0x33: {  	s12 =	rddreg [dreg:$0xa];
	[sflag:s21] =	ssyncadd.s32 $0xFFFFC000  }
0x34: {  	[spmem:s12] =	stream.linear.scatter [tilespmem:s20], [sflag:$0x5], $0x4000, $0x38;
	[tilespmem:$0x1EE00] =	vst v63  }
0x35: {  	_ =	swait.ge [sflag:s21], $0x4000  }
0x36: {  	[sflag:s21] =	ssyncset.done $0x0  }
0x37: {  	s14 =	rddreg [dreg:$0xb];
	[sflag:s21] =	ssyncadd.s32 $0xFFFFC000  }
0x38: {  	[spmem:s14] =	stream.linear.scatter [tilespmem:s20], [sflag:$0x5], $0x4000, $0x38;
	[tilespmem:$0x1EE00] =	vst v63  }
0x39: {  	_ =	swait.ge [sflag:s21], $0x4000  }
0x3a: {  	[sflag:s21] =	ssyncset.done $0x0  }
0x3b: {  	s15 =	rddreg [dreg:$0xc];
	[sflag:s21] =	ssyncadd.s32 $0xFFFFC000  }
0x3c: {  	[spmem:s15] =	stream.linear.scatter [tilespmem:s20], [sflag:$0x5], $0x4000, $0x38;
	[tilespmem:$0x1EE00] =	vst v63  }
0x3d: {  	_ =	swait.ge [sflag:s21], $0x4000  }
0x3e: {  	[sflag:s21] =	ssyncset.done $0x0  }
0x3f: {  	[sflag:s21] =	ssyncadd.s32 $0xFFFFC000  }
0x40: {  	[bflag:$0x0] =	sbarrier.arrive $0xFFFF  }
0x41: {  	s16 =	rddreg [dreg:$0xd]  }
0x42: {  	[tilespmem:s22], [sflag:$0x5] =	stream.linear.gather [hbm4b:s16+s3], $0x1400, $0x38;
	[tilespmem:$0x1EE00] =	vst v63  }
0x43: {  	_ =	swait.ge [sflag:s21], $0x1400  }
0x44: {  	[sflag:s21] =	ssyncset.done $0x0  }
0x45: {  	s17 =	rddreg [dreg:$0xe];
	[sflag:s21] =	ssyncadd.s32 $0xFFFFEC00  }
0x46: {  	[tilespmem:s24], [sflag:$0x5] =	stream.linear.gather [hbm4b:s17+s3], $0x1400, $0x38;
	[tilespmem:$0x1EE00] =	vst v63  }
0x47: {  	_ =	swait.ge [sflag:s21], $0x1400  }
0x48: {  	[sflag:s21] =	ssyncset.done $0x0  }
0x49: {  	[sflag:s21] =	ssyncadd.s32 $0xFFFFEC00  }
0x4a: {  	[tilespmem:s20], [sflag:$0x1] =	stream.indirect.gather [hbm4b:s5+s25], $0x80, s22, s25, $0xb8;
	[tilespmem:$0x1EE00] =	vst v63  }
0x4b: {  	_ =	swait.ge [sflag:s26], $0x4000  }
0x4c: {  	[sflag:s26] =	ssyncset.done $0x0  }
0x4d: {  	[sflag:s26] =	ssyncadd.s32 $0xFFFFC000  }
0x4e: {  	[tilespmem:s29], [sflag:$0x2] =	stream.indirect.gather [hbm4b:s5+s25], $0x80, s8, s25, $0xb8;
	[tilespmem:$0x1EE00] =	vst v63  }
0x4f: {  	_ = 	snop  }
0x50: {  	[spmem:s2] =	stream.indirect.scatter.add.f32 [tilespmem:s20], [sflag:$0x3], $0x80, s24, s25, $0xb8;
	[tilespmem:$0x1EE00] =	vst v63  }
0x51: {  	_ =	swait.ge [sflag:s30], $0x4000  }
0x52: {  	[sflag:s30] =	ssyncset.done $0x0  }
0x53: {  	[sflag:s30] =	ssyncadd.s32 $0xFFFFC000  }
0x54: {  	_ =	swait.ge [sflag:s31], $0x4000  }
0x55: {  	[sflag:s31] =	ssyncset.done $0x0  }
0x56: {  	s18 =	simm.s32 $0x14100;
	[sflag:s31] =	ssyncadd.s32 $0xFFFFC000  }
0x57: {  	[tilespmem:s20], [sflag:$0x1] =	stream.indirect.gather [hbm4b:s5+s25], $0x80, s18, s25, $0xb8;
	[tilespmem:$0x1EE00] =	vst v63  }
0x58: {  	s19 =	simm.s32 $0x15480  }
0x59: {  	[spmem:s2] =	stream.indirect.scatter.add.f32 [tilespmem:s29], [sflag:$0x4], $0x80, s19, s25, $0xb8;
	[tilespmem:$0x1EE00] =	vst v63  }
0x5a: {  	_ =	swait.ge [sflag:s26], $0x4000  }
0x5b: {  	[sflag:s26] =	ssyncset.done $0x0  }
0x5c: {  	[sflag:s26] =	ssyncadd.s32 $0xFFFFC000  }
0x5d: {  	_ =	swait.ge [sflag:s0], $0x4000  }
0x5e: {  	s28 =	simm.s32 $0x14180;
	[sflag:s0] =	ssyncset.done $0x0  }
0x5f: {  	s1 =	simm.s32 $0x15500;
	s11 =	simm.s32 $0xFFFFB800;
	[sflag:s0] =	ssyncadd.s32 $0xFFFFC000  }
0x60: {  	[tilespmem:s29], [sflag:$0x2] =	stream.indirect.gather [hbm4b:s5+s25], $0x80, s28, s25, $0xb8;
	[tilespmem:$0x1EE00] =	vst v63  }
.LBB2_4:
0x61: {  	[spmem:s2] =	stream.indirect.scatter.add.f32 [tilespmem:s20], [sflag:$0x3], $0x80, s1, s25, $0xb8;
	[tilespmem:$0x1EE00] =	vst v63  }
0x62: {  	s1 =	smov.u32 s11  }
0x63: {  	p0 =	sne.s32 s11, $0xFFFFFC00;
	s11 =	sadd.s32 $0x400, s11;
	_ =	swait.ge [sflag:s30], $0x4000  }
0x64: {  	[sflag:s30] =	ssyncset.done $0x0  }
0x65: {  	[sflag:s30] =	ssyncadd.s32 $0xFFFFC000  }
0x66: {  	_ =	swait.ge [sflag:s31], $0x4000  }
0x67: {  	s1 =	sshra.s32 s1, $0x2;
	[sflag:s31] =	ssyncset.done $0x0  }
0x68: {  	s12 =	sadd.s32 $0x15400, s1;
	[sflag:s31] =	ssyncadd.s32 $0xFFFFC000  }
0x69: {  	[tilespmem:s20], [sflag:$0x1] =	stream.indirect.gather [hbm4b:s5+s25], $0x80, s12, s25, $0xb8;
	[tilespmem:$0x1EE00] =	vst v63  }
0x6a: {  	s12 =	sadd.s32 $0x16780, s1  }
0x6b: {  	[spmem:s2] =	stream.indirect.scatter.add.f32 [tilespmem:s29], [sflag:$0x4], $0x80, s12, s25, $0xb8;
	[tilespmem:$0x1EE00] =	vst v63  }
0x6c: {  	_ =	swait.ge [sflag:s26], $0x4000  }
0x6d: {  	[sflag:s26] =	ssyncset.done $0x0  }
0x6e: {  	[sflag:s26] =	ssyncadd.s32 $0xFFFFC000  }
.Ltmp1:
0x6f: {  	_ =	swait.ge [sflag:s0], $0x4000;
	(pc) =	sbr.rel @p0 .LBB2_4-.Ltmp1, $4  }
0x70: {  	[sflag:s0] =	ssyncset.done $0x0  }
0x71: {  	s12 =	sadd.s32 $0x15480, s1;
	[sflag:s0] =	ssyncadd.s32 $0xFFFFC000  }
0x72: {  	[tilespmem:s29], [sflag:$0x2] =	stream.indirect.gather [hbm4b:s5+s25], $0x80, s12, s25, $0xb8;
	[tilespmem:$0x1EE00] =	vst v63  }
0x73: {  	s1 =	sadd.s32 $0x16800, s1  }
0x74: {  	[spmem:s2] =	stream.indirect.scatter.add.f32 [tilespmem:s20], [sflag:$0x3], $0x80, s1, s25, $0xb8;
	[tilespmem:$0x1EE00] =	vst v63  }
0x75: {  	_ =	swait.ge [sflag:s30], $0x4000  }
0x76: {  	[sflag:s30] =	ssyncset.done $0x0  }
0x77: {  	[sflag:s30] =	ssyncadd.s32 $0xFFFFC000  }
0x78: {  	_ =	swait.ge [sflag:s31], $0x4000  }
0x79: {  	[sflag:s31] =	ssyncset.done $0x0  }
0x7a: {  	[sflag:s31] =	ssyncadd.s32 $0xFFFFC000  }
0x7b: {  	[spmem:s2] =	stream.indirect.scatter.add.f32 [tilespmem:s29], [sflag:$0x4], $0x80, s13, s25, $0xb8;
	[tilespmem:$0x1EE00] =	vst v63  }
0x7c: {  	_ =	swait.ge [sflag:s0], $0x4000  }
0x7d: {  	[sflag:s0] =	ssyncset.done $0x0  }
0x7e: {  	s16 =	rddreg [dreg:$0xf];
	[sflag:s0] =	ssyncadd.s32 $0xFFFFC000  }
0x7f: {  	[tilespmem:s22], [sflag:$0x5] =	stream.linear.gather [hbm4b:s16+s3], $0x1400, $0x38;
	[tilespmem:$0x1EE00] =	vst v63  }
0x80: {  	_ =	swait.ge [sflag:s21], $0x1400  }
0x81: {  	[sflag:s21] =	ssyncset.done $0x0  }
0x82: {  	s17 =	rddreg [dreg:$0x10];
	[sflag:s21] =	ssyncadd.s32 $0xFFFFEC00  }
0x83: {  	[tilespmem:s24], [sflag:$0x5] =	stream.linear.gather [hbm4b:s17+s3], $0x1400, $0x38;
	[tilespmem:$0x1EE00] =	vst v63  }
0x84: {  	_ =	swait.ge [sflag:s21], $0x1400  }
0x85: {  	[sflag:s21] =	ssyncset.done $0x0  }
0x86: {  	[sflag:s21] =	ssyncadd.s32 $0xFFFFEC00  }
0x87: {  	[tilespmem:s20], [sflag:$0x1] =	stream.indirect.gather [hbm4b:s5+s25], $0x80, s22, s25, $0xb8;
	[tilespmem:$0x1EE00] =	vst v63  }
0x88: {  	_ =	swait.ge [sflag:s26], $0x4000  }
0x89: {  	[sflag:s26] =	ssyncset.done $0x0  }
0x8a: {  	[sflag:s26] =	ssyncadd.s32 $0xFFFFC000  }
0x8b: {  	[tilespmem:s29], [sflag:$0x2] =	stream.indirect.gather [hbm4b:s5+s25], $0x80, s8, s25, $0xb8;
	[tilespmem:$0x1EE00] =	vst v63  }
0x8c: {  	_ = 	snop  }
0x8d: {  	[spmem:s2] =	stream.indirect.scatter.add.f32 [tilespmem:s20], [sflag:$0x3], $0x80, s24, s25, $0xb8;
	[tilespmem:$0x1EE00] =	vst v63  }
0x8e: {  	_ =	swait.ge [sflag:s30], $0x4000  }
0x8f: {  	[sflag:s30] =	ssyncset.done $0x0  }
0x90: {  	[sflag:s30] =	ssyncadd.s32 $0xFFFFC000  }
0x91: {  	_ =	swait.ge [sflag:s31], $0x4000  }
0x92: {  	[sflag:s31] =	ssyncset.done $0x0  }
0x93: {  	s18 =	simm.s32 $0x14100;
	[sflag:s31] =	ssyncadd.s32 $0xFFFFC000  }
0x94: {  	[tilespmem:s20], [sflag:$0x1] =	stream.indirect.gather [hbm4b:s5+s25], $0x80, s18, s25, $0xb8;
	[tilespmem:$0x1EE00] =	vst v63  }
0x95: {  	s19 =	simm.s32 $0x15480  }
0x96: {  	[spmem:s2] =	stream.indirect.scatter.add.f32 [tilespmem:s29], [sflag:$0x4], $0x80, s19, s25, $0xb8;
	[tilespmem:$0x1EE00] =	vst v63  }
0x97: {  	_ =	swait.ge [sflag:s26], $0x4000  }
0x98: {  	[sflag:s26] =	ssyncset.done $0x0  }
0x99: {  	[sflag:s26] =	ssyncadd.s32 $0xFFFFC000  }
0x9a: {  	_ =	swait.ge [sflag:s0], $0x4000  }
0x9b: {  	s28 =	simm.s32 $0x14180;
	[sflag:s0] =	ssyncset.done $0x0  }
0x9c: {  	s11 =	simm.s32 $0xFFFFB800;
	s1 =	simm.s32 $0x15500;
	[sflag:s0] =	ssyncadd.s32 $0xFFFFC000  }
0x9d: {  	[tilespmem:s29], [sflag:$0x2] =	stream.indirect.gather [hbm4b:s5+s25], $0x80, s28, s25, $0xb8;
	[tilespmem:$0x1EE00] =	vst v63  }
.LBB2_6:
0x9e: {  	[spmem:s2] =	stream.indirect.scatter.add.f32 [tilespmem:s20], [sflag:$0x3], $0x80, s1, s25, $0xb8;
	[tilespmem:$0x1EE00] =	vst v63  }
0x9f: {  	s1 =	smov.u32 s11  }
0xa0: {  	p0 =	sne.s32 s11, $0xFFFFFC00;
	s11 =	sadd.s32 $0x400, s11;
	_ =	swait.ge [sflag:s30], $0x4000  }
0xa1: {  	[sflag:s30] =	ssyncset.done $0x0  }
0xa2: {  	[sflag:s30] =	ssyncadd.s32 $0xFFFFC000  }
0xa3: {  	_ =	swait.ge [sflag:s31], $0x4000  }
0xa4: {  	s1 =	sshra.s32 s1, $0x2;
	[sflag:s31] =	ssyncset.done $0x0  }
0xa5: {  	s12 =	sadd.s32 $0x15400, s1;
	[sflag:s31] =	ssyncadd.s32 $0xFFFFC000  }
0xa6: {  	[tilespmem:s20], [sflag:$0x1] =	stream.indirect.gather [hbm4b:s5+s25], $0x80, s12, s25, $0xb8;
	[tilespmem:$0x1EE00] =	vst v63  }
0xa7: {  	s12 =	sadd.s32 $0x16780, s1  }
0xa8: {  	[spmem:s2] =	stream.indirect.scatter.add.f32 [tilespmem:s29], [sflag:$0x4], $0x80, s12, s25, $0xb8;
	[tilespmem:$0x1EE00] =	vst v63  }
0xa9: {  	_ =	swait.ge [sflag:s26], $0x4000  }
0xaa: {  	[sflag:s26] =	ssyncset.done $0x0  }
0xab: {  	[sflag:s26] =	ssyncadd.s32 $0xFFFFC000  }
.Ltmp2:
0xac: {  	_ =	swait.ge [sflag:s0], $0x4000;
	(pc) =	sbr.rel @p0 .LBB2_6-.Ltmp2, $4  }
0xad: {  	[sflag:s0] =	ssyncset.done $0x0  }
0xae: {  	s12 =	sadd.s32 $0x15480, s1;
	[sflag:s0] =	ssyncadd.s32 $0xFFFFC000  }
0xaf: {  	[tilespmem:s29], [sflag:$0x2] =	stream.indirect.gather [hbm4b:s5+s25], $0x80, s12, s25, $0xb8;
	[tilespmem:$0x1EE00] =	vst v63  }
0xb0: {  	s1 =	sadd.s32 $0x16800, s1  }
0xb1: {  	[spmem:s2] =	stream.indirect.scatter.add.f32 [tilespmem:s20], [sflag:$0x3], $0x80, s1, s25, $0xb8;
	[tilespmem:$0x1EE00] =	vst v63  }
0xb2: {  	_ =	swait.ge [sflag:s30], $0x4000  }
0xb3: {  	[sflag:s30] =	ssyncset.done $0x0  }
0xb4: {  	[sflag:s30] =	ssyncadd.s32 $0xFFFFC000  }
0xb5: {  	_ =	swait.ge [sflag:s31], $0x4000  }
0xb6: {  	[sflag:s31] =	ssyncset.done $0x0  }
0xb7: {  	[sflag:s31] =	ssyncadd.s32 $0xFFFFC000  }
0xb8: {  	[spmem:s2] =	stream.indirect.scatter.add.f32 [tilespmem:s29], [sflag:$0x4], $0x80, s13, s25, $0xb8;
	[tilespmem:$0x1EE00] =	vst v63  }
0xb9: {  	_ =	swait.ge [sflag:s0], $0x4000  }
0xba: {  	[sflag:s0] =	ssyncset.done $0x0  }
0xbb: {  	[sflag:s0] =	ssyncadd.s32 $0xFFFFC000  }
0xbc: {  	[bflag:$0x0] =	sbarrier.arrive $0xFFFF  }
0xbd: {  	s11 =	simm.s32 $0x0;
	s12 =	simm.s32 $0x1E800;
	s19 =	rddreg [dreg:$0x6]  }
0xbe: {  	[tilespmem:s12], [sflag:$0x5] =	stream.linear.gather [hbm4b:s19+s11], $0x280, $0x38;
	[tilespmem:$0x1EE00] =	vst v63  }
0xbf: {  	_ =	swait.ge [sflag:s21], $0x280  }
0xc0: {  	[sflag:s21] =	ssyncset.done $0x0  }
0xc1: {  	s13 =	simm.s32 $0x1EB00;
	s28 =	rddreg [dreg:$0x7];
	[sflag:s21] =	ssyncadd.s32 $0xFFFFFD80  }
0xc2: {  	[tilespmem:s13], [sflag:$0x5] =	stream.linear.gather [hbm4b:s28+s11], $0x280, $0x38;
	[tilespmem:$0x1EE00] =	vst v63  }
0xc3: {  	_ =	swait.ge [sflag:s21], $0x280  }
0xc4: {  	[sflag:s21] =	ssyncset.done $0x0  }
0xc5: {  	[sflag:s21] =	ssyncadd.s32 $0xFFFFFD80  }
.LBB2_8:
0xc6: {  	s1 =	sshll.u32 s11, $0x6  }
0xc7: {  	s14 =	sadd.s32 s4, s1  }
0xc8: {  	s1 =	sshll.u32 s14, $0x7  }
0xc9: {  	s1 =	sand.u32 $0x3FFFFF80, s1  }
0xca: {  	s1 =	sadd.s32 s1, s2  }
0xcb: {  	[tilespmem:s20], [sflag:$0x6] =	stream.linear.gather [spmem:s1], $0x2000, $0x38;
	[tilespmem:$0x1EE00] =	vst v63  }
0xcc: {  	_ =	swait.ge [sflag:s9], $0x2000  }
0xcd: {  	[sflag:s9] =	ssyncset.done $0x0  }
0xce: {  	s18 =	sadd.s32 $0x0, s12;
	[sflag:s9] =	ssyncadd.s32 $0xFFFFE000  }
0xcf: {  	s17 =	simm.s32 $0x16840;
	v1 =	vld.msk [tilespmem:s18+$0x0 ss:$0x0], $0xffff  }
0xd0: {  	v2 =	vld [tilespmem:s17+$0xFFFFFFC0];
	_ =	sdelay $0x4  }
0xd1: {  	v2 =	vmul.f32 v2, v1  }
0xd2: {  	s19 =	sadd.s32 $0x0, s13;
	s15 =	simm.s32 $0x1A840  }
0xd3: {  	v3 =	vld.msk [tilespmem:s19+$0x0 ss:$0x0], $0xffff;
	[tilespmem:s15+$0xFFFFFFC0] =	vst v2  }
0xd4: {  	v4 =	vld [tilespmem:s17+$0xFFFFFFD0];
	_ =	sdelay $0x3  }
0xd5: {  	v2 =	vmul.f32 v2, v3  }
0xd6: {  	v4 =	vmul.f32 v4, v1  }
0xd7: {  	[tilespmem:s17+$0xFFFFFFC0] =	vst v2  }
0xd8: {  	[tilespmem:s15+$0xFFFFFFD0] =	vst v4  }
0xd9: {  	v2 =	vld [tilespmem:s17+$0xFFFFFFE0];
	_ =	sdelay $0x3  }
0xda: {  	v4 =	vmul.f32 v4, v3  }
0xdb: {  	v2 =	vmul.f32 v2, v1  }
0xdc: {  	[tilespmem:s17+$0xFFFFFFD0] =	vst v4  }
0xdd: {  	[tilespmem:s15+$0xFFFFFFE0] =	vst v2  }
0xde: {  	v61 =	vld [tilespmem:s17+$0xFFFFFFF0];
	_ =	sdelay $0x3  }
0xdf: {  	v2 =	vmul.f32 v2, v3  }
0xe0: {  	v4 =	vmul.f32 v61, v1  }
0xe1: {  	[tilespmem:s17+$0xFFFFFFE0] =	vst v2  }
0xe2: {  	[tilespmem:s15+$0xFFFFFFF0] =	vst v4  }
0xe3: {  	v2 =	vld [tilespmem:s17+$0x0];
	_ =	sdelay $0x3  }
0xe4: {  	v4 =	vmul.f32 v4, v3  }
0xe5: {  	v2 =	vmul.f32 v2, v1  }
0xe6: {  	[tilespmem:s17+$0xFFFFFFF0] =	vst v4  }
0xe7: {  	[tilespmem:s15+$0x0] =	vst v2  }
0xe8: {  	v62 =	vld [tilespmem:s17+$0x10];
	_ =	sdelay $0x3  }
0xe9: {  	v2 =	vmul.f32 v2, v3  }
0xea: {  	v4 =	vmul.f32 v62, v1  }
0xeb: {  	[tilespmem:s17+$0x0] =	vst v2  }
0xec: {  	[tilespmem:s15+$0x10] =	vst v4  }
0xed: {  	v2 =	vld [tilespmem:s17+$0x20];
	_ =	sdelay $0x3  }
0xee: {  	v4 =	vmul.f32 v4, v3  }
0xef: {  	v2 =	vmul.f32 v2, v1  }
0xf0: {  	[tilespmem:s17+$0x10] =	vst v4  }
0xf1: {  	[tilespmem:s15+$0x20] =	vst v2  }
0xf2: {  	v63 =	vld [tilespmem:s17+$0x30];
	_ =	sdelay $0x3  }
0xf3: {  	v2 =	vmul.f32 v2, v3  }
0xf4: {  	v1 =	vmul.f32 v63, v1  }
0xf5: {  	[tilespmem:s17+$0x20] =	vst v2  }
0xf6: {  	s28 =	simm.s32 $0x1;
	s16 =	simm.s32 $0x168C0;
	s18 =	simm.s32 $0x8;
	[tilespmem:s15+$0x30] =	vst v1;
	v1 =	vmul.f32 v1, v3  }
.LBB2_9:
0xf7: {  	s8 =	sadd.s32 s28, s12;
	s15 =	sadd.s32 $0x80, s15  }
0xf8: {  	[tilespmem:s17+$0x30] =	vst v1;
	s19 =	smov.u32 s18;
	s1 =	sadd.s32 $0x4, s18;
	s17 =	smov.u32 s16  }
0xf9: {  	p0 =	sne.s32 s18, $0xFC;
	v1 =	vld.msk [tilespmem:s8+$0x0 ss:$0x0], $0xffff  }
0xfa: {  	s8 =	sadd.s32 s28, s13;
	v2 =	vld [tilespmem:s16+$0xFFFFFFC0]  }
0xfb: {  	v3 =	vld.msk [tilespmem:s8+$0x0 ss:$0x0], $0xffff;
	_ =	sdelay $0x3  }
0xfc: {  	v2 =	vmul.f32 v2, v1;
	_ =	sdelay $0x1  }
0xfd: {  	[tilespmem:s15+$0xFFFFFFC0] =	vst v2;
	v2 =	vmul.f32 v2, v3  }
0xfe: {  	v4 =	vld [tilespmem:s16+$0xFFFFFFD0];
	_ =	sdelay $0x4  }
0xff: {  	v4 =	vmul.f32 v4, v1  }
0x100: {  	[tilespmem:s16+$0xFFFFFFC0] =	vst v2  }
0x101: {  	[tilespmem:s15+$0xFFFFFFD0] =	vst v4;
	v2 =	vmul.f32 v4, v3  }
0x102: {  	v4 =	vld [tilespmem:s16+$0xFFFFFFE0];
	_ =	sdelay $0x4  }
0x103: {  	v4 =	vmul.f32 v4, v1  }
0x104: {  	[tilespmem:s16+$0xFFFFFFD0] =	vst v2  }
0x105: {  	[tilespmem:s15+$0xFFFFFFE0] =	vst v4;
	v2 =	vmul.f32 v4, v3  }
0x106: {  	v4 =	vld [tilespmem:s16+$0xFFFFFFF0]  }
0x107: {  	[tilespmem:s16+$0xFFFFFFE0] =	vst v2;
	_ =	sdelay $0x3  }
0x108: {  	v2 =	vmul.f32 v4, v1;
	_ =	sdelay $0x1  }
0x109: {  	[tilespmem:s15+$0xFFFFFFF0] =	vst v2;
	v2 =	vmul.f32 v2, v3  }
0x10a: {  	v4 =	vld [tilespmem:s16+$0x0]  }
0x10b: {  	[tilespmem:s16+$0xFFFFFFF0] =	vst v2;
	_ =	sdelay $0x3  }
0x10c: {  	v2 =	vmul.f32 v4, v1;
	_ =	sdelay $0x1  }
0x10d: {  	[tilespmem:s15+$0x0] =	vst v2;
	v2 =	vmul.f32 v2, v3  }
0x10e: {  	v4 =	vld [tilespmem:s16+$0x10]  }
0x10f: {  	[tilespmem:s16+$0x0] =	vst v2;
	_ =	sdelay $0x3  }
0x110: {  	v2 =	vmul.f32 v4, v1;
	_ =	sdelay $0x1  }
0x111: {  	[tilespmem:s15+$0x10] =	vst v2;
	v2 =	vmul.f32 v2, v3  }
0x112: {  	v4 =	vld [tilespmem:s16+$0x20]  }
0x113: {  	[tilespmem:s16+$0x10] =	vst v2;
	_ =	sdelay $0x3  }
0x114: {  	v2 =	vmul.f32 v4, v1;
	_ =	sdelay $0x1  }
0x115: {  	[tilespmem:s15+$0x20] =	vst v2;
	v2 =	vmul.f32 v2, v3  }
0x116: {  	v4 =	vld [tilespmem:s16+$0x30]  }
0x117: {  	[tilespmem:s16+$0x20] =	vst v2;
	_ =	sdelay $0x2  }
.Ltmp3:
0x118: {  	(pc) =	sbr.rel @p0 .LBB2_9-.Ltmp3, $3  }
0x119: {  	v1 =	vmul.f32 v4, v1;
	_ =	sdelay $0x1  }
0x11a: {  	[tilespmem:s15+$0x30] =	vst v1;
	v1 =	vmul.f32 v1, v3  }
0x11b: {  	s28 =	sshra.s32 s19, $0x2;
	s18 =	smov.u32 s1;
	s16 =	sadd.s32 $0x80, s16  }
0x11c: {  	s1 =	sadd.s32 s28, s12;
	[tilespmem:s17+$0x30] =	vst v1;
	v2 =	vld [tilespmem:s16+$0xFFFFFFC0]  }
0x11d: {  	v1 =	vld.msk [tilespmem:s1+$0x0 ss:$0x0], $0xffff;
	_ =	sdelay $0x4  }
0x11e: {  	v2 =	vmul.f32 v2, v1  }
0x11f: {  	s18 =	sadd.s32 s28, s13;
	s8 =	sadd.s32 $0x80, s15  }
0x120: {  	v3 =	vld.msk [tilespmem:s18+$0x0 ss:$0x0], $0xffff;
	[tilespmem:s8+$0xFFFFFFC0] =	vst v2  }
0x121: {  	v4 =	vld [tilespmem:s16+$0xFFFFFFD0];
	_ =	sdelay $0x3  }
0x122: {  	v2 =	vmul.f32 v2, v3  }
0x123: {  	v4 =	vmul.f32 v4, v1  }
0x124: {  	[tilespmem:s16+$0xFFFFFFC0] =	vst v2  }
0x125: {  	[tilespmem:s8+$0xFFFFFFD0] =	vst v4  }
0x126: {  	v2 =	vld [tilespmem:s16+$0xFFFFFFE0];
	_ =	sdelay $0x3  }
0x127: {  	v4 =	vmul.f32 v4, v3  }
0x128: {  	v2 =	vmul.f32 v2, v1  }
0x129: {  	[tilespmem:s16+$0xFFFFFFD0] =	vst v4  }
0x12a: {  	[tilespmem:s8+$0xFFFFFFE0] =	vst v2  }
0x12b: {  	v61 =	vld [tilespmem:s16+$0xFFFFFFF0];
	_ =	sdelay $0x3  }
0x12c: {  	v2 =	vmul.f32 v2, v3  }
0x12d: {  	v4 =	vmul.f32 v61, v1  }
0x12e: {  	[tilespmem:s16+$0xFFFFFFE0] =	vst v2  }
0x12f: {  	[tilespmem:s8+$0xFFFFFFF0] =	vst v4  }
0x130: {  	v2 =	vld [tilespmem:s16+$0x0];
	_ =	sdelay $0x3  }
0x131: {  	v4 =	vmul.f32 v4, v3  }
0x132: {  	v2 =	vmul.f32 v2, v1  }
0x133: {  	[tilespmem:s16+$0xFFFFFFF0] =	vst v4  }
0x134: {  	[tilespmem:s8+$0x0] =	vst v2  }
0x135: {  	v62 =	vld [tilespmem:s16+$0x10];
	_ =	sdelay $0x3  }
0x136: {  	v2 =	vmul.f32 v2, v3  }
0x137: {  	v4 =	vmul.f32 v62, v1  }
0x138: {  	[tilespmem:s16+$0x0] =	vst v2  }
0x139: {  	[tilespmem:s8+$0x10] =	vst v4  }
0x13a: {  	v2 =	vld [tilespmem:s16+$0x20];
	_ =	sdelay $0x3  }
0x13b: {  	v4 =	vmul.f32 v4, v3  }
0x13c: {  	v2 =	vmul.f32 v2, v1  }
0x13d: {  	[tilespmem:s16+$0x10] =	vst v4  }
0x13e: {  	[tilespmem:s8+$0x20] =	vst v2  }
0x13f: {  	v63 =	vld [tilespmem:s16+$0x30];
	_ =	sdelay $0x4  }
0x140: {  	v2 =	vmul.f32 v2, v3;
	v1 =	vmul.f32 v63, v1;
	_ =	sdelay $0x1  }
0x141: {  	[tilespmem:s16+$0x20] =	vst v2;
	v2 =	vmul.f32 v1, v3  }
0x142: {  	s19 =	sshll.u32 s14, $0x4;
	[tilespmem:s8+$0x30] =	vst v1  }
0x143: {  	s28 =	sadd.s32 s6, s19;
	[tilespmem:s16+$0x30] =	vst v2  }
0x144: {  	[hbm4b:s28+s3] =	stream.linear.scatter [tilespmem:s29], [sflag:$0x6], $0x2000, $0x38;
	[tilespmem:$0x1EE00] =	vst v63  }
0x145: {  	s11 =	sadd.s32 $0x1, s11;
	_ =	swait.ge [sflag:s9], $0x2000  }
0x146: {  	p0 =	sne.s32 s11, $0xA;
	[sflag:s9] =	ssyncset.done $0x0  }
.Ltmp4:
0x147: {  	s1 =	sadd.s32 s7, s19;
	[sflag:s9] =	ssyncadd.s32 $0xFFFFE000;
	(pc) =	sbr.rel @p0 .LBB2_8-.Ltmp4, $4  }
0x148: {  	[hbm4b:s1+s3] =	stream.linear.scatter [tilespmem:s20], [sflag:s23], $0x2000, $0x38;
	[tilespmem:$0x1EE00] =	vst v63  }
0x149: {  	_ =	swait.ge [sflag:s23], $0x2000  }
0x14a: {  	[sflag:s23] =	ssyncset.done $0x0  }
0x14b: {  	s12 =	sadd.s32 $0x40, s12;
	s13 =	sadd.s32 $0x40, s13;
	[sflag:s23] =	ssyncadd.s32 $0xFFFFE000  }
0x14c: {  	s10 =	sadd.s32 $0x1, s10;
	s1 =	rddreg [dreg:$0x8]  }
0x14d: {  	p0 =	sne.s32 s10, s1  }
.Ltmp5:
0x14e: {  	_ = 	snop;
	(pc) =	sbr.rel @p0 .LBB2_1-.Ltmp5, $2  }
0x14f: {  	_ =	sdelay $0x2  }
0x150: {  	s8 =	simm.s32 $0x14080;
	s13 =	simm.s32 $0x16780  }
0x151: {  	_ =	sfence.sel $0x180000  }
0x152: {  	[bflag:$0x0] =	sbarrier.arrive $0xFFFF  }
0x153: {  	_ =	strace $0x9000004A  }
0x154: {  	s0 =	stileid.u32;
	[bflag:$0x2] =	sbarrier.arrive $0xFFFF  }
0x155: {  	p0 =	sne.s32 s0, $0x0;
	s0 =	rddreg [dreg:$0x4]  }
0x156: {  	s0 =	sadd.s32 @!p0 $0x100000, s0  }
0x157: {  	[sflag:s0] =	ssyncadd.tile.s32 @!p0 $0x1;
	_ =	shalt  }
.Lfunc_end2:
_tile_overlayer_lowered:
.L_overlay_start_2:
0x158: {  	(tag) =	ssettag $0x2  }
0x159: {  	s0 =	rddreg [dreg:$0x0];
	s2 =	stileid.u32  }
0x15a: {  	s1 =	rddreg [dreg:$0x1];
	p0 =	sne.s32 s2, $0x0  }
0x15b: {  	s3 =	rddreg [dreg:$0x2];
	[bflag:$0x3] =	sbarrier.arrive $0xFFFF;
	s2 =	simm.s32 @!p0 $0x1C05  }
0x15c: {  	[timem:s3], [sflag:s2] =	dma.local @!p0 [hbm:s0], s1  }
0x15d: {  	s0 =	simm.s32 @!p0 $0x5  }
0x15e: {  	_ =	swait.ge @!p0 [sflag:s0], s1  }
0x15f: {  	s1 =	ssub.s32 @!p0 $0x0, s1;
	[sflag:s0] =	ssyncset.done @!p0 $0x0  }
0x160: {  	[sflag:s0] =	ssyncadd.s32 @!p0 s1  }
0x161: {  	[bflag:$0x3] =	sbarrier.arrive $0xFFFF  }
0x162: {  	_ =	shalt  }

// kernel: gcn_layer2_final.3.cloned.1.call-start
scs
__scs_entry_jumppad:
0x0: {  	(pc) =	sbr.rel $0x88, $3  }
0x1: {  	(tag) =	ssettag $0x0;
	lr =	simm.s32 $0x1  }
0x2: {  	[smem:$0x3F9E] =	sst lr;
	_ =	strace $0xD0000000  }
0x3: {  	_ = 	snop  }
0x4: {  	_ = 	snop  }
0x5: {  	_ = 	snop  }
0x6: {  	_ = 	snop  }
0x7: {  	_ = 	snop  }
__scs_overlays_trampoline_lowered:
0x8: {  	[smem:$0x3FAD] =	sst s0  }
0x9: {  	[smem:$0x3FAE] =	sst s1  }
0xa: {  	[smem:$0x3FAF] =	sst s2  }
0xb: {  	[smem:$0x3FB0] =	sst s3  }
0xc: {  	[smem:$0x3FB1] =	sst s4  }
0xd: {  	[smem:$0x3FB2] =	sst s5  }
0xe: {  	[smem:$0x3FB3] =	sst s6  }
0xf: {  	[smem:$0x3FB4] =	sst s7  }
0x10: {  	[smem:$0x3FB5] =	sst s8  }
0x11: {  	[smem:$0x3FB6] =	sst s9;
	s0 =	simm.s32 @!p0 $0x0  }
0x12: {  	s1 =	sld [smem:$0x3F9C];
	s0 =	simm.s32 @p0 $0x1  }
0x13: {  	[smem:$0x3FB7] =	sst s0;
	s0 =	simm.s32 @!p1 $0x0  }
0x14: {  	s2 =	sld [smem:$0x3F9B];
	s0 =	simm.s32 @p1 $0x1  }
0x15: {  	[smem:$0x3FB8] =	sst s0;
	s0 =	simm.s32 @!p2 $0x0  }
0x16: {  	s3 =	sld [smem:$0x3FDB];
	s0 =	simm.s32 @p2 $0x1  }
0x17: {  	s4 =	simm.s32 $0x1BF5;
	[smem:$0x3FBA] =	sst s0  }
0x18: {  	s0 =	sld [smem:$0x3F9D];
	_ =	swait.ge [sflag:s4], $0x0  }
0x19: {  	s7 =	sld [smem:$0x3F9E]  }
0x1a: {  	s8 =	sadd.s32 $0xFFFFE003, lr  }
0x1b: {  	s9 =	sadd.s32 $0xFFFFFEF7, lr;
	s5 =	simm.s32 $0xFFFFFFFF;
	p2 =	slt.u32 s8, $0xFFFFF086  }
0x1c: {  	p1 =	slt.u32 s9, $0xF7A;
	s5 =	simm.s32 @!p2 $0x0  }
0x1d: {  	s5 =	simm.s32 @p1 $0x1;
	p0 =	seq.s32 s7, s2  }
0x1e: {  	s7 =	smul.u32 @!p0 $0xF7A, s2;
	p2 =	seq.s32 @!p0 s5, $0x0  }
0x1f: {  	s9 =	smul.u32 $0xF7A, s1;
	s8 =	simm.s32 @!p0 $0x1BF5;
	p2 =	por !p2, p0  }
0x20: {  	[sflag:s8] =	ssyncset.s32 @!p0 $0xFFFFF086;
	s6 =	sadd.s32 @!p0 s3, s7;
	s7 =	simm.s32 @!p0 $0x108  }
0x21: {  	s3 =	sadd.s32 s3, s9;
	s6 =	sadd.s32 @!p0 $0x88, s6;
	s7 =	simm.s32 @p2 $0x1082  }
0x22: {  	[simem:s7], [sflag:s8] =	dma.local @!p0 [hbm:s6], $0xF7A  }
0x23: {  	s9 =	sor.u32 $0xD0000000, s2;
	s6 =	simm.s32 $0x108;
	_ =	swait.ge @!p0 [sflag:s8], $0x0  }
0x24: {  	s3 =	sadd.s32 $0x88, s3;
	s6 =	simm.s32 @!p1 $0x1082;
	[sflag:s4] =	ssyncset.s32 $0xFFFFF086  }
0x25: {  	[simem:s6], [sflag:s4] =	dma.local [hbm:s3], $0xF7A  }
0x26: {  	[smem:$0x3F9E] =	sst s1;
	(tag) =	ssettag s2;
	_ =	strace s9  }
0x27: {  	s1 =	sld [smem:$0x3FAE]  }
0x28: {  	s2 =	sld [smem:$0x3FAF]  }
0x29: {  	s4 =	sld [smem:$0x3FB1]  }
0x2a: {  	p0 =	seq.s32 s5, $0x0;
	s5 =	sld [smem:$0x3FB2]  }
0x2b: {  	s6 =	sld [smem:$0x3FB3]  }
0x2c: {  	s7 =	sld [smem:$0x3FB4]  }
0x2d: {  	s3 =	simm.s32 $0x108;
	s8 =	sld [smem:$0x3FB5]  }
0x2e: {  	s3 =	simm.s32 @!p0 $0x1082;
	s9 =	sld [smem:$0x3FB6]  }
0x2f: {  	lr =	sadd.s32 s0, s3;
	s0 =	sld [smem:$0x3FAD]  }
0x30: {  	s3 =	sld [smem:$0x3FB0]  }
0x31: {  	[smem:$0x3FB9] =	sst s10  }
0x32: {  	s10 =	sld [smem:$0x3FB7];
	_ =	sdelay $0x3  }
0x33: {  	p0 =	seq.s32 s10, $0x1;
	s10 =	sld [smem:$0x3FB9];
	_ =	sdelay $0x3  }
0x34: {  	[smem:$0x3FB9] =	sst s10  }
0x35: {  	s10 =	sld [smem:$0x3FB8];
	_ =	sdelay $0x3  }
0x36: {  	p1 =	seq.s32 s10, $0x1;
	s10 =	sld [smem:$0x3FB9];
	_ =	sdelay $0x3  }
0x37: {  	[smem:$0x3FB9] =	sst s10  }
0x38: {  	s10 =	sld [smem:$0x3FBA]  }
0x39: {  	_ = 	snop;
	(pc) =	sbr.ind lr, $3  }
0x3a: {  	_ = 	snop  }
0x3b: {  	_ = 	snop  }
0x3c: {  	p2 =	seq.s32 s10, $0x1;
	s10 =	sld [smem:$0x3FB9]  }
0x3d: {  	_ =	shalt  }
0x3e: {  	_ =	shalt  }
0x3f: {  	_ =	shalt  }
0x40: {  	_ =	shalt  }
0x41: {  	_ =	shalt  }
0x42: {  	_ =	shalt  }
0x43: {  	_ =	shalt  }
0x44: {  	_ =	shalt  }
0x45: {  	_ =	shalt  }
0x46: {  	_ =	shalt  }
0x47: {  	_ =	shalt  }
0x48: {  	_ =	shalt  }
0x49: {  	_ =	shalt  }
0x4a: {  	_ =	shalt  }
0x4b: {  	_ =	shalt  }
0x4c: {  	_ =	shalt  }
0x4d: {  	_ =	shalt  }
0x4e: {  	_ =	shalt  }
0x4f: {  	_ =	shalt  }
0x50: {  	_ =	shalt  }
0x51: {  	_ =	shalt  }
0x52: {  	_ =	shalt  }
0x53: {  	_ =	shalt  }
0x54: {  	_ =	shalt  }
0x55: {  	_ =	shalt  }
0x56: {  	_ =	shalt  }
0x57: {  	_ =	shalt  }
0x58: {  	_ =	shalt  }
0x59: {  	_ =	shalt  }
0x5a: {  	_ =	shalt  }
0x5b: {  	_ =	shalt  }
0x5c: {  	_ =	shalt  }
0x5d: {  	_ =	shalt  }
0x5e: {  	_ =	shalt  }
0x5f: {  	_ =	shalt  }
0x60: {  	_ =	shalt  }
0x61: {  	_ =	shalt  }
0x62: {  	_ =	shalt  }
0x63: {  	_ =	shalt  }
0x64: {  	_ =	shalt  }
0x65: {  	_ =	shalt  }
0x66: {  	_ =	shalt  }
0x67: {  	_ =	shalt  }
0x68: {  	_ =	shalt  }
0x69: {  	_ =	shalt  }
0x6a: {  	_ =	shalt  }
0x6b: {  	_ =	shalt  }
0x6c: {  	_ =	shalt  }
0x6d: {  	_ =	shalt  }
0x6e: {  	_ =	shalt  }
0x6f: {  	_ =	shalt  }
0x70: {  	_ =	shalt  }
0x71: {  	_ =	shalt  }
0x72: {  	_ =	shalt  }
0x73: {  	_ =	shalt  }
0x74: {  	_ =	shalt  }
0x75: {  	_ =	shalt  }
0x76: {  	_ =	shalt  }
0x77: {  	_ =	shalt  }
0x78: {  	_ =	shalt  }
0x79: {  	_ =	shalt  }
0x7a: {  	_ =	shalt  }
0x7b: {  	_ =	shalt  }
0x7c: {  	_ =	shalt  }
0x7d: {  	_ =	shalt  }
0x7e: {  	_ =	shalt  }
0x7f: {  	_ =	shalt  }
0x80: {  	_ =	shalt  }
0x81: {  	_ =	shalt  }
0x82: {  	_ =	shalt  }
0x83: {  	_ =	shalt  }
0x84: {  	_ =	shalt  }
0x85: {  	_ =	shalt  }
0x86: {  	_ =	shalt  }
0x87: {  	_ =	shalt  }
.Lfunc_end0:
.L_simem_size_0:
called_computation.2_lowered:
.L_overlay_start_0:
0x88: {  	s2 =	sld [smem:$0x3FD9]  }
0x89: {  	s3 =	sld [smem:$0x3FFE];
	_ =	sdelay $0x1  }
0x8a: {  	s1 =	srdreg.scid  }
0x8b: {  	s0 =	sand.u32 $0x1, s1  }
0x8c: {  	s14 =	sshll.u32 s0, $0xA;
	s2 =	sadd.s32 s3, s2  }
0x8d: {  	s2 =	sadd.s32 s2, s14  }
0x8e: {  	[smem:$0x3FC5] =	sst s2  }
0x8f: {  	_ = 	snop  }
0x90: {  	s2 =	sld [smem:$0x3FD0];
	_ =	sdelay $0x2  }
0x91: {  	s15 =	simm.s32 $0xA;
	s4 =	simm.s32 $0x10  }
0x92: {  	[smem:s4], [sflag:s15] =	dma.local [hbm:s2], $0x1  }
0x93: {  	_ =	swait.eq [sflag:s15], $0x1  }
0x94: {  	[sflag:s15] =	ssyncset.done $0x0  }
0x95: {  	s16 =	sld [smem:$0x10];
	[sflag:s15] =	ssyncadd.s32 $0xFFFFFFFF  }
0x96: {  	s17 =	sld [smem:$0x11];
	(tm) =	ssettm $0x1  }
0x97: {  	s18 =	sld [smem:$0x3FFB];
	_ =	sdelay $0x3  }
0x98: {  	_ =	strace s18  }
0x99: {  	s4 =	sld [smem:$0x3FFC];
	_ =	sdelay $0x3  }
0x9a: {  	_ =	strace s4  }
0x9b: {  	s4 =	sld [smem:$0x3FFD];
	_ =	sdelay $0x3  }
0x9c: {  	_ =	strace s4  }
0x9d: {  	_ =	strace $0x8FFFFFFF  }
0x9e: {  	s19 =	sld [smem:$0x3FDB];
	_ =	sdelay $0x1  }
0x9f: {  	s5 =	simm.s32 $_scs_section_size  }
0xa0: {  	s6 =	simm.s32 $_size__tile_overlayer_lowered;
	s7 =	simm.s32 $_tile_overlayer_lowered  }
0xa1: {  	s22 =	simm.s32 $0x1BFF;
	s21 =	sshll.u32 s7, $0x1;
	s4 =	sadd.s32 s5, s19  }
0xa2: {  	s8 =	simm.s32 $0x0;
	s20 =	sshll.u32 s6, $0x1;
	s6 =	sadd.s32 s21, s4  }
0xa3: {  	[timem:s8], [sflag:s22] =	dma.local [hbm:s6], s20  }
0xa4: {  	_ =	swait.ge [sflag:s22], s20  }
0xa5: {  	s5 =	ssub.s32 $0x0, s20;
	[sflag:s22] =	ssyncset.done $0x0  }
0xa6: {  	[sflag:s22] =	ssyncadd.s32 s5;
	_ =	sdelay $0x1  }
0xa7: {  	s23 =	simm.s32 $0x1B8B  }
0xa8: {  	_ =	swait.ge [sflag:s23], $0x1  }
0xa9: {  	[sflag:s23] =	ssyncset.done $0x0  }
0xaa: {  	s25 =	simm.s32 $0x1B8E;
	s24 =	sld [smem:$0x3FFE];
	[sflag:s23] =	ssyncadd.s32 $0xFFFFFFFF  }
0xab: {  	s26 =	simm.s32 $execute0_lowered;
	[smem:$0x3FD2] =	sst s25  }
0xac: {  	s6 =	sshll.u32 s26, $0x1;
	_ =	strace $0x8000004C;
	[dreg:$0x1] =	wrdreg $0xFFFFFFFF  }
0xad: {  	s28 =	simm.s32 $_size_execute0_lowered;
	s4 =	sadd.s32 s4, s6;
	[dreg:$0x0] =	wrdreg $0x0  }
0xae: {  	s6 =	sshll.u32 s28, $0x1;
	[dreg:$0x2] =	wrdreg s4  }
0xaf: {  	[dreg:$0x3] =	wrdreg s6  }
0xb0: {  	[dreg:$0x4] =	wrdreg $0xC0  }
0xb1: {  	_ =	task [dreg:s8], $0x5FFFF  }
0xb2: {  	[dreg:$0x1] =	wrdreg $0xFFFFFFFF  }
0xb3: {  	[dreg:$0x0] =	wrdreg $0x60  }
0xb4: {  	[dreg:$0x2] =	wrdreg s24  }
0xb5: {  	[dreg:$0x3] =	wrdreg s17  }
0xb6: {  	[dreg:$0x4] =	wrdreg s16  }
0xb7: {  	[dreg:$0x5] =	wrdreg $0x0  }
0xb8: {  	[dreg:$0x6] =	wrdreg $0x9  }
0xb9: {  	_ =	task.clear_ibuf [dreg:s8], $0x7FFFF;
	_ =	strace $0x9000004C  }
0xba: {  	s29 =	simm.s32 $0x9;
	_ =	strace $0x8000004E  }
0xbb: {  	_ =	swait.ge [sflag:s29], $0x1  }
0xbc: {  	[sflag:s29] =	ssyncadd.s32 $0xFFFFFFFF  }
0xbd: {  	_ =	strace $0x9000004E  }
0xbe: {  	_ =	sfence  }
0xbf: {  	s30 =	sld [smem:$0x0];
	_ =	sdelay $0x2  }
0xc0: {  	s31 =	sshll.u32 s1, $0xD;
	s1 =	sshrl.u32 s1, $0x2  }
0xc1: {  	s3 =	sand.u32 $0x4000, s31;
	s1 =	sadd.s32 s1, s30  }
0xc2: {  	s0 =	sor.u32 s3, s0;
	s1 =	sshll.u32 s1, $0x11  }
0xc3: {  	s0 =	sor.u32 s1, s0  }
0xc4: {  	s0 =	sadd.s32 $0x8F2B, s0  }
0xc5: {  	[sflag:s0] =	ssyncadd.remote.s32 $0x1  }
0xc6: {  	_ =	sfence.sel $0xFFFF  }
0xc7: {  	[dreg:$0x0] =	wrdreg $0xFFFFFFFF;
	(pc) =	sbr.abs _section_cstart, $3  }
0xc8: {  	[dreg:$0x1] =	wrdreg $0xFFFFFFFF  }
0xc9: {  	_ =	task.clear_ibuf [dreg:s8], $0x2FFFF;
	_ =	strace $0x9FFFFFFF  }
0xca: {  	(tm) =	ssettm $0x7FFFFFFF  }
0xcb: {  	_ =	shalt  }
tec
execute0_lowered:
.L_overlay_start_1:
0x0: {  	(tag) =	ssettag $0x1  }
0x1: {  	s0 =	rddreg [dreg:$0x0]  }
0x2: {  	s1 =	rddreg [dreg:$0x1]  }
0x3: {  	s10 =	rddreg [dreg:$0x2]  }
0x4: {  	s2 =	rddreg [dreg:$0x3];
	s19 =	stileid.u32;
	s3 =	simm.s32 $0x0  }
0x5: {  	s7 =	srdreg.scid;
	s29 =	simm.s32 $0x1A800;
	s30 =	simm.s32 $0x2  }
0x6: {  	s31 =	simm.s32 $0x3;
	s4 =	smul.u32 $0x280, s19;
	[smem:$0x7FF] =	sst s3  }
0x7: {  	s11 =	sadd.s32 $0xF2E00, s0;
	s5 =	sadd.s32 $0x11AE00, s0;
	s13 =	sadd.s32 $0x2A200, s0  }
0x8: {  	s14 =	sand.u32 $0x1, s7;
	s15 =	sadd.s32 $0xA2E00, s0;
	s16 =	smul.u32 $0x50000, s19  }
0x9: {  	s7 =	sadd.s32 $0xCAE00, s0;
	s17 =	sadd.s32 $0x52200, s0;
	s8 =	sadd.s32 $0x7A200, s0  }
0xa: {  	s22 =	smul.u32 $0x500, s19;
	_ =	strace $0x8000004D;
	s9 =	ssub.s32 $0x2, s14  }
0xb: {  	p0 =	seq.s32 s14, $0x0;
	s6 =	sshrl.u32 s4, $0x3;
	s18 =	sshrl.u32 s9, $0x1  }
0xc: {  	s20 =	sshrl.u32 s16, $0x2;
	s26 =	sadd.s32 s1, s22;
	s28 =	sadd.s32 s10, s22  }
0xd: {  	s5 =	smov.u32 @p0 s11;
	s7 =	smov.u32 @p0 s15;
	s8 =	smov.u32 @p0 s17  }
0xe: {  	s12 =	sadd.s32 s6, s0;
	s6 =	sadd.s32 $0x2200, s0;
	[dreg:$0xb] =	wrdreg s26  }
0xf: {  	s18 =	ssub.s32 s9, s18;
	[dreg:$0xc] =	wrdreg s28;
	s12 =	sadd.s32 $0xA2800, s12  }
0x10: {  	s9 =	sadd.s32 s20, s2;
	s0 =	smax.u32 s18, $0x1;
	[dreg:$0x5] =	wrdreg s12  }
0x11: {  	s17 =	simm.s32 $0x14080;
	s21 =	sadd.s32 $0x4000, s9;
	[dreg:$0x6] =	wrdreg s0  }
0x12: {  	s11 =	simm.s32 $0x18800;
	s23 =	sadd.s32 $0x8000, s9;
	[dreg:$0x7] =	wrdreg s21  }
0x13: {  	s20 =	simm.s32 $0x16800;
	s24 =	sadd.s32 $0xC000, s9;
	[dreg:$0x8] =	wrdreg s23  }
0x14: {  	s26 =	simm.s32 $0x1;
	s25 =	sadd.s32 $0x10000, s9;
	[dreg:$0x9] =	wrdreg s24  }
0x15: {  	s6 =	smov.u32 @p0 s13;
	s13 =	simm.s32 $0x0;
	[dreg:$0xa] =	wrdreg s25  }
0x16: {  	s0 =	sadd.s32 $0x280, s22;
	s21 =	simm.s32 $0x5;
	s22 =	simm.s32 $0x14000  }
0x17: {  	s23 =	simm.s32 $0x15400;
	s24 =	simm.s32 $0x80;
	s25 =	simm.s32 $0x6  }
0x18: {  	s12 =	simm.s32 $0x1C800;
	s1 =	sadd.s32 s1, s0;
	s0 =	sadd.s32 s10, s0  }
0x19: {  	s25 =	simm.s32 @!p0 $0x5;
	s10 =	simm.s32 $0x6;
	[dreg:$0xd] =	wrdreg s1  }
0x1a: {  	v0 =	vimm.f32 $0.0e+00;
	[dreg:$0xe] =	wrdreg s0;
	s0 =	simm.s32 $0x4;
	s1 =	simm.s32 $0x16780  }
.LBB2_1:
0x1b: {  	s14 =	simm.s32 $0x0;
	s15 =	simm.s32 $0x200  }
.LBB2_2:
0x1c: {  	p0 =	sne.s32 s15, $0xFE00;
	[tilespmem:s14+$0x16870] =	vst v0  }
0x1d: {  	[tilespmem:s14+$0x16800] =	vst v0  }
0x1e: {  	[tilespmem:s14+$0x16810] =	vst v0  }
.Ltmp0:
0x1f: {  	[tilespmem:s14+$0x16820] =	vst v0;
	(pc) =	sbr.rel @p0 .LBB2_2-.Ltmp0, $4  }
0x20: {  	[tilespmem:s14+$0x16830] =	vst v0  }
0x21: {  	[tilespmem:s14+$0x16840] =	vst v0  }
0x22: {  	[tilespmem:s14+$0x16850] =	vst v0  }
0x23: {  	[tilespmem:s14+$0x16860] =	vst v0;
	s14 =	sshra.s32 s15, $0x2;
	s15 =	sadd.s32 $0x200, s15  }
0x24: {  	[tilespmem:s14+$0x16870] =	vst v0  }
0x25: {  	[tilespmem:s14+$0x16800] =	vst v0  }
0x26: {  	[tilespmem:s14+$0x16810] =	vst v0  }
0x27: {  	[tilespmem:s14+$0x16820] =	vst v0  }
0x28: {  	[tilespmem:s14+$0x16830] =	vst v0  }
0x29: {  	[tilespmem:s14+$0x16840] =	vst v0  }
0x2a: {  	[tilespmem:s14+$0x16850] =	vst v0  }
0x2b: {  	[tilespmem:s14+$0x16860] =	vst v0  }
0x2c: {  	[spmem:s9] =	stream.linear.scatter [tilespmem:s20], [sflag:$0x5], $0x4000, $0x38;
	[tilespmem:$0x1EB00] =	vst v63  }
0x2d: {  	_ =	swait.ge [sflag:s21], $0x4000  }
0x2e: {  	[sflag:s21] =	ssyncset.done $0x0  }
0x2f: {  	s16 =	rddreg [dreg:$0x7];
	[sflag:s21] =	ssyncadd.s32 $0xFFFFC000  }
0x30: {  	[spmem:s16] =	stream.linear.scatter [tilespmem:s20], [sflag:$0x5], $0x4000, $0x38;
	[tilespmem:$0x1EB00] =	vst v63  }
0x31: {  	_ =	swait.ge [sflag:s21], $0x4000  }
0x32: {  	[sflag:s21] =	ssyncset.done $0x0  }
0x33: {  	s18 =	rddreg [dreg:$0x8];
	[sflag:s21] =	ssyncadd.s32 $0xFFFFC000  }
0x34: {  	[spmem:s18] =	stream.linear.scatter [tilespmem:s20], [sflag:$0x5], $0x4000, $0x38;
	[tilespmem:$0x1EB00] =	vst v63  }
0x35: {  	_ =	swait.ge [sflag:s21], $0x4000  }
0x36: {  	[sflag:s21] =	ssyncset.done $0x0  }
0x37: {  	s19 =	rddreg [dreg:$0x9];
	[sflag:s21] =	ssyncadd.s32 $0xFFFFC000  }
0x38: {  	[spmem:s19] =	stream.linear.scatter [tilespmem:s20], [sflag:$0x5], $0x4000, $0x38;
	[tilespmem:$0x1EB00] =	vst v63  }
0x39: {  	_ =	swait.ge [sflag:s21], $0x4000  }
0x3a: {  	[sflag:s21] =	ssyncset.done $0x0  }
0x3b: {  	s28 =	rddreg [dreg:$0xa];
	[sflag:s21] =	ssyncadd.s32 $0xFFFFC000  }
0x3c: {  	[spmem:s28] =	stream.linear.scatter [tilespmem:s20], [sflag:$0x5], $0x4000, $0x38;
	[tilespmem:$0x1EB00] =	vst v63  }
0x3d: {  	_ =	swait.ge [sflag:s21], $0x4000  }
0x3e: {  	[sflag:s21] =	ssyncset.done $0x0  }
0x3f: {  	[sflag:s21] =	ssyncadd.s32 $0xFFFFC000  }
0x40: {  	[bflag:$0x0] =	sbarrier.arrive $0xFFFF  }
0x41: {  	s15 =	rddreg [dreg:$0xb]  }
0x42: {  	[tilespmem:s22], [sflag:$0x5] =	stream.linear.gather [hbm4b:s15+s3], $0x1400, $0x38;
	[tilespmem:$0x1EB00] =	vst v63  }
0x43: {  	_ =	swait.ge [sflag:s21], $0x1400  }
0x44: {  	[sflag:s21] =	ssyncset.done $0x0  }
0x45: {  	s16 =	rddreg [dreg:$0xc];
	[sflag:s21] =	ssyncadd.s32 $0xFFFFEC00  }
0x46: {  	[tilespmem:s23], [sflag:$0x5] =	stream.linear.gather [hbm4b:s16+s3], $0x1400, $0x38;
	[tilespmem:$0x1EB00] =	vst v63  }
0x47: {  	_ =	swait.ge [sflag:s21], $0x1400  }
0x48: {  	[sflag:s21] =	ssyncset.done $0x0  }
0x49: {  	[sflag:s21] =	ssyncadd.s32 $0xFFFFEC00  }
0x4a: {  	[tilespmem:s20], [sflag:$0x1] =	stream.indirect.gather [hbm4b:s5+s24], $0x80, s22, s24, $0xb8;
	[tilespmem:$0x1EB00] =	vst v63  }
0x4b: {  	_ =	swait.ge [sflag:s26], $0x4000  }
0x4c: {  	[sflag:s26] =	ssyncset.done $0x0  }
0x4d: {  	[sflag:s26] =	ssyncadd.s32 $0xFFFFC000  }
0x4e: {  	[tilespmem:s29], [sflag:$0x2] =	stream.indirect.gather [hbm4b:s5+s24], $0x80, s17, s24, $0xb8;
	[tilespmem:$0x1EB00] =	vst v63  }
0x4f: {  	_ = 	snop  }
0x50: {  	[spmem:s2] =	stream.indirect.scatter.add.f32 [tilespmem:s20], [sflag:$0x3], $0x80, s23, s24, $0xb8;
	[tilespmem:$0x1EB00] =	vst v63  }
0x51: {  	_ =	swait.ge [sflag:s30], $0x4000  }
0x52: {  	[sflag:s30] =	ssyncset.done $0x0  }
0x53: {  	[sflag:s30] =	ssyncadd.s32 $0xFFFFC000  }
0x54: {  	_ =	swait.ge [sflag:s31], $0x4000  }
0x55: {  	[sflag:s31] =	ssyncset.done $0x0  }
0x56: {  	s18 =	simm.s32 $0x14100;
	[sflag:s31] =	ssyncadd.s32 $0xFFFFC000  }
0x57: {  	[tilespmem:s20], [sflag:$0x1] =	stream.indirect.gather [hbm4b:s5+s24], $0x80, s18, s24, $0xb8;
	[tilespmem:$0x1EB00] =	vst v63  }
0x58: {  	s19 =	simm.s32 $0x15480  }
0x59: {  	[spmem:s2] =	stream.indirect.scatter.add.f32 [tilespmem:s29], [sflag:$0x4], $0x80, s19, s24, $0xb8;
	[tilespmem:$0x1EB00] =	vst v63  }
0x5a: {  	_ =	swait.ge [sflag:s26], $0x4000  }
0x5b: {  	[sflag:s26] =	ssyncset.done $0x0  }
0x5c: {  	[sflag:s26] =	ssyncadd.s32 $0xFFFFC000  }
0x5d: {  	_ =	swait.ge [sflag:s0], $0x4000  }
0x5e: {  	s14 =	simm.s32 $0xFFFFB800;
	[sflag:s0] =	ssyncset.done $0x0  }
0x5f: {  	s28 =	simm.s32 $0x14180;
	s15 =	simm.s32 $0x15500;
	[sflag:s0] =	ssyncadd.s32 $0xFFFFC000  }
0x60: {  	[tilespmem:s29], [sflag:$0x2] =	stream.indirect.gather [hbm4b:s5+s24], $0x80, s28, s24, $0xb8;
	[tilespmem:$0x1EB00] =	vst v63  }
.LBB2_4:
0x61: {  	[spmem:s2] =	stream.indirect.scatter.add.f32 [tilespmem:s20], [sflag:$0x3], $0x80, s15, s24, $0xb8;
	[tilespmem:$0x1EB00] =	vst v63  }
0x62: {  	s15 =	smov.u32 s14  }
0x63: {  	p0 =	sne.s32 s14, $0xFFFFFC00;
	s14 =	sadd.s32 $0x400, s14;
	_ =	swait.ge [sflag:s30], $0x4000  }
0x64: {  	[sflag:s30] =	ssyncset.done $0x0  }
0x65: {  	[sflag:s30] =	ssyncadd.s32 $0xFFFFC000  }
0x66: {  	_ =	swait.ge [sflag:s31], $0x4000  }
0x67: {  	s15 =	sshra.s32 s15, $0x2;
	[sflag:s31] =	ssyncset.done $0x0  }
0x68: {  	s16 =	sadd.s32 $0x15400, s15;
	[sflag:s31] =	ssyncadd.s32 $0xFFFFC000  }
0x69: {  	[tilespmem:s20], [sflag:$0x1] =	stream.indirect.gather [hbm4b:s5+s24], $0x80, s16, s24, $0xb8;
	[tilespmem:$0x1EB00] =	vst v63  }
0x6a: {  	s16 =	sadd.s32 $0x16780, s15  }
0x6b: {  	[spmem:s2] =	stream.indirect.scatter.add.f32 [tilespmem:s29], [sflag:$0x4], $0x80, s16, s24, $0xb8;
	[tilespmem:$0x1EB00] =	vst v63  }
0x6c: {  	_ =	swait.ge [sflag:s26], $0x4000  }
0x6d: {  	[sflag:s26] =	ssyncset.done $0x0  }
0x6e: {  	[sflag:s26] =	ssyncadd.s32 $0xFFFFC000  }
.Ltmp1:
0x6f: {  	_ =	swait.ge [sflag:s0], $0x4000;
	(pc) =	sbr.rel @p0 .LBB2_4-.Ltmp1, $4  }
0x70: {  	[sflag:s0] =	ssyncset.done $0x0  }
0x71: {  	s16 =	sadd.s32 $0x15480, s15;
	[sflag:s0] =	ssyncadd.s32 $0xFFFFC000  }
0x72: {  	[tilespmem:s29], [sflag:$0x2] =	stream.indirect.gather [hbm4b:s5+s24], $0x80, s16, s24, $0xb8;
	[tilespmem:$0x1EB00] =	vst v63  }
0x73: {  	s15 =	sadd.s32 $0x16800, s15  }
0x74: {  	[spmem:s2] =	stream.indirect.scatter.add.f32 [tilespmem:s20], [sflag:$0x3], $0x80, s15, s24, $0xb8;
	[tilespmem:$0x1EB00] =	vst v63  }
0x75: {  	_ =	swait.ge [sflag:s30], $0x4000  }
0x76: {  	[sflag:s30] =	ssyncset.done $0x0  }
0x77: {  	[sflag:s30] =	ssyncadd.s32 $0xFFFFC000  }
0x78: {  	_ =	swait.ge [sflag:s31], $0x4000  }
0x79: {  	[sflag:s31] =	ssyncset.done $0x0  }
0x7a: {  	[sflag:s31] =	ssyncadd.s32 $0xFFFFC000  }
0x7b: {  	[spmem:s2] =	stream.indirect.scatter.add.f32 [tilespmem:s29], [sflag:$0x4], $0x80, s1, s24, $0xb8;
	[tilespmem:$0x1EB00] =	vst v63  }
0x7c: {  	_ =	swait.ge [sflag:s0], $0x4000  }
0x7d: {  	[sflag:s0] =	ssyncset.done $0x0  }
0x7e: {  	s14 =	rddreg [dreg:$0xd];
	[sflag:s0] =	ssyncadd.s32 $0xFFFFC000  }
0x7f: {  	[tilespmem:s22], [sflag:$0x5] =	stream.linear.gather [hbm4b:s14+s3], $0x1400, $0x38;
	[tilespmem:$0x1EB00] =	vst v63  }
0x80: {  	_ =	swait.ge [sflag:s21], $0x1400  }
0x81: {  	[sflag:s21] =	ssyncset.done $0x0  }
0x82: {  	s16 =	rddreg [dreg:$0xe];
	[sflag:s21] =	ssyncadd.s32 $0xFFFFEC00  }
0x83: {  	[tilespmem:s23], [sflag:$0x5] =	stream.linear.gather [hbm4b:s16+s3], $0x1400, $0x38;
	[tilespmem:$0x1EB00] =	vst v63  }
0x84: {  	_ =	swait.ge [sflag:s21], $0x1400  }
0x85: {  	[sflag:s21] =	ssyncset.done $0x0  }
0x86: {  	[sflag:s21] =	ssyncadd.s32 $0xFFFFEC00  }
0x87: {  	[tilespmem:s20], [sflag:$0x1] =	stream.indirect.gather [hbm4b:s5+s24], $0x80, s22, s24, $0xb8;
	[tilespmem:$0x1EB00] =	vst v63  }
0x88: {  	_ =	swait.ge [sflag:s26], $0x4000  }
0x89: {  	[sflag:s26] =	ssyncset.done $0x0  }
0x8a: {  	[sflag:s26] =	ssyncadd.s32 $0xFFFFC000  }
0x8b: {  	[tilespmem:s29], [sflag:$0x2] =	stream.indirect.gather [hbm4b:s5+s24], $0x80, s17, s24, $0xb8;
	[tilespmem:$0x1EB00] =	vst v63  }
0x8c: {  	_ = 	snop  }
0x8d: {  	[spmem:s2] =	stream.indirect.scatter.add.f32 [tilespmem:s20], [sflag:$0x3], $0x80, s23, s24, $0xb8;
	[tilespmem:$0x1EB00] =	vst v63  }
0x8e: {  	_ =	swait.ge [sflag:s30], $0x4000  }
0x8f: {  	[sflag:s30] =	ssyncset.done $0x0  }
0x90: {  	[sflag:s30] =	ssyncadd.s32 $0xFFFFC000  }
0x91: {  	_ =	swait.ge [sflag:s31], $0x4000  }
0x92: {  	[sflag:s31] =	ssyncset.done $0x0  }
0x93: {  	s18 =	simm.s32 $0x14100;
	[sflag:s31] =	ssyncadd.s32 $0xFFFFC000  }
0x94: {  	[tilespmem:s20], [sflag:$0x1] =	stream.indirect.gather [hbm4b:s5+s24], $0x80, s18, s24, $0xb8;
	[tilespmem:$0x1EB00] =	vst v63  }
0x95: {  	s19 =	simm.s32 $0x15480  }
0x96: {  	[spmem:s2] =	stream.indirect.scatter.add.f32 [tilespmem:s29], [sflag:$0x4], $0x80, s19, s24, $0xb8;
	[tilespmem:$0x1EB00] =	vst v63  }
0x97: {  	_ =	swait.ge [sflag:s26], $0x4000  }
0x98: {  	[sflag:s26] =	ssyncset.done $0x0  }
0x99: {  	[sflag:s26] =	ssyncadd.s32 $0xFFFFC000  }
0x9a: {  	_ =	swait.ge [sflag:s0], $0x4000  }
0x9b: {  	s28 =	simm.s32 $0x14180;
	[sflag:s0] =	ssyncset.done $0x0  }
0x9c: {  	s15 =	simm.s32 $0x15500;
	s14 =	simm.s32 $0xFFFFB800;
	[sflag:s0] =	ssyncadd.s32 $0xFFFFC000  }
0x9d: {  	[tilespmem:s29], [sflag:$0x2] =	stream.indirect.gather [hbm4b:s5+s24], $0x80, s28, s24, $0xb8;
	[tilespmem:$0x1EB00] =	vst v63  }
.LBB2_6:
0x9e: {  	[spmem:s2] =	stream.indirect.scatter.add.f32 [tilespmem:s20], [sflag:$0x3], $0x80, s15, s24, $0xb8;
	[tilespmem:$0x1EB00] =	vst v63  }
0x9f: {  	s15 =	smov.u32 s14  }
0xa0: {  	p0 =	sne.s32 s14, $0xFFFFFC00;
	s14 =	sadd.s32 $0x400, s14;
	_ =	swait.ge [sflag:s30], $0x4000  }
0xa1: {  	[sflag:s30] =	ssyncset.done $0x0  }
0xa2: {  	[sflag:s30] =	ssyncadd.s32 $0xFFFFC000  }
0xa3: {  	_ =	swait.ge [sflag:s31], $0x4000  }
0xa4: {  	s15 =	sshra.s32 s15, $0x2;
	[sflag:s31] =	ssyncset.done $0x0  }
0xa5: {  	s16 =	sadd.s32 $0x15400, s15;
	[sflag:s31] =	ssyncadd.s32 $0xFFFFC000  }
0xa6: {  	[tilespmem:s20], [sflag:$0x1] =	stream.indirect.gather [hbm4b:s5+s24], $0x80, s16, s24, $0xb8;
	[tilespmem:$0x1EB00] =	vst v63  }
0xa7: {  	s16 =	sadd.s32 $0x16780, s15  }
0xa8: {  	[spmem:s2] =	stream.indirect.scatter.add.f32 [tilespmem:s29], [sflag:$0x4], $0x80, s16, s24, $0xb8;
	[tilespmem:$0x1EB00] =	vst v63  }
0xa9: {  	_ =	swait.ge [sflag:s26], $0x4000  }
0xaa: {  	[sflag:s26] =	ssyncset.done $0x0  }
0xab: {  	[sflag:s26] =	ssyncadd.s32 $0xFFFFC000  }
.Ltmp2:
0xac: {  	_ =	swait.ge [sflag:s0], $0x4000;
	(pc) =	sbr.rel @p0 .LBB2_6-.Ltmp2, $4  }
0xad: {  	[sflag:s0] =	ssyncset.done $0x0  }
0xae: {  	s16 =	sadd.s32 $0x15480, s15;
	[sflag:s0] =	ssyncadd.s32 $0xFFFFC000  }
0xaf: {  	[tilespmem:s29], [sflag:$0x2] =	stream.indirect.gather [hbm4b:s5+s24], $0x80, s16, s24, $0xb8;
	[tilespmem:$0x1EB00] =	vst v63  }
0xb0: {  	s15 =	sadd.s32 $0x16800, s15  }
0xb1: {  	[spmem:s2] =	stream.indirect.scatter.add.f32 [tilespmem:s20], [sflag:$0x3], $0x80, s15, s24, $0xb8;
	[tilespmem:$0x1EB00] =	vst v63  }
0xb2: {  	_ =	swait.ge [sflag:s30], $0x4000  }
0xb3: {  	[sflag:s30] =	ssyncset.done $0x0  }
0xb4: {  	[sflag:s30] =	ssyncadd.s32 $0xFFFFC000  }
0xb5: {  	_ =	swait.ge [sflag:s31], $0x4000  }
0xb6: {  	[sflag:s31] =	ssyncset.done $0x0  }
0xb7: {  	[sflag:s31] =	ssyncadd.s32 $0xFFFFC000  }
0xb8: {  	[spmem:s2] =	stream.indirect.scatter.add.f32 [tilespmem:s29], [sflag:$0x4], $0x80, s1, s24, $0xb8;
	[tilespmem:$0x1EB00] =	vst v63  }
0xb9: {  	_ =	swait.ge [sflag:s0], $0x4000  }
0xba: {  	[sflag:s0] =	ssyncset.done $0x0  }
0xbb: {  	[sflag:s0] =	ssyncadd.s32 $0xFFFFC000  }
0xbc: {  	[bflag:$0x0] =	sbarrier.arrive $0xFFFF  }
0xbd: {  	s14 =	simm.s32 $0x0;
	s19 =	simm.s32 $0x1E800;
	s28 =	rddreg [dreg:$0x5]  }
0xbe: {  	[tilespmem:s19], [sflag:$0x5] =	stream.linear.gather [hbm4b:s28+s14], $0x280, $0x38;
	[tilespmem:$0x1EB00] =	vst v63  }
0xbf: {  	_ =	swait.ge [sflag:s21], $0x280  }
0xc0: {  	[sflag:s21] =	ssyncset.done $0x0  }
0xc1: {  	[sflag:s21] =	ssyncadd.s32 $0xFFFFFD80  }
.LBB2_8:
0xc2: {  	s15 =	sshll.u32 s14, $0x6  }
0xc3: {  	s15 =	sadd.s32 s4, s15  }
0xc4: {  	s16 =	sshll.u32 s15, $0x7  }
0xc5: {  	s16 =	sand.u32 $0x3FFFFF80, s16  }
0xc6: {  	s16 =	sadd.s32 s16, s2  }
0xc7: {  	[tilespmem:s20], [sflag:$0x6] =	stream.linear.gather [spmem:s16], $0x2000, $0x38;
	[tilespmem:$0x1EB00] =	vst v63  }
0xc8: {  	_ =	swait.ge [sflag:s10], $0x2000  }
0xc9: {  	s16 =	sshll.u32 s15, $0x4;
	[sflag:s10] =	ssyncset.done $0x0  }
0xca: {  	s15 =	sadd.s32 s6, s16;
	[sflag:s10] =	ssyncadd.s32 $0xFFFFE000  }
0xcb: {  	[tilespmem:s11], [sflag:$0x6] =	stream.linear.gather [hbm4b:s15+s3], $0x2000, $0x38;
	[tilespmem:$0x1EB00] =	vst v63  }
0xcc: {  	_ =	swait.ge [sflag:s10], $0x2000  }
0xcd: {  	[sflag:s10] =	ssyncset.done $0x0  }
0xce: {  	s28 =	sadd.s32 s7, s16;
	[sflag:s10] =	ssyncadd.s32 $0xFFFFE000  }
0xcf: {  	[tilespmem:s29], [sflag:$0x6] =	stream.linear.gather [hbm4b:s28+s3], $0x2000, $0x38;
	[tilespmem:$0x1EB00] =	vst v63  }
0xd0: {  	_ =	swait.ge [sflag:s10], $0x2000  }
0xd1: {  	[sflag:s10] =	ssyncset.done $0x0  }
0xd2: {  	s17 =	simm.s32 $0xFFFFE000;
	[sflag:s10] =	ssyncadd.s32 $0xFFFFE000  }
0xd3: {  	v2 =	vld [tilespmem:s17+$0x1A800]  }
0xd4: {  	v1 =	vld [tilespmem:s17+$0x18800]  }
0xd5: {  	s18 =	simm.s32 $0xFFFF8200;
	s15 =	smov.u32 s19;
	v3 =	vld [tilespmem:s19+$0x0]  }
.LBB2_9:
0xd6: {  	p0 =	sne.s32 s18, $0xFFFFFE00;
	v4 =	vld [tilespmem:s17+$0x1A810]  }
0xd7: {  	v5 =	vld [tilespmem:s17+$0x18810]  }
0xd8: {  	v6 =	vld [tilespmem:s17+$0x1A820]  }
0xd9: {  	v7 =	vld [tilespmem:s17+$0x18820]  }
0xda: {  	v8 =	vld [tilespmem:s17+$0x1A830];
	(v2sf) =	vpush v3, $0x0  }
0xdb: {  	v3 =	vld [tilespmem:s17+$0x18830]  }
0xdc: {  	v9 =	vld [tilespmem:s17+$0x1A840]  }
0xdd: {  	v10 =	vld [tilespmem:s17+$0x18840]  }
0xde: {  	v11 =	vld [tilespmem:s17+$0x1A850]  }
0xdf: {  	v12 =	vld [tilespmem:s17+$0x1C800]  }
0xe0: {  	v13 =	vld [tilespmem:s17+$0x1C810]  }
0xe1: {  	v14 =	vld [tilespmem:s17+$0x1C820]  }
0xe2: {  	v15 =	vld [tilespmem:s17+$0x1C830]  }
0xe3: {  	v16 =	vld [tilespmem:s17+$0x1C840]  }
0xe4: {  	v17 =	vld [tilespmem:s17+$0x1C850]  }
0xe5: {  	v18 =	vld [tilespmem:s17+$0x1C860]  }
0xe6: {  	v12 =	vmul.f32 $5.000000000e-01, v12;
	v19 =	vld [tilespmem:s17+$0x1C870]  }
0xe7: {  	v13 =	vmul.f32 $5.000000000e-01, v13;
	v14 =	vmul.f32 $5.000000000e-01, v14;
	v20 =	vld [tilespmem:s17+$0x1A860]  }
0xe8: {  	v15 =	vmul.f32 $5.000000000e-01, v15;
	v16 =	vmul.f32 $5.000000000e-01, v16;
	v21 =	vld [tilespmem:s17+$0x1A870]  }
0xe9: {  	v2 =	vadd.f32 v12, v2;
	v4 =	vadd.f32 v13, v4;
	v12 =	vmul.f32 $5.000000000e-01, v17;
	v13 =	vld [tilespmem:s17+$0x18850];
	s28 =	spop (v2sf)  }
0xea: {  	v6 =	vadd.f32 v14, v6;
	v8 =	vadd.f32 v15, v8;
	s28 =	smul.f32 $3.333333430e-01, s28;
	v14 =	vmul.f32 $5.000000000e-01, v18;
	v15 =	vld [tilespmem:s17+$0x18860]  }
0xeb: {  	v9 =	vadd.f32 v16, v9;
	v11 =	vadd.f32 v12, v11;
	v12 =	vmul.f32 $5.000000000e-01, v19;
	v16 =	vld [tilespmem:s17+$0x18870]  }
0xec: {  	v1 =	vmul.f32 s28, v1;
	v5 =	vmul.f32 s28, v5;
	v14 =	vadd.f32 v14, v20  }
0xed: {  	v7 =	vmul.f32 s28, v7;
	v3 =	vmul.f32 s28, v3;
	v12 =	vadd.f32 v12, v21  }
0xee: {  	v1 =	vadd.f32 v1, v2;
	v2 =	vadd.f32 v5, v4;
	v4 =	vmul.f32 s28, v10  }
0xef: {  	v5 =	vadd.f32 v7, v6;
	v3 =	vadd.f32 v3, v8;
	v6 =	vmul.f32 s28, v13  }
0xf0: {  	[tilespmem:s17+$0x1E800] =	vst v1;
	v1 =	vadd.f32 v4, v9;
	v4 =	vmul.f32 s28, v15;
	v7 =	vmul.f32 s28, v16  }
0xf1: {  	[tilespmem:s17+$0x1E810] =	vst v2;
	v2 =	vadd.f32 v6, v11  }
0xf2: {  	[tilespmem:s17+$0x1E820] =	vst v5;
	v4 =	vadd.f32 v4, v14;
	v5 =	vadd.f32 v7, v12  }
0xf3: {  	[tilespmem:s17+$0x1E830] =	vst v3  }
.Ltmp3:
0xf4: {  	[tilespmem:s17+$0x1E840] =	vst v1;
	(pc) =	sbr.rel @p0 .LBB2_9-.Ltmp3, $4  }
0xf5: {  	s28 =	sshra.s32 s18, $0x2;
	[tilespmem:s17+$0x1E850] =	vst v2  }
0xf6: {  	v2 =	vld [tilespmem:s28+$0x1A800];
	[tilespmem:s17+$0x1E860] =	vst v4  }
0xf7: {  	s15 =	sadd.s32 $0x1, s15;
	v1 =	vld [tilespmem:s28+$0x18800];
	[tilespmem:s17+$0x1E870] =	vst v5;
	s17 =	smov.u32 s28  }
0xf8: {  	s18 =	sadd.s32 $0x200, s18;
	v3 =	vld [tilespmem:s15+$0x0]  }
0xf9: {  	_ =	sdelay $0x2  }
0xfa: {  	v4 =	vld [tilespmem:s17+$0x1A810]  }
0xfb: {  	v5 =	vld [tilespmem:s17+$0x18810];
	(v2sf) =	vpush v3, $0x0  }
0xfc: {  	v6 =	vld [tilespmem:s17+$0x18820]  }
0xfd: {  	v7 =	vld [tilespmem:s17+$0x1A830]  }
0xfe: {  	v8 =	vld [tilespmem:s17+$0x18830]  }
0xff: {  	v9 =	vld [tilespmem:s17+$0x1A840]  }
0x100: {  	v10 =	vld [tilespmem:s17+$0x18840]  }
0x101: {  	v11 =	vld [tilespmem:s17+$0x1A850]  }
0x102: {  	v12 =	vld [tilespmem:s17+$0x1C800]  }
0x103: {  	v13 =	vld [tilespmem:s17+$0x1C810]  }
0x104: {  	v14 =	vld [tilespmem:s17+$0x1C820]  }
0x105: {  	v15 =	vld [tilespmem:s17+$0x1C830]  }
0x106: {  	v16 =	vld [tilespmem:s17+$0x1C840]  }
0x107: {  	v17 =	vld [tilespmem:s17+$0x1C850]  }
0x108: {  	v18 =	vld [tilespmem:s17+$0x1C860]  }
0x109: {  	v19 =	vld [tilespmem:s17+$0x1C870]  }
0x10a: {  	v3 =	vld [tilespmem:s17+$0x1A820];
	v12 =	vmul.f32 $5.000000000e-01, v12;
	v13 =	vmul.f32 $5.000000000e-01, v13;
	s15 =	spop (v2sf)  }
0x10b: {  	v20 =	vld [tilespmem:s17+$0x1A860];
	v14 =	vmul.f32 $5.000000000e-01, v14;
	v15 =	vmul.f32 $5.000000000e-01, v15;
	s15 =	smul.f32 $3.333333430e-01, s15  }
0x10c: {  	v54 =	vld [tilespmem:s17+$0x18850];
	v16 =	vmul.f32 $5.000000000e-01, v16;
	v53 =	vmul.f32 $5.000000000e-01, v17  }
0x10d: {  	v21 =	vld [tilespmem:s17+$0x1A870];
	v56 =	vmul.f32 $5.000000000e-01, v18;
	v2 =	vadd.f32 v12, v2;
	v1 =	vmul.f32 s15, v1  }
0x10e: {  	v55 =	vld [tilespmem:s17+$0x18860];
	v4 =	vadd.f32 v13, v4;
	v7 =	vadd.f32 v15, v7;
	v5 =	vmul.f32 s15, v5  }
0x10f: {  	v57 =	vld [tilespmem:s17+$0x18870];
	v3 =	vadd.f32 v14, v3;
	v6 =	vmul.f32 s15, v6;
	v1 =	vadd.f32 v1, v2  }
0x110: {  	v58 =	vadd.f32 v53, v11;
	v8 =	vmul.f32 s15, v8;
	v4 =	vadd.f32 v5, v4  }
0x111: {  	v59 =	vmul.f32 s15, v10;
	v61 =	vmul.f32 s15, v54;
	v3 =	vadd.f32 v6, v3;
	[tilespmem:s17+$0x1E800] =	vst v1  }
0x112: {  	v2 =	vadd.f32 v16, v9;
	v60 =	vadd.f32 v8, v7;
	v1 =	vmul.f32 $5.000000000e-01, v19;
	[tilespmem:s17+$0x1E810] =	vst v4  }
0x113: {  	v62 =	vadd.f32 v56, v20;
	v63 =	vmul.f32 s15, v55;
	v5 =	vadd.f32 v61, v58;
	[tilespmem:s17+$0x1E820] =	vst v3  }
0x114: {  	v2 =	vadd.f32 v59, v2;
	v3 =	vmul.f32 s15, v57;
	[tilespmem:s17+$0x1E830] =	vst v60;
	v1 =	vadd.f32 v1, v21  }
0x115: {  	v4 =	vadd.f32 v63, v62;
	[tilespmem:s17+$0x1E850] =	vst v5  }
0x116: {  	s14 =	sadd.s32 $0x1, s14;
	[tilespmem:s17+$0x1E840] =	vst v2;
	v1 =	vadd.f32 v3, v1  }
0x117: {  	p0 =	sne.s32 s14, $0xA;
	[tilespmem:s17+$0x1E860] =	vst v4  }
.Ltmp4:
0x118: {  	s28 =	sadd.s32 s8, s16;
	[tilespmem:s17+$0x1E870] =	vst v1;
	(pc) =	sbr.rel @p0 .LBB2_8-.Ltmp4, $4  }
0x119: {  	[hbm4b:s28+s3] =	stream.linear.scatter [tilespmem:s12], [sflag:s25], $0x2000, $0x38;
	[tilespmem:$0x1EB00] =	vst v63  }
0x11a: {  	_ =	swait.ge [sflag:s25], $0x2000  }
0x11b: {  	[sflag:s25] =	ssyncset.done $0x0  }
0x11c: {  	s19 =	sadd.s32 $0x40, s19;
	[sflag:s25] =	ssyncadd.s32 $0xFFFFE000  }
0x11d: {  	s13 =	sadd.s32 $0x1, s13;
	s14 =	rddreg [dreg:$0x6]  }
0x11e: {  	p0 =	sne.s32 s13, s14  }
.Ltmp5:
0x11f: {  	_ = 	snop;
	(pc) =	sbr.rel @p0 .LBB2_1-.Ltmp5, $2  }
0x120: {  	_ =	sdelay $0x2  }
0x121: {  	s17 =	simm.s32 $0x14080  }
0x122: {  	_ =	sfence.sel $0x180000  }
0x123: {  	[bflag:$0x0] =	sbarrier.arrive $0xFFFF  }
0x124: {  	_ =	strace $0x9000004D  }
0x125: {  	s0 =	stileid.u32;
	[bflag:$0x2] =	sbarrier.arrive $0xFFFF  }
0x126: {  	p0 =	sne.s32 s0, $0x0;
	s0 =	rddreg [dreg:$0x4]  }
0x127: {  	s0 =	sadd.s32 @!p0 $0x100000, s0  }
0x128: {  	[sflag:s0] =	ssyncadd.tile.s32 @!p0 $0x1;
	_ =	shalt  }
.Lfunc_end2:
_tile_overlayer_lowered:
.L_overlay_start_2:
0x129: {  	(tag) =	ssettag $0x2  }
0x12a: {  	s0 =	rddreg [dreg:$0x0];
	s2 =	stileid.u32  }
0x12b: {  	s1 =	rddreg [dreg:$0x1];
	p0 =	sne.s32 s2, $0x0  }
0x12c: {  	s3 =	rddreg [dreg:$0x2];
	[bflag:$0x3] =	sbarrier.arrive $0xFFFF;
	s2 =	simm.s32 @!p0 $0x1C05  }
0x12d: {  	[timem:s3], [sflag:s2] =	dma.local @!p0 [hbm:s0], s1  }
0x12e: {  	s0 =	simm.s32 @!p0 $0x5  }
0x12f: {  	_ =	swait.ge @!p0 [sflag:s0], s1  }
0x130: {  	s1 =	ssub.s32 @!p0 $0x0, s1;
	[sflag:s0] =	ssyncset.done @!p0 $0x0  }
0x131: {  	[sflag:s0] =	ssyncadd.s32 @!p0 s1  }
0x132: {  	[bflag:$0x3] =	sbarrier.arrive $0xFFFF  }
0x133: {  	_ =	shalt  }

// kernel: gcn_norms_h0.3.cloned.1.call-start
scs
__scs_entry_jumppad:
0x0: {  	(pc) =	sbr.rel $0x88, $3  }
0x1: {  	(tag) =	ssettag $0x0;
	lr =	simm.s32 $0x1  }
0x2: {  	[smem:$0x3F9E] =	sst lr;
	_ =	strace $0xD0000000  }
0x3: {  	_ = 	snop  }
0x4: {  	_ = 	snop  }
0x5: {  	_ = 	snop  }
0x6: {  	_ = 	snop  }
0x7: {  	_ = 	snop  }
__scs_overlays_trampoline_lowered:
0x8: {  	[smem:$0x3FAD] =	sst s0  }
0x9: {  	[smem:$0x3FAE] =	sst s1  }
0xa: {  	[smem:$0x3FAF] =	sst s2  }
0xb: {  	[smem:$0x3FB0] =	sst s3  }
0xc: {  	[smem:$0x3FB1] =	sst s4  }
0xd: {  	[smem:$0x3FB2] =	sst s5  }
0xe: {  	[smem:$0x3FB3] =	sst s6  }
0xf: {  	[smem:$0x3FB4] =	sst s7  }
0x10: {  	[smem:$0x3FB5] =	sst s8  }
0x11: {  	[smem:$0x3FB6] =	sst s9;
	s0 =	simm.s32 @!p0 $0x0  }
0x12: {  	s1 =	sld [smem:$0x3F9C];
	s0 =	simm.s32 @p0 $0x1  }
0x13: {  	[smem:$0x3FB7] =	sst s0;
	s0 =	simm.s32 @!p1 $0x0  }
0x14: {  	s2 =	sld [smem:$0x3F9B];
	s0 =	simm.s32 @p1 $0x1  }
0x15: {  	[smem:$0x3FB8] =	sst s0;
	s0 =	simm.s32 @!p2 $0x0  }
0x16: {  	s3 =	sld [smem:$0x3FDB];
	s0 =	simm.s32 @p2 $0x1  }
0x17: {  	s4 =	simm.s32 $0x1BF5;
	[smem:$0x3FBA] =	sst s0  }
0x18: {  	s0 =	sld [smem:$0x3F9D];
	_ =	swait.ge [sflag:s4], $0x0  }
0x19: {  	s7 =	sld [smem:$0x3F9E]  }
0x1a: {  	s8 =	sadd.s32 $0xFFFFE003, lr  }
0x1b: {  	s9 =	sadd.s32 $0xFFFFFEF7, lr;
	s5 =	simm.s32 $0xFFFFFFFF;
	p2 =	slt.u32 s8, $0xFFFFF086  }
0x1c: {  	p1 =	slt.u32 s9, $0xF7A;
	s5 =	simm.s32 @!p2 $0x0  }
0x1d: {  	s5 =	simm.s32 @p1 $0x1;
	p0 =	seq.s32 s7, s2  }
0x1e: {  	s7 =	smul.u32 @!p0 $0xF7A, s2;
	p2 =	seq.s32 @!p0 s5, $0x0  }
0x1f: {  	s9 =	smul.u32 $0xF7A, s1;
	s8 =	simm.s32 @!p0 $0x1BF5;
	p2 =	por !p2, p0  }
0x20: {  	[sflag:s8] =	ssyncset.s32 @!p0 $0xFFFFF086;
	s6 =	sadd.s32 @!p0 s3, s7;
	s7 =	simm.s32 @!p0 $0x108  }
0x21: {  	s3 =	sadd.s32 s3, s9;
	s6 =	sadd.s32 @!p0 $0x88, s6;
	s7 =	simm.s32 @p2 $0x1082  }
0x22: {  	[simem:s7], [sflag:s8] =	dma.local @!p0 [hbm:s6], $0xF7A  }
0x23: {  	s9 =	sor.u32 $0xD0000000, s2;
	s6 =	simm.s32 $0x108;
	_ =	swait.ge @!p0 [sflag:s8], $0x0  }
0x24: {  	s3 =	sadd.s32 $0x88, s3;
	s6 =	simm.s32 @!p1 $0x1082;
	[sflag:s4] =	ssyncset.s32 $0xFFFFF086  }
0x25: {  	[simem:s6], [sflag:s4] =	dma.local [hbm:s3], $0xF7A  }
0x26: {  	[smem:$0x3F9E] =	sst s1;
	(tag) =	ssettag s2;
	_ =	strace s9  }
0x27: {  	s1 =	sld [smem:$0x3FAE]  }
0x28: {  	s2 =	sld [smem:$0x3FAF]  }
0x29: {  	s4 =	sld [smem:$0x3FB1]  }
0x2a: {  	p0 =	seq.s32 s5, $0x0;
	s5 =	sld [smem:$0x3FB2]  }
0x2b: {  	s6 =	sld [smem:$0x3FB3]  }
0x2c: {  	s7 =	sld [smem:$0x3FB4]  }
0x2d: {  	s3 =	simm.s32 $0x108;
	s8 =	sld [smem:$0x3FB5]  }
0x2e: {  	s3 =	simm.s32 @!p0 $0x1082;
	s9 =	sld [smem:$0x3FB6]  }
0x2f: {  	lr =	sadd.s32 s0, s3;
	s0 =	sld [smem:$0x3FAD]  }
0x30: {  	s3 =	sld [smem:$0x3FB0]  }
0x31: {  	[smem:$0x3FB9] =	sst s10  }
0x32: {  	s10 =	sld [smem:$0x3FB7];
	_ =	sdelay $0x3  }
0x33: {  	p0 =	seq.s32 s10, $0x1;
	s10 =	sld [smem:$0x3FB9];
	_ =	sdelay $0x3  }
0x34: {  	[smem:$0x3FB9] =	sst s10  }
0x35: {  	s10 =	sld [smem:$0x3FB8];
	_ =	sdelay $0x3  }
0x36: {  	p1 =	seq.s32 s10, $0x1;
	s10 =	sld [smem:$0x3FB9];
	_ =	sdelay $0x3  }
0x37: {  	[smem:$0x3FB9] =	sst s10  }
0x38: {  	s10 =	sld [smem:$0x3FBA]  }
0x39: {  	_ = 	snop;
	(pc) =	sbr.ind lr, $3  }
0x3a: {  	_ = 	snop  }
0x3b: {  	_ = 	snop  }
0x3c: {  	p2 =	seq.s32 s10, $0x1;
	s10 =	sld [smem:$0x3FB9]  }
0x3d: {  	_ =	shalt  }
0x3e: {  	_ =	shalt  }
0x3f: {  	_ =	shalt  }
0x40: {  	_ =	shalt  }
0x41: {  	_ =	shalt  }
0x42: {  	_ =	shalt  }
0x43: {  	_ =	shalt  }
0x44: {  	_ =	shalt  }
0x45: {  	_ =	shalt  }
0x46: {  	_ =	shalt  }
0x47: {  	_ =	shalt  }
0x48: {  	_ =	shalt  }
0x49: {  	_ =	shalt  }
0x4a: {  	_ =	shalt  }
0x4b: {  	_ =	shalt  }
0x4c: {  	_ =	shalt  }
0x4d: {  	_ =	shalt  }
0x4e: {  	_ =	shalt  }
0x4f: {  	_ =	shalt  }
0x50: {  	_ =	shalt  }
0x51: {  	_ =	shalt  }
0x52: {  	_ =	shalt  }
0x53: {  	_ =	shalt  }
0x54: {  	_ =	shalt  }
0x55: {  	_ =	shalt  }
0x56: {  	_ =	shalt  }
0x57: {  	_ =	shalt  }
0x58: {  	_ =	shalt  }
0x59: {  	_ =	shalt  }
0x5a: {  	_ =	shalt  }
0x5b: {  	_ =	shalt  }
0x5c: {  	_ =	shalt  }
0x5d: {  	_ =	shalt  }
0x5e: {  	_ =	shalt  }
0x5f: {  	_ =	shalt  }
0x60: {  	_ =	shalt  }
0x61: {  	_ =	shalt  }
0x62: {  	_ =	shalt  }
0x63: {  	_ =	shalt  }
0x64: {  	_ =	shalt  }
0x65: {  	_ =	shalt  }
0x66: {  	_ =	shalt  }
0x67: {  	_ =	shalt  }
0x68: {  	_ =	shalt  }
0x69: {  	_ =	shalt  }
0x6a: {  	_ =	shalt  }
0x6b: {  	_ =	shalt  }
0x6c: {  	_ =	shalt  }
0x6d: {  	_ =	shalt  }
0x6e: {  	_ =	shalt  }
0x6f: {  	_ =	shalt  }
0x70: {  	_ =	shalt  }
0x71: {  	_ =	shalt  }
0x72: {  	_ =	shalt  }
0x73: {  	_ =	shalt  }
0x74: {  	_ =	shalt  }
0x75: {  	_ =	shalt  }
0x76: {  	_ =	shalt  }
0x77: {  	_ =	shalt  }
0x78: {  	_ =	shalt  }
0x79: {  	_ =	shalt  }
0x7a: {  	_ =	shalt  }
0x7b: {  	_ =	shalt  }
0x7c: {  	_ =	shalt  }
0x7d: {  	_ =	shalt  }
0x7e: {  	_ =	shalt  }
0x7f: {  	_ =	shalt  }
0x80: {  	_ =	shalt  }
0x81: {  	_ =	shalt  }
0x82: {  	_ =	shalt  }
0x83: {  	_ =	shalt  }
0x84: {  	_ =	shalt  }
0x85: {  	_ =	shalt  }
0x86: {  	_ =	shalt  }
0x87: {  	_ =	shalt  }
.Lfunc_end0:
.L_simem_size_0:
called_computation_lowered:
.L_overlay_start_0:
0x88: {  	s2 =	sld [smem:$0x3FD9]  }
0x89: {  	s3 =	sld [smem:$0x3FFE];
	_ =	sdelay $0x1  }
0x8a: {  	s1 =	srdreg.scid  }
0x8b: {  	s0 =	sand.u32 $0x1, s1  }
0x8c: {  	s14 =	sshll.u32 s0, $0xA;
	s2 =	sadd.s32 s3, s2  }
0x8d: {  	s2 =	sadd.s32 s2, s14  }
0x8e: {  	[smem:$0x3FC5] =	sst s2  }
0x8f: {  	_ = 	snop  }
0x90: {  	s2 =	sld [smem:$0x3FD0];
	_ =	sdelay $0x2  }
0x91: {  	s15 =	simm.s32 $0xA;
	s4 =	simm.s32 $0x10  }
0x92: {  	[smem:s4], [sflag:s15] =	dma.local [hbm:s2], $0x1  }
0x93: {  	_ =	swait.eq [sflag:s15], $0x1  }
0x94: {  	[sflag:s15] =	ssyncset.done $0x0  }
0x95: {  	s16 =	sld [smem:$0x10];
	[sflag:s15] =	ssyncadd.s32 $0xFFFFFFFF  }
0x96: {  	s17 =	sld [smem:$0x11];
	(tm) =	ssettm $0x1  }
0x97: {  	s18 =	sld [smem:$0x3FFB];
	_ =	sdelay $0x3  }
0x98: {  	_ =	strace s18  }
0x99: {  	s4 =	sld [smem:$0x3FFC];
	_ =	sdelay $0x3  }
0x9a: {  	_ =	strace s4  }
0x9b: {  	s4 =	sld [smem:$0x3FFD];
	_ =	sdelay $0x3  }
0x9c: {  	_ =	strace s4  }
0x9d: {  	_ =	strace $0x8FFFFFFF  }
0x9e: {  	s19 =	sld [smem:$0x3FDB];
	_ =	sdelay $0x1  }
0x9f: {  	s5 =	simm.s32 $_scs_section_size  }
0xa0: {  	s6 =	simm.s32 $_size__tile_overlayer_lowered;
	s7 =	simm.s32 $_tile_overlayer_lowered  }
0xa1: {  	s22 =	simm.s32 $0x1BFF;
	s21 =	sshll.u32 s7, $0x1;
	s4 =	sadd.s32 s5, s19  }
0xa2: {  	s8 =	simm.s32 $0x0;
	s20 =	sshll.u32 s6, $0x1;
	s6 =	sadd.s32 s21, s4  }
0xa3: {  	[timem:s8], [sflag:s22] =	dma.local [hbm:s6], s20  }
0xa4: {  	_ =	swait.ge [sflag:s22], s20  }
0xa5: {  	s5 =	ssub.s32 $0x0, s20;
	[sflag:s22] =	ssyncset.done $0x0  }
0xa6: {  	[sflag:s22] =	ssyncadd.s32 s5;
	_ =	sdelay $0x1  }
0xa7: {  	s23 =	simm.s32 $0x1B8B  }
0xa8: {  	_ =	swait.ge [sflag:s23], $0x1  }
0xa9: {  	[sflag:s23] =	ssyncset.done $0x0  }
0xaa: {  	s25 =	simm.s32 $0x1B8E;
	s24 =	sld [smem:$0x3FFE];
	[sflag:s23] =	ssyncadd.s32 $0xFFFFFFFF  }
0xab: {  	s26 =	simm.s32 $execute0_lowered;
	[smem:$0x3FD2] =	sst s25  }
0xac: {  	s6 =	sshll.u32 s26, $0x1;
	_ =	strace $0x80000046;
	[dreg:$0x1] =	wrdreg $0xFFFFFFFF  }
0xad: {  	s28 =	simm.s32 $_size_execute0_lowered;
	s4 =	sadd.s32 s4, s6;
	[dreg:$0x0] =	wrdreg $0x0  }
0xae: {  	s6 =	sshll.u32 s28, $0x1;
	[dreg:$0x2] =	wrdreg s4  }
0xaf: {  	[dreg:$0x3] =	wrdreg s6  }
0xb0: {  	[dreg:$0x4] =	wrdreg $0xC0  }
0xb1: {  	_ =	task [dreg:s8], $0x5FFFF  }
0xb2: {  	[dreg:$0x1] =	wrdreg $0xFFFFFFFF  }
0xb3: {  	[dreg:$0x0] =	wrdreg $0x60  }
0xb4: {  	[dreg:$0x2] =	wrdreg s17  }
0xb5: {  	[dreg:$0x3] =	wrdreg s16  }
0xb6: {  	[dreg:$0x4] =	wrdreg s24  }
0xb7: {  	[dreg:$0x5] =	wrdreg $0x0  }
0xb8: {  	[dreg:$0x6] =	wrdreg $0x2800  }
0xb9: {  	[dreg:$0x7] =	wrdreg $0x9  }
0xba: {  	_ =	task.clear_ibuf [dreg:s8], $0x8FFFF;
	_ =	strace $0x90000046  }
0xbb: {  	s29 =	simm.s32 $0x9;
	_ =	strace $0x80000048  }
0xbc: {  	_ =	swait.ge [sflag:s29], $0x1  }
0xbd: {  	[sflag:s29] =	ssyncadd.s32 $0xFFFFFFFF  }
0xbe: {  	_ =	strace $0x90000048  }
0xbf: {  	_ =	sfence  }
0xc0: {  	s30 =	sld [smem:$0x0];
	_ =	sdelay $0x2  }
0xc1: {  	s31 =	sshll.u32 s1, $0xD;
	s1 =	sshrl.u32 s1, $0x2  }
0xc2: {  	s3 =	sand.u32 $0x4000, s31;
	s1 =	sadd.s32 s1, s30  }
0xc3: {  	s0 =	sor.u32 s3, s0;
	s1 =	sshll.u32 s1, $0x11  }
0xc4: {  	s0 =	sor.u32 s1, s0  }
0xc5: {  	s0 =	sadd.s32 $0x8F2B, s0  }
0xc6: {  	[sflag:s0] =	ssyncadd.remote.s32 $0x1  }
0xc7: {  	_ =	sfence.sel $0xFFFF  }
0xc8: {  	[dreg:$0x0] =	wrdreg $0xFFFFFFFF;
	(pc) =	sbr.abs _section_cstart, $3  }
0xc9: {  	[dreg:$0x1] =	wrdreg $0xFFFFFFFF  }
0xca: {  	_ =	task.clear_ibuf [dreg:s8], $0x2FFFF;
	_ =	strace $0x9FFFFFFF  }
0xcb: {  	(tm) =	ssettm $0x7FFFFFFF  }
tec
execute0_lowered:
.L_overlay_start_1:
0x0: {  	(tag) =	ssettag $0x1  }
0x1: {  	s1 =	rddreg [dreg:$0x0]  }
0x2: {  	s2 =	rddreg [dreg:$0x1]  }
0x3: {  	s0 =	rddreg [dreg:$0x2]  }
0x4: {  	s4 =	rddreg [dreg:$0x3]  }
0x5: {  	s5 =	rddreg [dreg:$0x4];
	s11 =	stileid.u32;
	s6 =	simm.s32 $0x0  }
0x6: {  	s3 =	srdreg.scid;
	s15 =	simm.s32 $0x2A200;
	s17 =	simm.s32 $0x2  }
0x7: {  	s18 =	simm.s32 $0x580;
	s19 =	simm.s32 $0xD80;
	s20 =	simm.s32 $0x80  }
0x8: {  	s21 =	simm.s32 $0x500;
	s22 =	simm.s32 $0x600;
	s23 =	simm.s32 $0xE00  }
0x9: {  	s24 =	simm.s32 $0x1;
	s25 =	simm.s32 $0x1580;
	s26 =	simm.s32 $0x1E00  }
0xa: {  	s28 =	simm.s32 $0x3;
	s29 =	simm.s32 $0x0;
	s7 =	smul.u32 $0x280, s11  }
0xb: {  	[smem:$0x7FF] =	sst s6;
	s3 =	sand.u32 $0x1, s3;
	s13 =	sadd.s32 $0x52800, s0  }
0xc: {  	s11 =	smul.u32 $0x2800, s11;
	_ =	strace $0x80000047;
	s9 =	ssub.s32 $0x2, s3  }
0xd: {  	p0 =	seq.s32 s3, $0x0;
	p1 =	sne.s32 s3, $0x0;
	s8 =	sshrl.u32 s7, $0x3  }
0xe: {  	s10 =	sshrl.u32 s9, $0x1;
	s15 =	simm.s32 @!p0 $0x2200;
	s12 =	sadd.s32 s8, s0  }
0xf: {  	s8 =	sadd.s32 $0x7A800, s0;
	s14 =	ssub.s32 s9, s10;
	s16 =	sadd.s32 $0x52200, s12  }
0x10: {  	s9 =	sadd.s32 s7, s4;
	s12 =	sadd.s32 $0xA2800, s12;
	[dreg:$0x6] =	wrdreg s16  }
0x11: {  	s10 =	sadd.s32 s7, s5;
	s31 =	smax.u32 s14, $0x1;
	[dreg:$0x7] =	wrdreg s12  }
0x12: {  	v0 =	vimm.f32 $0.0e+00;
	v1 =	vimm.f32 $1.000000000e+00;
	s15 =	sadd.s32 s15, s0;
	s8 =	smov.u32 @p0 s13;
	[dreg:$0x8] =	wrdreg s31  }
.LBB2_1:
0x13: {  	[tilespmem:$0x4600] =	vst v0  }
0x14: {  	[tilespmem:$0x4610] =	vst v0  }
0x15: {  	[tilespmem:$0x4620] =	vst v0  }
0x16: {  	[tilespmem:$0x4630] =	vst v0  }
0x17: {  	[tilespmem:$0x4640] =	vst v0  }
0x18: {  	[tilespmem:$0x4650] =	vst v0  }
0x19: {  	[tilespmem:$0x4660] =	vst v0  }
0x1a: {  	[tilespmem:$0x4670] =	vst v0  }
0x1b: {  	[tilespmem:$0x4680] =	vst v0  }
0x1c: {  	[tilespmem:$0x4690] =	vst v0  }
0x1d: {  	[tilespmem:$0x46A0] =	vst v0  }
0x1e: {  	[tilespmem:$0x46B0] =	vst v0  }
0x1f: {  	[tilespmem:$0x46C0] =	vst v0  }
0x20: {  	[tilespmem:$0x46D0] =	vst v0  }
0x21: {  	[tilespmem:$0x46E0] =	vst v0  }
0x22: {  	[tilespmem:$0x46F0] =	vst v0  }
0x23: {  	[tilespmem:$0x4700] =	vst v0  }
0x24: {  	[tilespmem:$0x4710] =	vst v0  }
0x25: {  	[tilespmem:$0x4720] =	vst v0  }
0x26: {  	[tilespmem:$0x4730] =	vst v0  }
0x27: {  	[tilespmem:$0x4740] =	vst v0  }
0x28: {  	[tilespmem:$0x4750] =	vst v0  }
0x29: {  	[tilespmem:$0x4760] =	vst v0  }
0x2a: {  	[tilespmem:$0x4770] =	vst v0  }
0x2b: {  	[tilespmem:$0x4780] =	vst v0  }
0x2c: {  	[tilespmem:$0x4790] =	vst v0  }
0x2d: {  	[tilespmem:$0x47A0] =	vst v0  }
0x2e: {  	[tilespmem:$0x47B0] =	vst v0  }
0x2f: {  	[tilespmem:$0x47C0] =	vst v0  }
0x30: {  	[tilespmem:$0x47D0] =	vst v0  }
0x31: {  	[tilespmem:$0x47E0] =	vst v0  }
0x32: {  	[tilespmem:$0x47F0] =	vst v0  }
0x33: {  	[tilespmem:$0x4800] =	vst v0  }
0x34: {  	[tilespmem:$0x4810] =	vst v0  }
0x35: {  	[tilespmem:$0x4820] =	vst v0  }
0x36: {  	[tilespmem:$0x4830] =	vst v0  }
0x37: {  	[tilespmem:$0x4840] =	vst v0  }
0x38: {  	[tilespmem:$0x4850] =	vst v0  }
0x39: {  	[tilespmem:$0x4860] =	vst v0  }
0x3a: {  	[tilespmem:$0x4870] =	vst v0;
	s0 =	simm.s32 $0x4600  }
0x3b: {  	[spmem:s9] =	stream.linear.scatter [tilespmem:s0], [sflag:$0x2], $0x280, $0x38;
	[tilespmem:$0x4880] =	vst v63  }
0x3c: {  	_ =	swait.ge [sflag:s17], $0x280  }
0x3d: {  	[sflag:s17] =	ssyncset.done $0x0  }
0x3e: {  	[sflag:s17] =	ssyncadd.s32 $0xFFFFFD80  }
0x3f: {  	[spmem:s10] =	stream.linear.scatter [tilespmem:s0], [sflag:$0x2], $0x280, $0x38;
	[tilespmem:$0x4880] =	vst v63  }
0x40: {  	_ =	swait.ge [sflag:s17], $0x280  }
0x41: {  	[sflag:s17] =	ssyncset.done $0x0  }
0x42: {  	[sflag:s17] =	ssyncadd.s32 $0xFFFFFD80  }
0x43: {  	[tilespmem:$0x500] =	vst v1  }
0x44: {  	[tilespmem:$0x510] =	vst v1  }
0x45: {  	[tilespmem:$0x520] =	vst v1  }
0x46: {  	[tilespmem:$0x530] =	vst v1  }
0x47: {  	[tilespmem:$0x540] =	vst v1  }
0x48: {  	[tilespmem:$0x550] =	vst v1  }
0x49: {  	[tilespmem:$0x560] =	vst v1  }
0x4a: {  	[tilespmem:$0x570] =	vst v1  }
0x4b: {  	s0 =	simm.s32 $0x0;
	[bflag:$0x0] =	sbarrier.arrive $0xFFFF  }
.LBB2_2:
0x4c: {  	s3 =	sshll.u32 s0, $0xB  }
0x4d: {  	s3 =	sadd.s32 s11, s3  }
0x4e: {  	s3 =	sshrl.u32 s3, $0x3  }
0x4f: {  	s12 =	sadd.s32 s1, s3  }
0x50: {  	[tilespmem:s18], [sflag:$0x2] =	stream.linear.gather [hbm4b:s12+s6], $0x800, $0x38;
	[tilespmem:$0x4880] =	vst v63  }
0x51: {  	_ =	swait.ge [sflag:s17], $0x800  }
0x52: {  	[sflag:s17] =	ssyncset.done $0x0  }
0x53: {  	s3 =	sadd.s32 s2, s3;
	[sflag:s17] =	ssyncadd.s32 $0xFFFFF800  }
0x54: {  	[tilespmem:s19], [sflag:$0x2] =	stream.linear.gather [hbm4b:s3+s6], $0x800, $0x38;
	[tilespmem:$0x4880] =	vst v63  }
0x55: {  	_ =	swait.ge [sflag:s17], $0x800  }
0x56: {  	[sflag:s17] =	ssyncset.done $0x0  }
0x57: {  	[sflag:s17] =	ssyncadd.s32 $0xFFFFF800  }
0x58: {  	[spmem:s4] =	stream.indirect.scatter.add.f32 [tilespmem:s21], [sflag:$0x1], $0x1, s18, s20, $0xb8;
	[tilespmem:$0x4880] =	vst v63  }
0x59: {  	_ = 	snop  }
0x5a: {  	[spmem:s5] =	stream.indirect.scatter.add.f32 [tilespmem:s21], [sflag:$0x1], $0x1, s19, s20, $0xb8;
	[tilespmem:$0x4880] =	vst v63  }
0x5b: {  	_ = 	snop  }
0x5c: {  	[spmem:s4] =	stream.indirect.scatter.add.f32 [tilespmem:s21], [sflag:$0x1], $0x1, s22, s20, $0xb8;
	[tilespmem:$0x4880] =	vst v63  }
0x5d: {  	_ = 	snop  }
0x5e: {  	[spmem:s5] =	stream.indirect.scatter.add.f32 [tilespmem:s21], [sflag:$0x1], $0x1, s23, s20, $0xb8;
	[tilespmem:$0x4880] =	vst v63  }
0x5f: {  	s30 =	simm.s32 $0x680  }
0x60: {  	[spmem:s4] =	stream.indirect.scatter.add.f32 [tilespmem:s21], [sflag:$0x1], $0x1, s30, s20, $0xb8;
	[tilespmem:$0x4880] =	vst v63  }
0x61: {  	s31 =	simm.s32 $0xE80  }
0x62: {  	[spmem:s5] =	stream.indirect.scatter.add.f32 [tilespmem:s21], [sflag:$0x1], $0x1, s31, s20, $0xb8;
	[tilespmem:$0x4880] =	vst v63  }
0x63: {  	_ =	swait.ge [sflag:s24], $0x80  }
0x64: {  	[sflag:s24] =	ssyncset.done $0x0  }
0x65: {  	[sflag:s24] =	ssyncadd.s32 $0xFFFFFF80  }
0x66: {  	_ =	swait.ge [sflag:s24], $0x80  }
0x67: {  	s12 =	simm.s32 $0x800;
	s3 =	simm.s32 $0x180;
	[sflag:s24] =	ssyncset.done $0x0  }
.LBB2_3:
0x68: {  	s13 =	sadd.s32 $0x580, s3  }
0x69: {  	[sflag:s24] =	ssyncadd.s32 $0xFFFFFF80;
	s16 =	smov.u32 s12;
	s30 =	sadd.s32 $0x200, s12  }
0x6a: {  	[spmem:s4] =	stream.indirect.scatter.add.f32 [tilespmem:s21], [sflag:$0x1], $0x1, s13, s20, $0xb8;
	[tilespmem:$0x4880] =	vst v63  }
0x6b: {  	p2 =	sne.s32 s12, $0x1E00;
	s3 =	sadd.s32 $0xD80, s3  }
0x6c: {  	[spmem:s5] =	stream.indirect.scatter.add.f32 [tilespmem:s21], [sflag:$0x1], $0x1, s3, s20, $0xb8;
	[tilespmem:$0x4880] =	vst v63  }
.Ltmp0:
0x6d: {  	_ =	swait.ge [sflag:s24], $0x80;
	(pc) =	sbr.rel @p2 .LBB2_3-.Ltmp0, $4  }
0x6e: {  	[sflag:s24] =	ssyncset.done $0x0  }
0x6f: {  	[sflag:s24] =	ssyncadd.s32 $0xFFFFFF80  }
0x70: {  	_ =	swait.ge [sflag:s24], $0x80  }
0x71: {  	s12 =	smov.u32 s30;
	s3 =	sshra.s32 s16, $0x2;
	[sflag:s24] =	ssyncset.done $0x0  }
0x72: {  	s12 =	sadd.s32 $0x580, s3;
	[sflag:s24] =	ssyncadd.s32 $0xFFFFFF80  }
0x73: {  	[spmem:s4] =	stream.indirect.scatter.add.f32 [tilespmem:s21], [sflag:$0x1], $0x1, s12, s20, $0xb8;
	[tilespmem:$0x4880] =	vst v63  }
0x74: {  	s31 =	sadd.s32 $0xD80, s3  }
0x75: {  	[spmem:s5] =	stream.indirect.scatter.add.f32 [tilespmem:s21], [sflag:$0x1], $0x1, s31, s20, $0xb8;
	[tilespmem:$0x4880] =	vst v63  }
0x76: {  	_ =	swait.ge [sflag:s24], $0x80  }
0x77: {  	[sflag:s24] =	ssyncset.done $0x0  }
0x78: {  	[sflag:s24] =	ssyncadd.s32 $0xFFFFFF80  }
0x79: {  	_ =	swait.ge [sflag:s24], $0x80  }
0x7a: {  	[sflag:s24] =	ssyncset.done $0x0  }
0x7b: {  	[sflag:s24] =	ssyncadd.s32 $0xFFFFFF80  }
0x7c: {  	_ =	swait.ge [sflag:s24], $0x80  }
0x7d: {  	[sflag:s24] =	ssyncset.done $0x0  }
0x7e: {  	[sflag:s24] =	ssyncadd.s32 $0xFFFFFF80  }
0x7f: {  	_ =	swait.ge [sflag:s24], $0x80  }
0x80: {  	[sflag:s24] =	ssyncset.done $0x0  }
0x81: {  	s0 =	sadd.s32 $0x1, s0;
	[sflag:s24] =	ssyncadd.s32 $0xFFFFFF80  }
0x82: {  	p2 =	sne.s32 s0, $0x5;
	_ =	swait.ge [sflag:s24], $0x80  }
.Ltmp1:
0x83: {  	[sflag:s24] =	ssyncset.done $0x0;
	(pc) =	sbr.rel @p2 .LBB2_2-.Ltmp1, $4  }
0x84: {  	[sflag:s24] =	ssyncadd.s32 $0xFFFFFF80  }
0x85: {  	_ =	swait.ge [sflag:s24], $0x80  }
0x86: {  	[sflag:s24] =	ssyncset.done $0x0  }
0x87: {  	[sflag:s24] =	ssyncadd.s32 $0xFFFFFF80  }
0x88: {  	[bflag:$0x0] =	sbarrier.arrive $0xFFFF  }
0x89: {  	[tilespmem:s25], [sflag:$0x2] =	stream.linear.gather [spmem:s9], $0x280, $0x38;
	[tilespmem:$0x4880] =	vst v63  }
0x8a: {  	_ =	swait.ge [sflag:s17], $0x280  }
0x8b: {  	[sflag:s17] =	ssyncset.done $0x0  }
0x8c: {  	s31 =	simm.s32 $0x0;
	[sflag:s17] =	ssyncadd.s32 $0xFFFFFD80  }
0x8d: {  	v2 =	vld [tilespmem:s31+$0x1580];
	_ =	sdelay $0x4  }
0x8e: {  	s30 =	simm.s32 $0x10;
	v2 =	vmax.f32 v2, $1.000000000e+00  }
0x8f: {  	v3 =	vld [tilespmem:s30+$0x1580];
	v4 =	vshra.s32 v2, $0x1;
	v8 =	vmul.f32 $5.000000000e-01, v2  }
0x90: {  	v4 =	vsub.s32 $0x5F3759DF, v4  }
0x91: {  	v2 =	vmul.f32 v4, v8;
	_ =	sdelay $0x1  }
0x92: {  	s0 =	simm.s32 $0x20;
	v5 =	vmul.f32 v4, v2  }
0x93: {  	v2 =	vmax.f32 v3, $1.000000000e+00;
	v3 =	vld [tilespmem:s0+$0x1580]  }
0x94: {  	v6 =	vshra.s32 v2, $0x1;
	v2 =	vmul.f32 $5.000000000e-01, v2;
	v5 =	vsub.f32 $1.500000000e+00, v5  }
0x95: {  	v6 =	vsub.s32 $0x5F3759DF, v6  }
0x96: {  	v7 =	vmul.f32 v6, v2;
	v5 =	vmul.f32 v4, v5;
	_ =	sdelay $0x1  }
0x97: {  	s3 =	simm.s32 $0x30;
	v3 =	vmax.f32 v3, $1.000000000e+00;
	v7 =	vmul.f32 v6, v7;
	v9 =	vmul.f32 v5, v8  }
0x98: {  	v10 =	vld [tilespmem:s3+$0x1580];
	v11 =	vshra.s32 v3, $0x1;
	v4 =	vmul.f32 $5.000000000e-01, v3  }
0x99: {  	v3 =	vsub.f32 $1.500000000e+00, v7;
	v7 =	vmul.f32 v9, v5;
	v9 =	vsub.s32 $0x5F3759DF, v11  }
0x9a: {  	v11 =	vmul.f32 v9, v4  }
0x9b: {  	v6 =	vmul.f32 v6, v3;
	v3 =	vsub.f32 $1.500000000e+00, v7  }
0x9c: {  	v7 =	vmul.f32 v9, v11  }
0x9d: {  	s16 =	simm.s32 $0x40;
	v10 =	vmax.f32 v10, $1.000000000e+00;
	v11 =	vmul.f32 v6, v2;
	v3 =	vmul.f32 v3, v5  }
0x9e: {  	v12 =	vshra.s32 v10, $0x1;
	v5 =	vmul.f32 $5.000000000e-01, v10;
	v10 =	vld [tilespmem:s16+$0x1580];
	v13 =	vsub.f32 $1.500000000e+00, v7  }
0x9f: {  	v11 =	vmul.f32 v11, v6;
	v7 =	vsub.s32 $0x5F3759DF, v12;
	v14 =	vmul.f32 v3, v8  }
0xa0: {  	v12 =	vmul.f32 v7, v5  }
0xa1: {  	s12 =	simm.s32 $0x140;
	v8 =	vmul.f32 v9, v13;
	v11 =	vsub.f32 $1.500000000e+00, v11;
	v9 =	vmul.f32 v14, v3  }
.LBB2_6:
0xa2: {  	s13 =	smov.u32 s3  }
0xa3: {  	v13 =	vmax.f32 v10, $1.000000000e+00;
	v12 =	vmul.f32 v7, v12;
	v14 =	vmul.f32 v8, v4;
	s3 =	smov.u32 s16;
	s16 =	sshra.s32 s12, $0x2;
	p2 =	sne.s32 s12, $0x9C0  }
.Ltmp2:
0xa4: {  	v10 =	vld [tilespmem:s16+$0x1580];
	v15 =	vshra.s32 v13, $0x1;
	v11 =	vmul.f32 v11, v6;
	v9 =	vsub.f32 $1.500000000e+00, v9;
	v6 =	vmovc v8;
	(pc) =	sbr.rel @p2 .LBB2_6-.Ltmp2, $4  }
0xa5: {  	s12 =	sadd.s32 $0x40, s12;
	v13 =	vmul.f32 $5.000000000e-01, v13;
	v8 =	vsub.f32 $1.500000000e+00, v12;
	v14 =	vmul.f32 v14, v6  }
0xa6: {  	v15 =	vsub.s32 $0x5F3759DF, v15;
	v16 =	vmul.f32 v11, v2;
	v17 =	vmul.f32 v9, v3;
	v3 =	vmovc v11;
	v2 =	vmovc v4  }
0xa7: {  	v12 =	vmul.f32 v15, v13;
	v4 =	vmovc v5;
	v5 =	vmovc v13;
	v8 =	vmul.f32 v7, v8;
	v7 =	vmov v15  }
0xa8: {  	v11 =	vsub.f32 $1.500000000e+00, v14;
	v9 =	vmul.f32 v16, v3;
	[tilespmem:s31+$0x1800] =	vst v17;
	s31 =	smov.u32 s30;
	s30 =	smov.u32 s0;
	s0 =	smov.u32 s13  }
0xa9: {  	v10 =	vmax.f32 v10, $1.000000000e+00  }
0xaa: {  	v13 =	vshra.s32 v10, $0x1;
	v10 =	vmul.f32 $5.000000000e-01, v10  }
0xab: {  	v13 =	vsub.s32 $0x5F3759DF, v13  }
0xac: {  	v14 =	vmul.f32 v13, v10  }
0xad: {  	v12 =	vmul.f32 v7, v12  }
0xae: {  	v14 =	vmul.f32 v13, v14  }
0xaf: {  	v12 =	vsub.f32 $1.500000000e+00, v12  }
0xb0: {  	v14 =	vsub.f32 $1.500000000e+00, v14  }
0xb1: {  	v7 =	vmul.f32 v7, v12  }
0xb2: {  	v12 =	vmul.f32 v8, v4;
	v13 =	vmul.f32 v13, v14  }
0xb3: {  	v14 =	vmul.f32 v7, v5  }
0xb4: {  	v12 =	vmul.f32 v12, v8;
	v15 =	vmul.f32 v13, v10  }
0xb5: {  	v14 =	vmul.f32 v14, v7  }
0xb6: {  	v12 =	vsub.f32 $1.500000000e+00, v12;
	v15 =	vmul.f32 v15, v13  }
0xb7: {  	v6 =	vmul.f32 v11, v6;
	v11 =	vsub.f32 $1.500000000e+00, v14  }
0xb8: {  	v8 =	vmul.f32 v12, v8;
	v12 =	vsub.f32 $1.500000000e+00, v15  }
0xb9: {  	v2 =	vmul.f32 v6, v2;
	v7 =	vmul.f32 v11, v7  }
0xba: {  	v4 =	vmul.f32 v8, v4;
	v11 =	vmul.f32 v12, v13  }
0xbb: {  	v2 =	vmul.f32 v2, v6;
	v5 =	vmul.f32 v7, v5  }
0xbc: {  	v9 =	vsub.f32 $1.500000000e+00, v9;
	v4 =	vmul.f32 v4, v8;
	v10 =	vmul.f32 v11, v10  }
0xbd: {  	v2 =	vsub.f32 $1.500000000e+00, v2;
	v5 =	vmul.f32 v5, v7  }
0xbe: {  	v3 =	vmul.f32 v9, v3;
	v4 =	vsub.f32 $1.500000000e+00, v4;
	v9 =	vmul.f32 v10, v11  }
0xbf: {  	v2 =	vmul.f32 v2, v6;
	v5 =	vsub.f32 $1.500000000e+00, v5  }
0xc0: {  	[tilespmem:s31+$0x1800] =	vst v3;
	v3 =	vmul.f32 v4, v8;
	v4 =	vsub.f32 $1.500000000e+00, v9  }
0xc1: {  	[tilespmem:s30+$0x1800] =	vst v2;
	v2 =	vmul.f32 v5, v7  }
0xc2: {  	[tilespmem:s0+$0x1800] =	vst v3;
	v3 =	vmul.f32 v4, v11  }
0xc3: {  	[tilespmem:s3+$0x1800] =	vst v2  }
0xc4: {  	[tilespmem:s16+$0x1800] =	vst v3  }
0xc5: {  	[tilespmem:s25], [sflag:$0x2] =	stream.linear.gather [spmem:s10], $0x280, $0x38;
	[tilespmem:$0x4880] =	vst v63  }
0xc6: {  	_ =	swait.ge [sflag:s17], $0x280  }
0xc7: {  	[sflag:s17] =	ssyncset.done $0x0  }
0xc8: {  	s31 =	simm.s32 $0x0;
	[sflag:s17] =	ssyncadd.s32 $0xFFFFFD80  }
0xc9: {  	v2 =	vld [tilespmem:s31+$0x1580];
	_ =	sdelay $0x4  }
0xca: {  	s30 =	simm.s32 $0x10;
	v2 =	vmax.f32 v2, $1.000000000e+00  }
0xcb: {  	v3 =	vld [tilespmem:s30+$0x1580];
	v4 =	vshra.s32 v2, $0x1;
	v8 =	vmul.f32 $5.000000000e-01, v2  }
0xcc: {  	v4 =	vsub.s32 $0x5F3759DF, v4  }
0xcd: {  	v2 =	vmul.f32 v4, v8;
	_ =	sdelay $0x1  }
0xce: {  	s0 =	simm.s32 $0x20;
	v5 =	vmul.f32 v4, v2  }
0xcf: {  	v2 =	vmax.f32 v3, $1.000000000e+00;
	v3 =	vld [tilespmem:s0+$0x1580]  }
0xd0: {  	v6 =	vshra.s32 v2, $0x1;
	v2 =	vmul.f32 $5.000000000e-01, v2;
	v5 =	vsub.f32 $1.500000000e+00, v5  }
0xd1: {  	v6 =	vsub.s32 $0x5F3759DF, v6  }
0xd2: {  	v7 =	vmul.f32 v6, v2;
	v5 =	vmul.f32 v4, v5;
	_ =	sdelay $0x1  }
0xd3: {  	s3 =	simm.s32 $0x30;
	v3 =	vmax.f32 v3, $1.000000000e+00;
	v7 =	vmul.f32 v6, v7;
	v9 =	vmul.f32 v5, v8  }
0xd4: {  	v10 =	vld [tilespmem:s3+$0x1580];
	v11 =	vshra.s32 v3, $0x1;
	v4 =	vmul.f32 $5.000000000e-01, v3  }
0xd5: {  	v3 =	vsub.f32 $1.500000000e+00, v7;
	v7 =	vmul.f32 v9, v5;
	v9 =	vsub.s32 $0x5F3759DF, v11  }
0xd6: {  	v11 =	vmul.f32 v9, v4  }
0xd7: {  	v6 =	vmul.f32 v6, v3;
	v3 =	vsub.f32 $1.500000000e+00, v7  }
0xd8: {  	v7 =	vmul.f32 v9, v11  }
0xd9: {  	s16 =	simm.s32 $0x40;
	v10 =	vmax.f32 v10, $1.000000000e+00;
	v11 =	vmul.f32 v6, v2;
	v3 =	vmul.f32 v3, v5  }
0xda: {  	v12 =	vshra.s32 v10, $0x1;
	v5 =	vmul.f32 $5.000000000e-01, v10;
	v10 =	vld [tilespmem:s16+$0x1580];
	v13 =	vsub.f32 $1.500000000e+00, v7  }
0xdb: {  	v11 =	vmul.f32 v11, v6;
	v7 =	vsub.s32 $0x5F3759DF, v12;
	v14 =	vmul.f32 v3, v8  }
0xdc: {  	v12 =	vmul.f32 v7, v5  }
0xdd: {  	s12 =	simm.s32 $0x140;
	v8 =	vmul.f32 v9, v13;
	v11 =	vsub.f32 $1.500000000e+00, v11;
	v9 =	vmul.f32 v14, v3  }
.LBB2_8:
0xde: {  	s13 =	smov.u32 s3  }
0xdf: {  	v13 =	vmax.f32 v10, $1.000000000e+00;
	v12 =	vmul.f32 v7, v12;
	v14 =	vmul.f32 v8, v4;
	s3 =	smov.u32 s16;
	s16 =	sshra.s32 s12, $0x2;
	p2 =	sne.s32 s12, $0x9C0  }
.Ltmp3:
0xe0: {  	v10 =	vld [tilespmem:s16+$0x1580];
	v15 =	vshra.s32 v13, $0x1;
	v11 =	vmul.f32 v11, v6;
	v9 =	vsub.f32 $1.500000000e+00, v9;
	v6 =	vmovc v8;
	(pc) =	sbr.rel @p2 .LBB2_8-.Ltmp3, $4  }
0xe1: {  	s12 =	sadd.s32 $0x40, s12;
	v13 =	vmul.f32 $5.000000000e-01, v13;
	v8 =	vsub.f32 $1.500000000e+00, v12;
	v14 =	vmul.f32 v14, v6  }
0xe2: {  	v15 =	vsub.s32 $0x5F3759DF, v15;
	v16 =	vmul.f32 v11, v2;
	v17 =	vmul.f32 v9, v3;
	v3 =	vmovc v11;
	v2 =	vmovc v4  }
0xe3: {  	v12 =	vmul.f32 v15, v13;
	v4 =	vmovc v5;
	v5 =	vmovc v13;
	v8 =	vmul.f32 v7, v8;
	v7 =	vmov v15  }
0xe4: {  	v11 =	vsub.f32 $1.500000000e+00, v14;
	v9 =	vmul.f32 v16, v3;
	[tilespmem:s31+$0x1B00] =	vst v17;
	s31 =	smov.u32 s30;
	s30 =	smov.u32 s0;
	s0 =	smov.u32 s13  }
0xe5: {  	v10 =	vmax.f32 v10, $1.000000000e+00  }
0xe6: {  	v13 =	vshra.s32 v10, $0x1;
	v10 =	vmul.f32 $5.000000000e-01, v10  }
0xe7: {  	v13 =	vsub.s32 $0x5F3759DF, v13  }
0xe8: {  	v14 =	vmul.f32 v13, v10  }
0xe9: {  	v12 =	vmul.f32 v7, v12  }
0xea: {  	v14 =	vmul.f32 v13, v14  }
0xeb: {  	v12 =	vsub.f32 $1.500000000e+00, v12  }
0xec: {  	v14 =	vsub.f32 $1.500000000e+00, v14  }
0xed: {  	v53 =	vmul.f32 v7, v12  }
0xee: {  	v54 =	vmul.f32 v8, v4;
	v13 =	vmul.f32 v13, v14  }
0xef: {  	v55 =	vmul.f32 v53, v5  }
0xf0: {  	v12 =	vmul.f32 v54, v8;
	v15 =	vmul.f32 v13, v10  }
0xf1: {  	v14 =	vmul.f32 v55, v53  }
0xf2: {  	v12 =	vsub.f32 $1.500000000e+00, v12;
	v15 =	vmul.f32 v15, v13  }
0xf3: {  	v6 =	vmul.f32 v11, v6;
	v56 =	vsub.f32 $1.500000000e+00, v14  }
0xf4: {  	v57 =	vmul.f32 v12, v8;
	v58 =	vsub.f32 $1.500000000e+00, v15  }
0xf5: {  	v2 =	vmul.f32 v6, v2;
	v7 =	vmul.f32 v56, v53  }
0xf6: {  	v59 =	vmul.f32 v57, v4;
	v60 =	vmul.f32 v58, v13  }
0xf7: {  	v2 =	vmul.f32 v2, v6;
	v61 =	vmul.f32 v7, v5  }
0xf8: {  	v9 =	vsub.f32 $1.500000000e+00, v9;
	v4 =	vmul.f32 v59, v57;
	v10 =	vmul.f32 v60, v10  }
0xf9: {  	v2 =	vsub.f32 $1.500000000e+00, v2;
	v5 =	vmul.f32 v61, v7  }
0xfa: {  	v3 =	vmul.f32 v9, v3;
	v4 =	vsub.f32 $1.500000000e+00, v4;
	v62 =	vmul.f32 v10, v60  }
0xfb: {  	v2 =	vmul.f32 v2, v6;
	v5 =	vsub.f32 $1.500000000e+00, v5  }
0xfc: {  	[tilespmem:s31+$0x1B00] =	vst v3;
	v3 =	vmul.f32 v4, v57;
	v63 =	vsub.f32 $1.500000000e+00, v62  }
0xfd: {  	[tilespmem:s30+$0x1B00] =	vst v2;
	v2 =	vmul.f32 v5, v7  }
0xfe: {  	[tilespmem:s0+$0x1B00] =	vst v3;
	v3 =	vmul.f32 v63, v60  }
0xff: {  	[tilespmem:s3+$0x1B00] =	vst v2  }
0x100: {  	s12 =	rddreg [dreg:$0x6];
	s0 =	simm.s32 @!p1 $0x0;
	s3 =	simm.s32 @!p1 $0x1800;
	[tilespmem:s16+$0x1B00] =	vst v3  }
0x101: {  	[hbm4b:s12+s0] =	stream.linear.scatter @!p1 [tilespmem:s3], [sflag:$0x2], $0x280, $0x38;
	[tilespmem:$0x4880] =	vst v63  }
0x102: {  	s3 =	simm.s32 @!p1 $0x2  }
0x103: {  	_ =	swait.ge @!p1 [sflag:s3], $0x280  }
0x104: {  	[sflag:s3] =	ssyncset.done @!p1 $0x0  }
0x105: {  	s12 =	simm.s32 @!p1 $0x1B00;
	s13 =	rddreg [dreg:$0x7];
	[sflag:s3] =	ssyncadd.s32 @!p1 $0xFFFFFD80  }
0x106: {  	[hbm4b:s13+s0] =	stream.linear.scatter @!p1 [tilespmem:s12], [sflag:$0x2], $0x280, $0x38;
	[tilespmem:$0x4880] =	vst v63  }
0x107: {  	_ =	swait.ge @!p1 [sflag:s3], $0x280  }
0x108: {  	s30 =	simm.s32 $0x0;
	[sflag:s3] =	ssyncset.done @!p1 $0x0  }
0x109: {  	s0 =	simm.s32 $0x0;
	[sflag:s3] =	ssyncadd.s32 @!p1 $0xFFFFFD80;
	s3 =	simm.s32 $0x1800  }
.LBB2_10:
0x10a: {  	s12 =	smul.u32 $0x50, s30;
	_ =	sdelay $0x1  }
0x10b: {  	s12 =	sadd.s32 s7, s12  }
0x10c: {  	s16 =	sshll.u32 s12, $0x4  }
0x10d: {  	s12 =	sadd.s32 s15, s16  }
0x10e: {  	[tilespmem:s26], [sflag:$0x3] =	stream.linear.gather [hbm4b:s12+s0], $0x2800, $0x38;
	[tilespmem:$0x4880] =	vst v63  }
0x10f: {  	_ =	swait.ge [sflag:s28], $0x2800  }
0x110: {  	[sflag:s28] =	ssyncset.done $0x0  }
0x111: {  	s31 =	simm.s32 $0x1E40;
	[sflag:s28] =	ssyncadd.s32 $0xFFFFD800  }
0x112: {  	v6 =	vld [tilespmem:s31+$0x30]  }
0x113: {  	v9 =	vld [tilespmem:s31+$0x10]  }
0x114: {  	s14 =	sadd.s32 $0x0, s3;
	v7 =	vld [tilespmem:s31+$0xFFFFFFC0]  }
0x115: {  	v3 =	vld.msk [tilespmem:s14+$0x0 ss:$0x0], $0xffff  }
0x116: {  	v11 =	vld [tilespmem:s31+$0xFFFFFFE0]  }
0x117: {  	v2 =	vld [tilespmem:s31+$0xFFFFFFF0]  }
0x118: {  	v4 =	vld [tilespmem:s31+$0x20]  }
0x119: {  	v5 =	vld [tilespmem:s31+$0xFFFFFFD0]  }
0x11a: {  	v10 =	vmul.f32 v6, v3;
	v6 =	vld [tilespmem:s31+$0x0]  }
0x11b: {  	v8 =	vmul.f32 v3, v7  }
0x11c: {  	s13 =	simm.s32 $0x1E40;
	s12 =	simm.s32 $0x4;
	v7 =	vmul.f32 v11, v3;
	v9 =	vmul.f32 v9, v3  }
.LBB2_11:
0x11d: {  	p2 =	sne.s32 s12, $0x13C  }
0x11e: {  	v5 =	vmul.f32 v5, v3;
	v4 =	vmul.f32 v4, v3;
	[tilespmem:s31+$0x30] =	vst v10;
	s13 =	sadd.s32 $0x80, s13;
	s14 =	smov.u32 s12;
	s12 =	sadd.s32 $0x4, s12  }
0x11f: {  	[tilespmem:s31+$0xFFFFFFC0] =	vst v8;
	v8 =	vmul.f32 v2, v3;
	v3 =	vmul.f32 v6, v3  }
0x120: {  	[tilespmem:s31+$0x10] =	vst v9  }
0x121: {  	[tilespmem:s31+$0xFFFFFFE0] =	vst v7  }
0x122: {  	v2 =	vld [tilespmem:s13+$0xFFFFFFF0];
	[tilespmem:s31+$0xFFFFFFF0] =	vst v8  }
0x123: {  	v7 =	vld [tilespmem:s13+$0x30];
	[tilespmem:s31+$0x0] =	vst v3  }
0x124: {  	s14 =	sshra.s32 s14, $0x2;
	v9 =	vld [tilespmem:s13+$0x10];
	[tilespmem:s31+$0x20] =	vst v4  }
0x125: {  	s14 =	sadd.s32 s14, s3;
	v8 =	vld [tilespmem:s13+$0xFFFFFFC0];
	[tilespmem:s31+$0xFFFFFFD0] =	vst v5;
	s31 =	smov.u32 s13  }
0x126: {  	v3 =	vld.msk [tilespmem:s14+$0x0 ss:$0x0], $0xffff  }
0x127: {  	v11 =	vld [tilespmem:s13+$0xFFFFFFE0]  }
0x128: {  	v4 =	vld [tilespmem:s13+$0x20]  }
.Ltmp4:
0x129: {  	v5 =	vld [tilespmem:s13+$0xFFFFFFD0];
	(pc) =	sbr.rel @p2 .LBB2_11-.Ltmp4, $3  }
0x12a: {  	v6 =	vld [tilespmem:s13+$0x0];
	_ =	sdelay $0x1  }
0x12b: {  	v8 =	vmul.f32 v3, v8;
	v10 =	vmul.f32 v7, v3  }
0x12c: {  	v9 =	vmul.f32 v9, v3;
	v7 =	vmul.f32 v11, v3  }
0x12d: {  	[tilespmem:s31+$0x30] =	vst v10  }
0x12e: {  	[tilespmem:s31+$0xFFFFFFC0] =	vst v8  }
0x12f: {  	v2 =	vmul.f32 v2, v3;
	[tilespmem:s31+$0x10] =	vst v9  }
0x130: {  	v4 =	vmul.f32 v4, v3;
	[tilespmem:s31+$0xFFFFFFE0] =	vst v7  }
0x131: {  	v6 =	vmul.f32 v6, v3;
	[tilespmem:s31+$0xFFFFFFF0] =	vst v2  }
0x132: {  	s30 =	sadd.s32 $0x1, s30;
	v2 =	vmul.f32 v5, v3;
	[tilespmem:s31+$0x20] =	vst v4  }
0x133: {  	s12 =	simm.s32 $0x3;
	p2 =	sne.s32 s30, $0x8;
	[tilespmem:s31+$0x0] =	vst v6  }
.Ltmp5:
0x134: {  	s13 =	sadd.s32 s8, s16;
	s12 =	simm.s32 @!p0 $0x2;
	[tilespmem:s31+$0xFFFFFFD0] =	vst v2;
	(pc) =	sbr.rel @p2 .LBB2_10-.Ltmp5, $4  }
0x135: {  	[hbm4b:s13+s6] =	stream.linear.scatter [tilespmem:s26], [sflag:s12], $0x2800, $0x38;
	[tilespmem:$0x4880] =	vst v63  }
0x136: {  	_ =	swait.ge [sflag:s12], $0x2800  }
0x137: {  	[sflag:s12] =	ssyncset.done $0x0  }
0x138: {  	s3 =	sadd.s32 $0x50, s3;
	[sflag:s12] =	ssyncadd.s32 $0xFFFFD800  }
0x139: {  	s29 =	sadd.s32 $0x1, s29;
	s0 =	rddreg [dreg:$0x8]  }
0x13a: {  	p2 =	sne.s32 s29, s0  }
.Ltmp6:
0x13b: {  	_ = 	snop;
	(pc) =	sbr.rel @p2 .LBB2_1-.Ltmp6, $1  }
0x13c: {  	_ =	sdelay $0x3  }
0x13d: {  	_ =	sfence.sel $0x180000  }
0x13e: {  	[bflag:$0x0] =	sbarrier.arrive $0xFFFF  }
0x13f: {  	_ =	strace $0x90000047  }
0x140: {  	s0 =	stileid.u32;
	[bflag:$0x2] =	sbarrier.arrive $0xFFFF  }
0x141: {  	p0 =	sne.s32 s0, $0x0;
	s0 =	rddreg [dreg:$0x5]  }
0x142: {  	s0 =	sadd.s32 @!p0 $0x100000, s0  }
0x143: {  	[sflag:s0] =	ssyncadd.tile.s32 @!p0 $0x1;
	_ =	shalt  }
.Lfunc_end2:
_tile_overlayer_lowered:
.L_overlay_start_2:
0x144: {  	(tag) =	ssettag $0x2  }
0x145: {  	s0 =	rddreg [dreg:$0x0];
	s2 =	stileid.u32  }
0x146: {  	s1 =	rddreg [dreg:$0x1];
	p0 =	sne.s32 s2, $0x0  }
0x147: {  	s3 =	rddreg [dreg:$0x2];
	[bflag:$0x3] =	sbarrier.arrive $0xFFFF;
	s2 =	simm.s32 @!p0 $0x1C02  }
0x148: {  	[timem:s3], [sflag:s2] =	dma.local @!p0 [hbm:s0], s1  }
0x149: {  	s0 =	simm.s32 @!p0 $0x2  }
0x14a: {  	_ =	swait.ge @!p0 [sflag:s0], s1  }
0x14b: {  	s1 =	ssub.s32 @!p0 $0x0, s1;
	[sflag:s0] =	ssyncset.done @!p0 $0x0  }
0x14c: {  	[sflag:s0] =	ssyncadd.s32 @!p0 s1  }
0x14d: {  	[bflag:$0x3] =	sbarrier.arrive $0xFFFF  }
0x14e: {  	_ =	shalt  }

</sc_bundles>
